<compile_context>
chip_gen: v7x
topology: tpu7x:2x2x1
jax: 0.10.2.dev20260603
libtpu: 0.0.44.dev20260713+nightly
codegen_flags: <defaults>
</compile_context>

<pallas_src>
import functools

import jax
import jax.numpy as jnp
from jax import lax
from jax.experimental import pallas as pl
from jax.experimental.pallas import tpu as pltpu
from jax.experimental.pallas import tpu_sc as plsc

N = 10000
E = 160000
DF = 128
DE = 16
NR = 4
H = 4
HD = 64
D = H * HD
IDED = 32
NG = 16
NC = 10
KH = 128
GS = 5
SO = 3
FH = 128

NCORE = 2
NSUB = 16
NW = NCORE * NSUB
EP = 163840
NP = 10240
DK = NR * N
CH = 128

@functools.lru_cache(maxsize=None)
def _mesh():
    return plsc.VectorSubcoreMesh(
        core_axis_name="c", subcore_axis_name="s",
        num_cores=NCORE, num_subcores=NSUB)


def _silu(v):
    return v * jax.nn.sigmoid(v)


def _ln(v, g, b):
    m = jnp.mean(v, axis=-1, keepdims=True)
    var = jnp.mean((v - m) ** 2, axis=-1, keepdims=True)
    return (v - m) / jnp.sqrt(var + 1e-5) * g + b



@functools.lru_cache(maxsize=None)
def _build_sc_gather_ide():
  @functools.partial(
    pl.kernel,
    out_type=jax.ShapeDtypeStruct((NP, IDED), jnp.float32),
    mesh=_mesh(),
    compiler_params=pltpu.CompilerParams(use_tc_tiling_on_sc=False),
    scratch_types=[pltpu.VMEM((64,), jnp.int32),
                   pltpu.VMEM((64, IDED), jnp.float32),
                   pltpu.SemaphoreType.DMA],
  )
  def _k(emb_hbm, idx_hbm, out_hbm, idx_v, rows_v, sem):
    wid = lax.axis_index("s") * NCORE + lax.axis_index("c")
    wbase = wid * (NP // NW)

    def body(i, carry):
        base = wbase + i * 64
        pltpu.sync_copy(idx_hbm.at[pl.ds(base, 64)], idx_v)
        pltpu.async_copy(emb_hbm.at[idx_v], rows_v, sem).wait()
        pltpu.sync_copy(rows_v, out_hbm.at[pl.ds(base, 64)])
        return carry

    lax.fori_loop(0, NP // NW // 64, body, 0)
  return _k


def _sc_gather_ide(emb, idtok_pad):
    return _build_sc_gather_ide()(emb, idtok_pad)


WPE = EP // NW


@functools.lru_cache(maxsize=None)
def _build_sc_gather_xlxr():
  @functools.partial(
    pl.kernel,
    out_type=(jax.ShapeDtypeStruct((EP, D), jnp.bfloat16),
              jax.ShapeDtypeStruct((EP, D), jnp.bfloat16),
              jax.ShapeDtypeStruct((EP,), jnp.int32)),
    mesh=_mesh(),
    compiler_params=pltpu.CompilerParams(use_tc_tiling_on_sc=False),
    scratch_types=[pltpu.VMEM((WPE,), jnp.int32),
                   pltpu.VMEM((WPE,), jnp.int32),
                   pltpu.VMEM((WPE,), jnp.int32),
                   pltpu.VMEM((CH, D), jnp.bfloat16),
                   pltpu.VMEM((CH, D), jnp.bfloat16),
                   pltpu.VMEM((CH, D), jnp.bfloat16),
                   pltpu.VMEM((CH, D), jnp.bfloat16),
                   pltpu.SemaphoreType.DMA,
                   pltpu.SemaphoreType.DMA,
                   pltpu.SemaphoreType.DMA,
                   pltpu.SemaphoreType.DMA,
                   pltpu.SemaphoreType.DMA,
                   pltpu.SemaphoreType.DMA,
                   pltpu.SemaphoreType.DMA,
                   pltpu.SemaphoreType.DMA],
  )
  def _k(xl4, xr4, src_hbm, dst_hbm, et_hbm, xlg, xrg, dkey_out,
         skey_a, dkey_a, et_a, xlb0, xlb1, xrb0, xrb1,
         g0, g1, h0, h1, wl0, wl1, wr0, wr1):
    wid = lax.axis_index("s") * NCORE + lax.axis_index("c")
    wbase = wid * WPE
    xlb = [xlb0, xlb1]
    xrb = [xrb0, xrb1]
    gsem = [g0, g1]
    hsem = [h0, h1]
    wlsem = [wl0, wl1]
    wrsem = [wr0, wr1]

    pltpu.sync_copy(src_hbm.at[pl.ds(wbase, WPE)], skey_a)
    pltpu.sync_copy(dst_hbm.at[pl.ds(wbase, WPE)], dkey_a)
    pltpu.sync_copy(et_hbm.at[pl.ds(wbase, WPE)], et_a)

    def keys(j, kc):
        sl = pl.ds(j * 16, 16)
        etn = et_a[sl] * N
        skey_a[sl] = skey_a[sl] + etn
        dkey_a[sl] = dkey_a[sl] + etn
        return kc

    lax.fori_loop(0, WPE // 16, keys, 0)
    pltpu.sync_copy(dkey_a, dkey_out.at[pl.ds(wbase, WPE)])

    def pair(p, carry):
        dxl, dxr = [], []
        for b in range(2):
            i = p * 2 + b

            @pl.when(p > 0)
            def _drain():
                pltpu.make_async_copy(
                    xlb[b], xlg.at[pl.ds(wbase, CH)], wlsem[b]).wait()
                pltpu.make_async_copy(
                    xrb[b], xrg.at[pl.ds(wbase, CH)], wrsem[b]).wait()

            dxl.append(pltpu.async_copy(
                xl4.at[skey_a.at[pl.ds(i * CH, CH)]], xlb[b], gsem[b]))
            dxr.append(pltpu.async_copy(
                xr4.at[dkey_a.at[pl.ds(i * CH, CH)]], xrb[b], hsem[b]))
        for b in range(2):
            i = p * 2 + b
            base = wbase + i * CH
            dxl[b].wait()
            pltpu.async_copy(xlb[b], xlg.at[pl.ds(base, CH)], wlsem[b])
            dxr[b].wait()
            pltpu.async_copy(xrb[b], xrg.at[pl.ds(base, CH)], wrsem[b])
        return carry

    lax.fori_loop(0, WPE // CH // 2, pair, 0)
    for b in range(2):
        pltpu.make_async_copy(
            xlb[b], xlg.at[pl.ds(wbase, CH)], wlsem[b]).wait()
        pltpu.make_async_copy(
            xrb[b], xrg.at[pl.ds(wbase, CH)], wrsem[b]).wait()
  return _k


def _sc_gather_xlxr(xl4, xr4, src_pad, dst_pad, et_pad):
    return _build_sc_gather_xlxr()(xl4, xr4, src_pad, dst_pad, et_pad)


@functools.lru_cache(maxsize=None)
def _build_sc_scatter_den():
  @functools.partial(
    pl.kernel,
    out_type=jax.ShapeDtypeStruct((NCORE, DK, 16), jnp.float32),
    mesh=_mesh(),
    compiler_params=pltpu.CompilerParams(use_tc_tiling_on_sc=False),
    scratch_types=[pltpu.VMEM((CH, 16), jnp.float32),
                   pltpu.VMEM((CH,), jnp.int32),
                   pltpu.VMEM_SHARED((DK, 16), jnp.float32)],
  )
  def _k(pe_hbm, dkey_hbm, zeros_hbm, out_hbm, pe_v, key_v, den_sh):
    cid = lax.axis_index("c")
    sid = lax.axis_index("s")
    wid = sid * NCORE + cid
    rows = DK // NSUB
    pltpu.sync_copy(zeros_hbm.at[pl.ds(sid * rows, rows)],
                    den_sh.at[pl.ds(sid * rows, rows)])
    plsc.subcore_barrier()
    wbase = wid * (EP // NW)

    def body(i, carry):
        base = wbase + i * CH
        pltpu.sync_copy(pe_hbm.at[pl.ds(base, CH)], pe_v)
        pltpu.sync_copy(dkey_hbm.at[pl.ds(base, CH)], key_v)
        pltpu.sync_copy(pe_v, den_sh.at[key_v], add=True)
        return carry

    lax.fori_loop(0, EP // NW // CH, body, 0)
    plsc.subcore_barrier()
    pltpu.sync_copy(den_sh.at[pl.ds(sid * rows, rows)],
                    out_hbm.at[cid, pl.ds(sid * rows, rows)])
  return _k


def _sc_scatter_den(pe, dkey, den_zeros):
    return _build_sc_scatter_den()(pe, dkey, den_zeros)


@functools.lru_cache(maxsize=None)
def _build_sc_gather_den():
  @functools.partial(
    pl.kernel,
    out_type=(jax.ShapeDtypeStruct((EP, 16), jnp.float32),
              jax.ShapeDtypeStruct((EP, 16), jnp.float32)),
    mesh=_mesh(),
    compiler_params=pltpu.CompilerParams(use_tc_tiling_on_sc=False),
    scratch_types=[pltpu.VMEM((CH,), jnp.int32),
                   pltpu.VMEM((CH, 16), jnp.float32),
                   pltpu.VMEM((CH, 16), jnp.float32),
                   pltpu.SemaphoreType.DMA,
                   pltpu.SemaphoreType.DMA],
  )
  def _k(denp0, denp1, dkey_hbm, out0, out1,
         key_v, d0_v, d1_v, sem1, sem2):
    wid = lax.axis_index("s") * NCORE + lax.axis_index("c")
    wbase = wid * (EP // NW)

    def body(i, carry):
        base = wbase + i * CH
        pltpu.sync_copy(dkey_hbm.at[pl.ds(base, CH)], key_v)
        g1 = pltpu.async_copy(denp0.at[key_v], d0_v, sem1)
        g2 = pltpu.async_copy(denp1.at[key_v], d1_v, sem2)
        g1.wait()
        pltpu.sync_copy(d0_v, out0.at[pl.ds(base, CH)])
        g2.wait()
        pltpu.sync_copy(d1_v, out1.at[pl.ds(base, CH)])
        return carry

    lax.fori_loop(0, EP // NW // CH, body, 0)
  return _k


def _sc_gather_den(denp0, denp1, dkey):
    return _build_sc_gather_den()(denp0, denp1, dkey)


@functools.lru_cache(maxsize=None)
def _build_sc_scatter_hm():
  @functools.partial(
    pl.kernel,
    out_type=jax.ShapeDtypeStruct((NCORE, N, HD), jnp.float32),
    mesh=_mesh(),
    compiler_params=pltpu.CompilerParams(use_tc_tiling_on_sc=False),
    scratch_types=[pltpu.VMEM((CH, HD), jnp.float32),
                   pltpu.VMEM((CH,), jnp.int32),
                   pltpu.VMEM_SHARED((N, HD), jnp.float32)],
  )
  def _k(v_hbm, dst_hbm, zeros_hbm, out_hbm, v_v, key_v, hm_sh):
    cid = lax.axis_index("c")
    sid = lax.axis_index("s")
    wid = sid * NCORE + cid
    rows = N // NSUB
    pltpu.sync_copy(zeros_hbm.at[pl.ds(sid * rows, rows)],
                    hm_sh.at[pl.ds(sid * rows, rows)])
    plsc.subcore_barrier()
    wbase = wid * (EP // NW)

    def body(i, carry):
        base = wbase + i * CH
        pltpu.sync_copy(v_hbm.at[pl.ds(base, CH)], v_v)
        pltpu.sync_copy(dst_hbm.at[pl.ds(base, CH)], key_v)
        pltpu.sync_copy(v_v, hm_sh.at[key_v], add=True)
        return carry

    lax.fori_loop(0, EP // NW // CH, body, 0)
    plsc.subcore_barrier()
    pltpu.sync_copy(hm_sh.at[pl.ds(sid * rows, rows)],
                    out_hbm.at[cid, pl.ds(sid * rows, rows)])
  return _k


def _sc_scatter_hm(v, dst_pad, hm_zeros):
    return _build_sc_scatter_hm()(v, dst_pad, hm_zeros)



BT = 1000
BE = 1024


def _h0_body(x_ref, ide_ref, wpt_ref, bp_ref, o_ref):
    wpt = wpt_ref[...]
    z = (jnp.dot(x_ref[...], wpt[:DF], preferred_element_type=jnp.float32)
         + jnp.dot(ide_ref[...], wpt[DF:], preferred_element_type=jnp.float32)
         + bp_ref[...])
    o_ref[...] = _silu(z)


def _tc_h0(x, ide, wpt, bp2d):
    return pl.pallas_call(
        _h0_body,
        grid=(N // BT,),
        in_specs=[pl.BlockSpec((BT, DF), lambda i: (i, 0)),
                  pl.BlockSpec((BT, IDED), lambda i: (i, 0)),
                  pl.BlockSpec((DF + IDED, HD), lambda i: (0, 0)),
                  pl.BlockSpec((1, HD), lambda i: (0, 0))],
        out_specs=pl.BlockSpec((BT, HD), lambda i: (i, 0)),
        out_shape=jax.ShapeDtypeStruct((N, HD), jnp.float32),
    )(x, ide, wpt, bp2d)


def _proj_body(h_ref, wl_ref, wr_ref, xl_ref, xr_ref):
    h = h_ref[...]
    xl_ref[0] = jnp.dot(h, wl_ref[0],
                        preferred_element_type=jnp.float32).astype(jnp.bfloat16)
    xr_ref[0] = jnp.dot(h, wr_ref[0],
                        preferred_element_type=jnp.float32).astype(jnp.bfloat16)


def _tc_proj(h0, wlt, wrt):
    BTP = 2000
    return pl.pallas_call(
        _proj_body,
        grid=(NR, N // BTP),
        in_specs=[pl.BlockSpec((BTP, HD), lambda r, i: (i, 0)),
                  pl.BlockSpec((1, HD, D), lambda r, i: (r, 0, 0)),
                  pl.BlockSpec((1, HD, D), lambda r, i: (r, 0, 0))],
        out_specs=[pl.BlockSpec((1, BTP, D), lambda r, i: (r, i, 0)),
                   pl.BlockSpec((1, BTP, D), lambda r, i: (r, i, 0))],
        out_shape=(jax.ShapeDtypeStruct((NR, N, D), jnp.bfloat16),
                   jax.ShapeDtypeStruct((NR, N, D), jnp.bfloat16)),
    )(h0, wlt, wrt)


def _ef_body(ea_ref, wa_ref, rel_ref, wr_ref, et_ref, o_ref):
    dn = (((0,), (0,)), ((), ()))
    ef_all = lax.dot_general(ea_ref[...], wa_ref[...], dn,
                             preferred_element_type=jnp.float32)
    r4 = jnp.dot(rel_ref[...], wr_ref[...],
                 preferred_element_type=jnp.float32)
    r4d = jnp.concatenate(
        [r4[r:r + 1, r * D:(r + 1) * D] for r in range(NR)], axis=0)
    et = et_ref[...]
    rr = lax.broadcasted_iota(jnp.int32, (BE, NR), 1)
    oh = (et == rr).astype(jnp.float32)
    ef = jnp.dot(oh, r4d, preferred_element_type=jnp.float32)
    for r in range(NR):
        ef = ef + oh[:, r:r + 1] * ef_all[:, r * D:(r + 1) * D]
    o_ref[...] = ef.astype(jnp.bfloat16)


def _tc_ef(eat_pad, wa, rel_emb, wrel, etc):
    return pl.pallas_call(
        _ef_body,
        grid=(EP // BE,),
        in_specs=[pl.BlockSpec((DE, BE), lambda i: (0, i)),
                  pl.BlockSpec((DE, NR * D), lambda i: (0, 0)),
                  pl.BlockSpec((NR, 8), lambda i: (0, 0)),
                  pl.BlockSpec((8, NR * D), lambda i: (0, 0)),
                  pl.BlockSpec((BE, 1), lambda i: (i, 0))],
        out_specs=pl.BlockSpec((BE, D), lambda i: (i, 0)),
        out_shape=jax.ShapeDtypeStruct((EP, D), jnp.bfloat16),
    )(eat_pad, wa, rel_emb, wrel, etc)


def _scores_body(xlg_ref, xrg_ref, ef_ref, et_ref, att_ref, o_ref):
    pid = pl.program_id(0)
    et = et_ref[...]
    rr = lax.broadcasted_iota(jnp.int32, (BE, NR), 1)
    oh = (et == rr).astype(jnp.float32)
    z = (xlg_ref[...].astype(jnp.float32) + xrg_ref[...].astype(jnp.float32)
         + ef_ref[...].astype(jnp.float32))
    z = jnp.where(z >= 0, z, 0.2 * z)
    asel = jnp.dot(oh, att_ref[...],
                   preferred_element_type=jnp.float32)
    prod = z * asel
    f64 = lax.broadcasted_iota(jnp.int32, (D, 16), 0) // HD
    hh = lax.broadcasted_iota(jnp.int32, (D, 16), 1)
    hmask = (f64 == hh).astype(jnp.float32)
    et_ = jnp.dot(prod, hmask, preferred_element_type=jnp.float32)
    pet = jnp.exp(et_)
    rowid = pid * BE + lax.broadcasted_iota(jnp.int32, (BE, 16), 0)
    colid = lax.broadcasted_iota(jnp.int32, (BE, 16), 1)
    o_ref[...] = jnp.where((rowid < E) & (colid < H), pet, 0.0)


def _tc_scores(xlg, xrg, ef, etc, att4):
    return pl.pallas_call(
        _scores_body,
        grid=(EP // BE,),
        in_specs=[pl.BlockSpec((BE, D), lambda i: (i, 0)),
                  pl.BlockSpec((BE, D), lambda i: (i, 0)),
                  pl.BlockSpec((BE, D), lambda i: (i, 0)),
                  pl.BlockSpec((BE, 1), lambda i: (i, 0)),
                  pl.BlockSpec((NR, D), lambda i: (0, 0))],
        out_specs=pl.BlockSpec((BE, 16), lambda i: (i, 0)),
        out_shape=jax.ShapeDtypeStruct((EP, 16), jnp.float32),
    )(xlg, xrg, ef, etc, att4)


def _values_body(xlg_ref, pet_ref, dg0_ref, dg1_ref, et_ref, rg_ref, o_ref):
    pet = pet_ref[...]
    den = dg0_ref[...] + dg1_ref[...]
    den = jnp.where(den > 0, den, 1.0)
    alpha = pet / den
    rg = rg_ref[...]
    gexp = jnp.exp(rg - jnp.max(rg, axis=1, keepdims=True))
    gw = gexp / jnp.sum(gexp, axis=1, keepdims=True)
    et = et_ref[...]
    rr = lax.broadcasted_iota(jnp.int32, (BE, NR), 1)
    oh = (et == rr).astype(jnp.float32)
    dn = (((1,), (1,)), ((), ()))
    gws = lax.dot_general(oh, gw, dn,
                          preferred_element_type=jnp.float32)
    w = alpha * gws * (1.0 / H)
    xlg = xlg_ref[...].astype(jnp.float32)
    v = jnp.zeros((BE, HD), jnp.float32)
    for h in range(H):
        v = v + w[:, h:h + 1] * xlg[:, h * HD:(h + 1) * HD]
    o_ref[...] = v


def _tc_values(xlg, pet, dg0, dg1, etc, rg2d):
    return pl.pallas_call(
        _values_body,
        grid=(EP // BE,),
        in_specs=[pl.BlockSpec((BE, D), lambda i: (i, 0)),
                  pl.BlockSpec((BE, 16), lambda i: (i, 0)),
                  pl.BlockSpec((BE, 16), lambda i: (i, 0)),
                  pl.BlockSpec((BE, 16), lambda i: (i, 0)),
                  pl.BlockSpec((BE, 1), lambda i: (i, 0)),
                  pl.BlockSpec((1, NR), lambda i: (0, 0))],
        out_specs=pl.BlockSpec((BE, HD), lambda i: (i, 0)),
        out_shape=jax.ShapeDtypeStruct((EP, HD), jnp.float32),
    )(xlg, pet, dg0, dg1, etc, rg2d)


def _post_body(h0_ref, hmp_ref, batch_ref, rg_ref, bias4_ref,
               n1g_ref, n1b_ref, w1t_ref, b1_ref, w2t_ref, b2_ref,
               n2g_ref, n2b_ref, sums_ref, cnt_ref, maxr_ref):
    pid = pl.program_id(0)

    @pl.when(pid == 0)
    def _init():
        sums_ref[...] = jnp.zeros_like(sums_ref)
        cnt_ref[...] = jnp.zeros_like(cnt_ref)
        maxr_ref[...] = jnp.full_like(maxr_ref, -jnp.inf)

    rg = rg_ref[...]
    gexp = jnp.exp(rg - jnp.max(rg, axis=1, keepdims=True))
    gw = gexp / jnp.sum(gexp, axis=1, keepdims=True)
    hmc = jnp.dot(gw, bias4_ref[...], preferred_element_type=jnp.float32)
    h = h0_ref[...] + hmp_ref[0] + hmp_ref[1] + hmc
    h = _ln(h, n1g_ref[...], n1b_ref[...])
    hf = jnp.dot(_silu(jnp.dot(h, w1t_ref[...],
                               preferred_element_type=jnp.float32)
                       + b1_ref[...]),
                 w2t_ref[...], preferred_element_type=jnp.float32) + b2_ref[...]
    h2 = _ln(h + hf, n2g_ref[...], n2b_ref[...])

    batch = batch_ref[...]
    gg = lax.broadcasted_iota(jnp.int32, (BT, NG), 1)
    oh = (batch == gg).astype(jnp.float32)
    dn = (((0,), (0,)), ((), ()))
    sums_ref[...] += lax.dot_general(oh, h2, dn,
                                     preferred_element_type=jnp.float32)
    cnt_ref[...] += lax.dot_general(oh, jnp.ones((BT, HD), jnp.float32), dn,
                                    preferred_element_type=jnp.float32)
    for g in range(NG):
        mg = jnp.where(batch == g, h2, -jnp.inf)
        maxr_ref[g:g + 1, :] = jnp.maximum(
            maxr_ref[g:g + 1, :], jnp.max(mg, axis=0, keepdims=True))


def _tc_post(h0, hmp, batch2d, rg2d, bias4, n1g, n1b, w1t, b1, w2t, b2,
             n2g, n2b):
    return pl.pallas_call(
        _post_body,
        grid=(N // BT,),
        in_specs=[pl.BlockSpec((BT, HD), lambda i: (i, 0)),
                  pl.BlockSpec((NCORE, BT, HD), lambda i: (0, i, 0)),
                  pl.BlockSpec((BT, 1), lambda i: (i, 0)),
                  pl.BlockSpec((1, NR), lambda i: (0, 0)),
                  pl.BlockSpec((NR, HD), lambda i: (0, 0)),
                  pl.BlockSpec((1, HD), lambda i: (0, 0)),
                  pl.BlockSpec((1, HD), lambda i: (0, 0)),
                  pl.BlockSpec((HD, FH), lambda i: (0, 0)),
                  pl.BlockSpec((1, FH), lambda i: (0, 0)),
                  pl.BlockSpec((FH, HD), lambda i: (0, 0)),
                  pl.BlockSpec((1, HD), lambda i: (0, 0)),
                  pl.BlockSpec((1, HD), lambda i: (0, 0)),
                  pl.BlockSpec((1, HD), lambda i: (0, 0))],
        out_specs=[pl.BlockSpec((NG, HD), lambda i: (0, 0)),
                   pl.BlockSpec((NG, HD), lambda i: (0, 0)),
                   pl.BlockSpec((NG, HD), lambda i: (0, 0))],
        out_shape=(jax.ShapeDtypeStruct((NG, HD), jnp.float32),
                   jax.ShapeDtypeStruct((NG, HD), jnp.float32),
                   jax.ShapeDtypeStruct((NG, HD), jnp.float32)),
    )(h0, hmp, batch2d, rg2d, bias4, n1g, n1b, w1t, b1, w2t, b2, n2g, n2b)


def _kan_eval(gmat, bwt, gridt, sct):
    base = jnp.dot(_silu(gmat), bwt, preferred_element_type=jnp.float32)
    nb = gridt.shape[0] - 1
    bs = [((gmat >= gridt[j:j + 1]) & (gmat < gridt[j + 1:j + 2]))
          .astype(jnp.float32) for j in range(nb)]
    for deg in range(1, SO + 1):
        nbs = []
        for k in range(nb - deg):
            t1 = (gmat - gridt[k:k + 1]) / (gridt[k + deg:k + deg + 1]
                                            - gridt[k:k + 1])
            t2 = ((gridt[k + deg + 1:k + deg + 2] - gmat)
                  / (gridt[k + deg + 1:k + deg + 2] - gridt[k + 1:k + 2]))
            nbs.append(t1 * bs[k] + t2 * bs[k + 1])
        bs = nbs
    out = base
    for j in range(GS + SO):
        out = out + jnp.dot(bs[j], sct[j], preferred_element_type=jnp.float32)
    return out


def _kan_body(sums_ref, cnt_ref, maxr_ref, rng_ref, rnb_ref,
              bwt1_ref, gridt1_ref, sct1_ref, bwt2_ref, gridt2_ref, sct2_ref,
              o_ref):
    cnt = jnp.maximum(cnt_ref[...], 1.0)
    hmean = sums_ref[...] / cnt
    maxr = maxr_ref[...]
    hmax = jnp.where(maxr < -1e30, 0.0, maxr)
    g0 = jnp.concatenate([hmean, hmax], axis=1)
    g0 = _ln(g0, rng_ref[...], rnb_ref[...])
    g1 = _kan_eval(g0, bwt1_ref[...], gridt1_ref[...], sct1_ref[...])
    g2 = _kan_eval(g1, bwt2_ref[...], gridt2_ref[...], sct2_ref[...])
    o_ref[...] = g2


def _tc_kan(sums, cnt, maxr, rng2d, rnb2d, bwt1, gridt1, sct1,
            bwt2, gridt2, sct2):
    return pl.pallas_call(
        _kan_body,
        out_shape=jax.ShapeDtypeStruct((NG, NC), jnp.float32),
    )(sums, cnt, maxr, rng2d, rnb2d, bwt1, gridt1, sct1, bwt2, gridt2, sct2)



def kernel(x, edge_index, edge_attr, edge_type, id_token, batch, params):
    p = params
    bp0 = p['blocks'][0]
    f32 = jnp.float32

    idtok_pad = jnp.concatenate(
        [id_token.astype(jnp.int32), jnp.zeros((NP - N,), jnp.int32)])
    zpad = jnp.zeros((EP - E,), jnp.int32)
    src_pad = jnp.concatenate([edge_index[0].astype(jnp.int32), zpad])
    dst_pad = jnp.concatenate([edge_index[1].astype(jnp.int32), zpad])
    et_pad = jnp.concatenate([edge_type.astype(jnp.int32), zpad])
    etc = et_pad.reshape(EP, 1)
    eat_pad = jnp.concatenate(
        [edge_attr.T, jnp.zeros((DE, EP - E), f32)], axis=1)

    wpt = p['Wp'].T
    bp2d = p['bp'].reshape(1, HD)
    wlt = jnp.stack([bp0['convs'][r]['lin_l'].T for r in range(NR)])
    wrt = jnp.stack([bp0['convs'][r]['lin_r'].T for r in range(NR)])
    wa = jnp.concatenate(
        [bp0['convs'][r]['lin_edge'][:, :DE].T for r in range(NR)], axis=1)
    wrel = jnp.concatenate(
        [bp0['convs'][r]['lin_edge'][:, DE:].T for r in range(NR)], axis=1)
    att4 = jnp.stack([bp0['convs'][r]['att'].reshape(D) for r in range(NR)])
    bias4 = jnp.stack([bp0['convs'][r]['bias'] for r in range(NR)])
    rg2d = bp0['rel_gate'].reshape(1, NR)

    den_zeros = jnp.zeros((DK, 16), f32)
    hm_zeros = jnp.zeros((N, HD), f32)

    kan1, kan2 = p['kan'][0], p['kan'][1]
    bwt1 = kan1['bw'].T
    gridt1 = kan1['grid'].T
    sct1 = jnp.transpose(kan1['sw'] * kan1['ss'][..., None], (2, 1, 0))
    bwt2 = kan2['bw'].T
    gridt2 = kan2['grid'].T
    sct2 = jnp.transpose(kan2['sw'] * kan2['ss'][..., None], (2, 1, 0))

    ide = _sc_gather_ide(p['id_emb'], idtok_pad)[:N]
    h0 = _tc_h0(x, ide, wpt, bp2d)
    xl, xr = _tc_proj(h0, wlt, wrt)
    xl4 = xl.reshape(NR * N, D)
    xr4 = xr.reshape(NR * N, D)
    ef = _tc_ef(eat_pad, wa, bp0['rel_emb'], wrel, etc)
    xlg, xrg, dkey = _sc_gather_xlxr(xl4, xr4, src_pad, dst_pad, et_pad)
    pet = _tc_scores(xlg, xrg, ef, etc, att4)
    denp = _sc_scatter_den(pet, dkey, den_zeros)
    dg0, dg1 = _sc_gather_den(denp[0], denp[1], dkey)
    v = _tc_values(xlg, pet, dg0, dg1, etc, rg2d)
    hmp = _sc_scatter_hm(v, dst_pad, hm_zeros)
    sums, cnt, maxr = _tc_post(
        h0, hmp, batch.astype(jnp.int32).reshape(N, 1), rg2d, bias4,
        bp0['n1g'].reshape(1, HD), bp0['n1b'].reshape(1, HD),
        bp0['W1'].T, bp0['b1'].reshape(1, FH),
        bp0['W2'].T, bp0['b2'].reshape(1, HD),
        bp0['n2g'].reshape(1, HD), bp0['n2b'].reshape(1, HD))
    out = _tc_kan(sums, cnt, maxr,
                  p['rng'].reshape(1, 2 * HD), p['rnb'].reshape(1, 2 * HD),
                  bwt1, gridt1, sct1, bwt2, gridt2, sct2)
    return out

# --- scband reference (transcript-rebuilt; emitter-appended) ---
"""Pipeline reference for scband-graph-attention-kan-1211180778453 (READ-ONLY COPY).

The authoritative reference and input builder live on the scoring server;
editing this copy changes nothing except your own understanding.
"""

import jax, jax.numpy as jnp
import numpy as np

N=10000; E=160000; DF=128; DE=16; NR=4; H=4; HD=64; IDE=32; NID=1000; REL=8; NG=16; NC=10; KH=128; GS=5; SO=3; NL=1; FH=int(HD*2.0)

def _silu(x):
    return x * jax.nn.sigmoid(x)

def _layernorm(x, g, b):
    m = x.mean(-1, keepdims=True)
    v = ((x - m) ** 2).mean(-1, keepdims=True)
    return (x - m) / jnp.sqrt(v + 1e-5) * g + b

def _gatv2(h, src, dst, ea, maskf, c):
    xl = (h @ c['lin_l'].T).reshape(-1, H, HD)
    xr = (h @ c['lin_r'].T).reshape(-1, H, HD)
    ef = (ea @ c['lin_edge'].T).reshape(-1, H, HD)
    z = jax.nn.leaky_relu(xl[src] + xr[dst] + ef, 0.2)
    e = (z * c['att'][None]).sum(-1)
    mneg = jnp.where(maskf[:, None] > 0, e, jnp.full_like(e, -1e30))
    m = jax.ops.segment_max(mneg, dst, num_segments=N)
    m = jax.lax.stop_gradient(jnp.where(m < -1e29, 0.0, m))
    d = jnp.where(maskf[:, None] > 0, e - m[dst], -30.0)
    pe = jnp.exp(d) * maskf[:, None]
    den = jax.ops.segment_sum(pe, dst, num_segments=N)
    den = jnp.where(den > 0, den, 1.0)
    alpha = pe / den[dst]
    out = jax.ops.segment_sum(alpha[:, :, None] * xl[src], dst, num_segments=N)
    return out.mean(axis=1) + c['bias']

def _block(h, edge_index, edge_attr, edge_type, bp):
    src = edge_index[0]
    dst = edge_index[1]
    outs = []
    for r in range(NR):
        maskf = (edge_type == r).astype(jnp.float32)
        rv = jnp.broadcast_to(bp['rel_emb'][r], (edge_attr.shape[0], REL))
        ea = jnp.concatenate([edge_attr, rv], axis=-1)
        outs.append(_gatv2(h, src, dst, ea, maskf, bp['convs'][r]))
    gw = jax.nn.softmax(bp['rel_gate'])
    hm = outs[0] * gw[0]
    for r in range(1, NR):
        hm = hm + gw[r] * outs[r]
    h = _layernorm(h + hm, bp['n1g'], bp['n1b'])
    hf = _silu(h @ bp['W1'].T + bp['b1']) @ bp['W2'].T + bp['b2']
    h = _layernorm(h + hf, bp['n2g'], bp['n2b'])
    return h

def _bsplines(x, grid):
    grid = jax.lax.stop_gradient(grid)
    xe = x[..., None]
    bases = ((xe >= grid[:, :-1]) & (xe < grid[:, 1:])).astype(x.dtype)
    for j in range(1, SO + 1):
        bases = ((xe - grid[:, :-(j + 1)]) / (grid[:, j:-1] - grid[:, :-(j + 1)])) * bases[..., :-1] + ((grid[:, j + 1:] - xe) / (grid[:, j + 1:] - grid[:, 1:-j])) * bases[..., 1:]
    return bases

def _kan_layer(x, lp):
    base = _silu(x) @ lp['bw'].T
    bsp = _bsplines(x, lp['grid']).reshape(x.shape[0], -1)
    sc = (lp['sw'] * lp['ss'][..., None]).reshape(lp['bw'].shape[0], -1)
    return base + bsp @ sc.T

def _forward(params, x, edge_attr, edge_index, edge_type, id_token, batch):
    ide = params['id_emb'][id_token]
    h = _silu(jnp.concatenate([x, ide], axis=-1) @ params['Wp'].T + params['bp'])
    for bp in params['blocks']:
        h = _block(h, edge_index, edge_attr, edge_type, bp)
    sums = jax.ops.segment_sum(h, batch, num_segments=NG)
    cnt = jax.ops.segment_sum(jnp.ones((h.shape[0],), h.dtype), batch, num_segments=NG)
    hmean = sums / jnp.maximum(cnt, 1.0)[:, None]
    hmax = jax.ops.segment_max(h, batch, num_segments=NG)
    hmax = jnp.where(hmax < -1e30, 0.0, hmax)
    g = _layernorm(jnp.concatenate([hmean, hmax], axis=-1), params['rng'], params['rnb'])
    for lp in params['kan']:
        g = _kan_layer(g, lp)
    return g

def _make_grid(nin):
    step = 2.0 / GS
    g = jnp.arange(-SO, GS + SO + 1, dtype=jnp.float32) * step - 1.0
    return jnp.tile(g, (nin, 1))

def setup_inputs(seed: int = 0):
    key = jax.random.key(seed)
    cnt = [0]
    def nk():
        cnt[0] += 1
        return jax.random.fold_in(key, cnt[0])
    def lin(o, i):
        return jax.random.normal(nk(), (o, i), jnp.float32) / np.sqrt(i)
    x = jax.random.normal(nk(), (N, DF), jnp.float32)
    edge_index = jax.random.randint(nk(), (2, E), 0, N)
    edge_attr = jax.random.normal(nk(), (E, DE), jnp.float32)
    edge_type = jax.random.randint(nk(), (E,), 0, NR)
    id_token = jax.random.randint(nk(), (N,), 0, NID)
    batch = jnp.sort(jax.random.randint(nk(), (N,), 0, NG))
    blocks = []
    for _ in range(NL):
        convs = []
        for _r in range(NR):
            convs.append({'lin_l': lin(H * HD, HD), 'lin_r': lin(H * HD, HD), 'lin_edge': lin(H * HD, DE + REL), 'att': jax.random.normal(nk(), (H, HD), jnp.float32) / np.sqrt(HD), 'bias': jnp.zeros((HD,), jnp.float32)})
        blocks.append({'rel_emb': jax.random.normal(nk(), (NR, REL), jnp.float32), 'rel_gate': jnp.zeros((NR,), jnp.float32), 'convs': convs, 'n1g': jnp.ones((HD,), jnp.float32), 'n1b': jnp.zeros((HD,), jnp.float32), 'W1': lin(FH, HD), 'b1': jnp.zeros((FH,), jnp.float32), 'W2': lin(HD, FH), 'b2': jnp.zeros((HD,), jnp.float32), 'n2g': jnp.ones((HD,), jnp.float32), 'n2b': jnp.zeros((HD,), jnp.float32)})
    kan = []
    for (i_, o_) in [(2 * HD, KH), (KH, NC)]:
        kan.append({'bw': lin(o_, i_), 'sw': jax.random.normal(nk(), (o_, i_, GS + SO), jnp.float32) * 0.1, 'ss': jnp.ones((o_, i_), jnp.float32), 'grid': _make_grid(i_)})
    params = {'id_emb': jax.random.normal(nk(), (NID + 1, IDE), jnp.float32), 'Wp': lin(HD, DF + IDE), 'bp': jnp.zeros((HD,), jnp.float32), 'blocks': blocks, 'rng': jnp.ones((2 * HD,), jnp.float32), 'rnb': jnp.zeros((2 * HD,), jnp.float32), 'kan': kan}
    return {'x': x, 'edge_index': edge_index, 'edge_attr': edge_attr, 'edge_type': edge_type, 'id_token': id_token, 'batch': batch, 'params': params}

def reference(x, edge_index, edge_attr, edge_type, id_token, batch, params):
    return _forward(params, x, edge_attr, edge_index, edge_type, id_token, batch)

if __name__ == "__main__":
    import jax
    _d = setup_inputs()
    print(jax.jit(kernel)(*tuple(_d.values())))

</pallas_src>

<mosaic_0001>
#map = affine_map<(d0, d1) -> (0, 0)>
#map1 = affine_map<(d0, d1) -> (0)>
#map2 = affine_map<(d0, d1) -> (0, 0, 0)>
module attributes {stable_mosaic.version = 14 : i64} {
  func.func @_k(%arg0: i32, %arg1: i32, %arg2: memref<163840x16xf32, #tpu.memory_space<hbm>>, %arg3: memref<163840xi32, #tpu.memory_space<hbm>>, %arg4: memref<40000x16xf32, #tpu.memory_space<hbm>>, %arg5: memref<2x40000x16xf32, #tpu.memory_space<hbm>>, %arg6: memref<128x16xf32, #tpu.memory_space<vmem>>, %arg7: memref<128xi32, #tpu.memory_space<vmem>>, %arg8: memref<40000x16xf32, #tpu.memory_space<vmem_shared>>) attributes {dimension_semantics = [#tpu.dimension_semantics<core_parallel>, #tpu.dimension_semantics<subcore_parallel>], iteration_bounds = array<i64: 2, 16>, scalar_prefetch = 0 : i64, scratch_operands = 3 : i64, tpu.core_type = #tpu.core_type<sc_vector_subcore>, window_params = [{transform_indices = #map}, {transform_indices = #map1}, {transform_indices = #map}, {transform_indices = #map2}]} {
    %mul3A = arith.constant 2 : i32
    %mul3A_0 = arith.muli %arg1, %mul3A : i32
    %add3A = arith.addi %mul3A_0, %arg0 : i32
    %mul3A_1 = arith.constant 2500 : i32
    %mul3A_2 = arith.muli %arg1, %mul3A_1 : i32
    %mul3A_3 = arith.constant 2500 : i32
    %mul3A_4 = arith.muli %arg1, %mul3A_3 : i32
    "tpu.region"() ({
      %run_scoped3A = tpu.sem_alloc : memref<!tpu.dma_semaphore, #tpu.memory_space<semaphore_mem>>
      %dma_start3A = arith.constant 0 : i32
      %dma_start3A_17 = tpu.memref_slice %arg8[%mul3A_4, %dma_start3A] : memref<40000x16xf32, #tpu.memory_space<vmem_shared>> -> memref<2500x16xf32, #tpu.memory_space<vmem_shared>>
      %dma_start3A_18 = arith.constant 0 : i32
      %dma_start3A_19 = tpu.memref_slice %arg4[%mul3A_2, %dma_start3A_18] : memref<40000x16xf32, #tpu.memory_space<hbm>> -> memref<2500x16xf32, #tpu.memory_space<hbm>>
      tpu.enqueue_dma source(%dma_start3A_19 : memref<2500x16xf32, #tpu.memory_space<hbm>>) target(%dma_start3A_17 : memref<2500x16xf32, #tpu.memory_space<vmem_shared>>) target_semaphore(%run_scoped3A : memref<!tpu.dma_semaphore, #tpu.memory_space<semaphore_mem>>)
      %dma_wait3A = arith.constant 0 : i32
      %dma_wait3A_20 = tpu.memref_slice %arg8[%mul3A_4, %dma_wait3A] : memref<40000x16xf32, #tpu.memory_space<vmem_shared>> -> memref<2500x16xf32, #tpu.memory_space<vmem_shared>>
      %dma_wait3A_21 = arith.constant 0 : i32
      %dma_wait3A_22 = tpu.memref_slice %arg4[%mul3A_2, %dma_wait3A_21] : memref<40000x16xf32, #tpu.memory_space<hbm>> -> memref<2500x16xf32, #tpu.memory_space<hbm>>
      tpu.wait_dma2 semaphore(%run_scoped3A : memref<!tpu.dma_semaphore, #tpu.memory_space<semaphore_mem>>) src(%dma_wait3A_22 : memref<2500x16xf32, #tpu.memory_space<hbm>>) dst(%dma_wait3A_20 : memref<2500x16xf32, #tpu.memory_space<vmem_shared>>)
      tpu.yield
    }) : () -> ()
    %barrier3A = arith.constant 0 : index
    tpu.barrier barrier_id(%barrier3A)
    %mul3A_5 = arith.constant 5120 : i32
    %mul3A_6 = arith.muli %add3A, %mul3A_5 : i32
    %scan3A = arith.constant 0 : i32
    %scan3A_7 = arith.constant 0 : i32
    %scan3A_8 = arith.constant 40 : i32
    %scan3A_9 = arith.addi %scan3A_7, %scan3A_8 : i32
    %scan3A_10 = arith.constant 1 : i32
    scf.for %scan3A_17 = %scan3A_7 to %scan3A_9 step %scan3A_10  : i32 {
      %mul3A_18 = arith.constant 128 : i32
      %mul3A_19 = arith.muli %scan3A_17, %mul3A_18 : i32
      %add3A_20 = arith.addi %mul3A_6, %mul3A_19 : i32
      "tpu.region"() ({
        %run_scoped3A = tpu.sem_alloc : memref<!tpu.dma_semaphore, #tpu.memory_space<semaphore_mem>>
        %dma_start3A = arith.constant 0 : i32
        %dma_start3A_21 = tpu.memref_slice %arg2[%add3A_20, %dma_start3A] : memref<163840x16xf32, #tpu.memory_space<hbm>> -> memref<128x16xf32, #tpu.memory_space<hbm>>
        %dma_start3A_22 = arith.constant 0 : i32
        %dma_start3A_23 = tpu.memref_slice %arg2[%add3A_20, %dma_start3A_22] : memref<163840x16xf32, #tpu.memory_space<hbm>> -> memref<128x16xf32, #tpu.memory_space<hbm>>
        tpu.enqueue_dma source(%dma_start3A_23 : memref<128x16xf32, #tpu.memory_space<hbm>>) target(%arg6 : memref<128x16xf32, #tpu.memory_space<vmem>>) target_semaphore(%run_scoped3A : memref<!tpu.dma_semaphore, #tpu.memory_space<semaphore_mem>>)
        %dma_wait3A = arith.constant 0 : i32
        %dma_wait3A_24 = tpu.memref_slice %arg2[%add3A_20, %dma_wait3A] : memref<163840x16xf32, #tpu.memory_space<hbm>> -> memref<128x16xf32, #tpu.memory_space<hbm>>
        %dma_wait3A_25 = arith.constant 0 : i32
        %dma_wait3A_26 = tpu.memref_slice %arg2[%add3A_20, %dma_wait3A_25] : memref<163840x16xf32, #tpu.memory_space<hbm>> -> memref<128x16xf32, #tpu.memory_space<hbm>>
        tpu.wait_dma2 semaphore(%run_scoped3A : memref<!tpu.dma_semaphore, #tpu.memory_space<semaphore_mem>>) src(%dma_wait3A_26 : memref<128x16xf32, #tpu.memory_space<hbm>>) dst(%arg6 : memref<128x16xf32, #tpu.memory_space<vmem>>)
        tpu.yield
      }) : () -> ()
      "tpu.region"() ({
        %run_scoped3A = tpu.sem_alloc : memref<!tpu.dma_semaphore, #tpu.memory_space<semaphore_mem>>
        %dma_start3A = tpu.memref_slice %arg3[%add3A_20] : memref<163840xi32, #tpu.memory_space<hbm>> -> memref<128xi32, #tpu.memory_space<hbm>>
        %dma_start3A_21 = tpu.memref_slice %arg3[%add3A_20] : memref<163840xi32, #tpu.memory_space<hbm>> -> memref<128xi32, #tpu.memory_space<hbm>>
        tpu.enqueue_dma source(%dma_start3A_21 : memref<128xi32, #tpu.memory_space<hbm>>) target(%arg7 : memref<128xi32, #tpu.memory_space<vmem>>) target_semaphore(%run_scoped3A : memref<!tpu.dma_semaphore, #tpu.memory_space<semaphore_mem>>)
        %dma_wait3A = tpu.memref_slice %arg3[%add3A_20] : memref<163840xi32, #tpu.memory_space<hbm>> -> memref<128xi32, #tpu.memory_space<hbm>>
        %dma_wait3A_22 = tpu.memref_slice %arg3[%add3A_20] : memref<163840xi32, #tpu.memory_space<hbm>> -> memref<128xi32, #tpu.memory_space<hbm>>
        tpu.wait_dma2 semaphore(%run_scoped3A : memref<!tpu.dma_semaphore, #tpu.memory_space<semaphore_mem>>) src(%dma_wait3A_22 : memref<128xi32, #tpu.memory_space<hbm>>) dst(%arg7 : memref<128xi32, #tpu.memory_space<vmem>>)
        tpu.yield
      }) : () -> ()
      "tpu.region"() ({
        %run_scoped3A = tpu.sem_alloc : memref<!tpu.dma_semaphore, #tpu.memory_space<semaphore_mem>>
        %dma_start3A = arith.constant 0 : i32
        %dma_start3A_21 = arith.constant 0 : i32
        %dma_start3A_22 = tpu.memref_slice %arg8[%dma_start3A, %dma_start3A_21] : memref<40000x16xf32, #tpu.memory_space<vmem_shared>> -> memref<40000x16xf32, #tpu.memory_space<vmem_shared>>
        tpu.enqueue_indirect_dma source(%arg6 : memref<128x16xf32, #tpu.memory_space<vmem>>) target(%dma_start3A_22 : memref<40000x16xf32, #tpu.memory_space<vmem_shared>>) offsets(%arg7 : memref<128xi32, #tpu.memory_space<vmem>>) semaphore(%run_scoped3A : memref<!tpu.dma_semaphore, #tpu.memory_space<semaphore_mem>>) {add = true}
        %dma_wait3A = arith.constant 0 : i32
        %dma_wait3A_23 = arith.constant 0 : i32
        %dma_wait3A_24 = tpu.memref_slice %arg8[%dma_wait3A, %dma_wait3A_23] : memref<40000x16xf32, #tpu.memory_space<vmem_shared>> -> memref<40000x16xf32, #tpu.memory_space<vmem_shared>>
        tpu.wait_indirect_dma semaphore(%run_scoped3A : memref<!tpu.dma_semaphore, #tpu.memory_space<semaphore_mem>>) src(%arg6 : memref<128x16xf32, #tpu.memory_space<vmem>>) dst(%dma_wait3A_24 : memref<40000x16xf32, #tpu.memory_space<vmem_shared>>)
        tpu.yield
      }) : () -> ()
    }
    %scan3A_11 = arith.constant 40 : i32
    %barrier3A_12 = arith.constant 0 : index
    tpu.barrier barrier_id(%barrier3A_12)
    %mul3A_13 = arith.constant 2500 : i32
    %mul3A_14 = arith.muli %arg1, %mul3A_13 : i32
    %mul3A_15 = arith.constant 2500 : i32
    %mul3A_16 = arith.muli %arg1, %mul3A_15 : i32
    "tpu.region"() ({
      %run_scoped3A = tpu.sem_alloc : memref<!tpu.dma_semaphore, #tpu.memory_space<semaphore_mem>>
      %dma_start3A = arith.constant 0 : i32
      %dma_start3A_17 = tpu.memref_slice %arg5[%arg0, %mul3A_16, %dma_start3A] : memref<2x40000x16xf32, #tpu.memory_space<hbm>> -> memref<1x2500x16xf32, #tpu.memory_space<hbm>>
      %dma_start3A_18 = tpu.memref_squeeze %dma_start3A_17 : memref<1x2500x16xf32, #tpu.memory_space<hbm>> -> memref<2500x16xf32, #tpu.memory_space<hbm>>
      %dma_start3A_19 = arith.constant 0 : i32
      %dma_start3A_20 = tpu.memref_slice %arg8[%mul3A_14, %dma_start3A_19] : memref<40000x16xf32, #tpu.memory_space<vmem_shared>> -> memref<2500x16xf32, #tpu.memory_space<vmem_shared>>
      tpu.enqueue_dma source(%dma_start3A_20 : memref<2500x16xf32, #tpu.memory_space<vmem_shared>>) target(%dma_start3A_18 : memref<2500x16xf32, #tpu.memory_space<hbm>>) target_semaphore(%run_scoped3A : memref<!tpu.dma_semaphore, #tpu.memory_space<semaphore_mem>>)
      %dma_wait3A = arith.constant 0 : i32
      %dma_wait3A_21 = tpu.memref_slice %arg5[%arg0, %mul3A_16, %dma_wait3A] : memref<2x40000x16xf32, #tpu.memory_space<hbm>> -> memref<1x2500x16xf32, #tpu.memory_space<hbm>>
      %dma_wait3A_22 = tpu.memref_squeeze %dma_wait3A_21 : memref<1x2500x16xf32, #tpu.memory_space<hbm>> -> memref<2500x16xf32, #tpu.memory_space<hbm>>
      %dma_wait3A_23 = arith.constant 0 : i32
      %dma_wait3A_24 = tpu.memref_slice %arg8[%mul3A_14, %dma_wait3A_23] : memref<40000x16xf32, #tpu.memory_space<vmem_shared>> -> memref<2500x16xf32, #tpu.memory_space<vmem_shared>>
      tpu.wait_dma2 semaphore(%run_scoped3A : memref<!tpu.dma_semaphore, #tpu.memory_space<semaphore_mem>>) src(%dma_wait3A_24 : memref<2500x16xf32, #tpu.memory_space<vmem_shared>>) dst(%dma_wait3A_22 : memref<2500x16xf32, #tpu.memory_space<hbm>>)
      tpu.yield
    }) : () -> ()
    return
  }
}

#map = affine_map<(d0, d1) -> (0, 0)>
#map1 = affine_map<(d0, d1) -> (0)>
module attributes {stable_mosaic.version = 14 : i64} {
  func.func @_k(%arg0: i32, %arg1: i32, %arg2: memref<1001x32xf32, #tpu.memory_space<hbm>>, %arg3: memref<10240xi32, #tpu.memory_space<hbm>>, %arg4: memref<10240x32xf32, #tpu.memory_space<hbm>>, %arg5: memref<64xi32, #tpu.memory_space<vmem>>, %arg6: memref<64x32xf32, #tpu.memory_space<vmem>>, %arg7: memref<!tpu.dma_semaphore, #tpu.memory_space<semaphore_mem>>) attributes {dimension_semantics = [#tpu.dimension_semantics<core_parallel>, #tpu.dimension_semantics<subcore_parallel>], iteration_bounds = array<i64: 2, 16>, scalar_prefetch = 0 : i64, scratch_operands = 3 : i64, tpu.core_type = #tpu.core_type<sc_vector_subcore>, window_params = [{transform_indices = #map}, {transform_indices = #map1}, {transform_indices = #map}]} {
    %mul3A = arith.constant 2 : i32
    %mul3A_0 = arith.muli %arg1, %mul3A : i32
    %add3A = arith.addi %mul3A_0, %arg0 : i32
    %mul3A_1 = arith.constant 320 : i32
    %mul3A_2 = arith.muli %add3A, %mul3A_1 : i32
    %scan3A = arith.constant 0 : i32
    %scan3A_3 = arith.constant 0 : i32
    %scan3A_4 = arith.constant 5 : i32
    %scan3A_5 = arith.addi %scan3A_3, %scan3A_4 : i32
    %scan3A_6 = arith.constant 1 : i32
    scf.for %scan3A_8 = %scan3A_3 to %scan3A_5 step %scan3A_6  : i32 {
      %mul3A_9 = arith.constant 64 : i32
      %mul3A_10 = arith.muli %scan3A_8, %mul3A_9 : i32
      %add3A_11 = arith.addi %mul3A_2, %mul3A_10 : i32
      "tpu.region"() ({
        %run_scoped3A = tpu.sem_alloc : memref<!tpu.dma_semaphore, #tpu.memory_space<semaphore_mem>>
        %dma_start3A_16 = tpu.memref_slice %arg3[%add3A_11] : memref<10240xi32, #tpu.memory_space<hbm>> -> memref<64xi32, #tpu.memory_space<hbm>>
        %dma_start3A_17 = tpu.memref_slice %arg3[%add3A_11] : memref<10240xi32, #tpu.memory_space<hbm>> -> memref<64xi32, #tpu.memory_space<hbm>>
        tpu.enqueue_dma source(%dma_start3A_17 : memref<64xi32, #tpu.memory_space<hbm>>) target(%arg5 : memref<64xi32, #tpu.memory_space<vmem>>) target_semaphore(%run_scoped3A : memref<!tpu.dma_semaphore, #tpu.memory_space<semaphore_mem>>)
        %dma_wait3A_18 = tpu.memref_slice %arg3[%add3A_11] : memref<10240xi32, #tpu.memory_space<hbm>> -> memref<64xi32, #tpu.memory_space<hbm>>
        %dma_wait3A_19 = tpu.memref_slice %arg3[%add3A_11] : memref<10240xi32, #tpu.memory_space<hbm>> -> memref<64xi32, #tpu.memory_space<hbm>>
        tpu.wait_dma2 semaphore(%run_scoped3A : memref<!tpu.dma_semaphore, #tpu.memory_space<semaphore_mem>>) src(%dma_wait3A_19 : memref<64xi32, #tpu.memory_space<hbm>>) dst(%arg5 : memref<64xi32, #tpu.memory_space<vmem>>)
        tpu.yield
      }) : () -> ()
      %dma_start3A = arith.constant 0 : i32
      %dma_start3A_12 = arith.constant 0 : i32
      %dma_start3A_13 = tpu.memref_slice %arg2[%dma_start3A, %dma_start3A_12] : memref<1001x32xf32, #tpu.memory_space<hbm>> -> memref<1001x32xf32, #tpu.memory_space<hbm>>
      tpu.enqueue_indirect_dma source(%dma_start3A_13 : memref<1001x32xf32, #tpu.memory_space<hbm>>) target(%arg6 : memref<64x32xf32, #tpu.memory_space<vmem>>) offsets(%arg5 : memref<64xi32, #tpu.memory_space<vmem>>) semaphore(%arg7 : memref<!tpu.dma_semaphore, #tpu.memory_space<semaphore_mem>>)
      %dma_wait3A = arith.constant 0 : i32
      %dma_wait3A_14 = arith.constant 0 : i32
      %dma_wait3A_15 = tpu.memref_slice %arg2[%dma_wait3A, %dma_wait3A_14] : memref<1001x32xf32, #tpu.memory_space<hbm>> -> memref<1001x32xf32, #tpu.memory_space<hbm>>
      tpu.wait_indirect_dma semaphore(%arg7 : memref<!tpu.dma_semaphore, #tpu.memory_space<semaphore_mem>>) src(%dma_wait3A_15 : memref<1001x32xf32, #tpu.memory_space<hbm>>) dst(%arg6 : memref<64x32xf32, #tpu.memory_space<vmem>>)
      "tpu.region"() ({
        %run_scoped3A = tpu.sem_alloc : memref<!tpu.dma_semaphore, #tpu.memory_space<semaphore_mem>>
        %dma_start3A_16 = arith.constant 0 : i32
        %dma_start3A_17 = tpu.memref_slice %arg4[%add3A_11, %dma_start3A_16] : memref<10240x32xf32, #tpu.memory_space<hbm>> -> memref<64x32xf32, #tpu.memory_space<hbm>>
        %dma_start3A_18 = arith.constant 0 : i32
        %dma_start3A_19 = tpu.memref_slice %arg4[%add3A_11, %dma_start3A_18] : memref<10240x32xf32, #tpu.memory_space<hbm>> -> memref<64x32xf32, #tpu.memory_space<hbm>>
        tpu.enqueue_dma source(%arg6 : memref<64x32xf32, #tpu.memory_space<vmem>>) target(%dma_start3A_19 : memref<64x32xf32, #tpu.memory_space<hbm>>) target_semaphore(%run_scoped3A : memref<!tpu.dma_semaphore, #tpu.memory_space<semaphore_mem>>)
        %dma_wait3A_20 = arith.constant 0 : i32
        %dma_wait3A_21 = tpu.memref_slice %arg4[%add3A_11, %dma_wait3A_20] : memref<10240x32xf32, #tpu.memory_space<hbm>> -> memref<64x32xf32, #tpu.memory_space<hbm>>
        %dma_wait3A_22 = arith.constant 0 : i32
        %dma_wait3A_23 = tpu.memref_slice %arg4[%add3A_11, %dma_wait3A_22] : memref<10240x32xf32, #tpu.memory_space<hbm>> -> memref<64x32xf32, #tpu.memory_space<hbm>>
        tpu.wait_dma2 semaphore(%run_scoped3A : memref<!tpu.dma_semaphore, #tpu.memory_space<semaphore_mem>>) src(%arg6 : memref<64x32xf32, #tpu.memory_space<vmem>>) dst(%dma_wait3A_23 : memref<64x32xf32, #tpu.memory_space<hbm>>)
        tpu.yield
      }) : () -> ()
    }
    %scan3A_7 = arith.constant 5 : i32
    return
  }
}

#map = affine_map<(d0, d1) -> (0, 0)>
#map1 = affine_map<(d0, d1) -> (0)>
module attributes {stable_mosaic.version = 14 : i64} {
  func.func @_k(%arg0: i32, %arg1: i32, %arg2: memref<40000x256xbf16, #tpu.memory_space<hbm>>, %arg3: memref<40000x256xbf16, #tpu.memory_space<hbm>>, %arg4: memref<163840xi32, #tpu.memory_space<hbm>>, %arg5: memref<163840xi32, #tpu.memory_space<hbm>>, %arg6: memref<163840xi32, #tpu.memory_space<hbm>>, %arg7: memref<163840x256xbf16, #tpu.memory_space<hbm>>, %arg8: memref<163840x256xbf16, #tpu.memory_space<hbm>>, %arg9: memref<163840xi32, #tpu.memory_space<hbm>>, %arg10: memref<5120xi32, #tpu.memory_space<vmem>>, %arg11: memref<5120xi32, #tpu.memory_space<vmem>>, %arg12: memref<5120xi32, #tpu.memory_space<vmem>>, %arg13: memref<128x256xbf16, #tpu.memory_space<vmem>>, %arg14: memref<128x256xbf16, #tpu.memory_space<vmem>>, %arg15: memref<128x256xbf16, #tpu.memory_space<vmem>>, %arg16: memref<128x256xbf16, #tpu.memory_space<vmem>>, %arg17: memref<!tpu.dma_semaphore, #tpu.memory_space<semaphore_mem>>, %arg18: memref<!tpu.dma_semaphore, #tpu.memory_space<semaphore_mem>>, %arg19: memref<!tpu.dma_semaphore, #tpu.memory_space<semaphore_mem>>, %arg20: memref<!tpu.dma_semaphore, #tpu.memory_space<semaphore_mem>>, %arg21: memref<!tpu.dma_semaphore, #tpu.memory_space<semaphore_mem>>, %arg22: memref<!tpu.dma_semaphore, #tpu.memory_space<semaphore_mem>>, %arg23: memref<!tpu.dma_semaphore, #tpu.memory_space<semaphore_mem>>, %arg24: memref<!tpu.dma_semaphore, #tpu.memory_space<semaphore_mem>>) attributes {dimension_semantics = [#tpu.dimension_semantics<core_parallel>, #tpu.dimension_semantics<subcore_parallel>], iteration_bounds = array<i64: 2, 16>, scalar_prefetch = 0 : i64, scratch_operands = 15 : i64, tpu.core_type = #tpu.core_type<sc_vector_subcore>, window_params = [{transform_indices = #map}, {transform_indices = #map}, {transform_indices = #map1}, {transform_indices = #map1}, {transform_indices = #map1}, {transform_indices = #map}, {transform_indices = #map}, {transform_indices = #map1}]} {
    %mul3A = arith.constant 2 : i32
    %mul3A_0 = arith.muli %arg1, %mul3A : i32
    %add3A = arith.addi %mul3A_0, %arg0 : i32
    %mul3A_1 = arith.constant 5120 : i32
    %mul3A_2 = arith.muli %add3A, %mul3A_1 : i32
    "tpu.region"() ({
      %run_scoped3A = tpu.sem_alloc : memref<!tpu.dma_semaphore, #tpu.memory_space<semaphore_mem>>
      %dma_start3A = tpu.memref_slice %arg4[%mul3A_2] : memref<163840xi32, #tpu.memory_space<hbm>> -> memref<5120xi32, #tpu.memory_space<hbm>>
      %dma_start3A_29 = tpu.memref_slice %arg4[%mul3A_2] : memref<163840xi32, #tpu.memory_space<hbm>> -> memref<5120xi32, #tpu.memory_space<hbm>>
      tpu.enqueue_dma source(%dma_start3A_29 : memref<5120xi32, #tpu.memory_space<hbm>>) target(%arg10 : memref<5120xi32, #tpu.memory_space<vmem>>) target_semaphore(%run_scoped3A : memref<!tpu.dma_semaphore, #tpu.memory_space<semaphore_mem>>)
      %dma_wait3A_30 = tpu.memref_slice %arg4[%mul3A_2] : memref<163840xi32, #tpu.memory_space<hbm>> -> memref<5120xi32, #tpu.memory_space<hbm>>
      %dma_wait3A_31 = tpu.memref_slice %arg4[%mul3A_2] : memref<163840xi32, #tpu.memory_space<hbm>> -> memref<5120xi32, #tpu.memory_space<hbm>>
      tpu.wait_dma2 semaphore(%run_scoped3A : memref<!tpu.dma_semaphore, #tpu.memory_space<semaphore_mem>>) src(%dma_wait3A_31 : memref<5120xi32, #tpu.memory_space<hbm>>) dst(%arg10 : memref<5120xi32, #tpu.memory_space<vmem>>)
      tpu.yield
    }) : () -> ()
    "tpu.region"() ({
      %run_scoped3A = tpu.sem_alloc : memref<!tpu.dma_semaphore, #tpu.memory_space<semaphore_mem>>
      %dma_start3A = tpu.memref_slice %arg5[%mul3A_2] : memref<163840xi32, #tpu.memory_space<hbm>> -> memref<5120xi32, #tpu.memory_space<hbm>>
      %dma_start3A_29 = tpu.memref_slice %arg5[%mul3A_2] : memref<163840xi32, #tpu.memory_space<hbm>> -> memref<5120xi32, #tpu.memory_space<hbm>>
      tpu.enqueue_dma source(%dma_start3A_29 : memref<5120xi32, #tpu.memory_space<hbm>>) target(%arg11 : memref<5120xi32, #tpu.memory_space<vmem>>) target_semaphore(%run_scoped3A : memref<!tpu.dma_semaphore, #tpu.memory_space<semaphore_mem>>)
      %dma_wait3A_30 = tpu.memref_slice %arg5[%mul3A_2] : memref<163840xi32, #tpu.memory_space<hbm>> -> memref<5120xi32, #tpu.memory_space<hbm>>
      %dma_wait3A_31 = tpu.memref_slice %arg5[%mul3A_2] : memref<163840xi32, #tpu.memory_space<hbm>> -> memref<5120xi32, #tpu.memory_space<hbm>>
      tpu.wait_dma2 semaphore(%run_scoped3A : memref<!tpu.dma_semaphore, #tpu.memory_space<semaphore_mem>>) src(%dma_wait3A_31 : memref<5120xi32, #tpu.memory_space<hbm>>) dst(%arg11 : memref<5120xi32, #tpu.memory_space<vmem>>)
      tpu.yield
    }) : () -> ()
    "tpu.region"() ({
      %run_scoped3A = tpu.sem_alloc : memref<!tpu.dma_semaphore, #tpu.memory_space<semaphore_mem>>
      %dma_start3A = tpu.memref_slice %arg6[%mul3A_2] : memref<163840xi32, #tpu.memory_space<hbm>> -> memref<5120xi32, #tpu.memory_space<hbm>>
      %dma_start3A_29 = tpu.memref_slice %arg6[%mul3A_2] : memref<163840xi32, #tpu.memory_space<hbm>> -> memref<5120xi32, #tpu.memory_space<hbm>>
      tpu.enqueue_dma source(%dma_start3A_29 : memref<5120xi32, #tpu.memory_space<hbm>>) target(%arg12 : memref<5120xi32, #tpu.memory_space<vmem>>) target_semaphore(%run_scoped3A : memref<!tpu.dma_semaphore, #tpu.memory_space<semaphore_mem>>)
      %dma_wait3A_30 = tpu.memref_slice %arg6[%mul3A_2] : memref<163840xi32, #tpu.memory_space<hbm>> -> memref<5120xi32, #tpu.memory_space<hbm>>
      %dma_wait3A_31 = tpu.memref_slice %arg6[%mul3A_2] : memref<163840xi32, #tpu.memory_space<hbm>> -> memref<5120xi32, #tpu.memory_space<hbm>>
      tpu.wait_dma2 semaphore(%run_scoped3A : memref<!tpu.dma_semaphore, #tpu.memory_space<semaphore_mem>>) src(%dma_wait3A_31 : memref<5120xi32, #tpu.memory_space<hbm>>) dst(%arg12 : memref<5120xi32, #tpu.memory_space<vmem>>)
      tpu.yield
    }) : () -> ()
    %scan3A = arith.constant 0 : i32
    %scan3A_3 = arith.constant 0 : i32
    %scan3A_4 = arith.constant 320 : i32
    %scan3A_5 = arith.addi %scan3A_3, %scan3A_4 : i32
    %scan3A_6 = arith.constant 1 : i32
    scf.for %scan3A_29 = %scan3A_3 to %scan3A_5 step %scan3A_6  : i32 {
      %mul3A_30 = arith.constant 16 : i32
      %mul3A_31 = arith.muli %scan3A_29, %mul3A_30 : i32
      %get3A = arith.index_cast %mul3A_31 : i32 to index
      %get3A_32 = tpu.vector_load %arg12[%get3A] {strides = array<i32>} : memref<5120xi32, #tpu.memory_space<vmem>>, vector<16xi32>,
      %get3A_33 = vector.shape_cast %get3A_32 : vector<16xi32> to vector<16xi32>
      %mul3A_34 = arith.constant 10000 : i32
      %mul3A_35 = vector.broadcast %mul3A_34 : i32 to vector<16xi32>
      %mul3A_36 = arith.muli %get3A_33, %mul3A_35 : vector<16xi32>
      %get3A_37 = arith.index_cast %mul3A_31 : i32 to index
      %get3A_38 = tpu.vector_load %arg10[%get3A_37] {strides = array<i32>} : memref<5120xi32, #tpu.memory_space<vmem>>, vector<16xi32>,
      %get3A_39 = vector.shape_cast %get3A_38 : vector<16xi32> to vector<16xi32>
      %add3A_40 = arith.addi %get3A_39, %mul3A_36 : vector<16xi32>
      %swap3A = arith.index_cast %mul3A_31 : i32 to index
      %swap3A_41 = tpu.vector_load %arg10[%swap3A] {strides = array<i32>} : memref<5120xi32, #tpu.memory_space<vmem>>, vector<16xi32>,
      %swap3A_42 = vector.shape_cast %swap3A_41 : vector<16xi32> to vector<16xi32>
      %swap3A_43 = vector.shape_cast %add3A_40 : vector<16xi32> to vector<16xi32>
      tpu.vector_store %arg10[%swap3A], %swap3A_43 {strides = array<i32>} : memref<5120xi32, #tpu.memory_space<vmem>>, vector<16xi32>,
      %get3A_44 = arith.index_cast %mul3A_31 : i32 to index
      %get3A_45 = tpu.vector_load %arg11[%get3A_44] {strides = array<i32>} : memref<5120xi32, #tpu.memory_space<vmem>>, vector<16xi32>,
      %get3A_46 = vector.shape_cast %get3A_45 : vector<16xi32> to vector<16xi32>
      %add3A_47 = arith.addi %get3A_46, %mul3A_36 : vector<16xi32>
      %swap3A_48 = arith.index_cast %mul3A_31 : i32 to index
      %swap3A_49 = tpu.vector_load %arg11[%swap3A_48] {strides = array<i32>} : memref<5120xi32, #tpu.memory_space<vmem>>, vector<16xi32>,
      %swap3A_50 = vector.shape_cast %swap3A_49 : vector<16xi32> to vector<16xi32>
      %swap3A_51 = vector.shape_cast %add3A_47 : vector<16xi32> to vector<16xi32>
      tpu.vector_store %arg11[%swap3A_48], %swap3A_51 {strides = array<i32>} : memref<5120xi32, #tpu.memory_space<vmem>>, vector<16xi32>,
    }
    %scan3A_7 = arith.constant 320 : i32
    "tpu.region"() ({
      %run_scoped3A = tpu.sem_alloc : memref<!tpu.dma_semaphore, #tpu.memory_space<semaphore_mem>>
      %dma_start3A = tpu.memref_slice %arg9[%mul3A_2] : memref<163840xi32, #tpu.memory_space<hbm>> -> memref<5120xi32, #tpu.memory_space<hbm>>
      %dma_start3A_29 = tpu.memref_slice %arg9[%mul3A_2] : memref<163840xi32, #tpu.memory_space<hbm>> -> memref<5120xi32, #tpu.memory_space<hbm>>
      tpu.enqueue_dma source(%arg11 : memref<5120xi32, #tpu.memory_space<vmem>>) target(%dma_start3A_29 : memref<5120xi32, #tpu.memory_space<hbm>>) target_semaphore(%run_scoped3A : memref<!tpu.dma_semaphore, #tpu.memory_space<semaphore_mem>>)
      %dma_wait3A_30 = tpu.memref_slice %arg9[%mul3A_2] : memref<163840xi32, #tpu.memory_space<hbm>> -> memref<5120xi32, #tpu.memory_space<hbm>>
      %dma_wait3A_31 = tpu.memref_slice %arg9[%mul3A_2] : memref<163840xi32, #tpu.memory_space<hbm>> -> memref<5120xi32, #tpu.memory_space<hbm>>
      tpu.wait_dma2 semaphore(%run_scoped3A : memref<!tpu.dma_semaphore, #tpu.memory_space<semaphore_mem>>) src(%arg11 : memref<5120xi32, #tpu.memory_space<vmem>>) dst(%dma_wait3A_31 : memref<5120xi32, #tpu.memory_space<hbm>>)
      tpu.yield
    }) : () -> ()
    %scan3A_8 = arith.constant 0 : i32
    %scan3A_9 = arith.constant 0 : i32
    %scan3A_10 = arith.constant 20 : i32
    %scan3A_11 = arith.addi %scan3A_9, %scan3A_10 : i32
    %scan3A_12 = arith.constant 1 : i32
    scf.for %scan3A_29 = %scan3A_9 to %scan3A_11 step %scan3A_12  : i32 {
      %mul3A_30 = arith.constant 2 : i32
      %mul3A_31 = arith.muli %scan3A_29, %mul3A_30 : i32
      %add3A_32 = arith.constant 0 : i32
      %add3A_33 = arith.addi %mul3A_31, %add3A_32 : i32
      %gt3A = arith.constant 0 : i32
      %gt3A_34 = arith.cmpi sgt, %scan3A_29, %gt3A : i32
      %convert_element_type3A = arith.extui %gt3A_34 : i1 to i32
      %cond3A = arith.constant 0 : i32
      %cond3A_35 = arith.cmpi ne, %convert_element_type3A, %cond3A : i32
      scf.if %cond3A_35 {
        %dma_wait3A_114 = arith.constant 0 : i32
        %dma_wait3A_115 = tpu.memref_slice %arg7[%mul3A_2, %dma_wait3A_114] : memref<163840x256xbf16, #tpu.memory_space<hbm>> -> memref<128x256xbf16, #tpu.memory_space<hbm>>
        %dma_wait3A_116 = arith.constant 0 : i32
        %dma_wait3A_117 = tpu.memref_slice %arg7[%mul3A_2, %dma_wait3A_116] : memref<163840x256xbf16, #tpu.memory_space<hbm>> -> memref<128x256xbf16, #tpu.memory_space<hbm>>
        tpu.wait_dma2 semaphore(%arg21 : memref<!tpu.dma_semaphore, #tpu.memory_space<semaphore_mem>>) src(%arg13 : memref<128x256xbf16, #tpu.memory_space<vmem>>) dst(%dma_wait3A_117 : memref<128x256xbf16, #tpu.memory_space<hbm>>)
        %dma_wait3A_118 = arith.constant 0 : i32
        %dma_wait3A_119 = tpu.memref_slice %arg8[%mul3A_2, %dma_wait3A_118] : memref<163840x256xbf16, #tpu.memory_space<hbm>> -> memref<128x256xbf16, #tpu.memory_space<hbm>>
        %dma_wait3A_120 = arith.constant 0 : i32
        %dma_wait3A_121 = tpu.memref_slice %arg8[%mul3A_2, %dma_wait3A_120] : memref<163840x256xbf16, #tpu.memory_space<hbm>> -> memref<128x256xbf16, #tpu.memory_space<hbm>>
        tpu.wait_dma2 semaphore(%arg23 : memref<!tpu.dma_semaphore, #tpu.memory_space<semaphore_mem>>) src(%arg15 : memref<128x256xbf16, #tpu.memory_space<vmem>>) dst(%dma_wait3A_121 : memref<128x256xbf16, #tpu.memory_space<hbm>>)
      } else {
      }
      %mul3A_36 = arith.constant 128 : i32
      %mul3A_37 = arith.muli %add3A_33, %mul3A_36 : i32
      %dma_start3A = tpu.memref_slice %arg10[%mul3A_37] : memref<5120xi32, #tpu.memory_space<vmem>> -> memref<128xi32, #tpu.memory_space<vmem>>
      %dma_start3A_38 = arith.constant 0 : i32
      %dma_start3A_39 = arith.constant 0 : i32
      %dma_start3A_40 = tpu.memref_slice %arg2[%dma_start3A_38, %dma_start3A_39] : memref<40000x256xbf16, #tpu.memory_space<hbm>> -> memref<40000x256xbf16, #tpu.memory_space<hbm>>
      tpu.enqueue_indirect_dma source(%dma_start3A_40 : memref<40000x256xbf16, #tpu.memory_space<hbm>>) target(%arg13 : memref<128x256xbf16, #tpu.memory_space<vmem>>) offsets(%dma_start3A : memref<128xi32, #tpu.memory_space<vmem>>) semaphore(%arg17 : memref<!tpu.dma_semaphore, #tpu.memory_space<semaphore_mem>>)
      %mul3A_41 = arith.constant 128 : i32
      %mul3A_42 = arith.muli %add3A_33, %mul3A_41 : i32
      %dma_start3A_43 = tpu.memref_slice %arg11[%mul3A_42] : memref<5120xi32, #tpu.memory_space<vmem>> -> memref<128xi32, #tpu.memory_space<vmem>>
      %dma_start3A_44 = arith.constant 0 : i32
      %dma_start3A_45 = arith.constant 0 : i32
      %dma_start3A_46 = tpu.memref_slice %arg3[%dma_start3A_44, %dma_start3A_45] : memref<40000x256xbf16, #tpu.memory_space<hbm>> -> memref<40000x256xbf16, #tpu.memory_space<hbm>>
      tpu.enqueue_indirect_dma source(%dma_start3A_46 : memref<40000x256xbf16, #tpu.memory_space<hbm>>) target(%arg15 : memref<128x256xbf16, #tpu.memory_space<vmem>>) offsets(%dma_start3A_43 : memref<128xi32, #tpu.memory_space<vmem>>) semaphore(%arg19 : memref<!tpu.dma_semaphore, #tpu.memory_space<semaphore_mem>>)
      %mul3A_47 = arith.constant 2 : i32
      %mul3A_48 = arith.muli %scan3A_29, %mul3A_47 : i32
      %add3A_49 = arith.constant 1 : i32
      %add3A_50 = arith.addi %mul3A_48, %add3A_49 : i32
      %gt3A_51 = arith.constant 0 : i32
      %gt3A_52 = arith.cmpi sgt, %scan3A_29, %gt3A_51 : i32
      %convert_element_type3A_53 = arith.extui %gt3A_52 : i1 to i32
      %cond3A_54 = arith.constant 0 : i32
      %cond3A_55 = arith.cmpi ne, %convert_element_type3A_53, %cond3A_54 : i32
      scf.if %cond3A_55 {
        %dma_wait3A_114 = arith.constant 0 : i32
        %dma_wait3A_115 = tpu.memref_slice %arg7[%mul3A_2, %dma_wait3A_114] : memref<163840x256xbf16, #tpu.memory_space<hbm>> -> memref<128x256xbf16, #tpu.memory_space<hbm>>
        %dma_wait3A_116 = arith.constant 0 : i32
        %dma_wait3A_117 = tpu.memref_slice %arg7[%mul3A_2, %dma_wait3A_116] : memref<163840x256xbf16, #tpu.memory_space<hbm>> -> memref<128x256xbf16, #tpu.memory_space<hbm>>
        tpu.wait_dma2 semaphore(%arg22 : memref<!tpu.dma_semaphore, #tpu.memory_space<semaphore_mem>>) src(%arg14 : memref<128x256xbf16, #tpu.memory_space<vmem>>) dst(%dma_wait3A_117 : memref<128x256xbf16, #tpu.memory_space<hbm>>)
        %dma_wait3A_118 = arith.constant 0 : i32
        %dma_wait3A_119 = tpu.memref_slice %arg8[%mul3A_2, %dma_wait3A_118] : memref<163840x256xbf16, #tpu.memory_space<hbm>> -> memref<128x256xbf16, #tpu.memory_space<hbm>>
        %dma_wait3A_120 = arith.constant 0 : i32
        %dma_wait3A_121 = tpu.memref_slice %arg8[%mul3A_2, %dma_wait3A_120] : memref<163840x256xbf16, #tpu.memory_space<hbm>> -> memref<128x256xbf16, #tpu.memory_space<hbm>>
        tpu.wait_dma2 semaphore(%arg24 : memref<!tpu.dma_semaphore, #tpu.memory_space<semaphore_mem>>) src(%arg16 : memref<128x256xbf16, #tpu.memory_space<vmem>>) dst(%dma_wait3A_121 : memref<128x256xbf16, #tpu.memory_space<hbm>>)
      } else {
      }
      %mul3A_56 = arith.constant 128 : i32
      %mul3A_57 = arith.muli %add3A_50, %mul3A_56 : i32
      %dma_start3A_58 = tpu.memref_slice %arg10[%mul3A_57] : memref<5120xi32, #tpu.memory_space<vmem>> -> memref<128xi32, #tpu.memory_space<vmem>>
      %dma_start3A_59 = arith.constant 0 : i32
      %dma_start3A_60 = arith.constant 0 : i32
      %dma_start3A_61 = tpu.memref_slice %arg2[%dma_start3A_59, %dma_start3A_60] : memref<40000x256xbf16, #tpu.memory_space<hbm>> -> memref<40000x256xbf16, #tpu.memory_space<hbm>>
      tpu.enqueue_indirect_dma source(%dma_start3A_61 : memref<40000x256xbf16, #tpu.memory_space<hbm>>) target(%arg14 : memref<128x256xbf16, #tpu.memory_space<vmem>>) offsets(%dma_start3A_58 : memref<128xi32, #tpu.memory_space<vmem>>) semaphore(%arg18 : memref<!tpu.dma_semaphore, #tpu.memory_space<semaphore_mem>>)
      %mul3A_62 = arith.constant 128 : i32
      %mul3A_63 = arith.muli %add3A_50, %mul3A_62 : i32
      %dma_start3A_64 = tpu.memref_slice %arg11[%mul3A_63] : memref<5120xi32, #tpu.memory_space<vmem>> -> memref<128xi32, #tpu.memory_space<vmem>>
      %dma_start3A_65 = arith.constant 0 : i32
      %dma_start3A_66 = arith.constant 0 : i32
      %dma_start3A_67 = tpu.memref_slice %arg3[%dma_start3A_65, %dma_start3A_66] : memref<40000x256xbf16, #tpu.memory_space<hbm>> -> memref<40000x256xbf16, #tpu.memory_space<hbm>>
      tpu.enqueue_indirect_dma source(%dma_start3A_67 : memref<40000x256xbf16, #tpu.memory_space<hbm>>) target(%arg16 : memref<128x256xbf16, #tpu.memory_space<vmem>>) offsets(%dma_start3A_64 : memref<128xi32, #tpu.memory_space<vmem>>) semaphore(%arg20 : memref<!tpu.dma_semaphore, #tpu.memory_space<semaphore_mem>>)
      %mul3A_68 = arith.constant 2 : i32
      %mul3A_69 = arith.muli %scan3A_29, %mul3A_68 : i32
      %add3A_70 = arith.constant 0 : i32
      %add3A_71 = arith.addi %mul3A_69, %add3A_70 : i32
      %mul3A_72 = arith.constant 128 : i32
      %mul3A_73 = arith.muli %add3A_71, %mul3A_72 : i32
      %add3A_74 = arith.addi %mul3A_2, %mul3A_73 : i32
      %dma_wait3A_75 = tpu.memref_slice %arg10[%mul3A_37] : memref<5120xi32, #tpu.memory_space<vmem>> -> memref<128xi32, #tpu.memory_space<vmem>>
      %dma_wait3A_76 = arith.constant 0 : i32
      %dma_wait3A_77 = arith.constant 0 : i32
      %dma_wait3A_78 = tpu.memref_slice %arg2[%dma_wait3A_76, %dma_wait3A_77] : memref<40000x256xbf16, #tpu.memory_space<hbm>> -> memref<40000x256xbf16, #tpu.memory_space<hbm>>
      tpu.wait_indirect_dma semaphore(%arg17 : memref<!tpu.dma_semaphore, #tpu.memory_space<semaphore_mem>>) src(%dma_wait3A_78 : memref<40000x256xbf16, #tpu.memory_space<hbm>>) dst(%arg13 : memref<128x256xbf16, #tpu.memory_space<vmem>>)
      %dma_start3A_79 = arith.constant 0 : i32
      %dma_start3A_80 = tpu.memref_slice %arg7[%add3A_74, %dma_start3A_79] : memref<163840x256xbf16, #tpu.memory_space<hbm>> -> memref<128x256xbf16, #tpu.memory_space<hbm>>
      %dma_start3A_81 = arith.constant 0 : i32
      %dma_start3A_82 = tpu.memref_slice %arg7[%add3A_74, %dma_start3A_81] : memref<163840x256xbf16, #tpu.memory_space<hbm>> -> memref<128x256xbf16, #tpu.memory_space<hbm>>
      tpu.enqueue_dma source(%arg13 : memref<128x256xbf16, #tpu.memory_space<vmem>>) target(%dma_start3A_82 : memref<128x256xbf16, #tpu.memory_space<hbm>>) target_semaphore(%arg21 : memref<!tpu.dma_semaphore, #tpu.memory_space<semaphore_mem>>)
      %dma_wait3A_83 = tpu.memref_slice %arg11[%mul3A_42] : memref<5120xi32, #tpu.memory_space<vmem>> -> memref<128xi32, #tpu.memory_space<vmem>>
      %dma_wait3A_84 = arith.constant 0 : i32
      %dma_wait3A_85 = arith.constant 0 : i32
      %dma_wait3A_86 = tpu.memref_slice %arg3[%dma_wait3A_84, %dma_wait3A_85] : memref<40000x256xbf16, #tpu.memory_space<hbm>> -> memref<40000x256xbf16, #tpu.memory_space<hbm>>
      tpu.wait_indirect_dma semaphore(%arg19 : memref<!tpu.dma_semaphore, #tpu.memory_space<semaphore_mem>>) src(%dma_wait3A_86 : memref<40000x256xbf16, #tpu.memory_space<hbm>>) dst(%arg15 : memref<128x256xbf16, #tpu.memory_space<vmem>>)
      %dma_start3A_87 = arith.constant 0 : i32
      %dma_start3A_88 = tpu.memref_slice %arg8[%add3A_74, %dma_start3A_87] : memref<163840x256xbf16, #tpu.memory_space<hbm>> -> memref<128x256xbf16, #tpu.memory_space<hbm>>
      %dma_start3A_89 = arith.constant 0 : i32
      %dma_start3A_90 = tpu.memref_slice %arg8[%add3A_74, %dma_start3A_89] : memref<163840x256xbf16, #tpu.memory_space<hbm>> -> memref<128x256xbf16, #tpu.memory_space<hbm>>
      tpu.enqueue_dma source(%arg15 : memref<128x256xbf16, #tpu.memory_space<vmem>>) target(%dma_start3A_90 : memref<128x256xbf16, #tpu.memory_space<hbm>>) target_semaphore(%arg23 : memref<!tpu.dma_semaphore, #tpu.memory_space<semaphore_mem>>)
      %mul3A_91 = arith.constant 2 : i32
      %mul3A_92 = arith.muli %scan3A_29, %mul3A_91 : i32
      %add3A_93 = arith.constant 1 : i32
      %add3A_94 = arith.addi %mul3A_92, %add3A_93 : i32
      %mul3A_95 = arith.constant 128 : i32
      %mul3A_96 = arith.muli %add3A_94, %mul3A_95 : i32
      %add3A_97 = arith.addi %mul3A_2, %mul3A_96 : i32
      %dma_wait3A_98 = tpu.memref_slice %arg10[%mul3A_57] : memref<5120xi32, #tpu.memory_space<vmem>> -> memref<128xi32, #tpu.memory_space<vmem>>
      %dma_wait3A_99 = arith.constant 0 : i32
      %dma_wait3A_100 = arith.constant 0 : i32
      %dma_wait3A_101 = tpu.memref_slice %arg2[%dma_wait3A_99, %dma_wait3A_100] : memref<40000x256xbf16, #tpu.memory_space<hbm>> -> memref<40000x256xbf16, #tpu.memory_space<hbm>>
      tpu.wait_indirect_dma semaphore(%arg18 : memref<!tpu.dma_semaphore, #tpu.memory_space<semaphore_mem>>) src(%dma_wait3A_101 : memref<40000x256xbf16, #tpu.memory_space<hbm>>) dst(%arg14 : memref<128x256xbf16, #tpu.memory_space<vmem>>)
      %dma_start3A_102 = arith.constant 0 : i32
      %dma_start3A_103 = tpu.memref_slice %arg7[%add3A_97, %dma_start3A_102] : memref<163840x256xbf16, #tpu.memory_space<hbm>> -> memref<128x256xbf16, #tpu.memory_space<hbm>>
      %dma_start3A_104 = arith.constant 0 : i32
      %dma_start3A_105 = tpu.memref_slice %arg7[%add3A_97, %dma_start3A_104] : memref<163840x256xbf16, #tpu.memory_space<hbm>> -> memref<128x256xbf16, #tpu.memory_space<hbm>>
      tpu.enqueue_dma source(%arg14 : memref<128x256xbf16, #tpu.memory_space<vmem>>) target(%dma_start3A_105 : memref<128x256xbf16, #tpu.memory_space<hbm>>) target_semaphore(%arg22 : memref<!tpu.dma_semaphore, #tpu.memory_space<semaphore_mem>>)
      %dma_wait3A_106 = tpu.memref_slice %arg11[%mul3A_63] : memref<5120xi32, #tpu.memory_space<vmem>> -> memref<128xi32, #tpu.memory_space<vmem>>
      %dma_wait3A_107 = arith.constant 0 : i32
      %dma_wait3A_108 = arith.constant 0 : i32
      %dma_wait3A_109 = tpu.memref_slice %arg3[%dma_wait3A_107, %dma_wait3A_108] : memref<40000x256xbf16, #tpu.memory_space<hbm>> -> memref<40000x256xbf16, #tpu.memory_space<hbm>>
      tpu.wait_indirect_dma semaphore(%arg20 : memref<!tpu.dma_semaphore, #tpu.memory_space<semaphore_mem>>) src(%dma_wait3A_109 : memref<40000x256xbf16, #tpu.memory_space<hbm>>) dst(%arg16 : memref<128x256xbf16, #tpu.memory_space<vmem>>)
      %dma_start3A_110 = arith.constant 0 : i32
      %dma_start3A_111 = tpu.memref_slice %arg8[%add3A_97, %dma_start3A_110] : memref<163840x256xbf16, #tpu.memory_space<hbm>> -> memref<128x256xbf16, #tpu.memory_space<hbm>>
      %dma_start3A_112 = arith.constant 0 : i32
      %dma_start3A_113 = tpu.memref_slice %arg8[%add3A_97, %dma_start3A_112] : memref<163840x256xbf16, #tpu.memory_space<hbm>> -> memref<128x256xbf16, #tpu.memory_space<hbm>>
      tpu.enqueue_dma source(%arg16 : memref<128x256xbf16, #tpu.memory_space<vmem>>) target(%dma_start3A_113 : memref<128x256xbf16, #tpu.memory_space<hbm>>) target_semaphore(%arg24 : memref<!tpu.dma_semaphore, #tpu.memory_space<semaphore_mem>>)
    }
    %scan3A_13 = arith.constant 20 : i32
    %dma_wait3A = arith.constant 0 : i32
    %dma_wait3A_14 = tpu.memref_slice %arg7[%mul3A_2, %dma_wait3A] : memref<163840x256xbf16, #tpu.memory_space<hbm>> -> memref<128x256xbf16, #tpu.memory_space<hbm>>
    %dma_wait3A_15 = arith.constant 0 : i32
    %dma_wait3A_16 = tpu.memref_slice %arg7[%mul3A_2, %dma_wait3A_15] : memref<163840x256xbf16, #tpu.memory_space<hbm>> -> memref<128x256xbf16, #tpu.memory_space<hbm>>
    tpu.wait_dma2 semaphore(%arg21 : memref<!tpu.dma_semaphore, #tpu.memory_space<semaphore_mem>>) src(%arg13 : memref<128x256xbf16, #tpu.memory_space<vmem>>) dst(%dma_wait3A_16 : memref<128x256xbf16, #tpu.memory_space<hbm>>)
    %dma_wait3A_17 = arith.constant 0 : i32
    %dma_wait3A_18 = tpu.memref_slice %arg8[%mul3A_2, %dma_wait3A_17] : memref<163840x256xbf16, #tpu.memory_space<hbm>> -> memref<128x256xbf16, #tpu.memory_space<hbm>>
    %dma_wait3A_19 = arith.constant 0 : i32
    %dma_wait3A_20 = tpu.memref_slice %arg8[%mul3A_2, %dma_wait3A_19] : memref<163840x256xbf16, #tpu.memory_space<hbm>> -> memref<128x256xbf16, #tpu.memory_space<hbm>>
    tpu.wait_dma2 semaphore(%arg23 : memref<!tpu.dma_semaphore, #tpu.memory_space<semaphore_mem>>) src(%arg15 : memref<128x256xbf16, #tpu.memory_space<vmem>>) dst(%dma_wait3A_20 : memref<128x256xbf16, #tpu.memory_space<hbm>>)
    %dma_wait3A_21 = arith.constant 0 : i32
    %dma_wait3A_22 = tpu.memref_slice %arg7[%mul3A_2, %dma_wait3A_21] : memref<163840x256xbf16, #tpu.memory_space<hbm>> -> memref<128x256xbf16, #tpu.memory_space<hbm>>
    %dma_wait3A_23 = arith.constant 0 : i32
    %dma_wait3A_24 = tpu.memref_slice %arg7[%mul3A_2, %dma_wait3A_23] : memref<163840x256xbf16, #tpu.memory_space<hbm>> -> memref<128x256xbf16, #tpu.memory_space<hbm>>
    tpu.wait_dma2 semaphore(%arg22 : memref<!tpu.dma_semaphore, #tpu.memory_space<semaphore_mem>>) src(%arg14 : memref<128x256xbf16, #tpu.memory_space<vmem>>) dst(%dma_wait3A_24 : memref<128x256xbf16, #tpu.memory_space<hbm>>)
    %dma_wait3A_25 = arith.constant 0 : i32
    %dma_wait3A_26 = tpu.memref_slice %arg8[%mul3A_2, %dma_wait3A_25] : memref<163840x256xbf16, #tpu.memory_space<hbm>> -> memref<128x256xbf16, #tpu.memory_space<hbm>>
    %dma_wait3A_27 = arith.constant 0 : i32
    %dma_wait3A_28 = tpu.memref_slice %arg8[%mul3A_2, %dma_wait3A_27] : memref<163840x256xbf16, #tpu.memory_space<hbm>> -> memref<128x256xbf16, #tpu.memory_space<hbm>>
    tpu.wait_dma2 semaphore(%arg24 : memref<!tpu.dma_semaphore, #tpu.memory_space<semaphore_mem>>) src(%arg16 : memref<128x256xbf16, #tpu.memory_space<vmem>>) dst(%dma_wait3A_28 : memref<128x256xbf16, #tpu.memory_space<hbm>>)
    return
  }
}

#map = affine_map<(d0, d1) -> (0, 0)>
#map1 = affine_map<(d0, d1) -> (0)>
module attributes {stable_mosaic.version = 14 : i64} {
  func.func @_k(%arg0: i32, %arg1: i32, %arg2: memref<40000x16xf32, #tpu.memory_space<hbm>>, %arg3: memref<40000x16xf32, #tpu.memory_space<hbm>>, %arg4: memref<163840xi32, #tpu.memory_space<hbm>>, %arg5: memref<163840x16xf32, #tpu.memory_space<hbm>>, %arg6: memref<163840x16xf32, #tpu.memory_space<hbm>>, %arg7: memref<128xi32, #tpu.memory_space<vmem>>, %arg8: memref<128x16xf32, #tpu.memory_space<vmem>>, %arg9: memref<128x16xf32, #tpu.memory_space<vmem>>, %arg10: memref<!tpu.dma_semaphore, #tpu.memory_space<semaphore_mem>>, %arg11: memref<!tpu.dma_semaphore, #tpu.memory_space<semaphore_mem>>) attributes {dimension_semantics = [#tpu.dimension_semantics<core_parallel>, #tpu.dimension_semantics<subcore_parallel>], iteration_bounds = array<i64: 2, 16>, scalar_prefetch = 0 : i64, scratch_operands = 5 : i64, tpu.core_type = #tpu.core_type<sc_vector_subcore>, window_params = [{transform_indices = #map}, {transform_indices = #map}, {transform_indices = #map1}, {transform_indices = #map}, {transform_indices = #map}]} {
    %mul3A = arith.constant 2 : i32
    %mul3A_0 = arith.muli %arg1, %mul3A : i32
    %add3A = arith.addi %mul3A_0, %arg0 : i32
    %mul3A_1 = arith.constant 5120 : i32
    %mul3A_2 = arith.muli %add3A, %mul3A_1 : i32
    %scan3A = arith.constant 0 : i32
    %scan3A_3 = arith.constant 0 : i32
    %scan3A_4 = arith.constant 40 : i32
    %scan3A_5 = arith.addi %scan3A_3, %scan3A_4 : i32
    %scan3A_6 = arith.constant 1 : i32
    scf.for %scan3A_8 = %scan3A_3 to %scan3A_5 step %scan3A_6  : i32 {
      %mul3A_9 = arith.constant 128 : i32
      %mul3A_10 = arith.muli %scan3A_8, %mul3A_9 : i32
      %add3A_11 = arith.addi %mul3A_2, %mul3A_10 : i32
      "tpu.region"() ({
        %run_scoped3A = tpu.sem_alloc : memref<!tpu.dma_semaphore, #tpu.memory_space<semaphore_mem>>
        %dma_start3A_22 = tpu.memref_slice %arg4[%add3A_11] : memref<163840xi32, #tpu.memory_space<hbm>> -> memref<128xi32, #tpu.memory_space<hbm>>
        %dma_start3A_23 = tpu.memref_slice %arg4[%add3A_11] : memref<163840xi32, #tpu.memory_space<hbm>> -> memref<128xi32, #tpu.memory_space<hbm>>
        tpu.enqueue_dma source(%dma_start3A_23 : memref<128xi32, #tpu.memory_space<hbm>>) target(%arg7 : memref<128xi32, #tpu.memory_space<vmem>>) target_semaphore(%run_scoped3A : memref<!tpu.dma_semaphore, #tpu.memory_space<semaphore_mem>>)
        %dma_wait3A_24 = tpu.memref_slice %arg4[%add3A_11] : memref<163840xi32, #tpu.memory_space<hbm>> -> memref<128xi32, #tpu.memory_space<hbm>>
        %dma_wait3A_25 = tpu.memref_slice %arg4[%add3A_11] : memref<163840xi32, #tpu.memory_space<hbm>> -> memref<128xi32, #tpu.memory_space<hbm>>
        tpu.wait_dma2 semaphore(%run_scoped3A : memref<!tpu.dma_semaphore, #tpu.memory_space<semaphore_mem>>) src(%dma_wait3A_25 : memref<128xi32, #tpu.memory_space<hbm>>) dst(%arg7 : memref<128xi32, #tpu.memory_space<vmem>>)
        tpu.yield
      }) : () -> ()
      %dma_start3A = arith.constant 0 : i32
      %dma_start3A_12 = arith.constant 0 : i32
      %dma_start3A_13 = tpu.memref_slice %arg2[%dma_start3A, %dma_start3A_12] : memref<40000x16xf32, #tpu.memory_space<hbm>> -> memref<40000x16xf32, #tpu.memory_space<hbm>>
      tpu.enqueue_indirect_dma source(%dma_start3A_13 : memref<40000x16xf32, #tpu.memory_space<hbm>>) target(%arg8 : memref<128x16xf32, #tpu.memory_space<vmem>>) offsets(%arg7 : memref<128xi32, #tpu.memory_space<vmem>>) semaphore(%arg10 : memref<!tpu.dma_semaphore, #tpu.memory_space<semaphore_mem>>)
      %dma_start3A_14 = arith.constant 0 : i32
      %dma_start3A_15 = arith.constant 0 : i32
      %dma_start3A_16 = tpu.memref_slice %arg3[%dma_start3A_14, %dma_start3A_15] : memref<40000x16xf32, #tpu.memory_space<hbm>> -> memref<40000x16xf32, #tpu.memory_space<hbm>>
      tpu.enqueue_indirect_dma source(%dma_start3A_16 : memref<40000x16xf32, #tpu.memory_space<hbm>>) target(%arg9 : memref<128x16xf32, #tpu.memory_space<vmem>>) offsets(%arg7 : memref<128xi32, #tpu.memory_space<vmem>>) semaphore(%arg11 : memref<!tpu.dma_semaphore, #tpu.memory_space<semaphore_mem>>)
      %dma_wait3A = arith.constant 0 : i32
      %dma_wait3A_17 = arith.constant 0 : i32
      %dma_wait3A_18 = tpu.memref_slice %arg2[%dma_wait3A, %dma_wait3A_17] : memref<40000x16xf32, #tpu.memory_space<hbm>> -> memref<40000x16xf32, #tpu.memory_space<hbm>>
      tpu.wait_indirect_dma semaphore(%arg10 : memref<!tpu.dma_semaphore, #tpu.memory_space<semaphore_mem>>) src(%dma_wait3A_18 : memref<40000x16xf32, #tpu.memory_space<hbm>>) dst(%arg8 : memref<128x16xf32, #tpu.memory_space<vmem>>)
      "tpu.region"() ({
        %run_scoped3A = tpu.sem_alloc : memref<!tpu.dma_semaphore, #tpu.memory_space<semaphore_mem>>
        %dma_start3A_22 = arith.constant 0 : i32
        %dma_start3A_23 = tpu.memref_slice %arg5[%add3A_11, %dma_start3A_22] : memref<163840x16xf32, #tpu.memory_space<hbm>> -> memref<128x16xf32, #tpu.memory_space<hbm>>
        %dma_start3A_24 = arith.constant 0 : i32
        %dma_start3A_25 = tpu.memref_slice %arg5[%add3A_11, %dma_start3A_24] : memref<163840x16xf32, #tpu.memory_space<hbm>> -> memref<128x16xf32, #tpu.memory_space<hbm>>
        tpu.enqueue_dma source(%arg8 : memref<128x16xf32, #tpu.memory_space<vmem>>) target(%dma_start3A_25 : memref<128x16xf32, #tpu.memory_space<hbm>>) target_semaphore(%run_scoped3A : memref<!tpu.dma_semaphore, #tpu.memory_space<semaphore_mem>>)
        %dma_wait3A_26 = arith.constant 0 : i32
        %dma_wait3A_27 = tpu.memref_slice %arg5[%add3A_11, %dma_wait3A_26] : memref<163840x16xf32, #tpu.memory_space<hbm>> -> memref<128x16xf32, #tpu.memory_space<hbm>>
        %dma_wait3A_28 = arith.constant 0 : i32
        %dma_wait3A_29 = tpu.memref_slice %arg5[%add3A_11, %dma_wait3A_28] : memref<163840x16xf32, #tpu.memory_space<hbm>> -> memref<128x16xf32, #tpu.memory_space<hbm>>
        tpu.wait_dma2 semaphore(%run_scoped3A : memref<!tpu.dma_semaphore, #tpu.memory_space<semaphore_mem>>) src(%arg8 : memref<128x16xf32, #tpu.memory_space<vmem>>) dst(%dma_wait3A_29 : memref<128x16xf32, #tpu.memory_space<hbm>>)
        tpu.yield
      }) : () -> ()
      %dma_wait3A_19 = arith.constant 0 : i32
      %dma_wait3A_20 = arith.constant 0 : i32
      %dma_wait3A_21 = tpu.memref_slice %arg3[%dma_wait3A_19, %dma_wait3A_20] : memref<40000x16xf32, #tpu.memory_space<hbm>> -> memref<40000x16xf32, #tpu.memory_space<hbm>>
      tpu.wait_indirect_dma semaphore(%arg11 : memref<!tpu.dma_semaphore, #tpu.memory_space<semaphore_mem>>) src(%dma_wait3A_21 : memref<40000x16xf32, #tpu.memory_space<hbm>>) dst(%arg9 : memref<128x16xf32, #tpu.memory_space<vmem>>)
      "tpu.region"() ({
        %run_scoped3A = tpu.sem_alloc : memref<!tpu.dma_semaphore, #tpu.memory_space<semaphore_mem>>
        %dma_start3A_22 = arith.constant 0 : i32
        %dma_start3A_23 = tpu.memref_slice %arg6[%add3A_11, %dma_start3A_22] : memref<163840x16xf32, #tpu.memory_space<hbm>> -> memref<128x16xf32, #tpu.memory_space<hbm>>
        %dma_start3A_24 = arith.constant 0 : i32
        %dma_start3A_25 = tpu.memref_slice %arg6[%add3A_11, %dma_start3A_24] : memref<163840x16xf32, #tpu.memory_space<hbm>> -> memref<128x16xf32, #tpu.memory_space<hbm>>
        tpu.enqueue_dma source(%arg9 : memref<128x16xf32, #tpu.memory_space<vmem>>) target(%dma_start3A_25 : memref<128x16xf32, #tpu.memory_space<hbm>>) target_semaphore(%run_scoped3A : memref<!tpu.dma_semaphore, #tpu.memory_space<semaphore_mem>>)
        %dma_wait3A_26 = arith.constant 0 : i32
        %dma_wait3A_27 = tpu.memref_slice %arg6[%add3A_11, %dma_wait3A_26] : memref<163840x16xf32, #tpu.memory_space<hbm>> -> memref<128x16xf32, #tpu.memory_space<hbm>>
        %dma_wait3A_28 = arith.constant 0 : i32
        %dma_wait3A_29 = tpu.memref_slice %arg6[%add3A_11, %dma_wait3A_28] : memref<163840x16xf32, #tpu.memory_space<hbm>> -> memref<128x16xf32, #tpu.memory_space<hbm>>
        tpu.wait_dma2 semaphore(%run_scoped3A : memref<!tpu.dma_semaphore, #tpu.memory_space<semaphore_mem>>) src(%arg9 : memref<128x16xf32, #tpu.memory_space<vmem>>) dst(%dma_wait3A_29 : memref<128x16xf32, #tpu.memory_space<hbm>>)
        tpu.yield
      }) : () -> ()
    }
    %scan3A_7 = arith.constant 40 : i32
    return
  }
}

#map = affine_map<(d0, d1) -> (0, 0)>
#map1 = affine_map<(d0, d1) -> (0)>
#map2 = affine_map<(d0, d1) -> (0, 0, 0)>
module attributes {stable_mosaic.version = 14 : i64} {
  func.func @_k(%arg0: i32, %arg1: i32, %arg2: memref<163840x64xf32, #tpu.memory_space<hbm>>, %arg3: memref<163840xi32, #tpu.memory_space<hbm>>, %arg4: memref<10000x64xf32, #tpu.memory_space<hbm>>, %arg5: memref<2x10000x64xf32, #tpu.memory_space<hbm>>, %arg6: memref<128x64xf32, #tpu.memory_space<vmem>>, %arg7: memref<128xi32, #tpu.memory_space<vmem>>, %arg8: memref<10000x64xf32, #tpu.memory_space<vmem_shared>>) attributes {dimension_semantics = [#tpu.dimension_semantics<core_parallel>, #tpu.dimension_semantics<subcore_parallel>], iteration_bounds = array<i64: 2, 16>, scalar_prefetch = 0 : i64, scratch_operands = 3 : i64, tpu.core_type = #tpu.core_type<sc_vector_subcore>, window_params = [{transform_indices = #map}, {transform_indices = #map1}, {transform_indices = #map}, {transform_indices = #map2}]} {
    %mul3A = arith.constant 2 : i32
    %mul3A_0 = arith.muli %arg1, %mul3A : i32
    %add3A = arith.addi %mul3A_0, %arg0 : i32
    %mul3A_1 = arith.constant 625 : i32
    %mul3A_2 = arith.muli %arg1, %mul3A_1 : i32
    %mul3A_3 = arith.constant 625 : i32
    %mul3A_4 = arith.muli %arg1, %mul3A_3 : i32
    "tpu.region"() ({
      %run_scoped3A = tpu.sem_alloc : memref<!tpu.dma_semaphore, #tpu.memory_space<semaphore_mem>>
      %dma_start3A = arith.constant 0 : i32
      %dma_start3A_17 = tpu.memref_slice %arg8[%mul3A_4, %dma_start3A] : memref<10000x64xf32, #tpu.memory_space<vmem_shared>> -> memref<625x64xf32, #tpu.memory_space<vmem_shared>>
      %dma_start3A_18 = arith.constant 0 : i32
      %dma_start3A_19 = tpu.memref_slice %arg4[%mul3A_2, %dma_start3A_18] : memref<10000x64xf32, #tpu.memory_space<hbm>> -> memref<625x64xf32, #tpu.memory_space<hbm>>
      tpu.enqueue_dma source(%dma_start3A_19 : memref<625x64xf32, #tpu.memory_space<hbm>>) target(%dma_start3A_17 : memref<625x64xf32, #tpu.memory_space<vmem_shared>>) target_semaphore(%run_scoped3A : memref<!tpu.dma_semaphore, #tpu.memory_space<semaphore_mem>>)
      %dma_wait3A = arith.constant 0 : i32
      %dma_wait3A_20 = tpu.memref_slice %arg8[%mul3A_4, %dma_wait3A] : memref<10000x64xf32, #tpu.memory_space<vmem_shared>> -> memref<625x64xf32, #tpu.memory_space<vmem_shared>>
      %dma_wait3A_21 = arith.constant 0 : i32
      %dma_wait3A_22 = tpu.memref_slice %arg4[%mul3A_2, %dma_wait3A_21] : memref<10000x64xf32, #tpu.memory_space<hbm>> -> memref<625x64xf32, #tpu.memory_space<hbm>>
      tpu.wait_dma2 semaphore(%run_scoped3A : memref<!tpu.dma_semaphore, #tpu.memory_space<semaphore_mem>>) src(%dma_wait3A_22 : memref<625x64xf32, #tpu.memory_space<hbm>>) dst(%dma_wait3A_20 : memref<625x64xf32, #tpu.memory_space<vmem_shared>>)
      tpu.yield
    }) : () -> ()
    %barrier3A = arith.constant 0 : index
    tpu.barrier barrier_id(%barrier3A)
    %mul3A_5 = arith.constant 5120 : i32
    %mul3A_6 = arith.muli %add3A, %mul3A_5 : i32
    %scan3A = arith.constant 0 : i32
    %scan3A_7 = arith.constant 0 : i32
    %scan3A_8 = arith.constant 40 : i32
    %scan3A_9 = arith.addi %scan3A_7, %scan3A_8 : i32
    %scan3A_10 = arith.constant 1 : i32
    scf.for %scan3A_17 = %scan3A_7 to %scan3A_9 step %scan3A_10  : i32 {
      %mul3A_18 = arith.constant 128 : i32
      %mul3A_19 = arith.muli %scan3A_17, %mul3A_18 : i32
      %add3A_20 = arith.addi %mul3A_6, %mul3A_19 : i32
      "tpu.region"() ({
        %run_scoped3A = tpu.sem_alloc : memref<!tpu.dma_semaphore, #tpu.memory_space<semaphore_mem>>
        %dma_start3A = arith.constant 0 : i32
        %dma_start3A_21 = tpu.memref_slice %arg2[%add3A_20, %dma_start3A] : memref<163840x64xf32, #tpu.memory_space<hbm>> -> memref<128x64xf32, #tpu.memory_space<hbm>>
        %dma_start3A_22 = arith.constant 0 : i32
        %dma_start3A_23 = tpu.memref_slice %arg2[%add3A_20, %dma_start3A_22] : memref<163840x64xf32, #tpu.memory_space<hbm>> -> memref<128x64xf32, #tpu.memory_space<hbm>>
        tpu.enqueue_dma source(%dma_start3A_23 : memref<128x64xf32, #tpu.memory_space<hbm>>) target(%arg6 : memref<128x64xf32, #tpu.memory_space<vmem>>) target_semaphore(%run_scoped3A : memref<!tpu.dma_semaphore, #tpu.memory_space<semaphore_mem>>)
        %dma_wait3A = arith.constant 0 : i32
        %dma_wait3A_24 = tpu.memref_slice %arg2[%add3A_20, %dma_wait3A] : memref<163840x64xf32, #tpu.memory_space<hbm>> -> memref<128x64xf32, #tpu.memory_space<hbm>>
        %dma_wait3A_25 = arith.constant 0 : i32
        %dma_wait3A_26 = tpu.memref_slice %arg2[%add3A_20, %dma_wait3A_25] : memref<163840x64xf32, #tpu.memory_space<hbm>> -> memref<128x64xf32, #tpu.memory_space<hbm>>
        tpu.wait_dma2 semaphore(%run_scoped3A : memref<!tpu.dma_semaphore, #tpu.memory_space<semaphore_mem>>) src(%dma_wait3A_26 : memref<128x64xf32, #tpu.memory_space<hbm>>) dst(%arg6 : memref<128x64xf32, #tpu.memory_space<vmem>>)
        tpu.yield
      }) : () -> ()
      "tpu.region"() ({
        %run_scoped3A = tpu.sem_alloc : memref<!tpu.dma_semaphore, #tpu.memory_space<semaphore_mem>>
        %dma_start3A = tpu.memref_slice %arg3[%add3A_20] : memref<163840xi32, #tpu.memory_space<hbm>> -> memref<128xi32, #tpu.memory_space<hbm>>
        %dma_start3A_21 = tpu.memref_slice %arg3[%add3A_20] : memref<163840xi32, #tpu.memory_space<hbm>> -> memref<128xi32, #tpu.memory_space<hbm>>
        tpu.enqueue_dma source(%dma_start3A_21 : memref<128xi32, #tpu.memory_space<hbm>>) target(%arg7 : memref<128xi32, #tpu.memory_space<vmem>>) target_semaphore(%run_scoped3A : memref<!tpu.dma_semaphore, #tpu.memory_space<semaphore_mem>>)
        %dma_wait3A = tpu.memref_slice %arg3[%add3A_20] : memref<163840xi32, #tpu.memory_space<hbm>> -> memref<128xi32, #tpu.memory_space<hbm>>
        %dma_wait3A_22 = tpu.memref_slice %arg3[%add3A_20] : memref<163840xi32, #tpu.memory_space<hbm>> -> memref<128xi32, #tpu.memory_space<hbm>>
        tpu.wait_dma2 semaphore(%run_scoped3A : memref<!tpu.dma_semaphore, #tpu.memory_space<semaphore_mem>>) src(%dma_wait3A_22 : memref<128xi32, #tpu.memory_space<hbm>>) dst(%arg7 : memref<128xi32, #tpu.memory_space<vmem>>)
        tpu.yield
      }) : () -> ()
      "tpu.region"() ({
        %run_scoped3A = tpu.sem_alloc : memref<!tpu.dma_semaphore, #tpu.memory_space<semaphore_mem>>
        %dma_start3A = arith.constant 0 : i32
        %dma_start3A_21 = arith.constant 0 : i32
        %dma_start3A_22 = tpu.memref_slice %arg8[%dma_start3A, %dma_start3A_21] : memref<10000x64xf32, #tpu.memory_space<vmem_shared>> -> memref<10000x64xf32, #tpu.memory_space<vmem_shared>>
        tpu.enqueue_indirect_dma source(%arg6 : memref<128x64xf32, #tpu.memory_space<vmem>>) target(%dma_start3A_22 : memref<10000x64xf32, #tpu.memory_space<vmem_shared>>) offsets(%arg7 : memref<128xi32, #tpu.memory_space<vmem>>) semaphore(%run_scoped3A : memref<!tpu.dma_semaphore, #tpu.memory_space<semaphore_mem>>) {add = true}
        %dma_wait3A = arith.constant 0 : i32
        %dma_wait3A_23 = arith.constant 0 : i32
        %dma_wait3A_24 = tpu.memref_slice %arg8[%dma_wait3A, %dma_wait3A_23] : memref<10000x64xf32, #tpu.memory_space<vmem_shared>> -> memref<10000x64xf32, #tpu.memory_space<vmem_shared>>
        tpu.wait_indirect_dma semaphore(%run_scoped3A : memref<!tpu.dma_semaphore, #tpu.memory_space<semaphore_mem>>) src(%arg6 : memref<128x64xf32, #tpu.memory_space<vmem>>) dst(%dma_wait3A_24 : memref<10000x64xf32, #tpu.memory_space<vmem_shared>>)
        tpu.yield
      }) : () -> ()
    }
    %scan3A_11 = arith.constant 40 : i32
    %barrier3A_12 = arith.constant 0 : index
    tpu.barrier barrier_id(%barrier3A_12)
    %mul3A_13 = arith.constant 625 : i32
    %mul3A_14 = arith.muli %arg1, %mul3A_13 : i32
    %mul3A_15 = arith.constant 625 : i32
    %mul3A_16 = arith.muli %arg1, %mul3A_15 : i32
    "tpu.region"() ({
      %run_scoped3A = tpu.sem_alloc : memref<!tpu.dma_semaphore, #tpu.memory_space<semaphore_mem>>
      %dma_start3A = arith.constant 0 : i32
      %dma_start3A_17 = tpu.memref_slice %arg5[%arg0, %mul3A_16, %dma_start3A] : memref<2x10000x64xf32, #tpu.memory_space<hbm>> -> memref<1x625x64xf32, #tpu.memory_space<hbm>>
      %dma_start3A_18 = tpu.memref_squeeze %dma_start3A_17 : memref<1x625x64xf32, #tpu.memory_space<hbm>> -> memref<625x64xf32, #tpu.memory_space<hbm>>
      %dma_start3A_19 = arith.constant 0 : i32
      %dma_start3A_20 = tpu.memref_slice %arg8[%mul3A_14, %dma_start3A_19] : memref<10000x64xf32, #tpu.memory_space<vmem_shared>> -> memref<625x64xf32, #tpu.memory_space<vmem_shared>>
      tpu.enqueue_dma source(%dma_start3A_20 : memref<625x64xf32, #tpu.memory_space<vmem_shared>>) target(%dma_start3A_18 : memref<625x64xf32, #tpu.memory_space<hbm>>) target_semaphore(%run_scoped3A : memref<!tpu.dma_semaphore, #tpu.memory_space<semaphore_mem>>)
      %dma_wait3A = arith.constant 0 : i32
      %dma_wait3A_21 = tpu.memref_slice %arg5[%arg0, %mul3A_16, %dma_wait3A] : memref<2x10000x64xf32, #tpu.memory_space<hbm>> -> memref<1x625x64xf32, #tpu.memory_space<hbm>>
      %dma_wait3A_22 = tpu.memref_squeeze %dma_wait3A_21 : memref<1x625x64xf32, #tpu.memory_space<hbm>> -> memref<625x64xf32, #tpu.memory_space<hbm>>
      %dma_wait3A_23 = arith.constant 0 : i32
      %dma_wait3A_24 = tpu.memref_slice %arg8[%mul3A_14, %dma_wait3A_23] : memref<10000x64xf32, #tpu.memory_space<vmem_shared>> -> memref<625x64xf32, #tpu.memory_space<vmem_shared>>
      tpu.wait_dma2 semaphore(%run_scoped3A : memref<!tpu.dma_semaphore, #tpu.memory_space<semaphore_mem>>) src(%dma_wait3A_24 : memref<625x64xf32, #tpu.memory_space<vmem_shared>>) dst(%dma_wait3A_22 : memref<625x64xf32, #tpu.memory_space<hbm>>)
      tpu.yield
    }) : () -> ()
    return
  }
}

module attributes {stable_mosaic.version = 14 : i64} {
  func.func @_h0_body(%arg0: i32, %arg1: memref<1000x128xf32, #tpu.memory_space<vmem>>, %arg2: memref<1000x32xf32, #tpu.memory_space<vmem>>, %arg3: memref<160x64xf32, #tpu.memory_space<vmem>>, %arg4: memref<1x64xf32, #tpu.memory_space<vmem>>, %arg5: memref<1000x64xf32, #tpu.memory_space<vmem>>) attributes {dimension_semantics = [#tpu.dimension_semantics<arbitrary>], iteration_bounds = array<i64: 10>, scalar_prefetch = 0 : i64, scratch_operands = 0 : i64, tpu.core_type = #tpu.core_type<tc>, window_params = [{transform_indices = @transform_0, window_bounds = array<i64: 1000, 128>}, {transform_indices = @transform_1, window_bounds = array<i64: 1000, 32>}, {pipeline_mode = #tpu.pipeline_mode<synchronous>, transform_indices = @transform_2, window_bounds = array<i64: 160, 64>}, {pipeline_mode = #tpu.pipeline_mode<synchronous>, transform_indices = @transform_3, window_bounds = array<i64: 1, 64>}, {transform_indices = @transform_4, window_bounds = array<i64: 1000, 64>}]} {
    %get3A = arith.constant 0 : index
    %get3A_0 = arith.constant 0 : index
    %get3A_1 = vector.load %arg3[%get3A, %get3A_0] : memref<160x64xf32, #tpu.memory_space<vmem>>, vector<160x64xf32>
    %get3A_2 = arith.constant 0 : index
    %get3A_3 = arith.constant 0 : index
    %get3A_4 = vector.load %arg1[%get3A_2, %get3A_3] : memref<1000x128xf32, #tpu.memory_space<vmem>>, vector<1000x128xf32>
    %slice3A = vector.extract_strided_slice %get3A_1 {offsets = [0, 0], sizes = [128, 64], strides = [1, 1]} : vector<160x64xf32> to vector<128x64xf32>
    %dot_general3A = arith.constant dense<0.000000e+00> : vector<1000x64xf32>
    %dot_general3A_5 = tpu.matmul %get3A_4, %slice3A, %dot_general3A {dimension_numbers = #tpu.dot_dimension_numbers<[1], [0], [0], [1], [0, 0, 1, 1], [], []>, transpose_lhs_hint = false} : vector<1000x128xf32>, vector<128x64xf32>, vector<1000x64xf32> -> vector<1000x64xf32>
    %get3A_6 = arith.constant 0 : index
    %get3A_7 = arith.constant 0 : index
    %get3A_8 = vector.load %arg2[%get3A_6, %get3A_7] : memref<1000x32xf32, #tpu.memory_space<vmem>>, vector<1000x32xf32>
    %slice3A_9 = vector.extract_strided_slice %get3A_1 {offsets = [128, 0], sizes = [32, 64], strides = [1, 1]} : vector<160x64xf32> to vector<32x64xf32>
    %dot_general3A_10 = arith.constant dense<0.000000e+00> : vector<1000x64xf32>
    %dot_general3A_11 = tpu.matmul %get3A_8, %slice3A_9, %dot_general3A_10 {dimension_numbers = #tpu.dot_dimension_numbers<[1], [0], [0], [1], [0, 0, 1, 1], [], []>, transpose_lhs_hint = false} : vector<1000x32xf32>, vector<32x64xf32>, vector<1000x64xf32> -> vector<1000x64xf32>
    %add3A = arith.addf %dot_general3A_5, %dot_general3A_11 : vector<1000x64xf32>
    %get3A_12 = arith.constant 0 : index
    %get3A_13 = arith.constant 0 : index
    %get3A_14 = vector.load %arg4[%get3A_12, %get3A_13] : memref<1x64xf32, #tpu.memory_space<vmem>>, vector<1x64xf32>
    %add3A_15 = vector.broadcast %get3A_14 : vector<1x64xf32> to vector<1000x64xf32>
    %add3A_16 = arith.addf %add3A, %add3A_15 : vector<1000x64xf32>
    %logistic3A = arith.negf %add3A_16 : vector<1000x64xf32>
    %logistic3A_17 = math.exp %logistic3A : vector<1000x64xf32>
    %logistic3A_18 = arith.constant 1.000000e+00 : f32
    %logistic3A_19 = vector.broadcast %logistic3A_18 : f32 to vector<1000x64xf32>
    %logistic3A_20 = arith.addf %logistic3A_19, %logistic3A_17 : vector<1000x64xf32>
    %logistic3A_21 = arith.divf %logistic3A_19, %logistic3A_20 : vector<1000x64xf32>
    %mul3A = arith.mulf %add3A_16, %logistic3A_21 : vector<1000x64xf32>
    %swap3A = arith.constant 0 : index
    %swap3A_22 = arith.constant 0 : index
    %swap3A_23 = vector.load %arg5[%swap3A, %swap3A_22] : memref<1000x64xf32, #tpu.memory_space<vmem>>, vector<1000x64xf32>
    tpu.vector_store %arg5[%swap3A, %swap3A_22], %mul3A {strides = array<i32>} : memref<1000x64xf32, #tpu.memory_space<vmem>>, vector<1000x64xf32>,
    return
  }
  func.func @transform_0(%arg0: i32) -> (i32, i32) {
    %c0_i32 = arith.constant 0 : i32
    %c0_i32_0 = arith.constant 0 : i32
    return %arg0, %c0_i32 : i32, i32
  }
  func.func @transform_1(%arg0: i32) -> (i32, i32) {
    %c0_i32 = arith.constant 0 : i32
    %c0_i32_0 = arith.constant 0 : i32
    return %arg0, %c0_i32 : i32, i32
  }
  func.func @transform_2(%arg0: i32) -> (i32, i32) {
    %c0_i32 = arith.constant 0 : i32
    %c0_i32_0 = arith.constant 0 : i32
    %c0_i32_1 = arith.constant 0 : i32
    return %c0_i32, %c0_i32_0 : i32, i32
  }
  func.func @transform_3(%arg0: i32) -> (i32, i32) {
    %c0_i32 = arith.constant 0 : i32
    %c0_i32_0 = arith.constant 0 : i32
    %c0_i32_1 = arith.constant 0 : i32
    return %c0_i32, %c0_i32_0 : i32, i32
  }
  func.func @transform_4(%arg0: i32) -> (i32, i32) {
    %c0_i32 = arith.constant 0 : i32
    %c0_i32_0 = arith.constant 0 : i32
    return %arg0, %c0_i32 : i32, i32
  }
}

module attributes {stable_mosaic.version = 14 : i64} {
  func.func @_proj_body(%arg0: i32, %arg1: i32, %arg2: memref<2000x64xf32, #tpu.memory_space<vmem>>, %arg3: memref<1x64x256xf32, #tpu.memory_space<vmem>>, %arg4: memref<1x64x256xf32, #tpu.memory_space<vmem>>, %arg5: memref<1x2000x256xbf16, #tpu.memory_space<vmem>>, %arg6: memref<1x2000x256xbf16, #tpu.memory_space<vmem>>) attributes {dimension_semantics = [#tpu.dimension_semantics<arbitrary>, #tpu.dimension_semantics<arbitrary>], iteration_bounds = array<i64: 4, 5>, scalar_prefetch = 0 : i64, scratch_operands = 0 : i64, tpu.core_type = #tpu.core_type<tc>, window_params = [{transform_indices = @transform_0, window_bounds = array<i64: 2000, 64>}, {transform_indices = @transform_1, window_bounds = array<i64: 1, 64, 256>}, {transform_indices = @transform_2, window_bounds = array<i64: 1, 64, 256>}, {transform_indices = @transform_3, window_bounds = array<i64: 1, 2000, 256>}, {transform_indices = @transform_4, window_bounds = array<i64: 1, 2000, 256>}]} {
    %get3A = arith.constant 0 : index
    %get3A_0 = arith.constant 0 : index
    %get3A_1 = vector.load %arg2[%get3A, %get3A_0] : memref<2000x64xf32, #tpu.memory_space<vmem>>, vector<2000x64xf32>
    %get3A_2 = arith.constant 0 : index
    %get3A_3 = arith.constant 0 : index
    %get3A_4 = arith.constant 0 : index
    %get3A_5 = vector.load %arg3[%get3A_2, %get3A_3, %get3A_4] : memref<1x64x256xf32, #tpu.memory_space<vmem>>, vector<1x64x256xf32>
    %get3A_6 = vector.shape_cast %get3A_5 : vector<1x64x256xf32> to vector<64x256xf32>
    %dot_general3A = arith.constant dense<0.000000e+00> : vector<2000x256xf32>
    %dot_general3A_7 = tpu.matmul %get3A_1, %get3A_6, %dot_general3A {dimension_numbers = #tpu.dot_dimension_numbers<[1], [0], [0], [1], [0, 0, 1, 1], [], []>, transpose_lhs_hint = false} : vector<2000x64xf32>, vector<64x256xf32>, vector<2000x256xf32> -> vector<2000x256xf32>
    %convert_element_type3A = arith.truncf %dot_general3A_7 : vector<2000x256xf32> to vector<2000x256xbf16>
    %swap3A = arith.constant 0 : index
    %swap3A_8 = arith.constant 0 : index
    %swap3A_9 = arith.constant 0 : index
    %swap3A_10 = vector.load %arg5[%swap3A, %swap3A_8, %swap3A_9] : memref<1x2000x256xbf16, #tpu.memory_space<vmem>>, vector<1x2000x256xbf16>
    %swap3A_11 = vector.shape_cast %swap3A_10 : vector<1x2000x256xbf16> to vector<2000x256xbf16>
    %swap3A_12 = vector.shape_cast %convert_element_type3A : vector<2000x256xbf16> to vector<1x2000x256xbf16>
    tpu.vector_store %arg5[%swap3A, %swap3A_8, %swap3A_9], %swap3A_12 {strides = array<i32>} : memref<1x2000x256xbf16, #tpu.memory_space<vmem>>, vector<1x2000x256xbf16>,
    %get3A_13 = arith.constant 0 : index
    %get3A_14 = arith.constant 0 : index
    %get3A_15 = arith.constant 0 : index
    %get3A_16 = vector.load %arg4[%get3A_13, %get3A_14, %get3A_15] : memref<1x64x256xf32, #tpu.memory_space<vmem>>, vector<1x64x256xf32>
    %get3A_17 = vector.shape_cast %get3A_16 : vector<1x64x256xf32> to vector<64x256xf32>
    %dot_general3A_18 = arith.constant dense<0.000000e+00> : vector<2000x256xf32>
    %dot_general3A_19 = tpu.matmul %get3A_1, %get3A_17, %dot_general3A_18 {dimension_numbers = #tpu.dot_dimension_numbers<[1], [0], [0], [1], [0, 0, 1, 1], [], []>, transpose_lhs_hint = false} : vector<2000x64xf32>, vector<64x256xf32>, vector<2000x256xf32> -> vector<2000x256xf32>
    %convert_element_type3A_20 = arith.truncf %dot_general3A_19 : vector<2000x256xf32> to vector<2000x256xbf16>
    %swap3A_21 = arith.constant 0 : index
    %swap3A_22 = arith.constant 0 : index
    %swap3A_23 = arith.constant 0 : index
    %swap3A_24 = vector.load %arg6[%swap3A_21, %swap3A_22, %swap3A_23] : memref<1x2000x256xbf16, #tpu.memory_space<vmem>>, vector<1x2000x256xbf16>
    %swap3A_25 = vector.shape_cast %swap3A_24 : vector<1x2000x256xbf16> to vector<2000x256xbf16>
    %swap3A_26 = vector.shape_cast %convert_element_type3A_20 : vector<2000x256xbf16> to vector<1x2000x256xbf16>
    tpu.vector_store %arg6[%swap3A_21, %swap3A_22, %swap3A_23], %swap3A_26 {strides = array<i32>} : memref<1x2000x256xbf16, #tpu.memory_space<vmem>>, vector<1x2000x256xbf16>,
    return
  }
  func.func @transform_0(%arg0: i32, %arg1: i32) -> (i32, i32) {
    %c0_i32 = arith.constant 0 : i32
    %c0_i32_0 = arith.constant 0 : i32
    return %arg1, %c0_i32 : i32, i32
  }
  func.func @transform_1(%arg0: i32, %arg1: i32) -> (i32, i32, i32) {
    %c0_i32 = arith.constant 0 : i32
    %c0_i32_0 = arith.constant 0 : i32
    %c0_i32_1 = arith.constant 0 : i32
    return %arg0, %c0_i32, %c0_i32_0 : i32, i32, i32
  }
  func.func @transform_2(%arg0: i32, %arg1: i32) -> (i32, i32, i32) {
    %c0_i32 = arith.constant 0 : i32
    %c0_i32_0 = arith.constant 0 : i32
    %c0_i32_1 = arith.constant 0 : i32
    return %arg0, %c0_i32, %c0_i32_0 : i32, i32, i32
  }
  func.func @transform_3(%arg0: i32, %arg1: i32) -> (i32, i32, i32) {
    %c0_i32 = arith.constant 0 : i32
    %c0_i32_0 = arith.constant 0 : i32
    return %arg0, %arg1, %c0_i32 : i32, i32, i32
  }
  func.func @transform_4(%arg0: i32, %arg1: i32) -> (i32, i32, i32) {
    %c0_i32 = arith.constant 0 : i32
    %c0_i32_0 = arith.constant 0 : i32
    return %arg0, %arg1, %c0_i32 : i32, i32, i32
  }
}

module attributes {stable_mosaic.version = 14 : i64} {
  func.func @_ef_body(%arg0: i32, %arg1: memref<16x1024xf32, #tpu.memory_space<vmem>>, %arg2: memref<16x1024xf32, #tpu.memory_space<vmem>>, %arg3: memref<4x8xf32, #tpu.memory_space<vmem>>, %arg4: memref<8x1024xf32, #tpu.memory_space<vmem>>, %arg5: memref<1024x1xi32, #tpu.memory_space<vmem>>, %arg6: memref<1024x256xbf16, #tpu.memory_space<vmem>>) attributes {dimension_semantics = [#tpu.dimension_semantics<arbitrary>], iteration_bounds = array<i64: 160>, scalar_prefetch = 0 : i64, scratch_operands = 0 : i64, tpu.core_type = #tpu.core_type<tc>, window_params = [{transform_indices = @transform_0, window_bounds = array<i64: 16, 1024>}, {pipeline_mode = #tpu.pipeline_mode<synchronous>, transform_indices = @transform_1, window_bounds = array<i64: 16, 1024>}, {pipeline_mode = #tpu.pipeline_mode<synchronous>, transform_indices = @transform_2, window_bounds = array<i64: 4, 8>}, {pipeline_mode = #tpu.pipeline_mode<synchronous>, transform_indices = @transform_3, window_bounds = array<i64: 8, 1024>}, {transform_indices = @transform_4, window_bounds = array<i64: 1024, 1>}, {transform_indices = @transform_5, window_bounds = array<i64: 1024, 256>}]} {
    %get3A = arith.constant 0 : index
    %get3A_0 = arith.constant 0 : index
    %get3A_1 = vector.load %arg1[%get3A, %get3A_0] : memref<16x1024xf32, #tpu.memory_space<vmem>>, vector<16x1024xf32>
    %get3A_2 = arith.constant 0 : index
    %get3A_3 = arith.constant 0 : index
    %get3A_4 = vector.load %arg2[%get3A_2, %get3A_3] : memref<16x1024xf32, #tpu.memory_space<vmem>>, vector<16x1024xf32>
    %dot_general3A = arith.constant dense<0.000000e+00> : vector<1024x1024xf32>
    %dot_general3A_5 = tpu.matmul %get3A_1, %get3A_4, %dot_general3A {dimension_numbers = #tpu.dot_dimension_numbers<[0], [0], [1], [1], [0, 1, 1, 1], [], []>, transpose_lhs_hint = false} : vector<16x1024xf32>, vector<16x1024xf32>, vector<1024x1024xf32> -> vector<1024x1024xf32>
    %get3A_6 = arith.constant 0 : index
    %get3A_7 = arith.constant 0 : index
    %get3A_8 = vector.load %arg3[%get3A_6, %get3A_7] : memref<4x8xf32, #tpu.memory_space<vmem>>, vector<4x8xf32>
    %get3A_9 = arith.constant 0 : index
    %get3A_10 = arith.constant 0 : index
    %get3A_11 = vector.load %arg4[%get3A_9, %get3A_10] : memref<8x1024xf32, #tpu.memory_space<vmem>>, vector<8x1024xf32>
    %dot_general3A_12 = arith.constant dense<0.000000e+00> : vector<4x1024xf32>
    %dot_general3A_13 = tpu.matmul %get3A_8, %get3A_11, %dot_general3A_12 {dimension_numbers = #tpu.dot_dimension_numbers<[1], [0], [0], [1], [0, 0, 1, 1], [], []>, transpose_lhs_hint = false} : vector<4x8xf32>, vector<8x1024xf32>, vector<4x1024xf32> -> vector<4x1024xf32>
    %slice3A = vector.extract_strided_slice %dot_general3A_13 {offsets = [0, 0], sizes = [1, 256], strides = [1, 1]} : vector<4x1024xf32> to vector<1x256xf32>
    %slice3A_14 = vector.extract_strided_slice %dot_general3A_13 {offsets = [1, 256], sizes = [1, 256], strides = [1, 1]} : vector<4x1024xf32> to vector<1x256xf32>
    %slice3A_15 = vector.extract_strided_slice %dot_general3A_13 {offsets = [2, 512], sizes = [1, 256], strides = [1, 1]} : vector<4x1024xf32> to vector<1x256xf32>
    %slice3A_16 = vector.extract_strided_slice %dot_general3A_13 {offsets = [3, 768], sizes = [1, 256], strides = [1, 1]} : vector<4x1024xf32> to vector<1x256xf32>
    %concatenate3A = tpu.concatenate %slice3A, %slice3A_14, %slice3A_15, %slice3A_16 in 0 : vector<1x256xf32>, vector<1x256xf32>, vector<1x256xf32>, vector<1x256xf32> -> vector<4x256xf32>
    %get3A_17 = arith.constant 0 : index
    %get3A_18 = arith.constant 0 : index
    %get3A_19 = vector.load %arg5[%get3A_17, %get3A_18] : memref<1024x1xi32, #tpu.memory_space<vmem>>, vector<1024x1xi32>
    %iota3A = tpu.iota {dimensions = array<i32: 1>} : vector<1024x4xi32>
    %eq3A = vector.broadcast %get3A_19 : vector<1024x1xi32> to vector<1024x4xi32>
    %eq3A_20 = arith.cmpi eq, %eq3A, %iota3A : vector<1024x4xi32>
    %convert_element_type3A = arith.extui %eq3A_20 : vector<1024x4xi1> to vector<1024x4xi32>
    %convert_element_type3A_21 = arith.sitofp %convert_element_type3A : vector<1024x4xi32> to vector<1024x4xf32>
    %dot_general3A_22 = arith.constant dense<0.000000e+00> : vector<1024x256xf32>
    %dot_general3A_23 = tpu.matmul %convert_element_type3A_21, %concatenate3A, %dot_general3A_22 {dimension_numbers = #tpu.dot_dimension_numbers<[1], [0], [0], [1], [0, 0, 1, 1], [], []>, transpose_lhs_hint = false} : vector<1024x4xf32>, vector<4x256xf32>, vector<1024x256xf32> -> vector<1024x256xf32>
    %slice3A_24 = vector.extract_strided_slice %convert_element_type3A_21 {offsets = [0, 0], sizes = [1024, 1], strides = [1, 1]} : vector<1024x4xf32> to vector<1024x1xf32>
    %slice3A_25 = vector.extract_strided_slice %dot_general3A_5 {offsets = [0, 0], sizes = [1024, 256], strides = [1, 1]} : vector<1024x1024xf32> to vector<1024x256xf32>
    %mul3A = vector.broadcast %slice3A_24 : vector<1024x1xf32> to vector<1024x256xf32>
    %mul3A_26 = arith.mulf %mul3A, %slice3A_25 : vector<1024x256xf32>
    %add3A = arith.addf %dot_general3A_23, %mul3A_26 : vector<1024x256xf32>
    %slice3A_27 = vector.extract_strided_slice %convert_element_type3A_21 {offsets = [0, 1], sizes = [1024, 1], strides = [1, 1]} : vector<1024x4xf32> to vector<1024x1xf32>
    %slice3A_28 = vector.extract_strided_slice %dot_general3A_5 {offsets = [0, 256], sizes = [1024, 256], strides = [1, 1]} : vector<1024x1024xf32> to vector<1024x256xf32>
    %mul3A_29 = vector.broadcast %slice3A_27 : vector<1024x1xf32> to vector<1024x256xf32>
    %mul3A_30 = arith.mulf %mul3A_29, %slice3A_28 : vector<1024x256xf32>
    %add3A_31 = arith.addf %add3A, %mul3A_30 : vector<1024x256xf32>
    %slice3A_32 = vector.extract_strided_slice %convert_element_type3A_21 {offsets = [0, 2], sizes = [1024, 1], strides = [1, 1]} : vector<1024x4xf32> to vector<1024x1xf32>
    %slice3A_33 = vector.extract_strided_slice %dot_general3A_5 {offsets = [0, 512], sizes = [1024, 256], strides = [1, 1]} : vector<1024x1024xf32> to vector<1024x256xf32>
    %mul3A_34 = vector.broadcast %slice3A_32 : vector<1024x1xf32> to vector<1024x256xf32>
    %mul3A_35 = arith.mulf %mul3A_34, %slice3A_33 : vector<1024x256xf32>
    %add3A_36 = arith.addf %add3A_31, %mul3A_35 : vector<1024x256xf32>
    %slice3A_37 = vector.extract_strided_slice %convert_element_type3A_21 {offsets = [0, 3], sizes = [1024, 1], strides = [1, 1]} : vector<1024x4xf32> to vector<1024x1xf32>
    %slice3A_38 = vector.extract_strided_slice %dot_general3A_5 {offsets = [0, 768], sizes = [1024, 256], strides = [1, 1]} : vector<1024x1024xf32> to vector<1024x256xf32>
    %mul3A_39 = vector.broadcast %slice3A_37 : vector<1024x1xf32> to vector<1024x256xf32>
    %mul3A_40 = arith.mulf %mul3A_39, %slice3A_38 : vector<1024x256xf32>
    %add3A_41 = arith.addf %add3A_36, %mul3A_40 : vector<1024x256xf32>
    %convert_element_type3A_42 = arith.truncf %add3A_41 : vector<1024x256xf32> to vector<1024x256xbf16>
    %swap3A = arith.constant 0 : index
    %swap3A_43 = arith.constant 0 : index
    %swap3A_44 = vector.load %arg6[%swap3A, %swap3A_43] : memref<1024x256xbf16, #tpu.memory_space<vmem>>, vector<1024x256xbf16>
    tpu.vector_store %arg6[%swap3A, %swap3A_43], %convert_element_type3A_42 {strides = array<i32>} : memref<1024x256xbf16, #tpu.memory_space<vmem>>, vector<1024x256xbf16>,
    return
  }
  func.func @transform_0(%arg0: i32) -> (i32, i32) {
    %c0_i32 = arith.constant 0 : i32
    %c0_i32_0 = arith.constant 0 : i32
    return %c0_i32, %arg0 : i32, i32
  }
  func.func @transform_1(%arg0: i32) -> (i32, i32) {
    %c0_i32 = arith.constant 0 : i32
    %c0_i32_0 = arith.constant 0 : i32
    %c0_i32_1 = arith.constant 0 : i32
    return %c0_i32, %c0_i32_0 : i32, i32
  }
  func.func @transform_2(%arg0: i32) -> (i32, i32) {
    %c0_i32 = arith.constant 0 : i32
    %c0_i32_0 = arith.constant 0 : i32
    %c0_i32_1 = arith.constant 0 : i32
    return %c0_i32, %c0_i32_0 : i32, i32
  }
  func.func @transform_3(%arg0: i32) -> (i32, i32) {
    %c0_i32 = arith.constant 0 : i32
    %c0_i32_0 = arith.constant 0 : i32
    %c0_i32_1 = arith.constant 0 : i32
    return %c0_i32, %c0_i32_0 : i32, i32
  }
  func.func @transform_4(%arg0: i32) -> (i32, i32) {
    %c0_i32 = arith.constant 0 : i32
    %c0_i32_0 = arith.constant 0 : i32
    return %arg0, %c0_i32 : i32, i32
  }
  func.func @transform_5(%arg0: i32) -> (i32, i32) {
    %c0_i32 = arith.constant 0 : i32
    %c0_i32_0 = arith.constant 0 : i32
    return %arg0, %c0_i32 : i32, i32
  }
}

module attributes {stable_mosaic.version = 14 : i64} {
  func.func @_scores_body(%arg0: i32, %arg1: memref<1024x256xbf16, #tpu.memory_space<vmem>>, %arg2: memref<1024x256xbf16, #tpu.memory_space<vmem>>, %arg3: memref<1024x256xbf16, #tpu.memory_space<vmem>>, %arg4: memref<1024x1xi32, #tpu.memory_space<vmem>>, %arg5: memref<4x256xf32, #tpu.memory_space<vmem>>, %arg6: memref<1024x16xf32, #tpu.memory_space<vmem>>) attributes {dimension_semantics = [#tpu.dimension_semantics<arbitrary>], iteration_bounds = array<i64: 160>, scalar_prefetch = 0 : i64, scratch_operands = 0 : i64, tpu.core_type = #tpu.core_type<tc>, window_params = [{transform_indices = @transform_0, window_bounds = array<i64: 1024, 256>}, {transform_indices = @transform_1, window_bounds = array<i64: 1024, 256>}, {transform_indices = @transform_2, window_bounds = array<i64: 1024, 256>}, {transform_indices = @transform_3, window_bounds = array<i64: 1024, 1>}, {pipeline_mode = #tpu.pipeline_mode<synchronous>, transform_indices = @transform_4, window_bounds = array<i64: 4, 256>}, {transform_indices = @transform_5, window_bounds = array<i64: 1024, 16>}]} {
    %get3A = arith.constant 0 : index
    %get3A_0 = arith.constant 0 : index
    %get3A_1 = vector.load %arg4[%get3A, %get3A_0] : memref<1024x1xi32, #tpu.memory_space<vmem>>, vector<1024x1xi32>
    %iota3A = tpu.iota {dimensions = array<i32: 1>} : vector<1024x4xi32>
    %eq3A = vector.broadcast %get3A_1 : vector<1024x1xi32> to vector<1024x4xi32>
    %eq3A_2 = arith.cmpi eq, %eq3A, %iota3A : vector<1024x4xi32>
    %convert_element_type3A = arith.extui %eq3A_2 : vector<1024x4xi1> to vector<1024x4xi32>
    %convert_element_type3A_3 = arith.sitofp %convert_element_type3A : vector<1024x4xi32> to vector<1024x4xf32>
    %get3A_4 = arith.constant 0 : index
    %get3A_5 = arith.constant 0 : index
    %get3A_6 = vector.load %arg1[%get3A_4, %get3A_5] : memref<1024x256xbf16, #tpu.memory_space<vmem>>, vector<1024x256xbf16>
    %convert_element_type3A_7 = arith.extf %get3A_6 : vector<1024x256xbf16> to vector<1024x256xf32>
    %get3A_8 = arith.constant 0 : index
    %get3A_9 = arith.constant 0 : index
    %get3A_10 = vector.load %arg2[%get3A_8, %get3A_9] : memref<1024x256xbf16, #tpu.memory_space<vmem>>, vector<1024x256xbf16>
    %convert_element_type3A_11 = arith.extf %get3A_10 : vector<1024x256xbf16> to vector<1024x256xf32>
    %add3A = arith.addf %convert_element_type3A_7, %convert_element_type3A_11 : vector<1024x256xf32>
    %get3A_12 = arith.constant 0 : index
    %get3A_13 = arith.constant 0 : index
    %get3A_14 = vector.load %arg3[%get3A_12, %get3A_13] : memref<1024x256xbf16, #tpu.memory_space<vmem>>, vector<1024x256xbf16>
    %convert_element_type3A_15 = arith.extf %get3A_14 : vector<1024x256xbf16> to vector<1024x256xf32>
    %add3A_16 = arith.addf %add3A, %convert_element_type3A_15 : vector<1024x256xf32>
    %ge3A = arith.constant 0.000000e+00 : f32
    %ge3A_17 = vector.broadcast %ge3A : f32 to vector<1024x256xf32>
    %ge3A_18 = arith.cmpf oge, %add3A_16, %ge3A_17 : vector<1024x256xf32>
    %mul3A = arith.constant 2.000000e-01 : f32
    %mul3A_19 = vector.broadcast %mul3A : f32 to vector<1024x256xf32>
    %mul3A_20 = arith.mulf %mul3A_19, %add3A_16 : vector<1024x256xf32>
    %select_n3A = arith.select %ge3A_18, %add3A_16, %mul3A_20 : vector<1024x256xi1>, vector<1024x256xf32>
    %get3A_21 = arith.constant 0 : index
    %get3A_22 = arith.constant 0 : index
    %get3A_23 = vector.load %arg5[%get3A_21, %get3A_22] : memref<4x256xf32, #tpu.memory_space<vmem>>, vector<4x256xf32>
    %dot_general3A = arith.constant dense<0.000000e+00> : vector<1024x256xf32>
    %dot_general3A_24 = tpu.matmul %convert_element_type3A_3, %get3A_23, %dot_general3A {dimension_numbers = #tpu.dot_dimension_numbers<[1], [0], [0], [1], [0, 0, 1, 1], [], []>, transpose_lhs_hint = false} : vector<1024x4xf32>, vector<4x256xf32>, vector<1024x256xf32> -> vector<1024x256xf32>
    %mul3A_25 = arith.mulf %select_n3A, %dot_general3A_24 : vector<1024x256xf32>
    %iota3A_26 = tpu.iota {dimensions = array<i32: 0>} : vector<256x16xi32>
    %jit3A = arith.constant 64 : i32
    %div3A = vector.broadcast %jit3A : i32 to vector<256x16xi32>
    %div3A_27 = arith.divsi %iota3A_26, %div3A : vector<256x16xi32>
    %sign3A = arith.constant 0 : i32
    %sign3A_28 = vector.broadcast %sign3A : i32 to vector<256x16xi32>
    %sign3A_29 = arith.cmpi sgt, %iota3A_26, %sign3A_28 : vector<256x16xi32>
    %sign3A_30 = arith.extui %sign3A_29 : vector<256x16xi1> to vector<256x16xi32>
    %sign3A_31 = arith.constant 0 : i32
    %sign3A_32 = vector.broadcast %sign3A_31 : i32 to vector<256x16xi32>
    %sign3A_33 = arith.cmpi slt, %iota3A_26, %sign3A_32 : vector<256x16xi32>
    %sign3A_34 = arith.extui %sign3A_33 : vector<256x16xi1> to vector<256x16xi32>
    %sign3A_35 = arith.subi %sign3A_30, %sign3A_34 : vector<256x16xi32>
    %sign3A_36 = arith.constant 0 : i32
    %sign3A_37 = arith.cmpi sgt, %jit3A, %sign3A_36 : i32
    %sign3A_38 = arith.extui %sign3A_37 : i1 to i32
    %sign3A_39 = arith.constant 0 : i32
    %sign3A_40 = arith.cmpi slt, %jit3A, %sign3A_39 : i32
    %sign3A_41 = arith.extui %sign3A_40 : i1 to i32
    %sign3A_42 = arith.subi %sign3A_38, %sign3A_41 : i32
    %ne3A = vector.broadcast %sign3A_42 : i32 to vector<256x16xi32>
    %ne3A_43 = arith.cmpi ne, %sign3A_35, %ne3A : vector<256x16xi32>
    %rem3A = vector.broadcast %jit3A : i32 to vector<256x16xi32>
    %rem3A_44 = arith.remsi %iota3A_26, %rem3A : vector<256x16xi32>
    %ne3A_45 = arith.constant 0 : i32
    %ne3A_46 = vector.broadcast %ne3A_45 : i32 to vector<256x16xi32>
    %ne3A_47 = arith.cmpi ne, %rem3A_44, %ne3A_46 : vector<256x16xi32>
    %and3A = arith.andi %ne3A_43, %ne3A_47 : vector<256x16xi1>
    %sub3A = arith.constant 1 : i32
    %sub3A_48 = vector.broadcast %sub3A : i32 to vector<256x16xi32>
    %sub3A_49 = arith.subi %div3A_27, %sub3A_48 : vector<256x16xi32>
    %select_n3A_50 = arith.select %and3A, %sub3A_49, %div3A_27 : vector<256x16xi1>, vector<256x16xi32>
    %iota3A_51 = tpu.iota {dimensions = array<i32: 1>} : vector<256x16xi32>
    %eq3A_52 = arith.cmpi eq, %select_n3A_50, %iota3A_51 : vector<256x16xi32>
    %convert_element_type3A_53 = arith.extui %eq3A_52 : vector<256x16xi1> to vector<256x16xi32>
    %convert_element_type3A_54 = arith.sitofp %convert_element_type3A_53 : vector<256x16xi32> to vector<256x16xf32>
    %dot_general3A_55 = arith.constant dense<0.000000e+00> : vector<1024x16xf32>
    %dot_general3A_56 = tpu.matmul %mul3A_25, %convert_element_type3A_54, %dot_general3A_55 {dimension_numbers = #tpu.dot_dimension_numbers<[1], [0], [0], [1], [0, 0, 1, 1], [], []>, transpose_lhs_hint = false} : vector<1024x256xf32>, vector<256x16xf32>, vector<1024x16xf32> -> vector<1024x16xf32>
    %exp3A = math.exp %dot_general3A_56 : vector<1024x16xf32>
    %mul3A_57 = arith.constant 1024 : i32
    %mul3A_58 = arith.muli %arg0, %mul3A_57 : i32
    %iota3A_59 = tpu.iota {dimensions = array<i32: 0>} : vector<1024x16xi32>
    %add3A_60 = vector.broadcast %mul3A_58 : i32 to vector<1024x16xi32>
    %add3A_61 = arith.addi %add3A_60, %iota3A_59 : vector<1024x16xi32>
    %iota3A_62 = tpu.iota {dimensions = array<i32: 1>} : vector<1024x16xi32>
    %lt3A = arith.constant 160000 : i32
    %lt3A_63 = vector.broadcast %lt3A : i32 to vector<1024x16xi32>
    %lt3A_64 = arith.cmpi slt, %add3A_61, %lt3A_63 : vector<1024x16xi32>
    %lt3A_65 = arith.constant 4 : i32
    %lt3A_66 = vector.broadcast %lt3A_65 : i32 to vector<1024x16xi32>
    %lt3A_67 = arith.cmpi slt, %iota3A_62, %lt3A_66 : vector<1024x16xi32>
    %and3A_68 = arith.andi %lt3A_64, %lt3A_67 : vector<1024x16xi1>
    %jit3A_69 = arith.constant 0.000000e+00 : f32
    %broadcast_in_dim3A = vector.broadcast %jit3A_69 : f32 to vector<1024x16xf32>
    %select_n3A_70 = arith.select %and3A_68, %exp3A, %broadcast_in_dim3A : vector<1024x16xi1>, vector<1024x16xf32>
    %swap3A = arith.constant 0 : index
    %swap3A_71 = arith.constant 0 : index
    %swap3A_72 = vector.load %arg6[%swap3A, %swap3A_71] : memref<1024x16xf32, #tpu.memory_space<vmem>>, vector<1024x16xf32>
    tpu.vector_store %arg6[%swap3A, %swap3A_71], %select_n3A_70 {strides = array<i32>} : memref<1024x16xf32, #tpu.memory_space<vmem>>, vector<1024x16xf32>,
    return
  }
  func.func @transform_0(%arg0: i32) -> (i32, i32) {
    %c0_i32 = arith.constant 0 : i32
    %c0_i32_0 = arith.constant 0 : i32
    return %arg0, %c0_i32 : i32, i32
  }
  func.func @transform_1(%arg0: i32) -> (i32, i32) {
    %c0_i32 = arith.constant 0 : i32
    %c0_i32_0 = arith.constant 0 : i32
    return %arg0, %c0_i32 : i32, i32
  }
  func.func @transform_2(%arg0: i32) -> (i32, i32) {
    %c0_i32 = arith.constant 0 : i32
    %c0_i32_0 = arith.constant 0 : i32
    return %arg0, %c0_i32 : i32, i32
  }
  func.func @transform_3(%arg0: i32) -> (i32, i32) {
    %c0_i32 = arith.constant 0 : i32
    %c0_i32_0 = arith.constant 0 : i32
    return %arg0, %c0_i32 : i32, i32
  }
  func.func @transform_4(%arg0: i32) -> (i32, i32) {
    %c0_i32 = arith.constant 0 : i32
    %c0_i32_0 = arith.constant 0 : i32
    %c0_i32_1 = arith.constant 0 : i32
    return %c0_i32, %c0_i32_0 : i32, i32
  }
  func.func @transform_5(%arg0: i32) -> (i32, i32) {
    %c0_i32 = arith.constant 0 : i32
    %c0_i32_0 = arith.constant 0 : i32
    return %arg0, %c0_i32 : i32, i32
  }
}

module attributes {stable_mosaic.version = 14 : i64} {
  func.func @_values_body(%arg0: i32, %arg1: memref<1024x256xbf16, #tpu.memory_space<vmem>>, %arg2: memref<1024x16xf32, #tpu.memory_space<vmem>>, %arg3: memref<1024x16xf32, #tpu.memory_space<vmem>>, %arg4: memref<1024x16xf32, #tpu.memory_space<vmem>>, %arg5: memref<1024x1xi32, #tpu.memory_space<vmem>>, %arg6: memref<1x4xf32, #tpu.memory_space<vmem>>, %arg7: memref<1024x64xf32, #tpu.memory_space<vmem>>) attributes {dimension_semantics = [#tpu.dimension_semantics<arbitrary>], iteration_bounds = array<i64: 160>, scalar_prefetch = 0 : i64, scratch_operands = 0 : i64, tpu.core_type = #tpu.core_type<tc>, window_params = [{transform_indices = @transform_0, window_bounds = array<i64: 1024, 256>}, {transform_indices = @transform_1, window_bounds = array<i64: 1024, 16>}, {transform_indices = @transform_2, window_bounds = array<i64: 1024, 16>}, {transform_indices = @transform_3, window_bounds = array<i64: 1024, 16>}, {transform_indices = @transform_4, window_bounds = array<i64: 1024, 1>}, {pipeline_mode = #tpu.pipeline_mode<synchronous>, transform_indices = @transform_5, window_bounds = array<i64: 1, 4>}, {transform_indices = @transform_6, window_bounds = array<i64: 1024, 64>}]} {
    %get3A = arith.constant 0 : index
    %get3A_0 = arith.constant 0 : index
    %get3A_1 = vector.load %arg2[%get3A, %get3A_0] : memref<1024x16xf32, #tpu.memory_space<vmem>>, vector<1024x16xf32>
    %get3A_2 = arith.constant 0 : index
    %get3A_3 = arith.constant 0 : index
    %get3A_4 = vector.load %arg3[%get3A_2, %get3A_3] : memref<1024x16xf32, #tpu.memory_space<vmem>>, vector<1024x16xf32>
    %get3A_5 = arith.constant 0 : index
    %get3A_6 = arith.constant 0 : index
    %get3A_7 = vector.load %arg4[%get3A_5, %get3A_6] : memref<1024x16xf32, #tpu.memory_space<vmem>>, vector<1024x16xf32>
    %add3A = arith.addf %get3A_4, %get3A_7 : vector<1024x16xf32>
    %gt3A = arith.constant 0.000000e+00 : f32
    %gt3A_8 = vector.broadcast %gt3A : f32 to vector<1024x16xf32>
    %gt3A_9 = arith.cmpf ogt, %add3A, %gt3A_8 : vector<1024x16xf32>
    %jit3A = arith.constant 1.000000e+00 : f32
    %broadcast_in_dim3A = vector.broadcast %jit3A : f32 to vector<1024x16xf32>
    %select_n3A = arith.select %gt3A_9, %add3A, %broadcast_in_dim3A : vector<1024x16xi1>, vector<1024x16xf32>
    %div3A = arith.divf %get3A_1, %select_n3A : vector<1024x16xf32>
    %get3A_10 = arith.constant 0 : index
    %get3A_11 = arith.constant 0 : index
    %get3A_12 = vector.load %arg6[%get3A_10, %get3A_11] : memref<1x4xf32, #tpu.memory_space<vmem>>, vector<1x4xf32>
    %reduce_max3A = arith.constant dense<0xFF800000> : vector<1xf32>
    %reduce_max3A_13 = vector.multi_reduction <maximumf>, %get3A_12, %reduce_max3A [1] : vector<1x4xf32> to vector<1xf32>
    %broadcast_in_dim3A_14 = vector.shape_cast %reduce_max3A_13 : vector<1xf32> to vector<1x1xf32>
    %sub3A = vector.broadcast %broadcast_in_dim3A_14 : vector<1x1xf32> to vector<1x4xf32>
    %sub3A_15 = arith.subf %get3A_12, %sub3A : vector<1x4xf32>
    %exp3A = math.exp %sub3A_15 : vector<1x4xf32>
    %reduce_sum3A = arith.constant dense<0.000000e+00> : vector<1xf32>
    %reduce_sum3A_16 = vector.multi_reduction <add>, %exp3A, %reduce_sum3A [1] : vector<1x4xf32> to vector<1xf32>
    %broadcast_in_dim3A_17 = vector.shape_cast %reduce_sum3A_16 : vector<1xf32> to vector<1x1xf32>
    %div3A_18 = vector.broadcast %broadcast_in_dim3A_17 : vector<1x1xf32> to vector<1x4xf32>
    %div3A_19 = arith.divf %exp3A, %div3A_18 : vector<1x4xf32>
    %get3A_20 = arith.constant 0 : index
    %get3A_21 = arith.constant 0 : index
    %get3A_22 = vector.load %arg5[%get3A_20, %get3A_21] : memref<1024x1xi32, #tpu.memory_space<vmem>>, vector<1024x1xi32>
    %iota3A = tpu.iota {dimensions = array<i32: 1>} : vector<1024x4xi32>
    %eq3A = vector.broadcast %get3A_22 : vector<1024x1xi32> to vector<1024x4xi32>
    %eq3A_23 = arith.cmpi eq, %eq3A, %iota3A : vector<1024x4xi32>
    %convert_element_type3A = arith.extui %eq3A_23 : vector<1024x4xi1> to vector<1024x4xi32>
    %convert_element_type3A_24 = arith.sitofp %convert_element_type3A : vector<1024x4xi32> to vector<1024x4xf32>
    %dot_general3A = arith.constant dense<0.000000e+00> : vector<1024x1xf32>
    %dot_general3A_25 = tpu.matmul %convert_element_type3A_24, %div3A_19, %dot_general3A {dimension_numbers = #tpu.dot_dimension_numbers<[1], [1], [0], [0], [0, 0, 1, 0], [], []>, transpose_lhs_hint = false} : vector<1024x4xf32>, vector<1x4xf32>, vector<1024x1xf32> -> vector<1024x1xf32>
    %mul3A = vector.broadcast %dot_general3A_25 : vector<1024x1xf32> to vector<1024x16xf32>
    %mul3A_26 = arith.mulf %div3A, %mul3A : vector<1024x16xf32>
    %mul3A_27 = arith.constant 2.500000e-01 : f32
    %mul3A_28 = vector.broadcast %mul3A_27 : f32 to vector<1024x16xf32>
    %mul3A_29 = arith.mulf %mul3A_26, %mul3A_28 : vector<1024x16xf32>
    %get3A_30 = arith.constant 0 : index
    %get3A_31 = arith.constant 0 : index
    %get3A_32 = vector.load %arg1[%get3A_30, %get3A_31] : memref<1024x256xbf16, #tpu.memory_space<vmem>>, vector<1024x256xbf16>
    %convert_element_type3A_33 = arith.extf %get3A_32 : vector<1024x256xbf16> to vector<1024x256xf32>
    %broadcast_in_dim3A_34 = arith.constant 0.000000e+00 : f32
    %broadcast_in_dim3A_35 = vector.broadcast %broadcast_in_dim3A_34 : f32 to vector<1024x64xf32>
    %slice3A = vector.extract_strided_slice %mul3A_29 {offsets = [0, 0], sizes = [1024, 1], strides = [1, 1]} : vector<1024x16xf32> to vector<1024x1xf32>
    %slice3A_36 = vector.extract_strided_slice %convert_element_type3A_33 {offsets = [0, 0], sizes = [1024, 64], strides = [1, 1]} : vector<1024x256xf32> to vector<1024x64xf32>
    %mul3A_37 = vector.broadcast %slice3A : vector<1024x1xf32> to vector<1024x64xf32>
    %mul3A_38 = arith.mulf %mul3A_37, %slice3A_36 : vector<1024x64xf32>
    %add3A_39 = arith.addf %broadcast_in_dim3A_35, %mul3A_38 : vector<1024x64xf32>
    %slice3A_40 = vector.extract_strided_slice %mul3A_29 {offsets = [0, 1], sizes = [1024, 1], strides = [1, 1]} : vector<1024x16xf32> to vector<1024x1xf32>
    %slice3A_41 = vector.extract_strided_slice %convert_element_type3A_33 {offsets = [0, 64], sizes = [1024, 64], strides = [1, 1]} : vector<1024x256xf32> to vector<1024x64xf32>
    %mul3A_42 = vector.broadcast %slice3A_40 : vector<1024x1xf32> to vector<1024x64xf32>
    %mul3A_43 = arith.mulf %mul3A_42, %slice3A_41 : vector<1024x64xf32>
    %add3A_44 = arith.addf %add3A_39, %mul3A_43 : vector<1024x64xf32>
    %slice3A_45 = vector.extract_strided_slice %mul3A_29 {offsets = [0, 2], sizes = [1024, 1], strides = [1, 1]} : vector<1024x16xf32> to vector<1024x1xf32>
    %slice3A_46 = vector.extract_strided_slice %convert_element_type3A_33 {offsets = [0, 128], sizes = [1024, 64], strides = [1, 1]} : vector<1024x256xf32> to vector<1024x64xf32>
    %mul3A_47 = vector.broadcast %slice3A_45 : vector<1024x1xf32> to vector<1024x64xf32>
    %mul3A_48 = arith.mulf %mul3A_47, %slice3A_46 : vector<1024x64xf32>
    %add3A_49 = arith.addf %add3A_44, %mul3A_48 : vector<1024x64xf32>
    %slice3A_50 = vector.extract_strided_slice %mul3A_29 {offsets = [0, 3], sizes = [1024, 1], strides = [1, 1]} : vector<1024x16xf32> to vector<1024x1xf32>
    %slice3A_51 = vector.extract_strided_slice %convert_element_type3A_33 {offsets = [0, 192], sizes = [1024, 64], strides = [1, 1]} : vector<1024x256xf32> to vector<1024x64xf32>
    %mul3A_52 = vector.broadcast %slice3A_50 : vector<1024x1xf32> to vector<1024x64xf32>
    %mul3A_53 = arith.mulf %mul3A_52, %slice3A_51 : vector<1024x64xf32>
    %add3A_54 = arith.addf %add3A_49, %mul3A_53 : vector<1024x64xf32>
    %swap3A = arith.constant 0 : index
    %swap3A_55 = arith.constant 0 : index
    %swap3A_56 = vector.load %arg7[%swap3A, %swap3A_55] : memref<1024x64xf32, #tpu.memory_space<vmem>>, vector<1024x64xf32>
    tpu.vector_store %arg7[%swap3A, %swap3A_55], %add3A_54 {strides = array<i32>} : memref<1024x64xf32, #tpu.memory_space<vmem>>, vector<1024x64xf32>,
    return
  }
  func.func @transform_0(%arg0: i32) -> (i32, i32) {
    %c0_i32 = arith.constant 0 : i32
    %c0_i32_0 = arith.constant 0 : i32
    return %arg0, %c0_i32 : i32, i32
  }
  func.func @transform_1(%arg0: i32) -> (i32, i32) {
    %c0_i32 = arith.constant 0 : i32
    %c0_i32_0 = arith.constant 0 : i32
    return %arg0, %c0_i32 : i32, i32
  }
  func.func @transform_2(%arg0: i32) -> (i32, i32) {
    %c0_i32 = arith.constant 0 : i32
    %c0_i32_0 = arith.constant 0 : i32
    return %arg0, %c0_i32 : i32, i32
  }
  func.func @transform_3(%arg0: i32) -> (i32, i32) {
    %c0_i32 = arith.constant 0 : i32
    %c0_i32_0 = arith.constant 0 : i32
    return %arg0, %c0_i32 : i32, i32
  }
  func.func @transform_4(%arg0: i32) -> (i32, i32) {
    %c0_i32 = arith.constant 0 : i32
    %c0_i32_0 = arith.constant 0 : i32
    return %arg0, %c0_i32 : i32, i32
  }
  func.func @transform_5(%arg0: i32) -> (i32, i32) {
    %c0_i32 = arith.constant 0 : i32
    %c0_i32_0 = arith.constant 0 : i32
    %c0_i32_1 = arith.constant 0 : i32
    return %c0_i32, %c0_i32_0 : i32, i32
  }
  func.func @transform_6(%arg0: i32) -> (i32, i32) {
    %c0_i32 = arith.constant 0 : i32
    %c0_i32_0 = arith.constant 0 : i32
    return %arg0, %c0_i32 : i32, i32
  }
}

module attributes {stable_mosaic.version = 14 : i64} {
  func.func @_post_body(%arg0: i32, %arg1: memref<1000x64xf32, #tpu.memory_space<vmem>>, %arg2: memref<2x1000x64xf32, #tpu.memory_space<vmem>>, %arg3: memref<1000x1xi32, #tpu.memory_space<vmem>>, %arg4: memref<1x4xf32, #tpu.memory_space<vmem>>, %arg5: memref<4x64xf32, #tpu.memory_space<vmem>>, %arg6: memref<1x64xf32, #tpu.memory_space<vmem>>, %arg7: memref<1x64xf32, #tpu.memory_space<vmem>>, %arg8: memref<64x128xf32, #tpu.memory_space<vmem>>, %arg9: memref<1x128xf32, #tpu.memory_space<vmem>>, %arg10: memref<128x64xf32, #tpu.memory_space<vmem>>, %arg11: memref<1x64xf32, #tpu.memory_space<vmem>>, %arg12: memref<1x64xf32, #tpu.memory_space<vmem>>, %arg13: memref<1x64xf32, #tpu.memory_space<vmem>>, %arg14: memref<16x64xf32, #tpu.memory_space<vmem>>, %arg15: memref<16x64xf32, #tpu.memory_space<vmem>>, %arg16: memref<16x64xf32, #tpu.memory_space<vmem>>) attributes {dimension_semantics = [#tpu.dimension_semantics<arbitrary>], iteration_bounds = array<i64: 10>, scalar_prefetch = 0 : i64, scratch_operands = 0 : i64, tpu.core_type = #tpu.core_type<tc>, window_params = [{transform_indices = @transform_0, window_bounds = array<i64: 1000, 64>}, {transform_indices = @transform_1, window_bounds = array<i64: 2, 1000, 64>}, {transform_indices = @transform_2, window_bounds = array<i64: 1000, 1>}, {pipeline_mode = #tpu.pipeline_mode<synchronous>, transform_indices = @transform_3, window_bounds = array<i64: 1, 4>}, {pipeline_mode = #tpu.pipeline_mode<synchronous>, transform_indices = @transform_4, window_bounds = array<i64: 4, 64>}, {pipeline_mode = #tpu.pipeline_mode<synchronous>, transform_indices = @transform_5, window_bounds = array<i64: 1, 64>}, {pipeline_mode = #tpu.pipeline_mode<synchronous>, transform_indices = @transform_6, window_bounds = array<i64: 1, 64>}, {pipeline_mode = #tpu.pipeline_mode<synchronous>, transform_indices = @transform_7, window_bounds = array<i64: 64, 128>}, {pipeline_mode = #tpu.pipeline_mode<synchronous>, transform_indices = @transform_8, window_bounds = array<i64: 1, 128>}, {pipeline_mode = #tpu.pipeline_mode<synchronous>, transform_indices = @transform_9, window_bounds = array<i64: 128, 64>}, {pipeline_mode = #tpu.pipeline_mode<synchronous>, transform_indices = @transform_10, window_bounds = array<i64: 1, 64>}, {pipeline_mode = #tpu.pipeline_mode<synchronous>, transform_indices = @transform_11, window_bounds = array<i64: 1, 64>}, {pipeline_mode = #tpu.pipeline_mode<synchronous>, transform_indices = @transform_12, window_bounds = array<i64: 1, 64>}, {pipeline_mode = #tpu.pipeline_mode<synchronous>, transform_indices = @transform_13, window_bounds = array<i64: 16, 64>}, {pipeline_mode = #tpu.pipeline_mode<synchronous>, transform_indices = @transform_14, window_bounds = array<i64: 16, 64>}, {pipeline_mode = #tpu.pipeline_mode<synchronous>, transform_indices = @transform_15, window_bounds = array<i64: 16, 64>}]} {
    %eq3A = arith.constant 0 : i32
    %eq3A_0 = arith.cmpi eq, %arg0, %eq3A : i32
    %convert_element_type3A = arith.extui %eq3A_0 : i1 to i32
    %cond3A = arith.constant 0 : i32
    %cond3A_1 = arith.cmpi ne, %convert_element_type3A, %cond3A : i32
    scf.if %cond3A_1 {
      %broadcast_in_dim3A_430 = arith.constant 0.000000e+00 : f32
      %broadcast_in_dim3A_431 = vector.broadcast %broadcast_in_dim3A_430 : f32 to vector<16x64xf32>
      %swap3A_432 = arith.constant 0 : index
      %swap3A_433 = arith.constant 0 : index
      %swap3A_434 = vector.load %arg14[%swap3A_432, %swap3A_433] : memref<16x64xf32, #tpu.memory_space<vmem>>, vector<16x64xf32>
      tpu.vector_store %arg14[%swap3A_432, %swap3A_433], %broadcast_in_dim3A_431 {strides = array<i32>} : memref<16x64xf32, #tpu.memory_space<vmem>>, vector<16x64xf32>,
      %broadcast_in_dim3A_435 = arith.constant 0.000000e+00 : f32
      %broadcast_in_dim3A_436 = vector.broadcast %broadcast_in_dim3A_435 : f32 to vector<16x64xf32>
      %swap3A_437 = arith.constant 0 : index
      %swap3A_438 = arith.constant 0 : index
      %swap3A_439 = vector.load %arg15[%swap3A_437, %swap3A_438] : memref<16x64xf32, #tpu.memory_space<vmem>>, vector<16x64xf32>
      tpu.vector_store %arg15[%swap3A_437, %swap3A_438], %broadcast_in_dim3A_436 {strides = array<i32>} : memref<16x64xf32, #tpu.memory_space<vmem>>, vector<16x64xf32>,
      %broadcast_in_dim3A_440 = arith.constant 0xFF800000 : f32
      %broadcast_in_dim3A_441 = vector.broadcast %broadcast_in_dim3A_440 : f32 to vector<16x64xf32>
      %swap3A_442 = arith.constant 0 : index
      %swap3A_443 = arith.constant 0 : index
      %swap3A_444 = vector.load %arg16[%swap3A_442, %swap3A_443] : memref<16x64xf32, #tpu.memory_space<vmem>>, vector<16x64xf32>
      tpu.vector_store %arg16[%swap3A_442, %swap3A_443], %broadcast_in_dim3A_441 {strides = array<i32>} : memref<16x64xf32, #tpu.memory_space<vmem>>, vector<16x64xf32>,
    } else {
    }
    %get3A = arith.constant 0 : index
    %get3A_2 = arith.constant 0 : index
    %get3A_3 = vector.load %arg4[%get3A, %get3A_2] : memref<1x4xf32, #tpu.memory_space<vmem>>, vector<1x4xf32>
    %reduce_max3A = arith.constant dense<0xFF800000> : vector<1xf32>
    %reduce_max3A_4 = vector.multi_reduction <maximumf>, %get3A_3, %reduce_max3A [1] : vector<1x4xf32> to vector<1xf32>
    %broadcast_in_dim3A = vector.shape_cast %reduce_max3A_4 : vector<1xf32> to vector<1x1xf32>
    %sub3A = vector.broadcast %broadcast_in_dim3A : vector<1x1xf32> to vector<1x4xf32>
    %sub3A_5 = arith.subf %get3A_3, %sub3A : vector<1x4xf32>
    %exp3A = math.exp %sub3A_5 : vector<1x4xf32>
    %reduce_sum3A = arith.constant dense<0.000000e+00> : vector<1xf32>
    %reduce_sum3A_6 = vector.multi_reduction <add>, %exp3A, %reduce_sum3A [1] : vector<1x4xf32> to vector<1xf32>
    %broadcast_in_dim3A_7 = vector.shape_cast %reduce_sum3A_6 : vector<1xf32> to vector<1x1xf32>
    %div3A = vector.broadcast %broadcast_in_dim3A_7 : vector<1x1xf32> to vector<1x4xf32>
    %div3A_8 = arith.divf %exp3A, %div3A : vector<1x4xf32>
    %get3A_9 = arith.constant 0 : index
    %get3A_10 = arith.constant 0 : index
    %get3A_11 = vector.load %arg5[%get3A_9, %get3A_10] : memref<4x64xf32, #tpu.memory_space<vmem>>, vector<4x64xf32>
    %dot_general3A = arith.constant dense<0.000000e+00> : vector<1x64xf32>
    %dot_general3A_12 = tpu.matmul %div3A_8, %get3A_11, %dot_general3A {dimension_numbers = #tpu.dot_dimension_numbers<[1], [0], [0], [1], [0, 0, 1, 1], [], []>, transpose_lhs_hint = false} : vector<1x4xf32>, vector<4x64xf32>, vector<1x64xf32> -> vector<1x64xf32>
    %get3A_13 = arith.constant 0 : index
    %get3A_14 = arith.constant 0 : index
    %get3A_15 = vector.load %arg1[%get3A_13, %get3A_14] : memref<1000x64xf32, #tpu.memory_space<vmem>>, vector<1000x64xf32>
    %get3A_16 = arith.constant 0 : index
    %get3A_17 = arith.constant 0 : index
    %get3A_18 = arith.constant 0 : index
    %get3A_19 = vector.load %arg2[%get3A_16, %get3A_17, %get3A_18] : memref<2x1000x64xf32, #tpu.memory_space<vmem>>, vector<1x1000x64xf32>
    %get3A_20 = vector.shape_cast %get3A_19 : vector<1x1000x64xf32> to vector<1000x64xf32>
    %add3A = arith.addf %get3A_15, %get3A_20 : vector<1000x64xf32>
    %get3A_21 = arith.constant 1 : index
    %get3A_22 = arith.constant 0 : index
    %get3A_23 = arith.constant 0 : index
    %get3A_24 = vector.load %arg2[%get3A_21, %get3A_22, %get3A_23] : memref<2x1000x64xf32, #tpu.memory_space<vmem>>, vector<1x1000x64xf32>
    %get3A_25 = vector.shape_cast %get3A_24 : vector<1x1000x64xf32> to vector<1000x64xf32>
    %add3A_26 = arith.addf %add3A, %get3A_25 : vector<1000x64xf32>
    %add3A_27 = vector.broadcast %dot_general3A_12 : vector<1x64xf32> to vector<1000x64xf32>
    %add3A_28 = arith.addf %add3A_26, %add3A_27 : vector<1000x64xf32>
    %get3A_29 = arith.constant 0 : index
    %get3A_30 = arith.constant 0 : index
    %get3A_31 = vector.load %arg6[%get3A_29, %get3A_30] : memref<1x64xf32, #tpu.memory_space<vmem>>, vector<1x64xf32>
    %get3A_32 = arith.constant 0 : index
    %get3A_33 = arith.constant 0 : index
    %get3A_34 = vector.load %arg7[%get3A_32, %get3A_33] : memref<1x64xf32, #tpu.memory_space<vmem>>, vector<1x64xf32>
    %reduce_sum3A_35 = arith.constant dense<0.000000e+00> : vector<1000xf32>
    %reduce_sum3A_36 = vector.multi_reduction <add>, %add3A_28, %reduce_sum3A_35 [1] : vector<1000x64xf32> to vector<1000xf32>
    %broadcast_in_dim3A_37 = vector.shape_cast %reduce_sum3A_36 : vector<1000xf32> to vector<1000x1xf32>
    %div3A_38 = arith.constant 6.400000e+01 : f32
    %div3A_39 = vector.broadcast %div3A_38 : f32 to vector<1000x1xf32>
    %div3A_40 = arith.divf %broadcast_in_dim3A_37, %div3A_39 : vector<1000x1xf32>
    %sub3A_41 = vector.broadcast %div3A_40 : vector<1000x1xf32> to vector<1000x64xf32>
    %sub3A_42 = arith.subf %add3A_28, %sub3A_41 : vector<1000x64xf32>
    %integer_pow3A = arith.mulf %sub3A_42, %sub3A_42 : vector<1000x64xf32>
    %reduce_sum3A_43 = arith.constant dense<0.000000e+00> : vector<1000xf32>
    %reduce_sum3A_44 = vector.multi_reduction <add>, %integer_pow3A, %reduce_sum3A_43 [1] : vector<1000x64xf32> to vector<1000xf32>
    %broadcast_in_dim3A_45 = vector.shape_cast %reduce_sum3A_44 : vector<1000xf32> to vector<1000x1xf32>
    %div3A_46 = arith.constant 6.400000e+01 : f32
    %div3A_47 = vector.broadcast %div3A_46 : f32 to vector<1000x1xf32>
    %div3A_48 = arith.divf %broadcast_in_dim3A_45, %div3A_47 : vector<1000x1xf32>
    %sub3A_49 = vector.broadcast %div3A_40 : vector<1000x1xf32> to vector<1000x64xf32>
    %sub3A_50 = arith.subf %add3A_28, %sub3A_49 : vector<1000x64xf32>
    %add3A_51 = arith.constant 9.99999974E-6 : f32
    %add3A_52 = vector.broadcast %add3A_51 : f32 to vector<1000x1xf32>
    %add3A_53 = arith.addf %div3A_48, %add3A_52 : vector<1000x1xf32>
    %sqrt3A = math.sqrt %add3A_53 : vector<1000x1xf32>
    %div3A_54 = vector.broadcast %sqrt3A : vector<1000x1xf32> to vector<1000x64xf32>
    %div3A_55 = arith.divf %sub3A_50, %div3A_54 : vector<1000x64xf32>
    %mul3A = vector.broadcast %get3A_31 : vector<1x64xf32> to vector<1000x64xf32>
    %mul3A_56 = arith.mulf %div3A_55, %mul3A : vector<1000x64xf32>
    %add3A_57 = vector.broadcast %get3A_34 : vector<1x64xf32> to vector<1000x64xf32>
    %add3A_58 = arith.addf %mul3A_56, %add3A_57 : vector<1000x64xf32>
    %get3A_59 = arith.constant 0 : index
    %get3A_60 = arith.constant 0 : index
    %get3A_61 = vector.load %arg8[%get3A_59, %get3A_60] : memref<64x128xf32, #tpu.memory_space<vmem>>, vector<64x128xf32>
    %dot_general3A_62 = arith.constant dense<0.000000e+00> : vector<1000x128xf32>
    %dot_general3A_63 = tpu.matmul %add3A_58, %get3A_61, %dot_general3A_62 {dimension_numbers = #tpu.dot_dimension_numbers<[1], [0], [0], [1], [0, 0, 1, 1], [], []>, transpose_lhs_hint = false} : vector<1000x64xf32>, vector<64x128xf32>, vector<1000x128xf32> -> vector<1000x128xf32>
    %get3A_64 = arith.constant 0 : index
    %get3A_65 = arith.constant 0 : index
    %get3A_66 = vector.load %arg9[%get3A_64, %get3A_65] : memref<1x128xf32, #tpu.memory_space<vmem>>, vector<1x128xf32>
    %add3A_67 = vector.broadcast %get3A_66 : vector<1x128xf32> to vector<1000x128xf32>
    %add3A_68 = arith.addf %dot_general3A_63, %add3A_67 : vector<1000x128xf32>
    %logistic3A = arith.negf %add3A_68 : vector<1000x128xf32>
    %logistic3A_69 = math.exp %logistic3A : vector<1000x128xf32>
    %logistic3A_70 = arith.constant 1.000000e+00 : f32
    %logistic3A_71 = vector.broadcast %logistic3A_70 : f32 to vector<1000x128xf32>
    %logistic3A_72 = arith.addf %logistic3A_71, %logistic3A_69 : vector<1000x128xf32>
    %logistic3A_73 = arith.divf %logistic3A_71, %logistic3A_72 : vector<1000x128xf32>
    %mul3A_74 = arith.mulf %add3A_68, %logistic3A_73 : vector<1000x128xf32>
    %get3A_75 = arith.constant 0 : index
    %get3A_76 = arith.constant 0 : index
    %get3A_77 = vector.load %arg10[%get3A_75, %get3A_76] : memref<128x64xf32, #tpu.memory_space<vmem>>, vector<128x64xf32>
    %dot_general3A_78 = arith.constant dense<0.000000e+00> : vector<1000x64xf32>
    %dot_general3A_79 = tpu.matmul %mul3A_74, %get3A_77, %dot_general3A_78 {dimension_numbers = #tpu.dot_dimension_numbers<[1], [0], [0], [1], [0, 0, 1, 1], [], []>, transpose_lhs_hint = false} : vector<1000x128xf32>, vector<128x64xf32>, vector<1000x64xf32> -> vector<1000x64xf32>
    %get3A_80 = arith.constant 0 : index
    %get3A_81 = arith.constant 0 : index
    %get3A_82 = vector.load %arg11[%get3A_80, %get3A_81] : memref<1x64xf32, #tpu.memory_space<vmem>>, vector<1x64xf32>
    %add3A_83 = vector.broadcast %get3A_82 : vector<1x64xf32> to vector<1000x64xf32>
    %add3A_84 = arith.addf %dot_general3A_79, %add3A_83 : vector<1000x64xf32>
    %add3A_85 = arith.addf %add3A_58, %add3A_84 : vector<1000x64xf32>
    %get3A_86 = arith.constant 0 : index
    %get3A_87 = arith.constant 0 : index
    %get3A_88 = vector.load %arg12[%get3A_86, %get3A_87] : memref<1x64xf32, #tpu.memory_space<vmem>>, vector<1x64xf32>
    %get3A_89 = arith.constant 0 : index
    %get3A_90 = arith.constant 0 : index
    %get3A_91 = vector.load %arg13[%get3A_89, %get3A_90] : memref<1x64xf32, #tpu.memory_space<vmem>>, vector<1x64xf32>
    %reduce_sum3A_92 = arith.constant dense<0.000000e+00> : vector<1000xf32>
    %reduce_sum3A_93 = vector.multi_reduction <add>, %add3A_85, %reduce_sum3A_92 [1] : vector<1000x64xf32> to vector<1000xf32>
    %broadcast_in_dim3A_94 = vector.shape_cast %reduce_sum3A_93 : vector<1000xf32> to vector<1000x1xf32>
    %div3A_95 = arith.constant 6.400000e+01 : f32
    %div3A_96 = vector.broadcast %div3A_95 : f32 to vector<1000x1xf32>
    %div3A_97 = arith.divf %broadcast_in_dim3A_94, %div3A_96 : vector<1000x1xf32>
    %sub3A_98 = vector.broadcast %div3A_97 : vector<1000x1xf32> to vector<1000x64xf32>
    %sub3A_99 = arith.subf %add3A_85, %sub3A_98 : vector<1000x64xf32>
    %integer_pow3A_100 = arith.mulf %sub3A_99, %sub3A_99 : vector<1000x64xf32>
    %reduce_sum3A_101 = arith.constant dense<0.000000e+00> : vector<1000xf32>
    %reduce_sum3A_102 = vector.multi_reduction <add>, %integer_pow3A_100, %reduce_sum3A_101 [1] : vector<1000x64xf32> to vector<1000xf32>
    %broadcast_in_dim3A_103 = vector.shape_cast %reduce_sum3A_102 : vector<1000xf32> to vector<1000x1xf32>
    %div3A_104 = arith.constant 6.400000e+01 : f32
    %div3A_105 = vector.broadcast %div3A_104 : f32 to vector<1000x1xf32>
    %div3A_106 = arith.divf %broadcast_in_dim3A_103, %div3A_105 : vector<1000x1xf32>
    %sub3A_107 = vector.broadcast %div3A_97 : vector<1000x1xf32> to vector<1000x64xf32>
    %sub3A_108 = arith.subf %add3A_85, %sub3A_107 : vector<1000x64xf32>
    %add3A_109 = arith.constant 9.99999974E-6 : f32
    %add3A_110 = vector.broadcast %add3A_109 : f32 to vector<1000x1xf32>
    %add3A_111 = arith.addf %div3A_106, %add3A_110 : vector<1000x1xf32>
    %sqrt3A_112 = math.sqrt %add3A_111 : vector<1000x1xf32>
    %div3A_113 = vector.broadcast %sqrt3A_112 : vector<1000x1xf32> to vector<1000x64xf32>
    %div3A_114 = arith.divf %sub3A_108, %div3A_113 : vector<1000x64xf32>
    %mul3A_115 = vector.broadcast %get3A_88 : vector<1x64xf32> to vector<1000x64xf32>
    %mul3A_116 = arith.mulf %div3A_114, %mul3A_115 : vector<1000x64xf32>
    %add3A_117 = vector.broadcast %get3A_91 : vector<1x64xf32> to vector<1000x64xf32>
    %add3A_118 = arith.addf %mul3A_116, %add3A_117 : vector<1000x64xf32>
    %get3A_119 = arith.constant 0 : index
    %get3A_120 = arith.constant 0 : index
    %get3A_121 = vector.load %arg3[%get3A_119, %get3A_120] : memref<1000x1xi32, #tpu.memory_space<vmem>>, vector<1000x1xi32>
    %iota3A = tpu.iota {dimensions = array<i32: 1>} : vector<1000x16xi32>
    %eq3A_122 = vector.broadcast %get3A_121 : vector<1000x1xi32> to vector<1000x16xi32>
    %eq3A_123 = arith.cmpi eq, %eq3A_122, %iota3A : vector<1000x16xi32>
    %convert_element_type3A_124 = arith.extui %eq3A_123 : vector<1000x16xi1> to vector<1000x16xi32>
    %convert_element_type3A_125 = arith.sitofp %convert_element_type3A_124 : vector<1000x16xi32> to vector<1000x16xf32>
    %get3A_126 = arith.constant 0 : index
    %get3A_127 = arith.constant 0 : index
    %get3A_128 = vector.load %arg14[%get3A_126, %get3A_127] : memref<16x64xf32, #tpu.memory_space<vmem>>, vector<16x64xf32>
    %dot_general3A_129 = arith.constant dense<0.000000e+00> : vector<16x64xf32>
    %dot_general3A_130 = tpu.matmul %convert_element_type3A_125, %add3A_118, %dot_general3A_129 {dimension_numbers = #tpu.dot_dimension_numbers<[0], [0], [1], [1], [0, 1, 1, 1], [], []>, transpose_lhs_hint = false} : vector<1000x16xf32>, vector<1000x64xf32>, vector<16x64xf32> -> vector<16x64xf32>
    %add3A_131 = arith.addf %get3A_128, %dot_general3A_130 : vector<16x64xf32>
    %swap3A = arith.constant 0 : index
    %swap3A_132 = arith.constant 0 : index
    %swap3A_133 = vector.load %arg14[%swap3A, %swap3A_132] : memref<16x64xf32, #tpu.memory_space<vmem>>, vector<16x64xf32>
    tpu.vector_store %arg14[%swap3A, %swap3A_132], %add3A_131 {strides = array<i32>} : memref<16x64xf32, #tpu.memory_space<vmem>>, vector<16x64xf32>,
    %get3A_134 = arith.constant 0 : index
    %get3A_135 = arith.constant 0 : index
    %get3A_136 = vector.load %arg15[%get3A_134, %get3A_135] : memref<16x64xf32, #tpu.memory_space<vmem>>, vector<16x64xf32>
    %broadcast_in_dim3A_137 = arith.constant 1.000000e+00 : f32
    %broadcast_in_dim3A_138 = vector.broadcast %broadcast_in_dim3A_137 : f32 to vector<1000x64xf32>
    %dot_general3A_139 = arith.constant dense<0.000000e+00> : vector<16x64xf32>
    %dot_general3A_140 = tpu.matmul %convert_element_type3A_125, %broadcast_in_dim3A_138, %dot_general3A_139 {dimension_numbers = #tpu.dot_dimension_numbers<[0], [0], [1], [1], [0, 1, 1, 1], [], []>, transpose_lhs_hint = false} : vector<1000x16xf32>, vector<1000x64xf32>, vector<16x64xf32> -> vector<16x64xf32>
    %add3A_141 = arith.addf %get3A_136, %dot_general3A_140 : vector<16x64xf32>
    %swap3A_142 = arith.constant 0 : index
    %swap3A_143 = arith.constant 0 : index
    %swap3A_144 = vector.load %arg15[%swap3A_142, %swap3A_143] : memref<16x64xf32, #tpu.memory_space<vmem>>, vector<16x64xf32>
    tpu.vector_store %arg15[%swap3A_142, %swap3A_143], %add3A_141 {strides = array<i32>} : memref<16x64xf32, #tpu.memory_space<vmem>>, vector<16x64xf32>,
    %eq3A_145 = arith.constant 0 : i32
    %eq3A_146 = vector.broadcast %eq3A_145 : i32 to vector<1000x1xi32>
    %eq3A_147 = arith.cmpi eq, %get3A_121, %eq3A_146 : vector<1000x1xi32>
    %jit3A = arith.constant 0xFF800000 : f32
    %broadcast_in_dim3A_148 = vector.shape_cast %eq3A_147 : vector<1000x1xi1> to vector<1000x1xi1>
    %broadcast_in_dim3A_149 = vector.broadcast %broadcast_in_dim3A_148 : vector<1000x1xi1> to vector<1000x64xi1>
    %broadcast_in_dim3A_150 = vector.broadcast %jit3A : f32 to vector<1000x64xf32>
    %select_n3A = arith.select %broadcast_in_dim3A_149, %add3A_118, %broadcast_in_dim3A_150 : vector<1000x64xi1>, vector<1000x64xf32>
    %get3A_151 = arith.constant 0 : index
    %get3A_152 = arith.constant 0 : index
    %get3A_153 = vector.load %arg16[%get3A_151, %get3A_152] : memref<16x64xf32, #tpu.memory_space<vmem>>, vector<1x64xf32>
    %reduce_max3A_154 = arith.constant dense<0xFF800000> : vector<64xf32>
    %reduce_max3A_155 = vector.multi_reduction <maximumf>, %select_n3A, %reduce_max3A_154 [0] : vector<1000x64xf32> to vector<64xf32>
    %broadcast_in_dim3A_156 = vector.shape_cast %reduce_max3A_155 : vector<64xf32> to vector<1x64xf32>
    %max3A = arith.maximumf %get3A_153, %broadcast_in_dim3A_156 : vector<1x64xf32>
    %swap3A_157 = arith.constant 0 : index
    %swap3A_158 = arith.constant 0 : index
    %swap3A_159 = vector.load %arg16[%swap3A_157, %swap3A_158] : memref<16x64xf32, #tpu.memory_space<vmem>>, vector<1x64xf32>
    tpu.vector_store %arg16[%swap3A_157, %swap3A_158], %max3A {strides = array<i32>} : memref<16x64xf32, #tpu.memory_space<vmem>>, vector<1x64xf32>,
    %eq3A_160 = arith.constant 1 : i32
    %eq3A_161 = vector.broadcast %eq3A_160 : i32 to vector<1000x1xi32>
    %eq3A_162 = arith.cmpi eq, %get3A_121, %eq3A_161 : vector<1000x1xi32>
    %jit3A_163 = arith.constant 0xFF800000 : f32
    %broadcast_in_dim3A_164 = vector.shape_cast %eq3A_162 : vector<1000x1xi1> to vector<1000x1xi1>
    %broadcast_in_dim3A_165 = vector.broadcast %broadcast_in_dim3A_164 : vector<1000x1xi1> to vector<1000x64xi1>
    %broadcast_in_dim3A_166 = vector.broadcast %jit3A_163 : f32 to vector<1000x64xf32>
    %select_n3A_167 = arith.select %broadcast_in_dim3A_165, %add3A_118, %broadcast_in_dim3A_166 : vector<1000x64xi1>, vector<1000x64xf32>
    %get3A_168 = arith.constant 1 : index
    %get3A_169 = arith.constant 0 : index
    %get3A_170 = vector.load %arg16[%get3A_168, %get3A_169] : memref<16x64xf32, #tpu.memory_space<vmem>>, vector<1x64xf32>
    %reduce_max3A_171 = arith.constant dense<0xFF800000> : vector<64xf32>
    %reduce_max3A_172 = vector.multi_reduction <maximumf>, %select_n3A_167, %reduce_max3A_171 [0] : vector<1000x64xf32> to vector<64xf32>
    %broadcast_in_dim3A_173 = vector.shape_cast %reduce_max3A_172 : vector<64xf32> to vector<1x64xf32>
    %max3A_174 = arith.maximumf %get3A_170, %broadcast_in_dim3A_173 : vector<1x64xf32>
    %swap3A_175 = arith.constant 1 : index
    %swap3A_176 = arith.constant 0 : index
    %swap3A_177 = vector.load %arg16[%swap3A_175, %swap3A_176] : memref<16x64xf32, #tpu.memory_space<vmem>>, vector<1x64xf32>
    tpu.vector_store %arg16[%swap3A_175, %swap3A_176], %max3A_174 {strides = array<i32>} : memref<16x64xf32, #tpu.memory_space<vmem>>, vector<1x64xf32>,
    %eq3A_178 = arith.constant 2 : i32
    %eq3A_179 = vector.broadcast %eq3A_178 : i32 to vector<1000x1xi32>
    %eq3A_180 = arith.cmpi eq, %get3A_121, %eq3A_179 : vector<1000x1xi32>
    %jit3A_181 = arith.constant 0xFF800000 : f32
    %broadcast_in_dim3A_182 = vector.shape_cast %eq3A_180 : vector<1000x1xi1> to vector<1000x1xi1>
    %broadcast_in_dim3A_183 = vector.broadcast %broadcast_in_dim3A_182 : vector<1000x1xi1> to vector<1000x64xi1>
    %broadcast_in_dim3A_184 = vector.broadcast %jit3A_181 : f32 to vector<1000x64xf32>
    %select_n3A_185 = arith.select %broadcast_in_dim3A_183, %add3A_118, %broadcast_in_dim3A_184 : vector<1000x64xi1>, vector<1000x64xf32>
    %get3A_186 = arith.constant 2 : index
    %get3A_187 = arith.constant 0 : index
    %get3A_188 = vector.load %arg16[%get3A_186, %get3A_187] : memref<16x64xf32, #tpu.memory_space<vmem>>, vector<1x64xf32>
    %reduce_max3A_189 = arith.constant dense<0xFF800000> : vector<64xf32>
    %reduce_max3A_190 = vector.multi_reduction <maximumf>, %select_n3A_185, %reduce_max3A_189 [0] : vector<1000x64xf32> to vector<64xf32>
    %broadcast_in_dim3A_191 = vector.shape_cast %reduce_max3A_190 : vector<64xf32> to vector<1x64xf32>
    %max3A_192 = arith.maximumf %get3A_188, %broadcast_in_dim3A_191 : vector<1x64xf32>
    %swap3A_193 = arith.constant 2 : index
    %swap3A_194 = arith.constant 0 : index
    %swap3A_195 = vector.load %arg16[%swap3A_193, %swap3A_194] : memref<16x64xf32, #tpu.memory_space<vmem>>, vector<1x64xf32>
    tpu.vector_store %arg16[%swap3A_193, %swap3A_194], %max3A_192 {strides = array<i32>} : memref<16x64xf32, #tpu.memory_space<vmem>>, vector<1x64xf32>,
    %eq3A_196 = arith.constant 3 : i32
    %eq3A_197 = vector.broadcast %eq3A_196 : i32 to vector<1000x1xi32>
    %eq3A_198 = arith.cmpi eq, %get3A_121, %eq3A_197 : vector<1000x1xi32>
    %jit3A_199 = arith.constant 0xFF800000 : f32
    %broadcast_in_dim3A_200 = vector.shape_cast %eq3A_198 : vector<1000x1xi1> to vector<1000x1xi1>
    %broadcast_in_dim3A_201 = vector.broadcast %broadcast_in_dim3A_200 : vector<1000x1xi1> to vector<1000x64xi1>
    %broadcast_in_dim3A_202 = vector.broadcast %jit3A_199 : f32 to vector<1000x64xf32>
    %select_n3A_203 = arith.select %broadcast_in_dim3A_201, %add3A_118, %broadcast_in_dim3A_202 : vector<1000x64xi1>, vector<1000x64xf32>
    %get3A_204 = arith.constant 3 : index
    %get3A_205 = arith.constant 0 : index
    %get3A_206 = vector.load %arg16[%get3A_204, %get3A_205] : memref<16x64xf32, #tpu.memory_space<vmem>>, vector<1x64xf32>
    %reduce_max3A_207 = arith.constant dense<0xFF800000> : vector<64xf32>
    %reduce_max3A_208 = vector.multi_reduction <maximumf>, %select_n3A_203, %reduce_max3A_207 [0] : vector<1000x64xf32> to vector<64xf32>
    %broadcast_in_dim3A_209 = vector.shape_cast %reduce_max3A_208 : vector<64xf32> to vector<1x64xf32>
    %max3A_210 = arith.maximumf %get3A_206, %broadcast_in_dim3A_209 : vector<1x64xf32>
    %swap3A_211 = arith.constant 3 : index
    %swap3A_212 = arith.constant 0 : index
    %swap3A_213 = vector.load %arg16[%swap3A_211, %swap3A_212] : memref<16x64xf32, #tpu.memory_space<vmem>>, vector<1x64xf32>
    tpu.vector_store %arg16[%swap3A_211, %swap3A_212], %max3A_210 {strides = array<i32>} : memref<16x64xf32, #tpu.memory_space<vmem>>, vector<1x64xf32>,
    %eq3A_214 = arith.constant 4 : i32
    %eq3A_215 = vector.broadcast %eq3A_214 : i32 to vector<1000x1xi32>
    %eq3A_216 = arith.cmpi eq, %get3A_121, %eq3A_215 : vector<1000x1xi32>
    %jit3A_217 = arith.constant 0xFF800000 : f32
    %broadcast_in_dim3A_218 = vector.shape_cast %eq3A_216 : vector<1000x1xi1> to vector<1000x1xi1>
    %broadcast_in_dim3A_219 = vector.broadcast %broadcast_in_dim3A_218 : vector<1000x1xi1> to vector<1000x64xi1>
    %broadcast_in_dim3A_220 = vector.broadcast %jit3A_217 : f32 to vector<1000x64xf32>
    %select_n3A_221 = arith.select %broadcast_in_dim3A_219, %add3A_118, %broadcast_in_dim3A_220 : vector<1000x64xi1>, vector<1000x64xf32>
    %get3A_222 = arith.constant 4 : index
    %get3A_223 = arith.constant 0 : index
    %get3A_224 = vector.load %arg16[%get3A_222, %get3A_223] : memref<16x64xf32, #tpu.memory_space<vmem>>, vector<1x64xf32>
    %reduce_max3A_225 = arith.constant dense<0xFF800000> : vector<64xf32>
    %reduce_max3A_226 = vector.multi_reduction <maximumf>, %select_n3A_221, %reduce_max3A_225 [0] : vector<1000x64xf32> to vector<64xf32>
    %broadcast_in_dim3A_227 = vector.shape_cast %reduce_max3A_226 : vector<64xf32> to vector<1x64xf32>
    %max3A_228 = arith.maximumf %get3A_224, %broadcast_in_dim3A_227 : vector<1x64xf32>
    %swap3A_229 = arith.constant 4 : index
    %swap3A_230 = arith.constant 0 : index
    %swap3A_231 = vector.load %arg16[%swap3A_229, %swap3A_230] : memref<16x64xf32, #tpu.memory_space<vmem>>, vector<1x64xf32>
    tpu.vector_store %arg16[%swap3A_229, %swap3A_230], %max3A_228 {strides = array<i32>} : memref<16x64xf32, #tpu.memory_space<vmem>>, vector<1x64xf32>,
    %eq3A_232 = arith.constant 5 : i32
    %eq3A_233 = vector.broadcast %eq3A_232 : i32 to vector<1000x1xi32>
    %eq3A_234 = arith.cmpi eq, %get3A_121, %eq3A_233 : vector<1000x1xi32>
    %jit3A_235 = arith.constant 0xFF800000 : f32
    %broadcast_in_dim3A_236 = vector.shape_cast %eq3A_234 : vector<1000x1xi1> to vector<1000x1xi1>
    %broadcast_in_dim3A_237 = vector.broadcast %broadcast_in_dim3A_236 : vector<1000x1xi1> to vector<1000x64xi1>
    %broadcast_in_dim3A_238 = vector.broadcast %jit3A_235 : f32 to vector<1000x64xf32>
    %select_n3A_239 = arith.select %broadcast_in_dim3A_237, %add3A_118, %broadcast_in_dim3A_238 : vector<1000x64xi1>, vector<1000x64xf32>
    %get3A_240 = arith.constant 5 : index
    %get3A_241 = arith.constant 0 : index
    %get3A_242 = vector.load %arg16[%get3A_240, %get3A_241] : memref<16x64xf32, #tpu.memory_space<vmem>>, vector<1x64xf32>
    %reduce_max3A_243 = arith.constant dense<0xFF800000> : vector<64xf32>
    %reduce_max3A_244 = vector.multi_reduction <maximumf>, %select_n3A_239, %reduce_max3A_243 [0] : vector<1000x64xf32> to vector<64xf32>
    %broadcast_in_dim3A_245 = vector.shape_cast %reduce_max3A_244 : vector<64xf32> to vector<1x64xf32>
    %max3A_246 = arith.maximumf %get3A_242, %broadcast_in_dim3A_245 : vector<1x64xf32>
    %swap3A_247 = arith.constant 5 : index
    %swap3A_248 = arith.constant 0 : index
    %swap3A_249 = vector.load %arg16[%swap3A_247, %swap3A_248] : memref<16x64xf32, #tpu.memory_space<vmem>>, vector<1x64xf32>
    tpu.vector_store %arg16[%swap3A_247, %swap3A_248], %max3A_246 {strides = array<i32>} : memref<16x64xf32, #tpu.memory_space<vmem>>, vector<1x64xf32>,
    %eq3A_250 = arith.constant 6 : i32
    %eq3A_251 = vector.broadcast %eq3A_250 : i32 to vector<1000x1xi32>
    %eq3A_252 = arith.cmpi eq, %get3A_121, %eq3A_251 : vector<1000x1xi32>
    %jit3A_253 = arith.constant 0xFF800000 : f32
    %broadcast_in_dim3A_254 = vector.shape_cast %eq3A_252 : vector<1000x1xi1> to vector<1000x1xi1>
    %broadcast_in_dim3A_255 = vector.broadcast %broadcast_in_dim3A_254 : vector<1000x1xi1> to vector<1000x64xi1>
    %broadcast_in_dim3A_256 = vector.broadcast %jit3A_253 : f32 to vector<1000x64xf32>
    %select_n3A_257 = arith.select %broadcast_in_dim3A_255, %add3A_118, %broadcast_in_dim3A_256 : vector<1000x64xi1>, vector<1000x64xf32>
    %get3A_258 = arith.constant 6 : index
    %get3A_259 = arith.constant 0 : index
    %get3A_260 = vector.load %arg16[%get3A_258, %get3A_259] : memref<16x64xf32, #tpu.memory_space<vmem>>, vector<1x64xf32>
    %reduce_max3A_261 = arith.constant dense<0xFF800000> : vector<64xf32>
    %reduce_max3A_262 = vector.multi_reduction <maximumf>, %select_n3A_257, %reduce_max3A_261 [0] : vector<1000x64xf32> to vector<64xf32>
    %broadcast_in_dim3A_263 = vector.shape_cast %reduce_max3A_262 : vector<64xf32> to vector<1x64xf32>
    %max3A_264 = arith.maximumf %get3A_260, %broadcast_in_dim3A_263 : vector<1x64xf32>
    %swap3A_265 = arith.constant 6 : index
    %swap3A_266 = arith.constant 0 : index
    %swap3A_267 = vector.load %arg16[%swap3A_265, %swap3A_266] : memref<16x64xf32, #tpu.memory_space<vmem>>, vector<1x64xf32>
    tpu.vector_store %arg16[%swap3A_265, %swap3A_266], %max3A_264 {strides = array<i32>} : memref<16x64xf32, #tpu.memory_space<vmem>>, vector<1x64xf32>,
    %eq3A_268 = arith.constant 7 : i32
    %eq3A_269 = vector.broadcast %eq3A_268 : i32 to vector<1000x1xi32>
    %eq3A_270 = arith.cmpi eq, %get3A_121, %eq3A_269 : vector<1000x1xi32>
    %jit3A_271 = arith.constant 0xFF800000 : f32
    %broadcast_in_dim3A_272 = vector.shape_cast %eq3A_270 : vector<1000x1xi1> to vector<1000x1xi1>
    %broadcast_in_dim3A_273 = vector.broadcast %broadcast_in_dim3A_272 : vector<1000x1xi1> to vector<1000x64xi1>
    %broadcast_in_dim3A_274 = vector.broadcast %jit3A_271 : f32 to vector<1000x64xf32>
    %select_n3A_275 = arith.select %broadcast_in_dim3A_273, %add3A_118, %broadcast_in_dim3A_274 : vector<1000x64xi1>, vector<1000x64xf32>
    %get3A_276 = arith.constant 7 : index
    %get3A_277 = arith.constant 0 : index
    %get3A_278 = vector.load %arg16[%get3A_276, %get3A_277] : memref<16x64xf32, #tpu.memory_space<vmem>>, vector<1x64xf32>
    %reduce_max3A_279 = arith.constant dense<0xFF800000> : vector<64xf32>
    %reduce_max3A_280 = vector.multi_reduction <maximumf>, %select_n3A_275, %reduce_max3A_279 [0] : vector<1000x64xf32> to vector<64xf32>
    %broadcast_in_dim3A_281 = vector.shape_cast %reduce_max3A_280 : vector<64xf32> to vector<1x64xf32>
    %max3A_282 = arith.maximumf %get3A_278, %broadcast_in_dim3A_281 : vector<1x64xf32>
    %swap3A_283 = arith.constant 7 : index
    %swap3A_284 = arith.constant 0 : index
    %swap3A_285 = vector.load %arg16[%swap3A_283, %swap3A_284] : memref<16x64xf32, #tpu.memory_space<vmem>>, vector<1x64xf32>
    tpu.vector_store %arg16[%swap3A_283, %swap3A_284], %max3A_282 {strides = array<i32>} : memref<16x64xf32, #tpu.memory_space<vmem>>, vector<1x64xf32>,
    %eq3A_286 = arith.constant 8 : i32
    %eq3A_287 = vector.broadcast %eq3A_286 : i32 to vector<1000x1xi32>
    %eq3A_288 = arith.cmpi eq, %get3A_121, %eq3A_287 : vector<1000x1xi32>
    %jit3A_289 = arith.constant 0xFF800000 : f32
    %broadcast_in_dim3A_290 = vector.shape_cast %eq3A_288 : vector<1000x1xi1> to vector<1000x1xi1>
    %broadcast_in_dim3A_291 = vector.broadcast %broadcast_in_dim3A_290 : vector<1000x1xi1> to vector<1000x64xi1>
    %broadcast_in_dim3A_292 = vector.broadcast %jit3A_289 : f32 to vector<1000x64xf32>
    %select_n3A_293 = arith.select %broadcast_in_dim3A_291, %add3A_118, %broadcast_in_dim3A_292 : vector<1000x64xi1>, vector<1000x64xf32>
    %get3A_294 = arith.constant 8 : index
    %get3A_295 = arith.constant 0 : index
    %get3A_296 = vector.load %arg16[%get3A_294, %get3A_295] : memref<16x64xf32, #tpu.memory_space<vmem>>, vector<1x64xf32>
    %reduce_max3A_297 = arith.constant dense<0xFF800000> : vector<64xf32>
    %reduce_max3A_298 = vector.multi_reduction <maximumf>, %select_n3A_293, %reduce_max3A_297 [0] : vector<1000x64xf32> to vector<64xf32>
    %broadcast_in_dim3A_299 = vector.shape_cast %reduce_max3A_298 : vector<64xf32> to vector<1x64xf32>
    %max3A_300 = arith.maximumf %get3A_296, %broadcast_in_dim3A_299 : vector<1x64xf32>
    %swap3A_301 = arith.constant 8 : index
    %swap3A_302 = arith.constant 0 : index
    %swap3A_303 = vector.load %arg16[%swap3A_301, %swap3A_302] : memref<16x64xf32, #tpu.memory_space<vmem>>, vector<1x64xf32>
    tpu.vector_store %arg16[%swap3A_301, %swap3A_302], %max3A_300 {strides = array<i32>} : memref<16x64xf32, #tpu.memory_space<vmem>>, vector<1x64xf32>,
    %eq3A_304 = arith.constant 9 : i32
    %eq3A_305 = vector.broadcast %eq3A_304 : i32 to vector<1000x1xi32>
    %eq3A_306 = arith.cmpi eq, %get3A_121, %eq3A_305 : vector<1000x1xi32>
    %jit3A_307 = arith.constant 0xFF800000 : f32
    %broadcast_in_dim3A_308 = vector.shape_cast %eq3A_306 : vector<1000x1xi1> to vector<1000x1xi1>
    %broadcast_in_dim3A_309 = vector.broadcast %broadcast_in_dim3A_308 : vector<1000x1xi1> to vector<1000x64xi1>
    %broadcast_in_dim3A_310 = vector.broadcast %jit3A_307 : f32 to vector<1000x64xf32>
    %select_n3A_311 = arith.select %broadcast_in_dim3A_309, %add3A_118, %broadcast_in_dim3A_310 : vector<1000x64xi1>, vector<1000x64xf32>
    %get3A_312 = arith.constant 9 : index
    %get3A_313 = arith.constant 0 : index
    %get3A_314 = vector.load %arg16[%get3A_312, %get3A_313] : memref<16x64xf32, #tpu.memory_space<vmem>>, vector<1x64xf32>
    %reduce_max3A_315 = arith.constant dense<0xFF800000> : vector<64xf32>
    %reduce_max3A_316 = vector.multi_reduction <maximumf>, %select_n3A_311, %reduce_max3A_315 [0] : vector<1000x64xf32> to vector<64xf32>
    %broadcast_in_dim3A_317 = vector.shape_cast %reduce_max3A_316 : vector<64xf32> to vector<1x64xf32>
    %max3A_318 = arith.maximumf %get3A_314, %broadcast_in_dim3A_317 : vector<1x64xf32>
    %swap3A_319 = arith.constant 9 : index
    %swap3A_320 = arith.constant 0 : index
    %swap3A_321 = vector.load %arg16[%swap3A_319, %swap3A_320] : memref<16x64xf32, #tpu.memory_space<vmem>>, vector<1x64xf32>
    tpu.vector_store %arg16[%swap3A_319, %swap3A_320], %max3A_318 {strides = array<i32>} : memref<16x64xf32, #tpu.memory_space<vmem>>, vector<1x64xf32>,
    %eq3A_322 = arith.constant 10 : i32
    %eq3A_323 = vector.broadcast %eq3A_322 : i32 to vector<1000x1xi32>
    %eq3A_324 = arith.cmpi eq, %get3A_121, %eq3A_323 : vector<1000x1xi32>
    %jit3A_325 = arith.constant 0xFF800000 : f32
    %broadcast_in_dim3A_326 = vector.shape_cast %eq3A_324 : vector<1000x1xi1> to vector<1000x1xi1>
    %broadcast_in_dim3A_327 = vector.broadcast %broadcast_in_dim3A_326 : vector<1000x1xi1> to vector<1000x64xi1>
    %broadcast_in_dim3A_328 = vector.broadcast %jit3A_325 : f32 to vector<1000x64xf32>
    %select_n3A_329 = arith.select %broadcast_in_dim3A_327, %add3A_118, %broadcast_in_dim3A_328 : vector<1000x64xi1>, vector<1000x64xf32>
    %get3A_330 = arith.constant 10 : index
    %get3A_331 = arith.constant 0 : index
    %get3A_332 = vector.load %arg16[%get3A_330, %get3A_331] : memref<16x64xf32, #tpu.memory_space<vmem>>, vector<1x64xf32>
    %reduce_max3A_333 = arith.constant dense<0xFF800000> : vector<64xf32>
    %reduce_max3A_334 = vector.multi_reduction <maximumf>, %select_n3A_329, %reduce_max3A_333 [0] : vector<1000x64xf32> to vector<64xf32>
    %broadcast_in_dim3A_335 = vector.shape_cast %reduce_max3A_334 : vector<64xf32> to vector<1x64xf32>
    %max3A_336 = arith.maximumf %get3A_332, %broadcast_in_dim3A_335 : vector<1x64xf32>
    %swap3A_337 = arith.constant 10 : index
    %swap3A_338 = arith.constant 0 : index
    %swap3A_339 = vector.load %arg16[%swap3A_337, %swap3A_338] : memref<16x64xf32, #tpu.memory_space<vmem>>, vector<1x64xf32>
    tpu.vector_store %arg16[%swap3A_337, %swap3A_338], %max3A_336 {strides = array<i32>} : memref<16x64xf32, #tpu.memory_space<vmem>>, vector<1x64xf32>,
    %eq3A_340 = arith.constant 11 : i32
    %eq3A_341 = vector.broadcast %eq3A_340 : i32 to vector<1000x1xi32>
    %eq3A_342 = arith.cmpi eq, %get3A_121, %eq3A_341 : vector<1000x1xi32>
    %jit3A_343 = arith.constant 0xFF800000 : f32
    %broadcast_in_dim3A_344 = vector.shape_cast %eq3A_342 : vector<1000x1xi1> to vector<1000x1xi1>
    %broadcast_in_dim3A_345 = vector.broadcast %broadcast_in_dim3A_344 : vector<1000x1xi1> to vector<1000x64xi1>
    %broadcast_in_dim3A_346 = vector.broadcast %jit3A_343 : f32 to vector<1000x64xf32>
    %select_n3A_347 = arith.select %broadcast_in_dim3A_345, %add3A_118, %broadcast_in_dim3A_346 : vector<1000x64xi1>, vector<1000x64xf32>
    %get3A_348 = arith.constant 11 : index
    %get3A_349 = arith.constant 0 : index
    %get3A_350 = vector.load %arg16[%get3A_348, %get3A_349] : memref<16x64xf32, #tpu.memory_space<vmem>>, vector<1x64xf32>
    %reduce_max3A_351 = arith.constant dense<0xFF800000> : vector<64xf32>
    %reduce_max3A_352 = vector.multi_reduction <maximumf>, %select_n3A_347, %reduce_max3A_351 [0] : vector<1000x64xf32> to vector<64xf32>
    %broadcast_in_dim3A_353 = vector.shape_cast %reduce_max3A_352 : vector<64xf32> to vector<1x64xf32>
    %max3A_354 = arith.maximumf %get3A_350, %broadcast_in_dim3A_353 : vector<1x64xf32>
    %swap3A_355 = arith.constant 11 : index
    %swap3A_356 = arith.constant 0 : index
    %swap3A_357 = vector.load %arg16[%swap3A_355, %swap3A_356] : memref<16x64xf32, #tpu.memory_space<vmem>>, vector<1x64xf32>
    tpu.vector_store %arg16[%swap3A_355, %swap3A_356], %max3A_354 {strides = array<i32>} : memref<16x64xf32, #tpu.memory_space<vmem>>, vector<1x64xf32>,
    %eq3A_358 = arith.constant 12 : i32
    %eq3A_359 = vector.broadcast %eq3A_358 : i32 to vector<1000x1xi32>
    %eq3A_360 = arith.cmpi eq, %get3A_121, %eq3A_359 : vector<1000x1xi32>
    %jit3A_361 = arith.constant 0xFF800000 : f32
    %broadcast_in_dim3A_362 = vector.shape_cast %eq3A_360 : vector<1000x1xi1> to vector<1000x1xi1>
    %broadcast_in_dim3A_363 = vector.broadcast %broadcast_in_dim3A_362 : vector<1000x1xi1> to vector<1000x64xi1>
    %broadcast_in_dim3A_364 = vector.broadcast %jit3A_361 : f32 to vector<1000x64xf32>
    %select_n3A_365 = arith.select %broadcast_in_dim3A_363, %add3A_118, %broadcast_in_dim3A_364 : vector<1000x64xi1>, vector<1000x64xf32>
    %get3A_366 = arith.constant 12 : index
    %get3A_367 = arith.constant 0 : index
    %get3A_368 = vector.load %arg16[%get3A_366, %get3A_367] : memref<16x64xf32, #tpu.memory_space<vmem>>, vector<1x64xf32>
    %reduce_max3A_369 = arith.constant dense<0xFF800000> : vector<64xf32>
    %reduce_max3A_370 = vector.multi_reduction <maximumf>, %select_n3A_365, %reduce_max3A_369 [0] : vector<1000x64xf32> to vector<64xf32>
    %broadcast_in_dim3A_371 = vector.shape_cast %reduce_max3A_370 : vector<64xf32> to vector<1x64xf32>
    %max3A_372 = arith.maximumf %get3A_368, %broadcast_in_dim3A_371 : vector<1x64xf32>
    %swap3A_373 = arith.constant 12 : index
    %swap3A_374 = arith.constant 0 : index
    %swap3A_375 = vector.load %arg16[%swap3A_373, %swap3A_374] : memref<16x64xf32, #tpu.memory_space<vmem>>, vector<1x64xf32>
    tpu.vector_store %arg16[%swap3A_373, %swap3A_374], %max3A_372 {strides = array<i32>} : memref<16x64xf32, #tpu.memory_space<vmem>>, vector<1x64xf32>,
    %eq3A_376 = arith.constant 13 : i32
    %eq3A_377 = vector.broadcast %eq3A_376 : i32 to vector<1000x1xi32>
    %eq3A_378 = arith.cmpi eq, %get3A_121, %eq3A_377 : vector<1000x1xi32>
    %jit3A_379 = arith.constant 0xFF800000 : f32
    %broadcast_in_dim3A_380 = vector.shape_cast %eq3A_378 : vector<1000x1xi1> to vector<1000x1xi1>
    %broadcast_in_dim3A_381 = vector.broadcast %broadcast_in_dim3A_380 : vector<1000x1xi1> to vector<1000x64xi1>
    %broadcast_in_dim3A_382 = vector.broadcast %jit3A_379 : f32 to vector<1000x64xf32>
    %select_n3A_383 = arith.select %broadcast_in_dim3A_381, %add3A_118, %broadcast_in_dim3A_382 : vector<1000x64xi1>, vector<1000x64xf32>
    %get3A_384 = arith.constant 13 : index
    %get3A_385 = arith.constant 0 : index
    %get3A_386 = vector.load %arg16[%get3A_384, %get3A_385] : memref<16x64xf32, #tpu.memory_space<vmem>>, vector<1x64xf32>
    %reduce_max3A_387 = arith.constant dense<0xFF800000> : vector<64xf32>
    %reduce_max3A_388 = vector.multi_reduction <maximumf>, %select_n3A_383, %reduce_max3A_387 [0] : vector<1000x64xf32> to vector<64xf32>
    %broadcast_in_dim3A_389 = vector.shape_cast %reduce_max3A_388 : vector<64xf32> to vector<1x64xf32>
    %max3A_390 = arith.maximumf %get3A_386, %broadcast_in_dim3A_389 : vector<1x64xf32>
    %swap3A_391 = arith.constant 13 : index
    %swap3A_392 = arith.constant 0 : index
    %swap3A_393 = vector.load %arg16[%swap3A_391, %swap3A_392] : memref<16x64xf32, #tpu.memory_space<vmem>>, vector<1x64xf32>
    tpu.vector_store %arg16[%swap3A_391, %swap3A_392], %max3A_390 {strides = array<i32>} : memref<16x64xf32, #tpu.memory_space<vmem>>, vector<1x64xf32>,
    %eq3A_394 = arith.constant 14 : i32
    %eq3A_395 = vector.broadcast %eq3A_394 : i32 to vector<1000x1xi32>
    %eq3A_396 = arith.cmpi eq, %get3A_121, %eq3A_395 : vector<1000x1xi32>
    %jit3A_397 = arith.constant 0xFF800000 : f32
    %broadcast_in_dim3A_398 = vector.shape_cast %eq3A_396 : vector<1000x1xi1> to vector<1000x1xi1>
    %broadcast_in_dim3A_399 = vector.broadcast %broadcast_in_dim3A_398 : vector<1000x1xi1> to vector<1000x64xi1>
    %broadcast_in_dim3A_400 = vector.broadcast %jit3A_397 : f32 to vector<1000x64xf32>
    %select_n3A_401 = arith.select %broadcast_in_dim3A_399, %add3A_118, %broadcast_in_dim3A_400 : vector<1000x64xi1>, vector<1000x64xf32>
    %get3A_402 = arith.constant 14 : index
    %get3A_403 = arith.constant 0 : index
    %get3A_404 = vector.load %arg16[%get3A_402, %get3A_403] : memref<16x64xf32, #tpu.memory_space<vmem>>, vector<1x64xf32>
    %reduce_max3A_405 = arith.constant dense<0xFF800000> : vector<64xf32>
    %reduce_max3A_406 = vector.multi_reduction <maximumf>, %select_n3A_401, %reduce_max3A_405 [0] : vector<1000x64xf32> to vector<64xf32>
    %broadcast_in_dim3A_407 = vector.shape_cast %reduce_max3A_406 : vector<64xf32> to vector<1x64xf32>
    %max3A_408 = arith.maximumf %get3A_404, %broadcast_in_dim3A_407 : vector<1x64xf32>
    %swap3A_409 = arith.constant 14 : index
    %swap3A_410 = arith.constant 0 : index
    %swap3A_411 = vector.load %arg16[%swap3A_409, %swap3A_410] : memref<16x64xf32, #tpu.memory_space<vmem>>, vector<1x64xf32>
    tpu.vector_store %arg16[%swap3A_409, %swap3A_410], %max3A_408 {strides = array<i32>} : memref<16x64xf32, #tpu.memory_space<vmem>>, vector<1x64xf32>,
    %eq3A_412 = arith.constant 15 : i32
    %eq3A_413 = vector.broadcast %eq3A_412 : i32 to vector<1000x1xi32>
    %eq3A_414 = arith.cmpi eq, %get3A_121, %eq3A_413 : vector<1000x1xi32>
    %jit3A_415 = arith.constant 0xFF800000 : f32
    %broadcast_in_dim3A_416 = vector.shape_cast %eq3A_414 : vector<1000x1xi1> to vector<1000x1xi1>
    %broadcast_in_dim3A_417 = vector.broadcast %broadcast_in_dim3A_416 : vector<1000x1xi1> to vector<1000x64xi1>
    %broadcast_in_dim3A_418 = vector.broadcast %jit3A_415 : f32 to vector<1000x64xf32>
    %select_n3A_419 = arith.select %broadcast_in_dim3A_417, %add3A_118, %broadcast_in_dim3A_418 : vector<1000x64xi1>, vector<1000x64xf32>
    %get3A_420 = arith.constant 15 : index
    %get3A_421 = arith.constant 0 : index
    %get3A_422 = vector.load %arg16[%get3A_420, %get3A_421] : memref<16x64xf32, #tpu.memory_space<vmem>>, vector<1x64xf32>
    %reduce_max3A_423 = arith.constant dense<0xFF800000> : vector<64xf32>
    %reduce_max3A_424 = vector.multi_reduction <maximumf>, %select_n3A_419, %reduce_max3A_423 [0] : vector<1000x64xf32> to vector<64xf32>
    %broadcast_in_dim3A_425 = vector.shape_cast %reduce_max3A_424 : vector<64xf32> to vector<1x64xf32>
    %max3A_426 = arith.maximumf %get3A_422, %broadcast_in_dim3A_425 : vector<1x64xf32>
    %swap3A_427 = arith.constant 15 : index
    %swap3A_428 = arith.constant 0 : index
    %swap3A_429 = vector.load %arg16[%swap3A_427, %swap3A_428] : memref<16x64xf32, #tpu.memory_space<vmem>>, vector<1x64xf32>
    tpu.vector_store %arg16[%swap3A_427, %swap3A_428], %max3A_426 {strides = array<i32>} : memref<16x64xf32, #tpu.memory_space<vmem>>, vector<1x64xf32>,
    return
  }
  func.func @transform_0(%arg0: i32) -> (i32, i32) {
    %c0_i32 = arith.constant 0 : i32
    %c0_i32_0 = arith.constant 0 : i32
    return %arg0, %c0_i32 : i32, i32
  }
  func.func @transform_1(%arg0: i32) -> (i32, i32, i32) {
    %c0_i32 = arith.constant 0 : i32
    %c0_i32_0 = arith.constant 0 : i32
    %c0_i32_1 = arith.constant 0 : i32
    return %c0_i32, %arg0, %c0_i32_0 : i32, i32, i32
  }
  func.func @transform_2(%arg0: i32) -> (i32, i32) {
    %c0_i32 = arith.constant 0 : i32
    %c0_i32_0 = arith.constant 0 : i32
    return %arg0, %c0_i32 : i32, i32
  }
  func.func @transform_3(%arg0: i32) -> (i32, i32) {
    %c0_i32 = arith.constant 0 : i32
    %c0_i32_0 = arith.constant 0 : i32
    %c0_i32_1 = arith.constant 0 : i32
    return %c0_i32, %c0_i32_0 : i32, i32
  }
  func.func @transform_4(%arg0: i32) -> (i32, i32) {
    %c0_i32 = arith.constant 0 : i32
    %c0_i32_0 = arith.constant 0 : i32
    %c0_i32_1 = arith.constant 0 : i32
    return %c0_i32, %c0_i32_0 : i32, i32
  }
  func.func @transform_5(%arg0: i32) -> (i32, i32) {
    %c0_i32 = arith.constant 0 : i32
    %c0_i32_0 = arith.constant 0 : i32
    %c0_i32_1 = arith.constant 0 : i32
    return %c0_i32, %c0_i32_0 : i32, i32
  }
  func.func @transform_6(%arg0: i32) -> (i32, i32) {
    %c0_i32 = arith.constant 0 : i32
    %c0_i32_0 = arith.constant 0 : i32
    %c0_i32_1 = arith.constant 0 : i32
    return %c0_i32, %c0_i32_0 : i32, i32
  }
  func.func @transform_7(%arg0: i32) -> (i32, i32) {
    %c0_i32 = arith.constant 0 : i32
    %c0_i32_0 = arith.constant 0 : i32
    %c0_i32_1 = arith.constant 0 : i32
    return %c0_i32, %c0_i32_0 : i32, i32
  }
  func.func @transform_8(%arg0: i32) -> (i32, i32) {
    %c0_i32 = arith.constant 0 : i32
    %c0_i32_0 = arith.constant 0 : i32
    %c0_i32_1 = arith.constant 0 : i32
    return %c0_i32, %c0_i32_0 : i32, i32
  }
  func.func @transform_9(%arg0: i32) -> (i32, i32) {
    %c0_i32 = arith.constant 0 : i32
    %c0_i32_0 = arith.constant 0 : i32
    %c0_i32_1 = arith.constant 0 : i32
    return %c0_i32, %c0_i32_0 : i32, i32
  }
  func.func @transform_10(%arg0: i32) -> (i32, i32) {
    %c0_i32 = arith.constant 0 : i32
    %c0_i32_0 = arith.constant 0 : i32
    %c0_i32_1 = arith.constant 0 : i32
    return %c0_i32, %c0_i32_0 : i32, i32
  }
  func.func @transform_11(%arg0: i32) -> (i32, i32) {
    %c0_i32 = arith.constant 0 : i32
    %c0_i32_0 = arith.constant 0 : i32
    %c0_i32_1 = arith.constant 0 : i32
    return %c0_i32, %c0_i32_0 : i32, i32
  }
  func.func @transform_12(%arg0: i32) -> (i32, i32) {
    %c0_i32 = arith.constant 0 : i32
    %c0_i32_0 = arith.constant 0 : i32
    %c0_i32_1 = arith.constant 0 : i32
    return %c0_i32, %c0_i32_0 : i32, i32
  }
  func.func @transform_13(%arg0: i32) -> (i32, i32) {
    %c0_i32 = arith.constant 0 : i32
    %c0_i32_0 = arith.constant 0 : i32
    %c0_i32_1 = arith.constant 0 : i32
    return %c0_i32, %c0_i32_0 : i32, i32
  }
  func.func @transform_14(%arg0: i32) -> (i32, i32) {
    %c0_i32 = arith.constant 0 : i32
    %c0_i32_0 = arith.constant 0 : i32
    %c0_i32_1 = arith.constant 0 : i32
    return %c0_i32, %c0_i32_0 : i32, i32
  }
  func.func @transform_15(%arg0: i32) -> (i32, i32) {
    %c0_i32 = arith.constant 0 : i32
    %c0_i32_0 = arith.constant 0 : i32
    %c0_i32_1 = arith.constant 0 : i32
    return %c0_i32, %c0_i32_0 : i32, i32
  }
}

module attributes {stable_mosaic.version = 14 : i64} {
  func.func @_kan_body(%arg0: memref<16x64xf32, #tpu.memory_space<vmem>>, %arg1: memref<16x64xf32, #tpu.memory_space<vmem>>, %arg2: memref<16x64xf32, #tpu.memory_space<vmem>>, %arg3: memref<1x128xf32, #tpu.memory_space<vmem>>, %arg4: memref<1x128xf32, #tpu.memory_space<vmem>>, %arg5: memref<128x128xf32, #tpu.memory_space<vmem>>, %arg6: memref<12x128xf32, #tpu.memory_space<vmem>>, %arg7: memref<8x128x128xf32, #tpu.memory_space<vmem>>, %arg8: memref<128x10xf32, #tpu.memory_space<vmem>>, %arg9: memref<12x128xf32, #tpu.memory_space<vmem>>, %arg10: memref<8x128x10xf32, #tpu.memory_space<vmem>>, %arg11: memref<16x10xf32, #tpu.memory_space<vmem>>) attributes {dimension_semantics = [], scalar_prefetch = 0 : i64, scratch_operands = 0 : i64, tpu.core_type = #tpu.core_type<tc>} {
    %get3A = arith.constant 0 : index
    %get3A_0 = arith.constant 0 : index
    %get3A_1 = vector.load %arg1[%get3A, %get3A_0] : memref<16x64xf32, #tpu.memory_space<vmem>>, vector<16x64xf32>
    %max3A = arith.constant 1.000000e+00 : f32
    %max3A_2 = vector.broadcast %max3A : f32 to vector<16x64xf32>
    %max3A_3 = arith.maximumf %get3A_1, %max3A_2 : vector<16x64xf32>
    %get3A_4 = arith.constant 0 : index
    %get3A_5 = arith.constant 0 : index
    %get3A_6 = vector.load %arg0[%get3A_4, %get3A_5] : memref<16x64xf32, #tpu.memory_space<vmem>>, vector<16x64xf32>
    %div3A = arith.divf %get3A_6, %max3A_3 : vector<16x64xf32>
    %get3A_7 = arith.constant 0 : index
    %get3A_8 = arith.constant 0 : index
    %get3A_9 = vector.load %arg2[%get3A_7, %get3A_8] : memref<16x64xf32, #tpu.memory_space<vmem>>, vector<16x64xf32>
    %lt3A = arith.constant -1.000000e+30 : f32
    %lt3A_10 = vector.broadcast %lt3A : f32 to vector<16x64xf32>
    %lt3A_11 = arith.cmpf olt, %get3A_9, %lt3A_10 : vector<16x64xf32>
    %jit3A = arith.constant 0.000000e+00 : f32
    %broadcast_in_dim3A = vector.broadcast %jit3A : f32 to vector<16x64xf32>
    %select_n3A = arith.select %lt3A_11, %broadcast_in_dim3A, %get3A_9 : vector<16x64xi1>, vector<16x64xf32>
    %concatenate3A = tpu.concatenate %div3A, %select_n3A in 1 : vector<16x64xf32>, vector<16x64xf32> -> vector<16x128xf32>
    %get3A_12 = arith.constant 0 : index
    %get3A_13 = arith.constant 0 : index
    %get3A_14 = vector.load %arg3[%get3A_12, %get3A_13] : memref<1x128xf32, #tpu.memory_space<vmem>>, vector<1x128xf32>
    %get3A_15 = arith.constant 0 : index
    %get3A_16 = arith.constant 0 : index
    %get3A_17 = vector.load %arg4[%get3A_15, %get3A_16] : memref<1x128xf32, #tpu.memory_space<vmem>>, vector<1x128xf32>
    %reduce_sum3A = arith.constant dense<0.000000e+00> : vector<16xf32>
    %reduce_sum3A_18 = vector.multi_reduction <add>, %concatenate3A, %reduce_sum3A [1] : vector<16x128xf32> to vector<16xf32>
    %broadcast_in_dim3A_19 = vector.shape_cast %reduce_sum3A_18 : vector<16xf32> to vector<16x1xf32>
    %div3A_20 = arith.constant 1.280000e+02 : f32
    %div3A_21 = vector.broadcast %div3A_20 : f32 to vector<16x1xf32>
    %div3A_22 = arith.divf %broadcast_in_dim3A_19, %div3A_21 : vector<16x1xf32>
    %sub3A = vector.broadcast %div3A_22 : vector<16x1xf32> to vector<16x128xf32>
    %sub3A_23 = arith.subf %concatenate3A, %sub3A : vector<16x128xf32>
    %integer_pow3A = arith.mulf %sub3A_23, %sub3A_23 : vector<16x128xf32>
    %reduce_sum3A_24 = arith.constant dense<0.000000e+00> : vector<16xf32>
    %reduce_sum3A_25 = vector.multi_reduction <add>, %integer_pow3A, %reduce_sum3A_24 [1] : vector<16x128xf32> to vector<16xf32>
    %broadcast_in_dim3A_26 = vector.shape_cast %reduce_sum3A_25 : vector<16xf32> to vector<16x1xf32>
    %div3A_27 = arith.constant 1.280000e+02 : f32
    %div3A_28 = vector.broadcast %div3A_27 : f32 to vector<16x1xf32>
    %div3A_29 = arith.divf %broadcast_in_dim3A_26, %div3A_28 : vector<16x1xf32>
    %sub3A_30 = vector.broadcast %div3A_22 : vector<16x1xf32> to vector<16x128xf32>
    %sub3A_31 = arith.subf %concatenate3A, %sub3A_30 : vector<16x128xf32>
    %add3A = arith.constant 9.99999974E-6 : f32
    %add3A_32 = vector.broadcast %add3A : f32 to vector<16x1xf32>
    %add3A_33 = arith.addf %div3A_29, %add3A_32 : vector<16x1xf32>
    %sqrt3A = math.sqrt %add3A_33 : vector<16x1xf32>
    %div3A_34 = vector.broadcast %sqrt3A : vector<16x1xf32> to vector<16x128xf32>
    %div3A_35 = arith.divf %sub3A_31, %div3A_34 : vector<16x128xf32>
    %mul3A = vector.broadcast %get3A_14 : vector<1x128xf32> to vector<16x128xf32>
    %mul3A_36 = arith.mulf %div3A_35, %mul3A : vector<16x128xf32>
    %add3A_37 = vector.broadcast %get3A_17 : vector<1x128xf32> to vector<16x128xf32>
    %add3A_38 = arith.addf %mul3A_36, %add3A_37 : vector<16x128xf32>
    %get3A_39 = arith.constant 0 : index
    %get3A_40 = arith.constant 0 : index
    %get3A_41 = vector.load %arg5[%get3A_39, %get3A_40] : memref<128x128xf32, #tpu.memory_space<vmem>>, vector<128x128xf32>
    %get3A_42 = arith.constant 0 : index
    %get3A_43 = arith.constant 0 : index
    %get3A_44 = vector.load %arg6[%get3A_42, %get3A_43] : memref<12x128xf32, #tpu.memory_space<vmem>>, vector<12x128xf32>
    %get3A_45 = arith.constant 0 : index
    %get3A_46 = arith.constant 0 : index
    %get3A_47 = arith.constant 0 : index
    %get3A_48 = vector.load %arg7[%get3A_45, %get3A_46, %get3A_47] : memref<8x128x128xf32, #tpu.memory_space<vmem>>, vector<8x128x128xf32>
    %logistic3A = arith.negf %add3A_38 : vector<16x128xf32>
    %logistic3A_49 = math.exp %logistic3A : vector<16x128xf32>
    %logistic3A_50 = arith.constant 1.000000e+00 : f32
    %logistic3A_51 = vector.broadcast %logistic3A_50 : f32 to vector<16x128xf32>
    %logistic3A_52 = arith.addf %logistic3A_51, %logistic3A_49 : vector<16x128xf32>
    %logistic3A_53 = arith.divf %logistic3A_51, %logistic3A_52 : vector<16x128xf32>
    %mul3A_54 = arith.mulf %add3A_38, %logistic3A_53 : vector<16x128xf32>
    %dot_general3A = arith.constant dense<0.000000e+00> : vector<16x128xf32>
    %dot_general3A_55 = tpu.matmul %mul3A_54, %get3A_41, %dot_general3A {dimension_numbers = #tpu.dot_dimension_numbers<[1], [0], [0], [1], [0, 0, 1, 1], [], []>, transpose_lhs_hint = false} : vector<16x128xf32>, vector<128x128xf32>, vector<16x128xf32> -> vector<16x128xf32>
    %slice3A = vector.extract_strided_slice %get3A_44 {offsets = [0, 0], sizes = [1, 128], strides = [1, 1]} : vector<12x128xf32> to vector<1x128xf32>
    %ge3A = vector.broadcast %slice3A : vector<1x128xf32> to vector<16x128xf32>
    %ge3A_56 = arith.cmpf oge, %add3A_38, %ge3A : vector<16x128xf32>
    %slice3A_57 = vector.extract_strided_slice %get3A_44 {offsets = [1, 0], sizes = [1, 128], strides = [1, 1]} : vector<12x128xf32> to vector<1x128xf32>
    %lt3A_58 = vector.broadcast %slice3A_57 : vector<1x128xf32> to vector<16x128xf32>
    %lt3A_59 = arith.cmpf olt, %add3A_38, %lt3A_58 : vector<16x128xf32>
    %and3A = arith.andi %ge3A_56, %lt3A_59 : vector<16x128xi1>
    %convert_element_type3A = arith.extui %and3A : vector<16x128xi1> to vector<16x128xi32>
    %convert_element_type3A_60 = arith.sitofp %convert_element_type3A : vector<16x128xi32> to vector<16x128xf32>
    %slice3A_61 = vector.extract_strided_slice %get3A_44 {offsets = [1, 0], sizes = [1, 128], strides = [1, 1]} : vector<12x128xf32> to vector<1x128xf32>
    %ge3A_62 = vector.broadcast %slice3A_61 : vector<1x128xf32> to vector<16x128xf32>
    %ge3A_63 = arith.cmpf oge, %add3A_38, %ge3A_62 : vector<16x128xf32>
    %slice3A_64 = vector.extract_strided_slice %get3A_44 {offsets = [2, 0], sizes = [1, 128], strides = [1, 1]} : vector<12x128xf32> to vector<1x128xf32>
    %lt3A_65 = vector.broadcast %slice3A_64 : vector<1x128xf32> to vector<16x128xf32>
    %lt3A_66 = arith.cmpf olt, %add3A_38, %lt3A_65 : vector<16x128xf32>
    %and3A_67 = arith.andi %ge3A_63, %lt3A_66 : vector<16x128xi1>
    %convert_element_type3A_68 = arith.extui %and3A_67 : vector<16x128xi1> to vector<16x128xi32>
    %convert_element_type3A_69 = arith.sitofp %convert_element_type3A_68 : vector<16x128xi32> to vector<16x128xf32>
    %slice3A_70 = vector.extract_strided_slice %get3A_44 {offsets = [2, 0], sizes = [1, 128], strides = [1, 1]} : vector<12x128xf32> to vector<1x128xf32>
    %ge3A_71 = vector.broadcast %slice3A_70 : vector<1x128xf32> to vector<16x128xf32>
    %ge3A_72 = arith.cmpf oge, %add3A_38, %ge3A_71 : vector<16x128xf32>
    %slice3A_73 = vector.extract_strided_slice %get3A_44 {offsets = [3, 0], sizes = [1, 128], strides = [1, 1]} : vector<12x128xf32> to vector<1x128xf32>
    %lt3A_74 = vector.broadcast %slice3A_73 : vector<1x128xf32> to vector<16x128xf32>
    %lt3A_75 = arith.cmpf olt, %add3A_38, %lt3A_74 : vector<16x128xf32>
    %and3A_76 = arith.andi %ge3A_72, %lt3A_75 : vector<16x128xi1>
    %convert_element_type3A_77 = arith.extui %and3A_76 : vector<16x128xi1> to vector<16x128xi32>
    %convert_element_type3A_78 = arith.sitofp %convert_element_type3A_77 : vector<16x128xi32> to vector<16x128xf32>
    %slice3A_79 = vector.extract_strided_slice %get3A_44 {offsets = [3, 0], sizes = [1, 128], strides = [1, 1]} : vector<12x128xf32> to vector<1x128xf32>
    %ge3A_80 = vector.broadcast %slice3A_79 : vector<1x128xf32> to vector<16x128xf32>
    %ge3A_81 = arith.cmpf oge, %add3A_38, %ge3A_80 : vector<16x128xf32>
    %slice3A_82 = vector.extract_strided_slice %get3A_44 {offsets = [4, 0], sizes = [1, 128], strides = [1, 1]} : vector<12x128xf32> to vector<1x128xf32>
    %lt3A_83 = vector.broadcast %slice3A_82 : vector<1x128xf32> to vector<16x128xf32>
    %lt3A_84 = arith.cmpf olt, %add3A_38, %lt3A_83 : vector<16x128xf32>
    %and3A_85 = arith.andi %ge3A_81, %lt3A_84 : vector<16x128xi1>
    %convert_element_type3A_86 = arith.extui %and3A_85 : vector<16x128xi1> to vector<16x128xi32>
    %convert_element_type3A_87 = arith.sitofp %convert_element_type3A_86 : vector<16x128xi32> to vector<16x128xf32>
    %slice3A_88 = vector.extract_strided_slice %get3A_44 {offsets = [4, 0], sizes = [1, 128], strides = [1, 1]} : vector<12x128xf32> to vector<1x128xf32>
    %ge3A_89 = vector.broadcast %slice3A_88 : vector<1x128xf32> to vector<16x128xf32>
    %ge3A_90 = arith.cmpf oge, %add3A_38, %ge3A_89 : vector<16x128xf32>
    %slice3A_91 = vector.extract_strided_slice %get3A_44 {offsets = [5, 0], sizes = [1, 128], strides = [1, 1]} : vector<12x128xf32> to vector<1x128xf32>
    %lt3A_92 = vector.broadcast %slice3A_91 : vector<1x128xf32> to vector<16x128xf32>
    %lt3A_93 = arith.cmpf olt, %add3A_38, %lt3A_92 : vector<16x128xf32>
    %and3A_94 = arith.andi %ge3A_90, %lt3A_93 : vector<16x128xi1>
    %convert_element_type3A_95 = arith.extui %and3A_94 : vector<16x128xi1> to vector<16x128xi32>
    %convert_element_type3A_96 = arith.sitofp %convert_element_type3A_95 : vector<16x128xi32> to vector<16x128xf32>
    %slice3A_97 = vector.extract_strided_slice %get3A_44 {offsets = [5, 0], sizes = [1, 128], strides = [1, 1]} : vector<12x128xf32> to vector<1x128xf32>
    %ge3A_98 = vector.broadcast %slice3A_97 : vector<1x128xf32> to vector<16x128xf32>
    %ge3A_99 = arith.cmpf oge, %add3A_38, %ge3A_98 : vector<16x128xf32>
    %slice3A_100 = vector.extract_strided_slice %get3A_44 {offsets = [6, 0], sizes = [1, 128], strides = [1, 1]} : vector<12x128xf32> to vector<1x128xf32>
    %lt3A_101 = vector.broadcast %slice3A_100 : vector<1x128xf32> to vector<16x128xf32>
    %lt3A_102 = arith.cmpf olt, %add3A_38, %lt3A_101 : vector<16x128xf32>
    %and3A_103 = arith.andi %ge3A_99, %lt3A_102 : vector<16x128xi1>
    %convert_element_type3A_104 = arith.extui %and3A_103 : vector<16x128xi1> to vector<16x128xi32>
    %convert_element_type3A_105 = arith.sitofp %convert_element_type3A_104 : vector<16x128xi32> to vector<16x128xf32>
    %slice3A_106 = vector.extract_strided_slice %get3A_44 {offsets = [6, 0], sizes = [1, 128], strides = [1, 1]} : vector<12x128xf32> to vector<1x128xf32>
    %ge3A_107 = vector.broadcast %slice3A_106 : vector<1x128xf32> to vector<16x128xf32>
    %ge3A_108 = arith.cmpf oge, %add3A_38, %ge3A_107 : vector<16x128xf32>
    %slice3A_109 = vector.extract_strided_slice %get3A_44 {offsets = [7, 0], sizes = [1, 128], strides = [1, 1]} : vector<12x128xf32> to vector<1x128xf32>
    %lt3A_110 = vector.broadcast %slice3A_109 : vector<1x128xf32> to vector<16x128xf32>
    %lt3A_111 = arith.cmpf olt, %add3A_38, %lt3A_110 : vector<16x128xf32>
    %and3A_112 = arith.andi %ge3A_108, %lt3A_111 : vector<16x128xi1>
    %convert_element_type3A_113 = arith.extui %and3A_112 : vector<16x128xi1> to vector<16x128xi32>
    %convert_element_type3A_114 = arith.sitofp %convert_element_type3A_113 : vector<16x128xi32> to vector<16x128xf32>
    %slice3A_115 = vector.extract_strided_slice %get3A_44 {offsets = [7, 0], sizes = [1, 128], strides = [1, 1]} : vector<12x128xf32> to vector<1x128xf32>
    %ge3A_116 = vector.broadcast %slice3A_115 : vector<1x128xf32> to vector<16x128xf32>
    %ge3A_117 = arith.cmpf oge, %add3A_38, %ge3A_116 : vector<16x128xf32>
    %slice3A_118 = vector.extract_strided_slice %get3A_44 {offsets = [8, 0], sizes = [1, 128], strides = [1, 1]} : vector<12x128xf32> to vector<1x128xf32>
    %lt3A_119 = vector.broadcast %slice3A_118 : vector<1x128xf32> to vector<16x128xf32>
    %lt3A_120 = arith.cmpf olt, %add3A_38, %lt3A_119 : vector<16x128xf32>
    %and3A_121 = arith.andi %ge3A_117, %lt3A_120 : vector<16x128xi1>
    %convert_element_type3A_122 = arith.extui %and3A_121 : vector<16x128xi1> to vector<16x128xi32>
    %convert_element_type3A_123 = arith.sitofp %convert_element_type3A_122 : vector<16x128xi32> to vector<16x128xf32>
    %slice3A_124 = vector.extract_strided_slice %get3A_44 {offsets = [8, 0], sizes = [1, 128], strides = [1, 1]} : vector<12x128xf32> to vector<1x128xf32>
    %ge3A_125 = vector.broadcast %slice3A_124 : vector<1x128xf32> to vector<16x128xf32>
    %ge3A_126 = arith.cmpf oge, %add3A_38, %ge3A_125 : vector<16x128xf32>
    %slice3A_127 = vector.extract_strided_slice %get3A_44 {offsets = [9, 0], sizes = [1, 128], strides = [1, 1]} : vector<12x128xf32> to vector<1x128xf32>
    %lt3A_128 = vector.broadcast %slice3A_127 : vector<1x128xf32> to vector<16x128xf32>
    %lt3A_129 = arith.cmpf olt, %add3A_38, %lt3A_128 : vector<16x128xf32>
    %and3A_130 = arith.andi %ge3A_126, %lt3A_129 : vector<16x128xi1>
    %convert_element_type3A_131 = arith.extui %and3A_130 : vector<16x128xi1> to vector<16x128xi32>
    %convert_element_type3A_132 = arith.sitofp %convert_element_type3A_131 : vector<16x128xi32> to vector<16x128xf32>
    %slice3A_133 = vector.extract_strided_slice %get3A_44 {offsets = [9, 0], sizes = [1, 128], strides = [1, 1]} : vector<12x128xf32> to vector<1x128xf32>
    %ge3A_134 = vector.broadcast %slice3A_133 : vector<1x128xf32> to vector<16x128xf32>
    %ge3A_135 = arith.cmpf oge, %add3A_38, %ge3A_134 : vector<16x128xf32>
    %slice3A_136 = vector.extract_strided_slice %get3A_44 {offsets = [10, 0], sizes = [1, 128], strides = [1, 1]} : vector<12x128xf32> to vector<1x128xf32>
    %lt3A_137 = vector.broadcast %slice3A_136 : vector<1x128xf32> to vector<16x128xf32>
    %lt3A_138 = arith.cmpf olt, %add3A_38, %lt3A_137 : vector<16x128xf32>
    %and3A_139 = arith.andi %ge3A_135, %lt3A_138 : vector<16x128xi1>
    %convert_element_type3A_140 = arith.extui %and3A_139 : vector<16x128xi1> to vector<16x128xi32>
    %convert_element_type3A_141 = arith.sitofp %convert_element_type3A_140 : vector<16x128xi32> to vector<16x128xf32>
    %slice3A_142 = vector.extract_strided_slice %get3A_44 {offsets = [10, 0], sizes = [1, 128], strides = [1, 1]} : vector<12x128xf32> to vector<1x128xf32>
    %ge3A_143 = vector.broadcast %slice3A_142 : vector<1x128xf32> to vector<16x128xf32>
    %ge3A_144 = arith.cmpf oge, %add3A_38, %ge3A_143 : vector<16x128xf32>
    %slice3A_145 = vector.extract_strided_slice %get3A_44 {offsets = [11, 0], sizes = [1, 128], strides = [1, 1]} : vector<12x128xf32> to vector<1x128xf32>
    %lt3A_146 = vector.broadcast %slice3A_145 : vector<1x128xf32> to vector<16x128xf32>
    %lt3A_147 = arith.cmpf olt, %add3A_38, %lt3A_146 : vector<16x128xf32>
    %and3A_148 = arith.andi %ge3A_144, %lt3A_147 : vector<16x128xi1>
    %convert_element_type3A_149 = arith.extui %and3A_148 : vector<16x128xi1> to vector<16x128xi32>
    %convert_element_type3A_150 = arith.sitofp %convert_element_type3A_149 : vector<16x128xi32> to vector<16x128xf32>
    %slice3A_151 = vector.extract_strided_slice %get3A_44 {offsets = [0, 0], sizes = [1, 128], strides = [1, 1]} : vector<12x128xf32> to vector<1x128xf32>
    %sub3A_152 = vector.broadcast %slice3A_151 : vector<1x128xf32> to vector<16x128xf32>
    %sub3A_153 = arith.subf %add3A_38, %sub3A_152 : vector<16x128xf32>
    %slice3A_154 = vector.extract_strided_slice %get3A_44 {offsets = [1, 0], sizes = [1, 128], strides = [1, 1]} : vector<12x128xf32> to vector<1x128xf32>
    %slice3A_155 = vector.extract_strided_slice %get3A_44 {offsets = [0, 0], sizes = [1, 128], strides = [1, 1]} : vector<12x128xf32> to vector<1x128xf32>
    %sub3A_156 = arith.subf %slice3A_154, %slice3A_155 : vector<1x128xf32>
    %div3A_157 = vector.broadcast %sub3A_156 : vector<1x128xf32> to vector<16x128xf32>
    %div3A_158 = arith.divf %sub3A_153, %div3A_157 : vector<16x128xf32>
    %slice3A_159 = vector.extract_strided_slice %get3A_44 {offsets = [2, 0], sizes = [1, 128], strides = [1, 1]} : vector<12x128xf32> to vector<1x128xf32>
    %sub3A_160 = vector.broadcast %slice3A_159 : vector<1x128xf32> to vector<16x128xf32>
    %sub3A_161 = arith.subf %sub3A_160, %add3A_38 : vector<16x128xf32>
    %slice3A_162 = vector.extract_strided_slice %get3A_44 {offsets = [2, 0], sizes = [1, 128], strides = [1, 1]} : vector<12x128xf32> to vector<1x128xf32>
    %slice3A_163 = vector.extract_strided_slice %get3A_44 {offsets = [1, 0], sizes = [1, 128], strides = [1, 1]} : vector<12x128xf32> to vector<1x128xf32>
    %sub3A_164 = arith.subf %slice3A_162, %slice3A_163 : vector<1x128xf32>
    %div3A_165 = vector.broadcast %sub3A_164 : vector<1x128xf32> to vector<16x128xf32>
    %div3A_166 = arith.divf %sub3A_161, %div3A_165 : vector<16x128xf32>
    %mul3A_167 = arith.mulf %div3A_158, %convert_element_type3A_60 : vector<16x128xf32>
    %mul3A_168 = arith.mulf %div3A_166, %convert_element_type3A_69 : vector<16x128xf32>
    %add3A_169 = arith.addf %mul3A_167, %mul3A_168 : vector<16x128xf32>
    %slice3A_170 = vector.extract_strided_slice %get3A_44 {offsets = [1, 0], sizes = [1, 128], strides = [1, 1]} : vector<12x128xf32> to vector<1x128xf32>
    %sub3A_171 = vector.broadcast %slice3A_170 : vector<1x128xf32> to vector<16x128xf32>
    %sub3A_172 = arith.subf %add3A_38, %sub3A_171 : vector<16x128xf32>
    %slice3A_173 = vector.extract_strided_slice %get3A_44 {offsets = [2, 0], sizes = [1, 128], strides = [1, 1]} : vector<12x128xf32> to vector<1x128xf32>
    %slice3A_174 = vector.extract_strided_slice %get3A_44 {offsets = [1, 0], sizes = [1, 128], strides = [1, 1]} : vector<12x128xf32> to vector<1x128xf32>
    %sub3A_175 = arith.subf %slice3A_173, %slice3A_174 : vector<1x128xf32>
    %div3A_176 = vector.broadcast %sub3A_175 : vector<1x128xf32> to vector<16x128xf32>
    %div3A_177 = arith.divf %sub3A_172, %div3A_176 : vector<16x128xf32>
    %slice3A_178 = vector.extract_strided_slice %get3A_44 {offsets = [3, 0], sizes = [1, 128], strides = [1, 1]} : vector<12x128xf32> to vector<1x128xf32>
    %sub3A_179 = vector.broadcast %slice3A_178 : vector<1x128xf32> to vector<16x128xf32>
    %sub3A_180 = arith.subf %sub3A_179, %add3A_38 : vector<16x128xf32>
    %slice3A_181 = vector.extract_strided_slice %get3A_44 {offsets = [3, 0], sizes = [1, 128], strides = [1, 1]} : vector<12x128xf32> to vector<1x128xf32>
    %slice3A_182 = vector.extract_strided_slice %get3A_44 {offsets = [2, 0], sizes = [1, 128], strides = [1, 1]} : vector<12x128xf32> to vector<1x128xf32>
    %sub3A_183 = arith.subf %slice3A_181, %slice3A_182 : vector<1x128xf32>
    %div3A_184 = vector.broadcast %sub3A_183 : vector<1x128xf32> to vector<16x128xf32>
    %div3A_185 = arith.divf %sub3A_180, %div3A_184 : vector<16x128xf32>
    %mul3A_186 = arith.mulf %div3A_177, %convert_element_type3A_69 : vector<16x128xf32>
    %mul3A_187 = arith.mulf %div3A_185, %convert_element_type3A_78 : vector<16x128xf32>
    %add3A_188 = arith.addf %mul3A_186, %mul3A_187 : vector<16x128xf32>
    %slice3A_189 = vector.extract_strided_slice %get3A_44 {offsets = [2, 0], sizes = [1, 128], strides = [1, 1]} : vector<12x128xf32> to vector<1x128xf32>
    %sub3A_190 = vector.broadcast %slice3A_189 : vector<1x128xf32> to vector<16x128xf32>
    %sub3A_191 = arith.subf %add3A_38, %sub3A_190 : vector<16x128xf32>
    %slice3A_192 = vector.extract_strided_slice %get3A_44 {offsets = [3, 0], sizes = [1, 128], strides = [1, 1]} : vector<12x128xf32> to vector<1x128xf32>
    %slice3A_193 = vector.extract_strided_slice %get3A_44 {offsets = [2, 0], sizes = [1, 128], strides = [1, 1]} : vector<12x128xf32> to vector<1x128xf32>
    %sub3A_194 = arith.subf %slice3A_192, %slice3A_193 : vector<1x128xf32>
    %div3A_195 = vector.broadcast %sub3A_194 : vector<1x128xf32> to vector<16x128xf32>
    %div3A_196 = arith.divf %sub3A_191, %div3A_195 : vector<16x128xf32>
    %slice3A_197 = vector.extract_strided_slice %get3A_44 {offsets = [4, 0], sizes = [1, 128], strides = [1, 1]} : vector<12x128xf32> to vector<1x128xf32>
    %sub3A_198 = vector.broadcast %slice3A_197 : vector<1x128xf32> to vector<16x128xf32>
    %sub3A_199 = arith.subf %sub3A_198, %add3A_38 : vector<16x128xf32>
    %slice3A_200 = vector.extract_strided_slice %get3A_44 {offsets = [4, 0], sizes = [1, 128], strides = [1, 1]} : vector<12x128xf32> to vector<1x128xf32>
    %slice3A_201 = vector.extract_strided_slice %get3A_44 {offsets = [3, 0], sizes = [1, 128], strides = [1, 1]} : vector<12x128xf32> to vector<1x128xf32>
    %sub3A_202 = arith.subf %slice3A_200, %slice3A_201 : vector<1x128xf32>
    %div3A_203 = vector.broadcast %sub3A_202 : vector<1x128xf32> to vector<16x128xf32>
    %div3A_204 = arith.divf %sub3A_199, %div3A_203 : vector<16x128xf32>
    %mul3A_205 = arith.mulf %div3A_196, %convert_element_type3A_78 : vector<16x128xf32>
    %mul3A_206 = arith.mulf %div3A_204, %convert_element_type3A_87 : vector<16x128xf32>
    %add3A_207 = arith.addf %mul3A_205, %mul3A_206 : vector<16x128xf32>
    %slice3A_208 = vector.extract_strided_slice %get3A_44 {offsets = [3, 0], sizes = [1, 128], strides = [1, 1]} : vector<12x128xf32> to vector<1x128xf32>
    %sub3A_209 = vector.broadcast %slice3A_208 : vector<1x128xf32> to vector<16x128xf32>
    %sub3A_210 = arith.subf %add3A_38, %sub3A_209 : vector<16x128xf32>
    %slice3A_211 = vector.extract_strided_slice %get3A_44 {offsets = [4, 0], sizes = [1, 128], strides = [1, 1]} : vector<12x128xf32> to vector<1x128xf32>
    %slice3A_212 = vector.extract_strided_slice %get3A_44 {offsets = [3, 0], sizes = [1, 128], strides = [1, 1]} : vector<12x128xf32> to vector<1x128xf32>
    %sub3A_213 = arith.subf %slice3A_211, %slice3A_212 : vector<1x128xf32>
    %div3A_214 = vector.broadcast %sub3A_213 : vector<1x128xf32> to vector<16x128xf32>
    %div3A_215 = arith.divf %sub3A_210, %div3A_214 : vector<16x128xf32>
    %slice3A_216 = vector.extract_strided_slice %get3A_44 {offsets = [5, 0], sizes = [1, 128], strides = [1, 1]} : vector<12x128xf32> to vector<1x128xf32>
    %sub3A_217 = vector.broadcast %slice3A_216 : vector<1x128xf32> to vector<16x128xf32>
    %sub3A_218 = arith.subf %sub3A_217, %add3A_38 : vector<16x128xf32>
    %slice3A_219 = vector.extract_strided_slice %get3A_44 {offsets = [5, 0], sizes = [1, 128], strides = [1, 1]} : vector<12x128xf32> to vector<1x128xf32>
    %slice3A_220 = vector.extract_strided_slice %get3A_44 {offsets = [4, 0], sizes = [1, 128], strides = [1, 1]} : vector<12x128xf32> to vector<1x128xf32>
    %sub3A_221 = arith.subf %slice3A_219, %slice3A_220 : vector<1x128xf32>
    %div3A_222 = vector.broadcast %sub3A_221 : vector<1x128xf32> to vector<16x128xf32>
    %div3A_223 = arith.divf %sub3A_218, %div3A_222 : vector<16x128xf32>
    %mul3A_224 = arith.mulf %div3A_215, %convert_element_type3A_87 : vector<16x128xf32>
    %mul3A_225 = arith.mulf %div3A_223, %convert_element_type3A_96 : vector<16x128xf32>
    %add3A_226 = arith.addf %mul3A_224, %mul3A_225 : vector<16x128xf32>
    %slice3A_227 = vector.extract_strided_slice %get3A_44 {offsets = [4, 0], sizes = [1, 128], strides = [1, 1]} : vector<12x128xf32> to vector<1x128xf32>
    %sub3A_228 = vector.broadcast %slice3A_227 : vector<1x128xf32> to vector<16x128xf32>
    %sub3A_229 = arith.subf %add3A_38, %sub3A_228 : vector<16x128xf32>
    %slice3A_230 = vector.extract_strided_slice %get3A_44 {offsets = [5, 0], sizes = [1, 128], strides = [1, 1]} : vector<12x128xf32> to vector<1x128xf32>
    %slice3A_231 = vector.extract_strided_slice %get3A_44 {offsets = [4, 0], sizes = [1, 128], strides = [1, 1]} : vector<12x128xf32> to vector<1x128xf32>
    %sub3A_232 = arith.subf %slice3A_230, %slice3A_231 : vector<1x128xf32>
    %div3A_233 = vector.broadcast %sub3A_232 : vector<1x128xf32> to vector<16x128xf32>
    %div3A_234 = arith.divf %sub3A_229, %div3A_233 : vector<16x128xf32>
    %slice3A_235 = vector.extract_strided_slice %get3A_44 {offsets = [6, 0], sizes = [1, 128], strides = [1, 1]} : vector<12x128xf32> to vector<1x128xf32>
    %sub3A_236 = vector.broadcast %slice3A_235 : vector<1x128xf32> to vector<16x128xf32>
    %sub3A_237 = arith.subf %sub3A_236, %add3A_38 : vector<16x128xf32>
    %slice3A_238 = vector.extract_strided_slice %get3A_44 {offsets = [6, 0], sizes = [1, 128], strides = [1, 1]} : vector<12x128xf32> to vector<1x128xf32>
    %slice3A_239 = vector.extract_strided_slice %get3A_44 {offsets = [5, 0], sizes = [1, 128], strides = [1, 1]} : vector<12x128xf32> to vector<1x128xf32>
    %sub3A_240 = arith.subf %slice3A_238, %slice3A_239 : vector<1x128xf32>
    %div3A_241 = vector.broadcast %sub3A_240 : vector<1x128xf32> to vector<16x128xf32>
    %div3A_242 = arith.divf %sub3A_237, %div3A_241 : vector<16x128xf32>
    %mul3A_243 = arith.mulf %div3A_234, %convert_element_type3A_96 : vector<16x128xf32>
    %mul3A_244 = arith.mulf %div3A_242, %convert_element_type3A_105 : vector<16x128xf32>
    %add3A_245 = arith.addf %mul3A_243, %mul3A_244 : vector<16x128xf32>
    %slice3A_246 = vector.extract_strided_slice %get3A_44 {offsets = [5, 0], sizes = [1, 128], strides = [1, 1]} : vector<12x128xf32> to vector<1x128xf32>
    %sub3A_247 = vector.broadcast %slice3A_246 : vector<1x128xf32> to vector<16x128xf32>
    %sub3A_248 = arith.subf %add3A_38, %sub3A_247 : vector<16x128xf32>
    %slice3A_249 = vector.extract_strided_slice %get3A_44 {offsets = [6, 0], sizes = [1, 128], strides = [1, 1]} : vector<12x128xf32> to vector<1x128xf32>
    %slice3A_250 = vector.extract_strided_slice %get3A_44 {offsets = [5, 0], sizes = [1, 128], strides = [1, 1]} : vector<12x128xf32> to vector<1x128xf32>
    %sub3A_251 = arith.subf %slice3A_249, %slice3A_250 : vector<1x128xf32>
    %div3A_252 = vector.broadcast %sub3A_251 : vector<1x128xf32> to vector<16x128xf32>
    %div3A_253 = arith.divf %sub3A_248, %div3A_252 : vector<16x128xf32>
    %slice3A_254 = vector.extract_strided_slice %get3A_44 {offsets = [7, 0], sizes = [1, 128], strides = [1, 1]} : vector<12x128xf32> to vector<1x128xf32>
    %sub3A_255 = vector.broadcast %slice3A_254 : vector<1x128xf32> to vector<16x128xf32>
    %sub3A_256 = arith.subf %sub3A_255, %add3A_38 : vector<16x128xf32>
    %slice3A_257 = vector.extract_strided_slice %get3A_44 {offsets = [7, 0], sizes = [1, 128], strides = [1, 1]} : vector<12x128xf32> to vector<1x128xf32>
    %slice3A_258 = vector.extract_strided_slice %get3A_44 {offsets = [6, 0], sizes = [1, 128], strides = [1, 1]} : vector<12x128xf32> to vector<1x128xf32>
    %sub3A_259 = arith.subf %slice3A_257, %slice3A_258 : vector<1x128xf32>
    %div3A_260 = vector.broadcast %sub3A_259 : vector<1x128xf32> to vector<16x128xf32>
    %div3A_261 = arith.divf %sub3A_256, %div3A_260 : vector<16x128xf32>
    %mul3A_262 = arith.mulf %div3A_253, %convert_element_type3A_105 : vector<16x128xf32>
    %mul3A_263 = arith.mulf %div3A_261, %convert_element_type3A_114 : vector<16x128xf32>
    %add3A_264 = arith.addf %mul3A_262, %mul3A_263 : vector<16x128xf32>
    %slice3A_265 = vector.extract_strided_slice %get3A_44 {offsets = [6, 0], sizes = [1, 128], strides = [1, 1]} : vector<12x128xf32> to vector<1x128xf32>
    %sub3A_266 = vector.broadcast %slice3A_265 : vector<1x128xf32> to vector<16x128xf32>
    %sub3A_267 = arith.subf %add3A_38, %sub3A_266 : vector<16x128xf32>
    %slice3A_268 = vector.extract_strided_slice %get3A_44 {offsets = [7, 0], sizes = [1, 128], strides = [1, 1]} : vector<12x128xf32> to vector<1x128xf32>
    %slice3A_269 = vector.extract_strided_slice %get3A_44 {offsets = [6, 0], sizes = [1, 128], strides = [1, 1]} : vector<12x128xf32> to vector<1x128xf32>
    %sub3A_270 = arith.subf %slice3A_268, %slice3A_269 : vector<1x128xf32>
    %div3A_271 = vector.broadcast %sub3A_270 : vector<1x128xf32> to vector<16x128xf32>
    %div3A_272 = arith.divf %sub3A_267, %div3A_271 : vector<16x128xf32>
    %slice3A_273 = vector.extract_strided_slice %get3A_44 {offsets = [8, 0], sizes = [1, 128], strides = [1, 1]} : vector<12x128xf32> to vector<1x128xf32>
    %sub3A_274 = vector.broadcast %slice3A_273 : vector<1x128xf32> to vector<16x128xf32>
    %sub3A_275 = arith.subf %sub3A_274, %add3A_38 : vector<16x128xf32>
    %slice3A_276 = vector.extract_strided_slice %get3A_44 {offsets = [8, 0], sizes = [1, 128], strides = [1, 1]} : vector<12x128xf32> to vector<1x128xf32>
    %slice3A_277 = vector.extract_strided_slice %get3A_44 {offsets = [7, 0], sizes = [1, 128], strides = [1, 1]} : vector<12x128xf32> to vector<1x128xf32>
    %sub3A_278 = arith.subf %slice3A_276, %slice3A_277 : vector<1x128xf32>
    %div3A_279 = vector.broadcast %sub3A_278 : vector<1x128xf32> to vector<16x128xf32>
    %div3A_280 = arith.divf %sub3A_275, %div3A_279 : vector<16x128xf32>
    %mul3A_281 = arith.mulf %div3A_272, %convert_element_type3A_114 : vector<16x128xf32>
    %mul3A_282 = arith.mulf %div3A_280, %convert_element_type3A_123 : vector<16x128xf32>
    %add3A_283 = arith.addf %mul3A_281, %mul3A_282 : vector<16x128xf32>
    %slice3A_284 = vector.extract_strided_slice %get3A_44 {offsets = [7, 0], sizes = [1, 128], strides = [1, 1]} : vector<12x128xf32> to vector<1x128xf32>
    %sub3A_285 = vector.broadcast %slice3A_284 : vector<1x128xf32> to vector<16x128xf32>
    %sub3A_286 = arith.subf %add3A_38, %sub3A_285 : vector<16x128xf32>
    %slice3A_287 = vector.extract_strided_slice %get3A_44 {offsets = [8, 0], sizes = [1, 128], strides = [1, 1]} : vector<12x128xf32> to vector<1x128xf32>
    %slice3A_288 = vector.extract_strided_slice %get3A_44 {offsets = [7, 0], sizes = [1, 128], strides = [1, 1]} : vector<12x128xf32> to vector<1x128xf32>
    %sub3A_289 = arith.subf %slice3A_287, %slice3A_288 : vector<1x128xf32>
    %div3A_290 = vector.broadcast %sub3A_289 : vector<1x128xf32> to vector<16x128xf32>
    %div3A_291 = arith.divf %sub3A_286, %div3A_290 : vector<16x128xf32>
    %slice3A_292 = vector.extract_strided_slice %get3A_44 {offsets = [9, 0], sizes = [1, 128], strides = [1, 1]} : vector<12x128xf32> to vector<1x128xf32>
    %sub3A_293 = vector.broadcast %slice3A_292 : vector<1x128xf32> to vector<16x128xf32>
    %sub3A_294 = arith.subf %sub3A_293, %add3A_38 : vector<16x128xf32>
    %slice3A_295 = vector.extract_strided_slice %get3A_44 {offsets = [9, 0], sizes = [1, 128], strides = [1, 1]} : vector<12x128xf32> to vector<1x128xf32>
    %slice3A_296 = vector.extract_strided_slice %get3A_44 {offsets = [8, 0], sizes = [1, 128], strides = [1, 1]} : vector<12x128xf32> to vector<1x128xf32>
    %sub3A_297 = arith.subf %slice3A_295, %slice3A_296 : vector<1x128xf32>
    %div3A_298 = vector.broadcast %sub3A_297 : vector<1x128xf32> to vector<16x128xf32>
    %div3A_299 = arith.divf %sub3A_294, %div3A_298 : vector<16x128xf32>
    %mul3A_300 = arith.mulf %div3A_291, %convert_element_type3A_123 : vector<16x128xf32>
    %mul3A_301 = arith.mulf %div3A_299, %convert_element_type3A_132 : vector<16x128xf32>
    %add3A_302 = arith.addf %mul3A_300, %mul3A_301 : vector<16x128xf32>
    %slice3A_303 = vector.extract_strided_slice %get3A_44 {offsets = [8, 0], sizes = [1, 128], strides = [1, 1]} : vector<12x128xf32> to vector<1x128xf32>
    %sub3A_304 = vector.broadcast %slice3A_303 : vector<1x128xf32> to vector<16x128xf32>
    %sub3A_305 = arith.subf %add3A_38, %sub3A_304 : vector<16x128xf32>
    %slice3A_306 = vector.extract_strided_slice %get3A_44 {offsets = [9, 0], sizes = [1, 128], strides = [1, 1]} : vector<12x128xf32> to vector<1x128xf32>
    %slice3A_307 = vector.extract_strided_slice %get3A_44 {offsets = [8, 0], sizes = [1, 128], strides = [1, 1]} : vector<12x128xf32> to vector<1x128xf32>
    %sub3A_308 = arith.subf %slice3A_306, %slice3A_307 : vector<1x128xf32>
    %div3A_309 = vector.broadcast %sub3A_308 : vector<1x128xf32> to vector<16x128xf32>
    %div3A_310 = arith.divf %sub3A_305, %div3A_309 : vector<16x128xf32>
    %slice3A_311 = vector.extract_strided_slice %get3A_44 {offsets = [10, 0], sizes = [1, 128], strides = [1, 1]} : vector<12x128xf32> to vector<1x128xf32>
    %sub3A_312 = vector.broadcast %slice3A_311 : vector<1x128xf32> to vector<16x128xf32>
    %sub3A_313 = arith.subf %sub3A_312, %add3A_38 : vector<16x128xf32>
    %slice3A_314 = vector.extract_strided_slice %get3A_44 {offsets = [10, 0], sizes = [1, 128], strides = [1, 1]} : vector<12x128xf32> to vector<1x128xf32>
    %slice3A_315 = vector.extract_strided_slice %get3A_44 {offsets = [9, 0], sizes = [1, 128], strides = [1, 1]} : vector<12x128xf32> to vector<1x128xf32>
    %sub3A_316 = arith.subf %slice3A_314, %slice3A_315 : vector<1x128xf32>
    %div3A_317 = vector.broadcast %sub3A_316 : vector<1x128xf32> to vector<16x128xf32>
    %div3A_318 = arith.divf %sub3A_313, %div3A_317 : vector<16x128xf32>
    %mul3A_319 = arith.mulf %div3A_310, %convert_element_type3A_132 : vector<16x128xf32>
    %mul3A_320 = arith.mulf %div3A_318, %convert_element_type3A_141 : vector<16x128xf32>
    %add3A_321 = arith.addf %mul3A_319, %mul3A_320 : vector<16x128xf32>
    %slice3A_322 = vector.extract_strided_slice %get3A_44 {offsets = [9, 0], sizes = [1, 128], strides = [1, 1]} : vector<12x128xf32> to vector<1x128xf32>
    %sub3A_323 = vector.broadcast %slice3A_322 : vector<1x128xf32> to vector<16x128xf32>
    %sub3A_324 = arith.subf %add3A_38, %sub3A_323 : vector<16x128xf32>
    %slice3A_325 = vector.extract_strided_slice %get3A_44 {offsets = [10, 0], sizes = [1, 128], strides = [1, 1]} : vector<12x128xf32> to vector<1x128xf32>
    %slice3A_326 = vector.extract_strided_slice %get3A_44 {offsets = [9, 0], sizes = [1, 128], strides = [1, 1]} : vector<12x128xf32> to vector<1x128xf32>
    %sub3A_327 = arith.subf %slice3A_325, %slice3A_326 : vector<1x128xf32>
    %div3A_328 = vector.broadcast %sub3A_327 : vector<1x128xf32> to vector<16x128xf32>
    %div3A_329 = arith.divf %sub3A_324, %div3A_328 : vector<16x128xf32>
    %slice3A_330 = vector.extract_strided_slice %get3A_44 {offsets = [11, 0], sizes = [1, 128], strides = [1, 1]} : vector<12x128xf32> to vector<1x128xf32>
    %sub3A_331 = vector.broadcast %slice3A_330 : vector<1x128xf32> to vector<16x128xf32>
    %sub3A_332 = arith.subf %sub3A_331, %add3A_38 : vector<16x128xf32>
    %slice3A_333 = vector.extract_strided_slice %get3A_44 {offsets = [11, 0], sizes = [1, 128], strides = [1, 1]} : vector<12x128xf32> to vector<1x128xf32>
    %slice3A_334 = vector.extract_strided_slice %get3A_44 {offsets = [10, 0], sizes = [1, 128], strides = [1, 1]} : vector<12x128xf32> to vector<1x128xf32>
    %sub3A_335 = arith.subf %slice3A_333, %slice3A_334 : vector<1x128xf32>
    %div3A_336 = vector.broadcast %sub3A_335 : vector<1x128xf32> to vector<16x128xf32>
    %div3A_337 = arith.divf %sub3A_332, %div3A_336 : vector<16x128xf32>
    %mul3A_338 = arith.mulf %div3A_329, %convert_element_type3A_141 : vector<16x128xf32>
    %mul3A_339 = arith.mulf %div3A_337, %convert_element_type3A_150 : vector<16x128xf32>
    %add3A_340 = arith.addf %mul3A_338, %mul3A_339 : vector<16x128xf32>
    %slice3A_341 = vector.extract_strided_slice %get3A_44 {offsets = [0, 0], sizes = [1, 128], strides = [1, 1]} : vector<12x128xf32> to vector<1x128xf32>
    %sub3A_342 = vector.broadcast %slice3A_341 : vector<1x128xf32> to vector<16x128xf32>
    %sub3A_343 = arith.subf %add3A_38, %sub3A_342 : vector<16x128xf32>
    %slice3A_344 = vector.extract_strided_slice %get3A_44 {offsets = [2, 0], sizes = [1, 128], strides = [1, 1]} : vector<12x128xf32> to vector<1x128xf32>
    %slice3A_345 = vector.extract_strided_slice %get3A_44 {offsets = [0, 0], sizes = [1, 128], strides = [1, 1]} : vector<12x128xf32> to vector<1x128xf32>
    %sub3A_346 = arith.subf %slice3A_344, %slice3A_345 : vector<1x128xf32>
    %div3A_347 = vector.broadcast %sub3A_346 : vector<1x128xf32> to vector<16x128xf32>
    %div3A_348 = arith.divf %sub3A_343, %div3A_347 : vector<16x128xf32>
    %slice3A_349 = vector.extract_strided_slice %get3A_44 {offsets = [3, 0], sizes = [1, 128], strides = [1, 1]} : vector<12x128xf32> to vector<1x128xf32>
    %sub3A_350 = vector.broadcast %slice3A_349 : vector<1x128xf32> to vector<16x128xf32>
    %sub3A_351 = arith.subf %sub3A_350, %add3A_38 : vector<16x128xf32>
    %slice3A_352 = vector.extract_strided_slice %get3A_44 {offsets = [3, 0], sizes = [1, 128], strides = [1, 1]} : vector<12x128xf32> to vector<1x128xf32>
    %slice3A_353 = vector.extract_strided_slice %get3A_44 {offsets = [1, 0], sizes = [1, 128], strides = [1, 1]} : vector<12x128xf32> to vector<1x128xf32>
    %sub3A_354 = arith.subf %slice3A_352, %slice3A_353 : vector<1x128xf32>
    %div3A_355 = vector.broadcast %sub3A_354 : vector<1x128xf32> to vector<16x128xf32>
    %div3A_356 = arith.divf %sub3A_351, %div3A_355 : vector<16x128xf32>
    %mul3A_357 = arith.mulf %div3A_348, %add3A_169 : vector<16x128xf32>
    %mul3A_358 = arith.mulf %div3A_356, %add3A_188 : vector<16x128xf32>
    %add3A_359 = arith.addf %mul3A_357, %mul3A_358 : vector<16x128xf32>
    %slice3A_360 = vector.extract_strided_slice %get3A_44 {offsets = [1, 0], sizes = [1, 128], strides = [1, 1]} : vector<12x128xf32> to vector<1x128xf32>
    %sub3A_361 = vector.broadcast %slice3A_360 : vector<1x128xf32> to vector<16x128xf32>
    %sub3A_362 = arith.subf %add3A_38, %sub3A_361 : vector<16x128xf32>
    %slice3A_363 = vector.extract_strided_slice %get3A_44 {offsets = [3, 0], sizes = [1, 128], strides = [1, 1]} : vector<12x128xf32> to vector<1x128xf32>
    %slice3A_364 = vector.extract_strided_slice %get3A_44 {offsets = [1, 0], sizes = [1, 128], strides = [1, 1]} : vector<12x128xf32> to vector<1x128xf32>
    %sub3A_365 = arith.subf %slice3A_363, %slice3A_364 : vector<1x128xf32>
    %div3A_366 = vector.broadcast %sub3A_365 : vector<1x128xf32> to vector<16x128xf32>
    %div3A_367 = arith.divf %sub3A_362, %div3A_366 : vector<16x128xf32>
    %slice3A_368 = vector.extract_strided_slice %get3A_44 {offsets = [4, 0], sizes = [1, 128], strides = [1, 1]} : vector<12x128xf32> to vector<1x128xf32>
    %sub3A_369 = vector.broadcast %slice3A_368 : vector<1x128xf32> to vector<16x128xf32>
    %sub3A_370 = arith.subf %sub3A_369, %add3A_38 : vector<16x128xf32>
    %slice3A_371 = vector.extract_strided_slice %get3A_44 {offsets = [4, 0], sizes = [1, 128], strides = [1, 1]} : vector<12x128xf32> to vector<1x128xf32>
    %slice3A_372 = vector.extract_strided_slice %get3A_44 {offsets = [2, 0], sizes = [1, 128], strides = [1, 1]} : vector<12x128xf32> to vector<1x128xf32>
    %sub3A_373 = arith.subf %slice3A_371, %slice3A_372 : vector<1x128xf32>
    %div3A_374 = vector.broadcast %sub3A_373 : vector<1x128xf32> to vector<16x128xf32>
    %div3A_375 = arith.divf %sub3A_370, %div3A_374 : vector<16x128xf32>
    %mul3A_376 = arith.mulf %div3A_367, %add3A_188 : vector<16x128xf32>
    %mul3A_377 = arith.mulf %div3A_375, %add3A_207 : vector<16x128xf32>
    %add3A_378 = arith.addf %mul3A_376, %mul3A_377 : vector<16x128xf32>
    %slice3A_379 = vector.extract_strided_slice %get3A_44 {offsets = [2, 0], sizes = [1, 128], strides = [1, 1]} : vector<12x128xf32> to vector<1x128xf32>
    %sub3A_380 = vector.broadcast %slice3A_379 : vector<1x128xf32> to vector<16x128xf32>
    %sub3A_381 = arith.subf %add3A_38, %sub3A_380 : vector<16x128xf32>
    %slice3A_382 = vector.extract_strided_slice %get3A_44 {offsets = [4, 0], sizes = [1, 128], strides = [1, 1]} : vector<12x128xf32> to vector<1x128xf32>
    %slice3A_383 = vector.extract_strided_slice %get3A_44 {offsets = [2, 0], sizes = [1, 128], strides = [1, 1]} : vector<12x128xf32> to vector<1x128xf32>
    %sub3A_384 = arith.subf %slice3A_382, %slice3A_383 : vector<1x128xf32>
    %div3A_385 = vector.broadcast %sub3A_384 : vector<1x128xf32> to vector<16x128xf32>
    %div3A_386 = arith.divf %sub3A_381, %div3A_385 : vector<16x128xf32>
    %slice3A_387 = vector.extract_strided_slice %get3A_44 {offsets = [5, 0], sizes = [1, 128], strides = [1, 1]} : vector<12x128xf32> to vector<1x128xf32>
    %sub3A_388 = vector.broadcast %slice3A_387 : vector<1x128xf32> to vector<16x128xf32>
    %sub3A_389 = arith.subf %sub3A_388, %add3A_38 : vector<16x128xf32>
    %slice3A_390 = vector.extract_strided_slice %get3A_44 {offsets = [5, 0], sizes = [1, 128], strides = [1, 1]} : vector<12x128xf32> to vector<1x128xf32>
    %slice3A_391 = vector.extract_strided_slice %get3A_44 {offsets = [3, 0], sizes = [1, 128], strides = [1, 1]} : vector<12x128xf32> to vector<1x128xf32>
    %sub3A_392 = arith.subf %slice3A_390, %slice3A_391 : vector<1x128xf32>
    %div3A_393 = vector.broadcast %sub3A_392 : vector<1x128xf32> to vector<16x128xf32>
    %div3A_394 = arith.divf %sub3A_389, %div3A_393 : vector<16x128xf32>
    %mul3A_395 = arith.mulf %div3A_386, %add3A_207 : vector<16x128xf32>
    %mul3A_396 = arith.mulf %div3A_394, %add3A_226 : vector<16x128xf32>
    %add3A_397 = arith.addf %mul3A_395, %mul3A_396 : vector<16x128xf32>
    %slice3A_398 = vector.extract_strided_slice %get3A_44 {offsets = [3, 0], sizes = [1, 128], strides = [1, 1]} : vector<12x128xf32> to vector<1x128xf32>
    %sub3A_399 = vector.broadcast %slice3A_398 : vector<1x128xf32> to vector<16x128xf32>
    %sub3A_400 = arith.subf %add3A_38, %sub3A_399 : vector<16x128xf32>
    %slice3A_401 = vector.extract_strided_slice %get3A_44 {offsets = [5, 0], sizes = [1, 128], strides = [1, 1]} : vector<12x128xf32> to vector<1x128xf32>
    %slice3A_402 = vector.extract_strided_slice %get3A_44 {offsets = [3, 0], sizes = [1, 128], strides = [1, 1]} : vector<12x128xf32> to vector<1x128xf32>
    %sub3A_403 = arith.subf %slice3A_401, %slice3A_402 : vector<1x128xf32>
    %div3A_404 = vector.broadcast %sub3A_403 : vector<1x128xf32> to vector<16x128xf32>
    %div3A_405 = arith.divf %sub3A_400, %div3A_404 : vector<16x128xf32>
    %slice3A_406 = vector.extract_strided_slice %get3A_44 {offsets = [6, 0], sizes = [1, 128], strides = [1, 1]} : vector<12x128xf32> to vector<1x128xf32>
    %sub3A_407 = vector.broadcast %slice3A_406 : vector<1x128xf32> to vector<16x128xf32>
    %sub3A_408 = arith.subf %sub3A_407, %add3A_38 : vector<16x128xf32>
    %slice3A_409 = vector.extract_strided_slice %get3A_44 {offsets = [6, 0], sizes = [1, 128], strides = [1, 1]} : vector<12x128xf32> to vector<1x128xf32>
    %slice3A_410 = vector.extract_strided_slice %get3A_44 {offsets = [4, 0], sizes = [1, 128], strides = [1, 1]} : vector<12x128xf32> to vector<1x128xf32>
    %sub3A_411 = arith.subf %slice3A_409, %slice3A_410 : vector<1x128xf32>
    %div3A_412 = vector.broadcast %sub3A_411 : vector<1x128xf32> to vector<16x128xf32>
    %div3A_413 = arith.divf %sub3A_408, %div3A_412 : vector<16x128xf32>
    %mul3A_414 = arith.mulf %div3A_405, %add3A_226 : vector<16x128xf32>
    %mul3A_415 = arith.mulf %div3A_413, %add3A_245 : vector<16x128xf32>
    %add3A_416 = arith.addf %mul3A_414, %mul3A_415 : vector<16x128xf32>
    %slice3A_417 = vector.extract_strided_slice %get3A_44 {offsets = [4, 0], sizes = [1, 128], strides = [1, 1]} : vector<12x128xf32> to vector<1x128xf32>
    %sub3A_418 = vector.broadcast %slice3A_417 : vector<1x128xf32> to vector<16x128xf32>
    %sub3A_419 = arith.subf %add3A_38, %sub3A_418 : vector<16x128xf32>
    %slice3A_420 = vector.extract_strided_slice %get3A_44 {offsets = [6, 0], sizes = [1, 128], strides = [1, 1]} : vector<12x128xf32> to vector<1x128xf32>
    %slice3A_421 = vector.extract_strided_slice %get3A_44 {offsets = [4, 0], sizes = [1, 128], strides = [1, 1]} : vector<12x128xf32> to vector<1x128xf32>
    %sub3A_422 = arith.subf %slice3A_420, %slice3A_421 : vector<1x128xf32>
    %div3A_423 = vector.broadcast %sub3A_422 : vector<1x128xf32> to vector<16x128xf32>
    %div3A_424 = arith.divf %sub3A_419, %div3A_423 : vector<16x128xf32>
    %slice3A_425 = vector.extract_strided_slice %get3A_44 {offsets = [7, 0], sizes = [1, 128], strides = [1, 1]} : vector<12x128xf32> to vector<1x128xf32>
    %sub3A_426 = vector.broadcast %slice3A_425 : vector<1x128xf32> to vector<16x128xf32>
    %sub3A_427 = arith.subf %sub3A_426, %add3A_38 : vector<16x128xf32>
    %slice3A_428 = vector.extract_strided_slice %get3A_44 {offsets = [7, 0], sizes = [1, 128], strides = [1, 1]} : vector<12x128xf32> to vector<1x128xf32>
    %slice3A_429 = vector.extract_strided_slice %get3A_44 {offsets = [5, 0], sizes = [1, 128], strides = [1, 1]} : vector<12x128xf32> to vector<1x128xf32>
    %sub3A_430 = arith.subf %slice3A_428, %slice3A_429 : vector<1x128xf32>
    %div3A_431 = vector.broadcast %sub3A_430 : vector<1x128xf32> to vector<16x128xf32>
    %div3A_432 = arith.divf %sub3A_427, %div3A_431 : vector<16x128xf32>
    %mul3A_433 = arith.mulf %div3A_424, %add3A_245 : vector<16x128xf32>
    %mul3A_434 = arith.mulf %div3A_432, %add3A_264 : vector<16x128xf32>
    %add3A_435 = arith.addf %mul3A_433, %mul3A_434 : vector<16x128xf32>
    %slice3A_436 = vector.extract_strided_slice %get3A_44 {offsets = [5, 0], sizes = [1, 128], strides = [1, 1]} : vector<12x128xf32> to vector<1x128xf32>
    %sub3A_437 = vector.broadcast %slice3A_436 : vector<1x128xf32> to vector<16x128xf32>
    %sub3A_438 = arith.subf %add3A_38, %sub3A_437 : vector<16x128xf32>
    %slice3A_439 = vector.extract_strided_slice %get3A_44 {offsets = [7, 0], sizes = [1, 128], strides = [1, 1]} : vector<12x128xf32> to vector<1x128xf32>
    %slice3A_440 = vector.extract_strided_slice %get3A_44 {offsets = [5, 0], sizes = [1, 128], strides = [1, 1]} : vector<12x128xf32> to vector<1x128xf32>
    %sub3A_441 = arith.subf %slice3A_439, %slice3A_440 : vector<1x128xf32>
    %div3A_442 = vector.broadcast %sub3A_441 : vector<1x128xf32> to vector<16x128xf32>
    %div3A_443 = arith.divf %sub3A_438, %div3A_442 : vector<16x128xf32>
    %slice3A_444 = vector.extract_strided_slice %get3A_44 {offsets = [8, 0], sizes = [1, 128], strides = [1, 1]} : vector<12x128xf32> to vector<1x128xf32>
    %sub3A_445 = vector.broadcast %slice3A_444 : vector<1x128xf32> to vector<16x128xf32>
    %sub3A_446 = arith.subf %sub3A_445, %add3A_38 : vector<16x128xf32>
    %slice3A_447 = vector.extract_strided_slice %get3A_44 {offsets = [8, 0], sizes = [1, 128], strides = [1, 1]} : vector<12x128xf32> to vector<1x128xf32>
    %slice3A_448 = vector.extract_strided_slice %get3A_44 {offsets = [6, 0], sizes = [1, 128], strides = [1, 1]} : vector<12x128xf32> to vector<1x128xf32>
    %sub3A_449 = arith.subf %slice3A_447, %slice3A_448 : vector<1x128xf32>
    %div3A_450 = vector.broadcast %sub3A_449 : vector<1x128xf32> to vector<16x128xf32>
    %div3A_451 = arith.divf %sub3A_446, %div3A_450 : vector<16x128xf32>
    %mul3A_452 = arith.mulf %div3A_443, %add3A_264 : vector<16x128xf32>
    %mul3A_453 = arith.mulf %div3A_451, %add3A_283 : vector<16x128xf32>
    %add3A_454 = arith.addf %mul3A_452, %mul3A_453 : vector<16x128xf32>
    %slice3A_455 = vector.extract_strided_slice %get3A_44 {offsets = [6, 0], sizes = [1, 128], strides = [1, 1]} : vector<12x128xf32> to vector<1x128xf32>
    %sub3A_456 = vector.broadcast %slice3A_455 : vector<1x128xf32> to vector<16x128xf32>
    %sub3A_457 = arith.subf %add3A_38, %sub3A_456 : vector<16x128xf32>
    %slice3A_458 = vector.extract_strided_slice %get3A_44 {offsets = [8, 0], sizes = [1, 128], strides = [1, 1]} : vector<12x128xf32> to vector<1x128xf32>
    %slice3A_459 = vector.extract_strided_slice %get3A_44 {offsets = [6, 0], sizes = [1, 128], strides = [1, 1]} : vector<12x128xf32> to vector<1x128xf32>
    %sub3A_460 = arith.subf %slice3A_458, %slice3A_459 : vector<1x128xf32>
    %div3A_461 = vector.broadcast %sub3A_460 : vector<1x128xf32> to vector<16x128xf32>
    %div3A_462 = arith.divf %sub3A_457, %div3A_461 : vector<16x128xf32>
    %slice3A_463 = vector.extract_strided_slice %get3A_44 {offsets = [9, 0], sizes = [1, 128], strides = [1, 1]} : vector<12x128xf32> to vector<1x128xf32>
    %sub3A_464 = vector.broadcast %slice3A_463 : vector<1x128xf32> to vector<16x128xf32>
    %sub3A_465 = arith.subf %sub3A_464, %add3A_38 : vector<16x128xf32>
    %slice3A_466 = vector.extract_strided_slice %get3A_44 {offsets = [9, 0], sizes = [1, 128], strides = [1, 1]} : vector<12x128xf32> to vector<1x128xf32>
    %slice3A_467 = vector.extract_strided_slice %get3A_44 {offsets = [7, 0], sizes = [1, 128], strides = [1, 1]} : vector<12x128xf32> to vector<1x128xf32>
    %sub3A_468 = arith.subf %slice3A_466, %slice3A_467 : vector<1x128xf32>
    %div3A_469 = vector.broadcast %sub3A_468 : vector<1x128xf32> to vector<16x128xf32>
    %div3A_470 = arith.divf %sub3A_465, %div3A_469 : vector<16x128xf32>
    %mul3A_471 = arith.mulf %div3A_462, %add3A_283 : vector<16x128xf32>
    %mul3A_472 = arith.mulf %div3A_470, %add3A_302 : vector<16x128xf32>
    %add3A_473 = arith.addf %mul3A_471, %mul3A_472 : vector<16x128xf32>
    %slice3A_474 = vector.extract_strided_slice %get3A_44 {offsets = [7, 0], sizes = [1, 128], strides = [1, 1]} : vector<12x128xf32> to vector<1x128xf32>
    %sub3A_475 = vector.broadcast %slice3A_474 : vector<1x128xf32> to vector<16x128xf32>
    %sub3A_476 = arith.subf %add3A_38, %sub3A_475 : vector<16x128xf32>
    %slice3A_477 = vector.extract_strided_slice %get3A_44 {offsets = [9, 0], sizes = [1, 128], strides = [1, 1]} : vector<12x128xf32> to vector<1x128xf32>
    %slice3A_478 = vector.extract_strided_slice %get3A_44 {offsets = [7, 0], sizes = [1, 128], strides = [1, 1]} : vector<12x128xf32> to vector<1x128xf32>
    %sub3A_479 = arith.subf %slice3A_477, %slice3A_478 : vector<1x128xf32>
    %div3A_480 = vector.broadcast %sub3A_479 : vector<1x128xf32> to vector<16x128xf32>
    %div3A_481 = arith.divf %sub3A_476, %div3A_480 : vector<16x128xf32>
    %slice3A_482 = vector.extract_strided_slice %get3A_44 {offsets = [10, 0], sizes = [1, 128], strides = [1, 1]} : vector<12x128xf32> to vector<1x128xf32>
    %sub3A_483 = vector.broadcast %slice3A_482 : vector<1x128xf32> to vector<16x128xf32>
    %sub3A_484 = arith.subf %sub3A_483, %add3A_38 : vector<16x128xf32>
    %slice3A_485 = vector.extract_strided_slice %get3A_44 {offsets = [10, 0], sizes = [1, 128], strides = [1, 1]} : vector<12x128xf32> to vector<1x128xf32>
    %slice3A_486 = vector.extract_strided_slice %get3A_44 {offsets = [8, 0], sizes = [1, 128], strides = [1, 1]} : vector<12x128xf32> to vector<1x128xf32>
    %sub3A_487 = arith.subf %slice3A_485, %slice3A_486 : vector<1x128xf32>
    %div3A_488 = vector.broadcast %sub3A_487 : vector<1x128xf32> to vector<16x128xf32>
    %div3A_489 = arith.divf %sub3A_484, %div3A_488 : vector<16x128xf32>
    %mul3A_490 = arith.mulf %div3A_481, %add3A_302 : vector<16x128xf32>
    %mul3A_491 = arith.mulf %div3A_489, %add3A_321 : vector<16x128xf32>
    %add3A_492 = arith.addf %mul3A_490, %mul3A_491 : vector<16x128xf32>
    %slice3A_493 = vector.extract_strided_slice %get3A_44 {offsets = [8, 0], sizes = [1, 128], strides = [1, 1]} : vector<12x128xf32> to vector<1x128xf32>
    %sub3A_494 = vector.broadcast %slice3A_493 : vector<1x128xf32> to vector<16x128xf32>
    %sub3A_495 = arith.subf %add3A_38, %sub3A_494 : vector<16x128xf32>
    %slice3A_496 = vector.extract_strided_slice %get3A_44 {offsets = [10, 0], sizes = [1, 128], strides = [1, 1]} : vector<12x128xf32> to vector<1x128xf32>
    %slice3A_497 = vector.extract_strided_slice %get3A_44 {offsets = [8, 0], sizes = [1, 128], strides = [1, 1]} : vector<12x128xf32> to vector<1x128xf32>
    %sub3A_498 = arith.subf %slice3A_496, %slice3A_497 : vector<1x128xf32>
    %div3A_499 = vector.broadcast %sub3A_498 : vector<1x128xf32> to vector<16x128xf32>
    %div3A_500 = arith.divf %sub3A_495, %div3A_499 : vector<16x128xf32>
    %slice3A_501 = vector.extract_strided_slice %get3A_44 {offsets = [11, 0], sizes = [1, 128], strides = [1, 1]} : vector<12x128xf32> to vector<1x128xf32>
    %sub3A_502 = vector.broadcast %slice3A_501 : vector<1x128xf32> to vector<16x128xf32>
    %sub3A_503 = arith.subf %sub3A_502, %add3A_38 : vector<16x128xf32>
    %slice3A_504 = vector.extract_strided_slice %get3A_44 {offsets = [11, 0], sizes = [1, 128], strides = [1, 1]} : vector<12x128xf32> to vector<1x128xf32>
    %slice3A_505 = vector.extract_strided_slice %get3A_44 {offsets = [9, 0], sizes = [1, 128], strides = [1, 1]} : vector<12x128xf32> to vector<1x128xf32>
    %sub3A_506 = arith.subf %slice3A_504, %slice3A_505 : vector<1x128xf32>
    %div3A_507 = vector.broadcast %sub3A_506 : vector<1x128xf32> to vector<16x128xf32>
    %div3A_508 = arith.divf %sub3A_503, %div3A_507 : vector<16x128xf32>
    %mul3A_509 = arith.mulf %div3A_500, %add3A_321 : vector<16x128xf32>
    %mul3A_510 = arith.mulf %div3A_508, %add3A_340 : vector<16x128xf32>
    %add3A_511 = arith.addf %mul3A_509, %mul3A_510 : vector<16x128xf32>
    %slice3A_512 = vector.extract_strided_slice %get3A_44 {offsets = [0, 0], sizes = [1, 128], strides = [1, 1]} : vector<12x128xf32> to vector<1x128xf32>
    %sub3A_513 = vector.broadcast %slice3A_512 : vector<1x128xf32> to vector<16x128xf32>
    %sub3A_514 = arith.subf %add3A_38, %sub3A_513 : vector<16x128xf32>
    %slice3A_515 = vector.extract_strided_slice %get3A_44 {offsets = [3, 0], sizes = [1, 128], strides = [1, 1]} : vector<12x128xf32> to vector<1x128xf32>
    %slice3A_516 = vector.extract_strided_slice %get3A_44 {offsets = [0, 0], sizes = [1, 128], strides = [1, 1]} : vector<12x128xf32> to vector<1x128xf32>
    %sub3A_517 = arith.subf %slice3A_515, %slice3A_516 : vector<1x128xf32>
    %div3A_518 = vector.broadcast %sub3A_517 : vector<1x128xf32> to vector<16x128xf32>
    %div3A_519 = arith.divf %sub3A_514, %div3A_518 : vector<16x128xf32>
    %slice3A_520 = vector.extract_strided_slice %get3A_44 {offsets = [4, 0], sizes = [1, 128], strides = [1, 1]} : vector<12x128xf32> to vector<1x128xf32>
    %sub3A_521 = vector.broadcast %slice3A_520 : vector<1x128xf32> to vector<16x128xf32>
    %sub3A_522 = arith.subf %sub3A_521, %add3A_38 : vector<16x128xf32>
    %slice3A_523 = vector.extract_strided_slice %get3A_44 {offsets = [4, 0], sizes = [1, 128], strides = [1, 1]} : vector<12x128xf32> to vector<1x128xf32>
    %slice3A_524 = vector.extract_strided_slice %get3A_44 {offsets = [1, 0], sizes = [1, 128], strides = [1, 1]} : vector<12x128xf32> to vector<1x128xf32>
    %sub3A_525 = arith.subf %slice3A_523, %slice3A_524 : vector<1x128xf32>
    %div3A_526 = vector.broadcast %sub3A_525 : vector<1x128xf32> to vector<16x128xf32>
    %div3A_527 = arith.divf %sub3A_522, %div3A_526 : vector<16x128xf32>
    %mul3A_528 = arith.mulf %div3A_519, %add3A_359 : vector<16x128xf32>
    %mul3A_529 = arith.mulf %div3A_527, %add3A_378 : vector<16x128xf32>
    %add3A_530 = arith.addf %mul3A_528, %mul3A_529 : vector<16x128xf32>
    %slice3A_531 = vector.extract_strided_slice %get3A_44 {offsets = [1, 0], sizes = [1, 128], strides = [1, 1]} : vector<12x128xf32> to vector<1x128xf32>
    %sub3A_532 = vector.broadcast %slice3A_531 : vector<1x128xf32> to vector<16x128xf32>
    %sub3A_533 = arith.subf %add3A_38, %sub3A_532 : vector<16x128xf32>
    %slice3A_534 = vector.extract_strided_slice %get3A_44 {offsets = [4, 0], sizes = [1, 128], strides = [1, 1]} : vector<12x128xf32> to vector<1x128xf32>
    %slice3A_535 = vector.extract_strided_slice %get3A_44 {offsets = [1, 0], sizes = [1, 128], strides = [1, 1]} : vector<12x128xf32> to vector<1x128xf32>
    %sub3A_536 = arith.subf %slice3A_534, %slice3A_535 : vector<1x128xf32>
    %div3A_537 = vector.broadcast %sub3A_536 : vector<1x128xf32> to vector<16x128xf32>
    %div3A_538 = arith.divf %sub3A_533, %div3A_537 : vector<16x128xf32>
    %slice3A_539 = vector.extract_strided_slice %get3A_44 {offsets = [5, 0], sizes = [1, 128], strides = [1, 1]} : vector<12x128xf32> to vector<1x128xf32>
    %sub3A_540 = vector.broadcast %slice3A_539 : vector<1x128xf32> to vector<16x128xf32>
    %sub3A_541 = arith.subf %sub3A_540, %add3A_38 : vector<16x128xf32>
    %slice3A_542 = vector.extract_strided_slice %get3A_44 {offsets = [5, 0], sizes = [1, 128], strides = [1, 1]} : vector<12x128xf32> to vector<1x128xf32>
    %slice3A_543 = vector.extract_strided_slice %get3A_44 {offsets = [2, 0], sizes = [1, 128], strides = [1, 1]} : vector<12x128xf32> to vector<1x128xf32>
    %sub3A_544 = arith.subf %slice3A_542, %slice3A_543 : vector<1x128xf32>
    %div3A_545 = vector.broadcast %sub3A_544 : vector<1x128xf32> to vector<16x128xf32>
    %div3A_546 = arith.divf %sub3A_541, %div3A_545 : vector<16x128xf32>
    %mul3A_547 = arith.mulf %div3A_538, %add3A_378 : vector<16x128xf32>
    %mul3A_548 = arith.mulf %div3A_546, %add3A_397 : vector<16x128xf32>
    %add3A_549 = arith.addf %mul3A_547, %mul3A_548 : vector<16x128xf32>
    %slice3A_550 = vector.extract_strided_slice %get3A_44 {offsets = [2, 0], sizes = [1, 128], strides = [1, 1]} : vector<12x128xf32> to vector<1x128xf32>
    %sub3A_551 = vector.broadcast %slice3A_550 : vector<1x128xf32> to vector<16x128xf32>
    %sub3A_552 = arith.subf %add3A_38, %sub3A_551 : vector<16x128xf32>
    %slice3A_553 = vector.extract_strided_slice %get3A_44 {offsets = [5, 0], sizes = [1, 128], strides = [1, 1]} : vector<12x128xf32> to vector<1x128xf32>
    %slice3A_554 = vector.extract_strided_slice %get3A_44 {offsets = [2, 0], sizes = [1, 128], strides = [1, 1]} : vector<12x128xf32> to vector<1x128xf32>
    %sub3A_555 = arith.subf %slice3A_553, %slice3A_554 : vector<1x128xf32>
    %div3A_556 = vector.broadcast %sub3A_555 : vector<1x128xf32> to vector<16x128xf32>
    %div3A_557 = arith.divf %sub3A_552, %div3A_556 : vector<16x128xf32>
    %slice3A_558 = vector.extract_strided_slice %get3A_44 {offsets = [6, 0], sizes = [1, 128], strides = [1, 1]} : vector<12x128xf32> to vector<1x128xf32>
    %sub3A_559 = vector.broadcast %slice3A_558 : vector<1x128xf32> to vector<16x128xf32>
    %sub3A_560 = arith.subf %sub3A_559, %add3A_38 : vector<16x128xf32>
    %slice3A_561 = vector.extract_strided_slice %get3A_44 {offsets = [6, 0], sizes = [1, 128], strides = [1, 1]} : vector<12x128xf32> to vector<1x128xf32>
    %slice3A_562 = vector.extract_strided_slice %get3A_44 {offsets = [3, 0], sizes = [1, 128], strides = [1, 1]} : vector<12x128xf32> to vector<1x128xf32>
    %sub3A_563 = arith.subf %slice3A_561, %slice3A_562 : vector<1x128xf32>
    %div3A_564 = vector.broadcast %sub3A_563 : vector<1x128xf32> to vector<16x128xf32>
    %div3A_565 = arith.divf %sub3A_560, %div3A_564 : vector<16x128xf32>
    %mul3A_566 = arith.mulf %div3A_557, %add3A_397 : vector<16x128xf32>
    %mul3A_567 = arith.mulf %div3A_565, %add3A_416 : vector<16x128xf32>
    %add3A_568 = arith.addf %mul3A_566, %mul3A_567 : vector<16x128xf32>
    %slice3A_569 = vector.extract_strided_slice %get3A_44 {offsets = [3, 0], sizes = [1, 128], strides = [1, 1]} : vector<12x128xf32> to vector<1x128xf32>
    %sub3A_570 = vector.broadcast %slice3A_569 : vector<1x128xf32> to vector<16x128xf32>
    %sub3A_571 = arith.subf %add3A_38, %sub3A_570 : vector<16x128xf32>
    %slice3A_572 = vector.extract_strided_slice %get3A_44 {offsets = [6, 0], sizes = [1, 128], strides = [1, 1]} : vector<12x128xf32> to vector<1x128xf32>
    %slice3A_573 = vector.extract_strided_slice %get3A_44 {offsets = [3, 0], sizes = [1, 128], strides = [1, 1]} : vector<12x128xf32> to vector<1x128xf32>
    %sub3A_574 = arith.subf %slice3A_572, %slice3A_573 : vector<1x128xf32>
    %div3A_575 = vector.broadcast %sub3A_574 : vector<1x128xf32> to vector<16x128xf32>
    %div3A_576 = arith.divf %sub3A_571, %div3A_575 : vector<16x128xf32>
    %slice3A_577 = vector.extract_strided_slice %get3A_44 {offsets = [7, 0], sizes = [1, 128], strides = [1, 1]} : vector<12x128xf32> to vector<1x128xf32>
    %sub3A_578 = vector.broadcast %slice3A_577 : vector<1x128xf32> to vector<16x128xf32>
    %sub3A_579 = arith.subf %sub3A_578, %add3A_38 : vector<16x128xf32>
    %slice3A_580 = vector.extract_strided_slice %get3A_44 {offsets = [7, 0], sizes = [1, 128], strides = [1, 1]} : vector<12x128xf32> to vector<1x128xf32>
    %slice3A_581 = vector.extract_strided_slice %get3A_44 {offsets = [4, 0], sizes = [1, 128], strides = [1, 1]} : vector<12x128xf32> to vector<1x128xf32>
    %sub3A_582 = arith.subf %slice3A_580, %slice3A_581 : vector<1x128xf32>
    %div3A_583 = vector.broadcast %sub3A_582 : vector<1x128xf32> to vector<16x128xf32>
    %div3A_584 = arith.divf %sub3A_579, %div3A_583 : vector<16x128xf32>
    %mul3A_585 = arith.mulf %div3A_576, %add3A_416 : vector<16x128xf32>
    %mul3A_586 = arith.mulf %div3A_584, %add3A_435 : vector<16x128xf32>
    %add3A_587 = arith.addf %mul3A_585, %mul3A_586 : vector<16x128xf32>
    %slice3A_588 = vector.extract_strided_slice %get3A_44 {offsets = [4, 0], sizes = [1, 128], strides = [1, 1]} : vector<12x128xf32> to vector<1x128xf32>
    %sub3A_589 = vector.broadcast %slice3A_588 : vector<1x128xf32> to vector<16x128xf32>
    %sub3A_590 = arith.subf %add3A_38, %sub3A_589 : vector<16x128xf32>
    %slice3A_591 = vector.extract_strided_slice %get3A_44 {offsets = [7, 0], sizes = [1, 128], strides = [1, 1]} : vector<12x128xf32> to vector<1x128xf32>
    %slice3A_592 = vector.extract_strided_slice %get3A_44 {offsets = [4, 0], sizes = [1, 128], strides = [1, 1]} : vector<12x128xf32> to vector<1x128xf32>
    %sub3A_593 = arith.subf %slice3A_591, %slice3A_592 : vector<1x128xf32>
    %div3A_594 = vector.broadcast %sub3A_593 : vector<1x128xf32> to vector<16x128xf32>
    %div3A_595 = arith.divf %sub3A_590, %div3A_594 : vector<16x128xf32>
    %slice3A_596 = vector.extract_strided_slice %get3A_44 {offsets = [8, 0], sizes = [1, 128], strides = [1, 1]} : vector<12x128xf32> to vector<1x128xf32>
    %sub3A_597 = vector.broadcast %slice3A_596 : vector<1x128xf32> to vector<16x128xf32>
    %sub3A_598 = arith.subf %sub3A_597, %add3A_38 : vector<16x128xf32>
    %slice3A_599 = vector.extract_strided_slice %get3A_44 {offsets = [8, 0], sizes = [1, 128], strides = [1, 1]} : vector<12x128xf32> to vector<1x128xf32>
    %slice3A_600 = vector.extract_strided_slice %get3A_44 {offsets = [5, 0], sizes = [1, 128], strides = [1, 1]} : vector<12x128xf32> to vector<1x128xf32>
    %sub3A_601 = arith.subf %slice3A_599, %slice3A_600 : vector<1x128xf32>
    %div3A_602 = vector.broadcast %sub3A_601 : vector<1x128xf32> to vector<16x128xf32>
    %div3A_603 = arith.divf %sub3A_598, %div3A_602 : vector<16x128xf32>
    %mul3A_604 = arith.mulf %div3A_595, %add3A_435 : vector<16x128xf32>
    %mul3A_605 = arith.mulf %div3A_603, %add3A_454 : vector<16x128xf32>
    %add3A_606 = arith.addf %mul3A_604, %mul3A_605 : vector<16x128xf32>
    %slice3A_607 = vector.extract_strided_slice %get3A_44 {offsets = [5, 0], sizes = [1, 128], strides = [1, 1]} : vector<12x128xf32> to vector<1x128xf32>
    %sub3A_608 = vector.broadcast %slice3A_607 : vector<1x128xf32> to vector<16x128xf32>
    %sub3A_609 = arith.subf %add3A_38, %sub3A_608 : vector<16x128xf32>
    %slice3A_610 = vector.extract_strided_slice %get3A_44 {offsets = [8, 0], sizes = [1, 128], strides = [1, 1]} : vector<12x128xf32> to vector<1x128xf32>
    %slice3A_611 = vector.extract_strided_slice %get3A_44 {offsets = [5, 0], sizes = [1, 128], strides = [1, 1]} : vector<12x128xf32> to vector<1x128xf32>
    %sub3A_612 = arith.subf %slice3A_610, %slice3A_611 : vector<1x128xf32>
    %div3A_613 = vector.broadcast %sub3A_612 : vector<1x128xf32> to vector<16x128xf32>
    %div3A_614 = arith.divf %sub3A_609, %div3A_613 : vector<16x128xf32>
    %slice3A_615 = vector.extract_strided_slice %get3A_44 {offsets = [9, 0], sizes = [1, 128], strides = [1, 1]} : vector<12x128xf32> to vector<1x128xf32>
    %sub3A_616 = vector.broadcast %slice3A_615 : vector<1x128xf32> to vector<16x128xf32>
    %sub3A_617 = arith.subf %sub3A_616, %add3A_38 : vector<16x128xf32>
    %slice3A_618 = vector.extract_strided_slice %get3A_44 {offsets = [9, 0], sizes = [1, 128], strides = [1, 1]} : vector<12x128xf32> to vector<1x128xf32>
    %slice3A_619 = vector.extract_strided_slice %get3A_44 {offsets = [6, 0], sizes = [1, 128], strides = [1, 1]} : vector<12x128xf32> to vector<1x128xf32>
    %sub3A_620 = arith.subf %slice3A_618, %slice3A_619 : vector<1x128xf32>
    %div3A_621 = vector.broadcast %sub3A_620 : vector<1x128xf32> to vector<16x128xf32>
    %div3A_622 = arith.divf %sub3A_617, %div3A_621 : vector<16x128xf32>
    %mul3A_623 = arith.mulf %div3A_614, %add3A_454 : vector<16x128xf32>
    %mul3A_624 = arith.mulf %div3A_622, %add3A_473 : vector<16x128xf32>
    %add3A_625 = arith.addf %mul3A_623, %mul3A_624 : vector<16x128xf32>
    %slice3A_626 = vector.extract_strided_slice %get3A_44 {offsets = [6, 0], sizes = [1, 128], strides = [1, 1]} : vector<12x128xf32> to vector<1x128xf32>
    %sub3A_627 = vector.broadcast %slice3A_626 : vector<1x128xf32> to vector<16x128xf32>
    %sub3A_628 = arith.subf %add3A_38, %sub3A_627 : vector<16x128xf32>
    %slice3A_629 = vector.extract_strided_slice %get3A_44 {offsets = [9, 0], sizes = [1, 128], strides = [1, 1]} : vector<12x128xf32> to vector<1x128xf32>
    %slice3A_630 = vector.extract_strided_slice %get3A_44 {offsets = [6, 0], sizes = [1, 128], strides = [1, 1]} : vector<12x128xf32> to vector<1x128xf32>
    %sub3A_631 = arith.subf %slice3A_629, %slice3A_630 : vector<1x128xf32>
    %div3A_632 = vector.broadcast %sub3A_631 : vector<1x128xf32> to vector<16x128xf32>
    %div3A_633 = arith.divf %sub3A_628, %div3A_632 : vector<16x128xf32>
    %slice3A_634 = vector.extract_strided_slice %get3A_44 {offsets = [10, 0], sizes = [1, 128], strides = [1, 1]} : vector<12x128xf32> to vector<1x128xf32>
    %sub3A_635 = vector.broadcast %slice3A_634 : vector<1x128xf32> to vector<16x128xf32>
    %sub3A_636 = arith.subf %sub3A_635, %add3A_38 : vector<16x128xf32>
    %slice3A_637 = vector.extract_strided_slice %get3A_44 {offsets = [10, 0], sizes = [1, 128], strides = [1, 1]} : vector<12x128xf32> to vector<1x128xf32>
    %slice3A_638 = vector.extract_strided_slice %get3A_44 {offsets = [7, 0], sizes = [1, 128], strides = [1, 1]} : vector<12x128xf32> to vector<1x128xf32>
    %sub3A_639 = arith.subf %slice3A_637, %slice3A_638 : vector<1x128xf32>
    %div3A_640 = vector.broadcast %sub3A_639 : vector<1x128xf32> to vector<16x128xf32>
    %div3A_641 = arith.divf %sub3A_636, %div3A_640 : vector<16x128xf32>
    %mul3A_642 = arith.mulf %div3A_633, %add3A_473 : vector<16x128xf32>
    %mul3A_643 = arith.mulf %div3A_641, %add3A_492 : vector<16x128xf32>
    %add3A_644 = arith.addf %mul3A_642, %mul3A_643 : vector<16x128xf32>
    %slice3A_645 = vector.extract_strided_slice %get3A_44 {offsets = [7, 0], sizes = [1, 128], strides = [1, 1]} : vector<12x128xf32> to vector<1x128xf32>
    %sub3A_646 = vector.broadcast %slice3A_645 : vector<1x128xf32> to vector<16x128xf32>
    %sub3A_647 = arith.subf %add3A_38, %sub3A_646 : vector<16x128xf32>
    %slice3A_648 = vector.extract_strided_slice %get3A_44 {offsets = [10, 0], sizes = [1, 128], strides = [1, 1]} : vector<12x128xf32> to vector<1x128xf32>
    %slice3A_649 = vector.extract_strided_slice %get3A_44 {offsets = [7, 0], sizes = [1, 128], strides = [1, 1]} : vector<12x128xf32> to vector<1x128xf32>
    %sub3A_650 = arith.subf %slice3A_648, %slice3A_649 : vector<1x128xf32>
    %div3A_651 = vector.broadcast %sub3A_650 : vector<1x128xf32> to vector<16x128xf32>
    %div3A_652 = arith.divf %sub3A_647, %div3A_651 : vector<16x128xf32>
    %slice3A_653 = vector.extract_strided_slice %get3A_44 {offsets = [11, 0], sizes = [1, 128], strides = [1, 1]} : vector<12x128xf32> to vector<1x128xf32>
    %sub3A_654 = vector.broadcast %slice3A_653 : vector<1x128xf32> to vector<16x128xf32>
    %sub3A_655 = arith.subf %sub3A_654, %add3A_38 : vector<16x128xf32>
    %slice3A_656 = vector.extract_strided_slice %get3A_44 {offsets = [11, 0], sizes = [1, 128], strides = [1, 1]} : vector<12x128xf32> to vector<1x128xf32>
    %slice3A_657 = vector.extract_strided_slice %get3A_44 {offsets = [8, 0], sizes = [1, 128], strides = [1, 1]} : vector<12x128xf32> to vector<1x128xf32>
    %sub3A_658 = arith.subf %slice3A_656, %slice3A_657 : vector<1x128xf32>
    %div3A_659 = vector.broadcast %sub3A_658 : vector<1x128xf32> to vector<16x128xf32>
    %div3A_660 = arith.divf %sub3A_655, %div3A_659 : vector<16x128xf32>
    %mul3A_661 = arith.mulf %div3A_652, %add3A_492 : vector<16x128xf32>
    %mul3A_662 = arith.mulf %div3A_660, %add3A_511 : vector<16x128xf32>
    %add3A_663 = arith.addf %mul3A_661, %mul3A_662 : vector<16x128xf32>
    %slice3A_664 = vector.extract_strided_slice %get3A_48 {offsets = [0, 0, 0], sizes = [1, 128, 128], strides = [1, 1, 1]} : vector<8x128x128xf32> to vector<1x128x128xf32>
    %squeeze3A = vector.shape_cast %slice3A_664 : vector<1x128x128xf32> to vector<128x128xf32>
    %dot_general3A_665 = arith.constant dense<0.000000e+00> : vector<16x128xf32>
    %dot_general3A_666 = tpu.matmul %add3A_530, %squeeze3A, %dot_general3A_665 {dimension_numbers = #tpu.dot_dimension_numbers<[1], [0], [0], [1], [0, 0, 1, 1], [], []>, transpose_lhs_hint = false} : vector<16x128xf32>, vector<128x128xf32>, vector<16x128xf32> -> vector<16x128xf32>
    %add3A_667 = arith.addf %dot_general3A_55, %dot_general3A_666 : vector<16x128xf32>
    %slice3A_668 = vector.extract_strided_slice %get3A_48 {offsets = [1, 0, 0], sizes = [1, 128, 128], strides = [1, 1, 1]} : vector<8x128x128xf32> to vector<1x128x128xf32>
    %squeeze3A_669 = vector.shape_cast %slice3A_668 : vector<1x128x128xf32> to vector<128x128xf32>
    %dot_general3A_670 = arith.constant dense<0.000000e+00> : vector<16x128xf32>
    %dot_general3A_671 = tpu.matmul %add3A_549, %squeeze3A_669, %dot_general3A_670 {dimension_numbers = #tpu.dot_dimension_numbers<[1], [0], [0], [1], [0, 0, 1, 1], [], []>, transpose_lhs_hint = false} : vector<16x128xf32>, vector<128x128xf32>, vector<16x128xf32> -> vector<16x128xf32>
    %add3A_672 = arith.addf %add3A_667, %dot_general3A_671 : vector<16x128xf32>
    %slice3A_673 = vector.extract_strided_slice %get3A_48 {offsets = [2, 0, 0], sizes = [1, 128, 128], strides = [1, 1, 1]} : vector<8x128x128xf32> to vector<1x128x128xf32>
    %squeeze3A_674 = vector.shape_cast %slice3A_673 : vector<1x128x128xf32> to vector<128x128xf32>
    %dot_general3A_675 = arith.constant dense<0.000000e+00> : vector<16x128xf32>
    %dot_general3A_676 = tpu.matmul %add3A_568, %squeeze3A_674, %dot_general3A_675 {dimension_numbers = #tpu.dot_dimension_numbers<[1], [0], [0], [1], [0, 0, 1, 1], [], []>, transpose_lhs_hint = false} : vector<16x128xf32>, vector<128x128xf32>, vector<16x128xf32> -> vector<16x128xf32>
    %add3A_677 = arith.addf %add3A_672, %dot_general3A_676 : vector<16x128xf32>
    %slice3A_678 = vector.extract_strided_slice %get3A_48 {offsets = [3, 0, 0], sizes = [1, 128, 128], strides = [1, 1, 1]} : vector<8x128x128xf32> to vector<1x128x128xf32>
    %squeeze3A_679 = vector.shape_cast %slice3A_678 : vector<1x128x128xf32> to vector<128x128xf32>
    %dot_general3A_680 = arith.constant dense<0.000000e+00> : vector<16x128xf32>
    %dot_general3A_681 = tpu.matmul %add3A_587, %squeeze3A_679, %dot_general3A_680 {dimension_numbers = #tpu.dot_dimension_numbers<[1], [0], [0], [1], [0, 0, 1, 1], [], []>, transpose_lhs_hint = false} : vector<16x128xf32>, vector<128x128xf32>, vector<16x128xf32> -> vector<16x128xf32>
    %add3A_682 = arith.addf %add3A_677, %dot_general3A_681 : vector<16x128xf32>
    %slice3A_683 = vector.extract_strided_slice %get3A_48 {offsets = [4, 0, 0], sizes = [1, 128, 128], strides = [1, 1, 1]} : vector<8x128x128xf32> to vector<1x128x128xf32>
    %squeeze3A_684 = vector.shape_cast %slice3A_683 : vector<1x128x128xf32> to vector<128x128xf32>
    %dot_general3A_685 = arith.constant dense<0.000000e+00> : vector<16x128xf32>
    %dot_general3A_686 = tpu.matmul %add3A_606, %squeeze3A_684, %dot_general3A_685 {dimension_numbers = #tpu.dot_dimension_numbers<[1], [0], [0], [1], [0, 0, 1, 1], [], []>, transpose_lhs_hint = false} : vector<16x128xf32>, vector<128x128xf32>, vector<16x128xf32> -> vector<16x128xf32>
    %add3A_687 = arith.addf %add3A_682, %dot_general3A_686 : vector<16x128xf32>
    %slice3A_688 = vector.extract_strided_slice %get3A_48 {offsets = [5, 0, 0], sizes = [1, 128, 128], strides = [1, 1, 1]} : vector<8x128x128xf32> to vector<1x128x128xf32>
    %squeeze3A_689 = vector.shape_cast %slice3A_688 : vector<1x128x128xf32> to vector<128x128xf32>
    %dot_general3A_690 = arith.constant dense<0.000000e+00> : vector<16x128xf32>
    %dot_general3A_691 = tpu.matmul %add3A_625, %squeeze3A_689, %dot_general3A_690 {dimension_numbers = #tpu.dot_dimension_numbers<[1], [0], [0], [1], [0, 0, 1, 1], [], []>, transpose_lhs_hint = false} : vector<16x128xf32>, vector<128x128xf32>, vector<16x128xf32> -> vector<16x128xf32>
    %add3A_692 = arith.addf %add3A_687, %dot_general3A_691 : vector<16x128xf32>
    %slice3A_693 = vector.extract_strided_slice %get3A_48 {offsets = [6, 0, 0], sizes = [1, 128, 128], strides = [1, 1, 1]} : vector<8x128x128xf32> to vector<1x128x128xf32>
    %squeeze3A_694 = vector.shape_cast %slice3A_693 : vector<1x128x128xf32> to vector<128x128xf32>
    %dot_general3A_695 = arith.constant dense<0.000000e+00> : vector<16x128xf32>
    %dot_general3A_696 = tpu.matmul %add3A_644, %squeeze3A_694, %dot_general3A_695 {dimension_numbers = #tpu.dot_dimension_numbers<[1], [0], [0], [1], [0, 0, 1, 1], [], []>, transpose_lhs_hint = false} : vector<16x128xf32>, vector<128x128xf32>, vector<16x128xf32> -> vector<16x128xf32>
    %add3A_697 = arith.addf %add3A_692, %dot_general3A_696 : vector<16x128xf32>
    %slice3A_698 = vector.extract_strided_slice %get3A_48 {offsets = [7, 0, 0], sizes = [1, 128, 128], strides = [1, 1, 1]} : vector<8x128x128xf32> to vector<1x128x128xf32>
    %squeeze3A_699 = vector.shape_cast %slice3A_698 : vector<1x128x128xf32> to vector<128x128xf32>
    %dot_general3A_700 = arith.constant dense<0.000000e+00> : vector<16x128xf32>
    %dot_general3A_701 = tpu.matmul %add3A_663, %squeeze3A_699, %dot_general3A_700 {dimension_numbers = #tpu.dot_dimension_numbers<[1], [0], [0], [1], [0, 0, 1, 1], [], []>, transpose_lhs_hint = false} : vector<16x128xf32>, vector<128x128xf32>, vector<16x128xf32> -> vector<16x128xf32>
    %add3A_702 = arith.addf %add3A_697, %dot_general3A_701 : vector<16x128xf32>
    %get3A_703 = arith.constant 0 : index
    %get3A_704 = arith.constant 0 : index
    %get3A_705 = vector.load %arg8[%get3A_703, %get3A_704] : memref<128x10xf32, #tpu.memory_space<vmem>>, vector<128x10xf32>
    %get3A_706 = arith.constant 0 : index
    %get3A_707 = arith.constant 0 : index
    %get3A_708 = vector.load %arg9[%get3A_706, %get3A_707] : memref<12x128xf32, #tpu.memory_space<vmem>>, vector<12x128xf32>
    %get3A_709 = arith.constant 0 : index
    %get3A_710 = arith.constant 0 : index
    %get3A_711 = arith.constant 0 : index
    %get3A_712 = vector.load %arg10[%get3A_709, %get3A_710, %get3A_711] : memref<8x128x10xf32, #tpu.memory_space<vmem>>, vector<8x128x10xf32>
    %logistic3A_713 = arith.negf %add3A_702 : vector<16x128xf32>
    %logistic3A_714 = math.exp %logistic3A_713 : vector<16x128xf32>
    %logistic3A_715 = arith.constant 1.000000e+00 : f32
    %logistic3A_716 = vector.broadcast %logistic3A_715 : f32 to vector<16x128xf32>
    %logistic3A_717 = arith.addf %logistic3A_716, %logistic3A_714 : vector<16x128xf32>
    %logistic3A_718 = arith.divf %logistic3A_716, %logistic3A_717 : vector<16x128xf32>
    %mul3A_719 = arith.mulf %add3A_702, %logistic3A_718 : vector<16x128xf32>
    %dot_general3A_720 = arith.constant dense<0.000000e+00> : vector<16x10xf32>
    %dot_general3A_721 = tpu.matmul %mul3A_719, %get3A_705, %dot_general3A_720 {dimension_numbers = #tpu.dot_dimension_numbers<[1], [0], [0], [1], [0, 0, 1, 1], [], []>, transpose_lhs_hint = false} : vector<16x128xf32>, vector<128x10xf32>, vector<16x10xf32> -> vector<16x10xf32>
    %slice3A_722 = vector.extract_strided_slice %get3A_708 {offsets = [0, 0], sizes = [1, 128], strides = [1, 1]} : vector<12x128xf32> to vector<1x128xf32>
    %ge3A_723 = vector.broadcast %slice3A_722 : vector<1x128xf32> to vector<16x128xf32>
    %ge3A_724 = arith.cmpf oge, %add3A_702, %ge3A_723 : vector<16x128xf32>
    %slice3A_725 = vector.extract_strided_slice %get3A_708 {offsets = [1, 0], sizes = [1, 128], strides = [1, 1]} : vector<12x128xf32> to vector<1x128xf32>
    %lt3A_726 = vector.broadcast %slice3A_725 : vector<1x128xf32> to vector<16x128xf32>
    %lt3A_727 = arith.cmpf olt, %add3A_702, %lt3A_726 : vector<16x128xf32>
    %and3A_728 = arith.andi %ge3A_724, %lt3A_727 : vector<16x128xi1>
    %convert_element_type3A_729 = arith.extui %and3A_728 : vector<16x128xi1> to vector<16x128xi32>
    %convert_element_type3A_730 = arith.sitofp %convert_element_type3A_729 : vector<16x128xi32> to vector<16x128xf32>
    %slice3A_731 = vector.extract_strided_slice %get3A_708 {offsets = [1, 0], sizes = [1, 128], strides = [1, 1]} : vector<12x128xf32> to vector<1x128xf32>
    %ge3A_732 = vector.broadcast %slice3A_731 : vector<1x128xf32> to vector<16x128xf32>
    %ge3A_733 = arith.cmpf oge, %add3A_702, %ge3A_732 : vector<16x128xf32>
    %slice3A_734 = vector.extract_strided_slice %get3A_708 {offsets = [2, 0], sizes = [1, 128], strides = [1, 1]} : vector<12x128xf32> to vector<1x128xf32>
    %lt3A_735 = vector.broadcast %slice3A_734 : vector<1x128xf32> to vector<16x128xf32>
    %lt3A_736 = arith.cmpf olt, %add3A_702, %lt3A_735 : vector<16x128xf32>
    %and3A_737 = arith.andi %ge3A_733, %lt3A_736 : vector<16x128xi1>
    %convert_element_type3A_738 = arith.extui %and3A_737 : vector<16x128xi1> to vector<16x128xi32>
    %convert_element_type3A_739 = arith.sitofp %convert_element_type3A_738 : vector<16x128xi32> to vector<16x128xf32>
    %slice3A_740 = vector.extract_strided_slice %get3A_708 {offsets = [2, 0], sizes = [1, 128], strides = [1, 1]} : vector<12x128xf32> to vector<1x128xf32>
    %ge3A_741 = vector.broadcast %slice3A_740 : vector<1x128xf32> to vector<16x128xf32>
    %ge3A_742 = arith.cmpf oge, %add3A_702, %ge3A_741 : vector<16x128xf32>
    %slice3A_743 = vector.extract_strided_slice %get3A_708 {offsets = [3, 0], sizes = [1, 128], strides = [1, 1]} : vector<12x128xf32> to vector<1x128xf32>
    %lt3A_744 = vector.broadcast %slice3A_743 : vector<1x128xf32> to vector<16x128xf32>
    %lt3A_745 = arith.cmpf olt, %add3A_702, %lt3A_744 : vector<16x128xf32>
    %and3A_746 = arith.andi %ge3A_742, %lt3A_745 : vector<16x128xi1>
    %convert_element_type3A_747 = arith.extui %and3A_746 : vector<16x128xi1> to vector<16x128xi32>
    %convert_element_type3A_748 = arith.sitofp %convert_element_type3A_747 : vector<16x128xi32> to vector<16x128xf32>
    %slice3A_749 = vector.extract_strided_slice %get3A_708 {offsets = [3, 0], sizes = [1, 128], strides = [1, 1]} : vector<12x128xf32> to vector<1x128xf32>
    %ge3A_750 = vector.broadcast %slice3A_749 : vector<1x128xf32> to vector<16x128xf32>
    %ge3A_751 = arith.cmpf oge, %add3A_702, %ge3A_750 : vector<16x128xf32>
    %slice3A_752 = vector.extract_strided_slice %get3A_708 {offsets = [4, 0], sizes = [1, 128], strides = [1, 1]} : vector<12x128xf32> to vector<1x128xf32>
    %lt3A_753 = vector.broadcast %slice3A_752 : vector<1x128xf32> to vector<16x128xf32>
    %lt3A_754 = arith.cmpf olt, %add3A_702, %lt3A_753 : vector<16x128xf32>
    %and3A_755 = arith.andi %ge3A_751, %lt3A_754 : vector<16x128xi1>
    %convert_element_type3A_756 = arith.extui %and3A_755 : vector<16x128xi1> to vector<16x128xi32>
    %convert_element_type3A_757 = arith.sitofp %convert_element_type3A_756 : vector<16x128xi32> to vector<16x128xf32>
    %slice3A_758 = vector.extract_strided_slice %get3A_708 {offsets = [4, 0], sizes = [1, 128], strides = [1, 1]} : vector<12x128xf32> to vector<1x128xf32>
    %ge3A_759 = vector.broadcast %slice3A_758 : vector<1x128xf32> to vector<16x128xf32>
    %ge3A_760 = arith.cmpf oge, %add3A_702, %ge3A_759 : vector<16x128xf32>
    %slice3A_761 = vector.extract_strided_slice %get3A_708 {offsets = [5, 0], sizes = [1, 128], strides = [1, 1]} : vector<12x128xf32> to vector<1x128xf32>
    %lt3A_762 = vector.broadcast %slice3A_761 : vector<1x128xf32> to vector<16x128xf32>
    %lt3A_763 = arith.cmpf olt, %add3A_702, %lt3A_762 : vector<16x128xf32>
    %and3A_764 = arith.andi %ge3A_760, %lt3A_763 : vector<16x128xi1>
    %convert_element_type3A_765 = arith.extui %and3A_764 : vector<16x128xi1> to vector<16x128xi32>
    %convert_element_type3A_766 = arith.sitofp %convert_element_type3A_765 : vector<16x128xi32> to vector<16x128xf32>
    %slice3A_767 = vector.extract_strided_slice %get3A_708 {offsets = [5, 0], sizes = [1, 128], strides = [1, 1]} : vector<12x128xf32> to vector<1x128xf32>
    %ge3A_768 = vector.broadcast %slice3A_767 : vector<1x128xf32> to vector<16x128xf32>
    %ge3A_769 = arith.cmpf oge, %add3A_702, %ge3A_768 : vector<16x128xf32>
    %slice3A_770 = vector.extract_strided_slice %get3A_708 {offsets = [6, 0], sizes = [1, 128], strides = [1, 1]} : vector<12x128xf32> to vector<1x128xf32>
    %lt3A_771 = vector.broadcast %slice3A_770 : vector<1x128xf32> to vector<16x128xf32>
    %lt3A_772 = arith.cmpf olt, %add3A_702, %lt3A_771 : vector<16x128xf32>
    %and3A_773 = arith.andi %ge3A_769, %lt3A_772 : vector<16x128xi1>
    %convert_element_type3A_774 = arith.extui %and3A_773 : vector<16x128xi1> to vector<16x128xi32>
    %convert_element_type3A_775 = arith.sitofp %convert_element_type3A_774 : vector<16x128xi32> to vector<16x128xf32>
    %slice3A_776 = vector.extract_strided_slice %get3A_708 {offsets = [6, 0], sizes = [1, 128], strides = [1, 1]} : vector<12x128xf32> to vector<1x128xf32>
    %ge3A_777 = vector.broadcast %slice3A_776 : vector<1x128xf32> to vector<16x128xf32>
    %ge3A_778 = arith.cmpf oge, %add3A_702, %ge3A_777 : vector<16x128xf32>
    %slice3A_779 = vector.extract_strided_slice %get3A_708 {offsets = [7, 0], sizes = [1, 128], strides = [1, 1]} : vector<12x128xf32> to vector<1x128xf32>
    %lt3A_780 = vector.broadcast %slice3A_779 : vector<1x128xf32> to vector<16x128xf32>
    %lt3A_781 = arith.cmpf olt, %add3A_702, %lt3A_780 : vector<16x128xf32>
    %and3A_782 = arith.andi %ge3A_778, %lt3A_781 : vector<16x128xi1>
    %convert_element_type3A_783 = arith.extui %and3A_782 : vector<16x128xi1> to vector<16x128xi32>
    %convert_element_type3A_784 = arith.sitofp %convert_element_type3A_783 : vector<16x128xi32> to vector<16x128xf32>
    %slice3A_785 = vector.extract_strided_slice %get3A_708 {offsets = [7, 0], sizes = [1, 128], strides = [1, 1]} : vector<12x128xf32> to vector<1x128xf32>
    %ge3A_786 = vector.broadcast %slice3A_785 : vector<1x128xf32> to vector<16x128xf32>
    %ge3A_787 = arith.cmpf oge, %add3A_702, %ge3A_786 : vector<16x128xf32>
    %slice3A_788 = vector.extract_strided_slice %get3A_708 {offsets = [8, 0], sizes = [1, 128], strides = [1, 1]} : vector<12x128xf32> to vector<1x128xf32>
    %lt3A_789 = vector.broadcast %slice3A_788 : vector<1x128xf32> to vector<16x128xf32>
    %lt3A_790 = arith.cmpf olt, %add3A_702, %lt3A_789 : vector<16x128xf32>
    %and3A_791 = arith.andi %ge3A_787, %lt3A_790 : vector<16x128xi1>
    %convert_element_type3A_792 = arith.extui %and3A_791 : vector<16x128xi1> to vector<16x128xi32>
    %convert_element_type3A_793 = arith.sitofp %convert_element_type3A_792 : vector<16x128xi32> to vector<16x128xf32>
    %slice3A_794 = vector.extract_strided_slice %get3A_708 {offsets = [8, 0], sizes = [1, 128], strides = [1, 1]} : vector<12x128xf32> to vector<1x128xf32>
    %ge3A_795 = vector.broadcast %slice3A_794 : vector<1x128xf32> to vector<16x128xf32>
    %ge3A_796 = arith.cmpf oge, %add3A_702, %ge3A_795 : vector<16x128xf32>
    %slice3A_797 = vector.extract_strided_slice %get3A_708 {offsets = [9, 0], sizes = [1, 128], strides = [1, 1]} : vector<12x128xf32> to vector<1x128xf32>
    %lt3A_798 = vector.broadcast %slice3A_797 : vector<1x128xf32> to vector<16x128xf32>
    %lt3A_799 = arith.cmpf olt, %add3A_702, %lt3A_798 : vector<16x128xf32>
    %and3A_800 = arith.andi %ge3A_796, %lt3A_799 : vector<16x128xi1>
    %convert_element_type3A_801 = arith.extui %and3A_800 : vector<16x128xi1> to vector<16x128xi32>
    %convert_element_type3A_802 = arith.sitofp %convert_element_type3A_801 : vector<16x128xi32> to vector<16x128xf32>
    %slice3A_803 = vector.extract_strided_slice %get3A_708 {offsets = [9, 0], sizes = [1, 128], strides = [1, 1]} : vector<12x128xf32> to vector<1x128xf32>
    %ge3A_804 = vector.broadcast %slice3A_803 : vector<1x128xf32> to vector<16x128xf32>
    %ge3A_805 = arith.cmpf oge, %add3A_702, %ge3A_804 : vector<16x128xf32>
    %slice3A_806 = vector.extract_strided_slice %get3A_708 {offsets = [10, 0], sizes = [1, 128], strides = [1, 1]} : vector<12x128xf32> to vector<1x128xf32>
    %lt3A_807 = vector.broadcast %slice3A_806 : vector<1x128xf32> to vector<16x128xf32>
    %lt3A_808 = arith.cmpf olt, %add3A_702, %lt3A_807 : vector<16x128xf32>
    %and3A_809 = arith.andi %ge3A_805, %lt3A_808 : vector<16x128xi1>
    %convert_element_type3A_810 = arith.extui %and3A_809 : vector<16x128xi1> to vector<16x128xi32>
    %convert_element_type3A_811 = arith.sitofp %convert_element_type3A_810 : vector<16x128xi32> to vector<16x128xf32>
    %slice3A_812 = vector.extract_strided_slice %get3A_708 {offsets = [10, 0], sizes = [1, 128], strides = [1, 1]} : vector<12x128xf32> to vector<1x128xf32>
    %ge3A_813 = vector.broadcast %slice3A_812 : vector<1x128xf32> to vector<16x128xf32>
    %ge3A_814 = arith.cmpf oge, %add3A_702, %ge3A_813 : vector<16x128xf32>
    %slice3A_815 = vector.extract_strided_slice %get3A_708 {offsets = [11, 0], sizes = [1, 128], strides = [1, 1]} : vector<12x128xf32> to vector<1x128xf32>
    %lt3A_816 = vector.broadcast %slice3A_815 : vector<1x128xf32> to vector<16x128xf32>
    %lt3A_817 = arith.cmpf olt, %add3A_702, %lt3A_816 : vector<16x128xf32>
    %and3A_818 = arith.andi %ge3A_814, %lt3A_817 : vector<16x128xi1>
    %convert_element_type3A_819 = arith.extui %and3A_818 : vector<16x128xi1> to vector<16x128xi32>
    %convert_element_type3A_820 = arith.sitofp %convert_element_type3A_819 : vector<16x128xi32> to vector<16x128xf32>
    %slice3A_821 = vector.extract_strided_slice %get3A_708 {offsets = [0, 0], sizes = [1, 128], strides = [1, 1]} : vector<12x128xf32> to vector<1x128xf32>
    %sub3A_822 = vector.broadcast %slice3A_821 : vector<1x128xf32> to vector<16x128xf32>
    %sub3A_823 = arith.subf %add3A_702, %sub3A_822 : vector<16x128xf32>
    %slice3A_824 = vector.extract_strided_slice %get3A_708 {offsets = [1, 0], sizes = [1, 128], strides = [1, 1]} : vector<12x128xf32> to vector<1x128xf32>
    %slice3A_825 = vector.extract_strided_slice %get3A_708 {offsets = [0, 0], sizes = [1, 128], strides = [1, 1]} : vector<12x128xf32> to vector<1x128xf32>
    %sub3A_826 = arith.subf %slice3A_824, %slice3A_825 : vector<1x128xf32>
    %div3A_827 = vector.broadcast %sub3A_826 : vector<1x128xf32> to vector<16x128xf32>
    %div3A_828 = arith.divf %sub3A_823, %div3A_827 : vector<16x128xf32>
    %slice3A_829 = vector.extract_strided_slice %get3A_708 {offsets = [2, 0], sizes = [1, 128], strides = [1, 1]} : vector<12x128xf32> to vector<1x128xf32>
    %sub3A_830 = vector.broadcast %slice3A_829 : vector<1x128xf32> to vector<16x128xf32>
    %sub3A_831 = arith.subf %sub3A_830, %add3A_702 : vector<16x128xf32>
    %slice3A_832 = vector.extract_strided_slice %get3A_708 {offsets = [2, 0], sizes = [1, 128], strides = [1, 1]} : vector<12x128xf32> to vector<1x128xf32>
    %slice3A_833 = vector.extract_strided_slice %get3A_708 {offsets = [1, 0], sizes = [1, 128], strides = [1, 1]} : vector<12x128xf32> to vector<1x128xf32>
    %sub3A_834 = arith.subf %slice3A_832, %slice3A_833 : vector<1x128xf32>
    %div3A_835 = vector.broadcast %sub3A_834 : vector<1x128xf32> to vector<16x128xf32>
    %div3A_836 = arith.divf %sub3A_831, %div3A_835 : vector<16x128xf32>
    %mul3A_837 = arith.mulf %div3A_828, %convert_element_type3A_730 : vector<16x128xf32>
    %mul3A_838 = arith.mulf %div3A_836, %convert_element_type3A_739 : vector<16x128xf32>
    %add3A_839 = arith.addf %mul3A_837, %mul3A_838 : vector<16x128xf32>
    %slice3A_840 = vector.extract_strided_slice %get3A_708 {offsets = [1, 0], sizes = [1, 128], strides = [1, 1]} : vector<12x128xf32> to vector<1x128xf32>
    %sub3A_841 = vector.broadcast %slice3A_840 : vector<1x128xf32> to vector<16x128xf32>
    %sub3A_842 = arith.subf %add3A_702, %sub3A_841 : vector<16x128xf32>
    %slice3A_843 = vector.extract_strided_slice %get3A_708 {offsets = [2, 0], sizes = [1, 128], strides = [1, 1]} : vector<12x128xf32> to vector<1x128xf32>
    %slice3A_844 = vector.extract_strided_slice %get3A_708 {offsets = [1, 0], sizes = [1, 128], strides = [1, 1]} : vector<12x128xf32> to vector<1x128xf32>
    %sub3A_845 = arith.subf %slice3A_843, %slice3A_844 : vector<1x128xf32>
    %div3A_846 = vector.broadcast %sub3A_845 : vector<1x128xf32> to vector<16x128xf32>
    %div3A_847 = arith.divf %sub3A_842, %div3A_846 : vector<16x128xf32>
    %slice3A_848 = vector.extract_strided_slice %get3A_708 {offsets = [3, 0], sizes = [1, 128], strides = [1, 1]} : vector<12x128xf32> to vector<1x128xf32>
    %sub3A_849 = vector.broadcast %slice3A_848 : vector<1x128xf32> to vector<16x128xf32>
    %sub3A_850 = arith.subf %sub3A_849, %add3A_702 : vector<16x128xf32>
    %slice3A_851 = vector.extract_strided_slice %get3A_708 {offsets = [3, 0], sizes = [1, 128], strides = [1, 1]} : vector<12x128xf32> to vector<1x128xf32>
    %slice3A_852 = vector.extract_strided_slice %get3A_708 {offsets = [2, 0], sizes = [1, 128], strides = [1, 1]} : vector<12x128xf32> to vector<1x128xf32>
    %sub3A_853 = arith.subf %slice3A_851, %slice3A_852 : vector<1x128xf32>
    %div3A_854 = vector.broadcast %sub3A_853 : vector<1x128xf32> to vector<16x128xf32>
    %div3A_855 = arith.divf %sub3A_850, %div3A_854 : vector<16x128xf32>
    %mul3A_856 = arith.mulf %div3A_847, %convert_element_type3A_739 : vector<16x128xf32>
    %mul3A_857 = arith.mulf %div3A_855, %convert_element_type3A_748 : vector<16x128xf32>
    %add3A_858 = arith.addf %mul3A_856, %mul3A_857 : vector<16x128xf32>
    %slice3A_859 = vector.extract_strided_slice %get3A_708 {offsets = [2, 0], sizes = [1, 128], strides = [1, 1]} : vector<12x128xf32> to vector<1x128xf32>
    %sub3A_860 = vector.broadcast %slice3A_859 : vector<1x128xf32> to vector<16x128xf32>
    %sub3A_861 = arith.subf %add3A_702, %sub3A_860 : vector<16x128xf32>
    %slice3A_862 = vector.extract_strided_slice %get3A_708 {offsets = [3, 0], sizes = [1, 128], strides = [1, 1]} : vector<12x128xf32> to vector<1x128xf32>
    %slice3A_863 = vector.extract_strided_slice %get3A_708 {offsets = [2, 0], sizes = [1, 128], strides = [1, 1]} : vector<12x128xf32> to vector<1x128xf32>
    %sub3A_864 = arith.subf %slice3A_862, %slice3A_863 : vector<1x128xf32>
    %div3A_865 = vector.broadcast %sub3A_864 : vector<1x128xf32> to vector<16x128xf32>
    %div3A_866 = arith.divf %sub3A_861, %div3A_865 : vector<16x128xf32>
    %slice3A_867 = vector.extract_strided_slice %get3A_708 {offsets = [4, 0], sizes = [1, 128], strides = [1, 1]} : vector<12x128xf32> to vector<1x128xf32>
    %sub3A_868 = vector.broadcast %slice3A_867 : vector<1x128xf32> to vector<16x128xf32>
    %sub3A_869 = arith.subf %sub3A_868, %add3A_702 : vector<16x128xf32>
    %slice3A_870 = vector.extract_strided_slice %get3A_708 {offsets = [4, 0], sizes = [1, 128], strides = [1, 1]} : vector<12x128xf32> to vector<1x128xf32>
    %slice3A_871 = vector.extract_strided_slice %get3A_708 {offsets = [3, 0], sizes = [1, 128], strides = [1, 1]} : vector<12x128xf32> to vector<1x128xf32>
    %sub3A_872 = arith.subf %slice3A_870, %slice3A_871 : vector<1x128xf32>
    %div3A_873 = vector.broadcast %sub3A_872 : vector<1x128xf32> to vector<16x128xf32>
    %div3A_874 = arith.divf %sub3A_869, %div3A_873 : vector<16x128xf32>
    %mul3A_875 = arith.mulf %div3A_866, %convert_element_type3A_748 : vector<16x128xf32>
    %mul3A_876 = arith.mulf %div3A_874, %convert_element_type3A_757 : vector<16x128xf32>
    %add3A_877 = arith.addf %mul3A_875, %mul3A_876 : vector<16x128xf32>
    %slice3A_878 = vector.extract_strided_slice %get3A_708 {offsets = [3, 0], sizes = [1, 128], strides = [1, 1]} : vector<12x128xf32> to vector<1x128xf32>
    %sub3A_879 = vector.broadcast %slice3A_878 : vector<1x128xf32> to vector<16x128xf32>
    %sub3A_880 = arith.subf %add3A_702, %sub3A_879 : vector<16x128xf32>
    %slice3A_881 = vector.extract_strided_slice %get3A_708 {offsets = [4, 0], sizes = [1, 128], strides = [1, 1]} : vector<12x128xf32> to vector<1x128xf32>
    %slice3A_882 = vector.extract_strided_slice %get3A_708 {offsets = [3, 0], sizes = [1, 128], strides = [1, 1]} : vector<12x128xf32> to vector<1x128xf32>
    %sub3A_883 = arith.subf %slice3A_881, %slice3A_882 : vector<1x128xf32>
    %div3A_884 = vector.broadcast %sub3A_883 : vector<1x128xf32> to vector<16x128xf32>
    %div3A_885 = arith.divf %sub3A_880, %div3A_884 : vector<16x128xf32>
    %slice3A_886 = vector.extract_strided_slice %get3A_708 {offsets = [5, 0], sizes = [1, 128], strides = [1, 1]} : vector<12x128xf32> to vector<1x128xf32>
    %sub3A_887 = vector.broadcast %slice3A_886 : vector<1x128xf32> to vector<16x128xf32>
    %sub3A_888 = arith.subf %sub3A_887, %add3A_702 : vector<16x128xf32>
    %slice3A_889 = vector.extract_strided_slice %get3A_708 {offsets = [5, 0], sizes = [1, 128], strides = [1, 1]} : vector<12x128xf32> to vector<1x128xf32>
    %slice3A_890 = vector.extract_strided_slice %get3A_708 {offsets = [4, 0], sizes = [1, 128], strides = [1, 1]} : vector<12x128xf32> to vector<1x128xf32>
    %sub3A_891 = arith.subf %slice3A_889, %slice3A_890 : vector<1x128xf32>
    %div3A_892 = vector.broadcast %sub3A_891 : vector<1x128xf32> to vector<16x128xf32>
    %div3A_893 = arith.divf %sub3A_888, %div3A_892 : vector<16x128xf32>
    %mul3A_894 = arith.mulf %div3A_885, %convert_element_type3A_757 : vector<16x128xf32>
    %mul3A_895 = arith.mulf %div3A_893, %convert_element_type3A_766 : vector<16x128xf32>
    %add3A_896 = arith.addf %mul3A_894, %mul3A_895 : vector<16x128xf32>
    %slice3A_897 = vector.extract_strided_slice %get3A_708 {offsets = [4, 0], sizes = [1, 128], strides = [1, 1]} : vector<12x128xf32> to vector<1x128xf32>
    %sub3A_898 = vector.broadcast %slice3A_897 : vector<1x128xf32> to vector<16x128xf32>
    %sub3A_899 = arith.subf %add3A_702, %sub3A_898 : vector<16x128xf32>
    %slice3A_900 = vector.extract_strided_slice %get3A_708 {offsets = [5, 0], sizes = [1, 128], strides = [1, 1]} : vector<12x128xf32> to vector<1x128xf32>
    %slice3A_901 = vector.extract_strided_slice %get3A_708 {offsets = [4, 0], sizes = [1, 128], strides = [1, 1]} : vector<12x128xf32> to vector<1x128xf32>
    %sub3A_902 = arith.subf %slice3A_900, %slice3A_901 : vector<1x128xf32>
    %div3A_903 = vector.broadcast %sub3A_902 : vector<1x128xf32> to vector<16x128xf32>
    %div3A_904 = arith.divf %sub3A_899, %div3A_903 : vector<16x128xf32>
    %slice3A_905 = vector.extract_strided_slice %get3A_708 {offsets = [6, 0], sizes = [1, 128], strides = [1, 1]} : vector<12x128xf32> to vector<1x128xf32>
    %sub3A_906 = vector.broadcast %slice3A_905 : vector<1x128xf32> to vector<16x128xf32>
    %sub3A_907 = arith.subf %sub3A_906, %add3A_702 : vector<16x128xf32>
    %slice3A_908 = vector.extract_strided_slice %get3A_708 {offsets = [6, 0], sizes = [1, 128], strides = [1, 1]} : vector<12x128xf32> to vector<1x128xf32>
    %slice3A_909 = vector.extract_strided_slice %get3A_708 {offsets = [5, 0], sizes = [1, 128], strides = [1, 1]} : vector<12x128xf32> to vector<1x128xf32>
    %sub3A_910 = arith.subf %slice3A_908, %slice3A_909 : vector<1x128xf32>
    %div3A_911 = vector.broadcast %sub3A_910 : vector<1x128xf32> to vector<16x128xf32>
    %div3A_912 = arith.divf %sub3A_907, %div3A_911 : vector<16x128xf32>
    %mul3A_913 = arith.mulf %div3A_904, %convert_element_type3A_766 : vector<16x128xf32>
    %mul3A_914 = arith.mulf %div3A_912, %convert_element_type3A_775 : vector<16x128xf32>
    %add3A_915 = arith.addf %mul3A_913, %mul3A_914 : vector<16x128xf32>
    %slice3A_916 = vector.extract_strided_slice %get3A_708 {offsets = [5, 0], sizes = [1, 128], strides = [1, 1]} : vector<12x128xf32> to vector<1x128xf32>
    %sub3A_917 = vector.broadcast %slice3A_916 : vector<1x128xf32> to vector<16x128xf32>
    %sub3A_918 = arith.subf %add3A_702, %sub3A_917 : vector<16x128xf32>
    %slice3A_919 = vector.extract_strided_slice %get3A_708 {offsets = [6, 0], sizes = [1, 128], strides = [1, 1]} : vector<12x128xf32> to vector<1x128xf32>
    %slice3A_920 = vector.extract_strided_slice %get3A_708 {offsets = [5, 0], sizes = [1, 128], strides = [1, 1]} : vector<12x128xf32> to vector<1x128xf32>
    %sub3A_921 = arith.subf %slice3A_919, %slice3A_920 : vector<1x128xf32>
    %div3A_922 = vector.broadcast %sub3A_921 : vector<1x128xf32> to vector<16x128xf32>
    %div3A_923 = arith.divf %sub3A_918, %div3A_922 : vector<16x128xf32>
    %slice3A_924 = vector.extract_strided_slice %get3A_708 {offsets = [7, 0], sizes = [1, 128], strides = [1, 1]} : vector<12x128xf32> to vector<1x128xf32>
    %sub3A_925 = vector.broadcast %slice3A_924 : vector<1x128xf32> to vector<16x128xf32>
    %sub3A_926 = arith.subf %sub3A_925, %add3A_702 : vector<16x128xf32>
    %slice3A_927 = vector.extract_strided_slice %get3A_708 {offsets = [7, 0], sizes = [1, 128], strides = [1, 1]} : vector<12x128xf32> to vector<1x128xf32>
    %slice3A_928 = vector.extract_strided_slice %get3A_708 {offsets = [6, 0], sizes = [1, 128], strides = [1, 1]} : vector<12x128xf32> to vector<1x128xf32>
    %sub3A_929 = arith.subf %slice3A_927, %slice3A_928 : vector<1x128xf32>
    %div3A_930 = vector.broadcast %sub3A_929 : vector<1x128xf32> to vector<16x128xf32>
    %div3A_931 = arith.divf %sub3A_926, %div3A_930 : vector<16x128xf32>
    %mul3A_932 = arith.mulf %div3A_923, %convert_element_type3A_775 : vector<16x128xf32>
    %mul3A_933 = arith.mulf %div3A_931, %convert_element_type3A_784 : vector<16x128xf32>
    %add3A_934 = arith.addf %mul3A_932, %mul3A_933 : vector<16x128xf32>
    %slice3A_935 = vector.extract_strided_slice %get3A_708 {offsets = [6, 0], sizes = [1, 128], strides = [1, 1]} : vector<12x128xf32> to vector<1x128xf32>
    %sub3A_936 = vector.broadcast %slice3A_935 : vector<1x128xf32> to vector<16x128xf32>
    %sub3A_937 = arith.subf %add3A_702, %sub3A_936 : vector<16x128xf32>
    %slice3A_938 = vector.extract_strided_slice %get3A_708 {offsets = [7, 0], sizes = [1, 128], strides = [1, 1]} : vector<12x128xf32> to vector<1x128xf32>
    %slice3A_939 = vector.extract_strided_slice %get3A_708 {offsets = [6, 0], sizes = [1, 128], strides = [1, 1]} : vector<12x128xf32> to vector<1x128xf32>
    %sub3A_940 = arith.subf %slice3A_938, %slice3A_939 : vector<1x128xf32>
    %div3A_941 = vector.broadcast %sub3A_940 : vector<1x128xf32> to vector<16x128xf32>
    %div3A_942 = arith.divf %sub3A_937, %div3A_941 : vector<16x128xf32>
    %slice3A_943 = vector.extract_strided_slice %get3A_708 {offsets = [8, 0], sizes = [1, 128], strides = [1, 1]} : vector<12x128xf32> to vector<1x128xf32>
    %sub3A_944 = vector.broadcast %slice3A_943 : vector<1x128xf32> to vector<16x128xf32>
    %sub3A_945 = arith.subf %sub3A_944, %add3A_702 : vector<16x128xf32>
    %slice3A_946 = vector.extract_strided_slice %get3A_708 {offsets = [8, 0], sizes = [1, 128], strides = [1, 1]} : vector<12x128xf32> to vector<1x128xf32>
    %slice3A_947 = vector.extract_strided_slice %get3A_708 {offsets = [7, 0], sizes = [1, 128], strides = [1, 1]} : vector<12x128xf32> to vector<1x128xf32>
    %sub3A_948 = arith.subf %slice3A_946, %slice3A_947 : vector<1x128xf32>
    %div3A_949 = vector.broadcast %sub3A_948 : vector<1x128xf32> to vector<16x128xf32>
    %div3A_950 = arith.divf %sub3A_945, %div3A_949 : vector<16x128xf32>
    %mul3A_951 = arith.mulf %div3A_942, %convert_element_type3A_784 : vector<16x128xf32>
    %mul3A_952 = arith.mulf %div3A_950, %convert_element_type3A_793 : vector<16x128xf32>
    %add3A_953 = arith.addf %mul3A_951, %mul3A_952 : vector<16x128xf32>
    %slice3A_954 = vector.extract_strided_slice %get3A_708 {offsets = [7, 0], sizes = [1, 128], strides = [1, 1]} : vector<12x128xf32> to vector<1x128xf32>
    %sub3A_955 = vector.broadcast %slice3A_954 : vector<1x128xf32> to vector<16x128xf32>
    %sub3A_956 = arith.subf %add3A_702, %sub3A_955 : vector<16x128xf32>
    %slice3A_957 = vector.extract_strided_slice %get3A_708 {offsets = [8, 0], sizes = [1, 128], strides = [1, 1]} : vector<12x128xf32> to vector<1x128xf32>
    %slice3A_958 = vector.extract_strided_slice %get3A_708 {offsets = [7, 0], sizes = [1, 128], strides = [1, 1]} : vector<12x128xf32> to vector<1x128xf32>
    %sub3A_959 = arith.subf %slice3A_957, %slice3A_958 : vector<1x128xf32>
    %div3A_960 = vector.broadcast %sub3A_959 : vector<1x128xf32> to vector<16x128xf32>
    %div3A_961 = arith.divf %sub3A_956, %div3A_960 : vector<16x128xf32>
    %slice3A_962 = vector.extract_strided_slice %get3A_708 {offsets = [9, 0], sizes = [1, 128], strides = [1, 1]} : vector<12x128xf32> to vector<1x128xf32>
    %sub3A_963 = vector.broadcast %slice3A_962 : vector<1x128xf32> to vector<16x128xf32>
    %sub3A_964 = arith.subf %sub3A_963, %add3A_702 : vector<16x128xf32>
    %slice3A_965 = vector.extract_strided_slice %get3A_708 {offsets = [9, 0], sizes = [1, 128], strides = [1, 1]} : vector<12x128xf32> to vector<1x128xf32>
    %slice3A_966 = vector.extract_strided_slice %get3A_708 {offsets = [8, 0], sizes = [1, 128], strides = [1, 1]} : vector<12x128xf32> to vector<1x128xf32>
    %sub3A_967 = arith.subf %slice3A_965, %slice3A_966 : vector<1x128xf32>
    %div3A_968 = vector.broadcast %sub3A_967 : vector<1x128xf32> to vector<16x128xf32>
    %div3A_969 = arith.divf %sub3A_964, %div3A_968 : vector<16x128xf32>
    %mul3A_970 = arith.mulf %div3A_961, %convert_element_type3A_793 : vector<16x128xf32>
    %mul3A_971 = arith.mulf %div3A_969, %convert_element_type3A_802 : vector<16x128xf32>
    %add3A_972 = arith.addf %mul3A_970, %mul3A_971 : vector<16x128xf32>
    %slice3A_973 = vector.extract_strided_slice %get3A_708 {offsets = [8, 0], sizes = [1, 128], strides = [1, 1]} : vector<12x128xf32> to vector<1x128xf32>
    %sub3A_974 = vector.broadcast %slice3A_973 : vector<1x128xf32> to vector<16x128xf32>
    %sub3A_975 = arith.subf %add3A_702, %sub3A_974 : vector<16x128xf32>
    %slice3A_976 = vector.extract_strided_slice %get3A_708 {offsets = [9, 0], sizes = [1, 128], strides = [1, 1]} : vector<12x128xf32> to vector<1x128xf32>
    %slice3A_977 = vector.extract_strided_slice %get3A_708 {offsets = [8, 0], sizes = [1, 128], strides = [1, 1]} : vector<12x128xf32> to vector<1x128xf32>
    %sub3A_978 = arith.subf %slice3A_976, %slice3A_977 : vector<1x128xf32>
    %div3A_979 = vector.broadcast %sub3A_978 : vector<1x128xf32> to vector<16x128xf32>
    %div3A_980 = arith.divf %sub3A_975, %div3A_979 : vector<16x128xf32>
    %slice3A_981 = vector.extract_strided_slice %get3A_708 {offsets = [10, 0], sizes = [1, 128], strides = [1, 1]} : vector<12x128xf32> to vector<1x128xf32>
    %sub3A_982 = vector.broadcast %slice3A_981 : vector<1x128xf32> to vector<16x128xf32>
    %sub3A_983 = arith.subf %sub3A_982, %add3A_702 : vector<16x128xf32>
    %slice3A_984 = vector.extract_strided_slice %get3A_708 {offsets = [10, 0], sizes = [1, 128], strides = [1, 1]} : vector<12x128xf32> to vector<1x128xf32>
    %slice3A_985 = vector.extract_strided_slice %get3A_708 {offsets = [9, 0], sizes = [1, 128], strides = [1, 1]} : vector<12x128xf32> to vector<1x128xf32>
    %sub3A_986 = arith.subf %slice3A_984, %slice3A_985 : vector<1x128xf32>
    %div3A_987 = vector.broadcast %sub3A_986 : vector<1x128xf32> to vector<16x128xf32>
    %div3A_988 = arith.divf %sub3A_983, %div3A_987 : vector<16x128xf32>
    %mul3A_989 = arith.mulf %div3A_980, %convert_element_type3A_802 : vector<16x128xf32>
    %mul3A_990 = arith.mulf %div3A_988, %convert_element_type3A_811 : vector<16x128xf32>
    %add3A_991 = arith.addf %mul3A_989, %mul3A_990 : vector<16x128xf32>
    %slice3A_992 = vector.extract_strided_slice %get3A_708 {offsets = [9, 0], sizes = [1, 128], strides = [1, 1]} : vector<12x128xf32> to vector<1x128xf32>
    %sub3A_993 = vector.broadcast %slice3A_992 : vector<1x128xf32> to vector<16x128xf32>
    %sub3A_994 = arith.subf %add3A_702, %sub3A_993 : vector<16x128xf32>
    %slice3A_995 = vector.extract_strided_slice %get3A_708 {offsets = [10, 0], sizes = [1, 128], strides = [1, 1]} : vector<12x128xf32> to vector<1x128xf32>
    %slice3A_996 = vector.extract_strided_slice %get3A_708 {offsets = [9, 0], sizes = [1, 128], strides = [1, 1]} : vector<12x128xf32> to vector<1x128xf32>
    %sub3A_997 = arith.subf %slice3A_995, %slice3A_996 : vector<1x128xf32>
    %div3A_998 = vector.broadcast %sub3A_997 : vector<1x128xf32> to vector<16x128xf32>
    %div3A_999 = arith.divf %sub3A_994, %div3A_998 : vector<16x128xf32>
    %slice3A_1000 = vector.extract_strided_slice %get3A_708 {offsets = [11, 0], sizes = [1, 128], strides = [1, 1]} : vector<12x128xf32> to vector<1x128xf32>
    %sub3A_1001 = vector.broadcast %slice3A_1000 : vector<1x128xf32> to vector<16x128xf32>
    %sub3A_1002 = arith.subf %sub3A_1001, %add3A_702 : vector<16x128xf32>
    %slice3A_1003 = vector.extract_strided_slice %get3A_708 {offsets = [11, 0], sizes = [1, 128], strides = [1, 1]} : vector<12x128xf32> to vector<1x128xf32>
    %slice3A_1004 = vector.extract_strided_slice %get3A_708 {offsets = [10, 0], sizes = [1, 128], strides = [1, 1]} : vector<12x128xf32> to vector<1x128xf32>
    %sub3A_1005 = arith.subf %slice3A_1003, %slice3A_1004 : vector<1x128xf32>
    %div3A_1006 = vector.broadcast %sub3A_1005 : vector<1x128xf32> to vector<16x128xf32>
    %div3A_1007 = arith.divf %sub3A_1002, %div3A_1006 : vector<16x128xf32>
    %mul3A_1008 = arith.mulf %div3A_999, %convert_element_type3A_811 : vector<16x128xf32>
    %mul3A_1009 = arith.mulf %div3A_1007, %convert_element_type3A_820 : vector<16x128xf32>
    %add3A_1010 = arith.addf %mul3A_1008, %mul3A_1009 : vector<16x128xf32>
    %slice3A_1011 = vector.extract_strided_slice %get3A_708 {offsets = [0, 0], sizes = [1, 128], strides = [1, 1]} : vector<12x128xf32> to vector<1x128xf32>
    %sub3A_1012 = vector.broadcast %slice3A_1011 : vector<1x128xf32> to vector<16x128xf32>
    %sub3A_1013 = arith.subf %add3A_702, %sub3A_1012 : vector<16x128xf32>
    %slice3A_1014 = vector.extract_strided_slice %get3A_708 {offsets = [2, 0], sizes = [1, 128], strides = [1, 1]} : vector<12x128xf32> to vector<1x128xf32>
    %slice3A_1015 = vector.extract_strided_slice %get3A_708 {offsets = [0, 0], sizes = [1, 128], strides = [1, 1]} : vector<12x128xf32> to vector<1x128xf32>
    %sub3A_1016 = arith.subf %slice3A_1014, %slice3A_1015 : vector<1x128xf32>
    %div3A_1017 = vector.broadcast %sub3A_1016 : vector<1x128xf32> to vector<16x128xf32>
    %div3A_1018 = arith.divf %sub3A_1013, %div3A_1017 : vector<16x128xf32>
    %slice3A_1019 = vector.extract_strided_slice %get3A_708 {offsets = [3, 0], sizes = [1, 128], strides = [1, 1]} : vector<12x128xf32> to vector<1x128xf32>
    %sub3A_1020 = vector.broadcast %slice3A_1019 : vector<1x128xf32> to vector<16x128xf32>
    %sub3A_1021 = arith.subf %sub3A_1020, %add3A_702 : vector<16x128xf32>
    %slice3A_1022 = vector.extract_strided_slice %get3A_708 {offsets = [3, 0], sizes = [1, 128], strides = [1, 1]} : vector<12x128xf32> to vector<1x128xf32>
    %slice3A_1023 = vector.extract_strided_slice %get3A_708 {offsets = [1, 0], sizes = [1, 128], strides = [1, 1]} : vector<12x128xf32> to vector<1x128xf32>
    %sub3A_1024 = arith.subf %slice3A_1022, %slice3A_1023 : vector<1x128xf32>
    %div3A_1025 = vector.broadcast %sub3A_1024 : vector<1x128xf32> to vector<16x128xf32>
    %div3A_1026 = arith.divf %sub3A_1021, %div3A_1025 : vector<16x128xf32>
    %mul3A_1027 = arith.mulf %div3A_1018, %add3A_839 : vector<16x128xf32>
    %mul3A_1028 = arith.mulf %div3A_1026, %add3A_858 : vector<16x128xf32>
    %add3A_1029 = arith.addf %mul3A_1027, %mul3A_1028 : vector<16x128xf32>
    %slice3A_1030 = vector.extract_strided_slice %get3A_708 {offsets = [1, 0], sizes = [1, 128], strides = [1, 1]} : vector<12x128xf32> to vector<1x128xf32>
    %sub3A_1031 = vector.broadcast %slice3A_1030 : vector<1x128xf32> to vector<16x128xf32>
    %sub3A_1032 = arith.subf %add3A_702, %sub3A_1031 : vector<16x128xf32>
    %slice3A_1033 = vector.extract_strided_slice %get3A_708 {offsets = [3, 0], sizes = [1, 128], strides = [1, 1]} : vector<12x128xf32> to vector<1x128xf32>
    %slice3A_1034 = vector.extract_strided_slice %get3A_708 {offsets = [1, 0], sizes = [1, 128], strides = [1, 1]} : vector<12x128xf32> to vector<1x128xf32>
    %sub3A_1035 = arith.subf %slice3A_1033, %slice3A_1034 : vector<1x128xf32>
    %div3A_1036 = vector.broadcast %sub3A_1035 : vector<1x128xf32> to vector<16x128xf32>
    %div3A_1037 = arith.divf %sub3A_1032, %div3A_1036 : vector<16x128xf32>
    %slice3A_1038 = vector.extract_strided_slice %get3A_708 {offsets = [4, 0], sizes = [1, 128], strides = [1, 1]} : vector<12x128xf32> to vector<1x128xf32>
    %sub3A_1039 = vector.broadcast %slice3A_1038 : vector<1x128xf32> to vector<16x128xf32>
    %sub3A_1040 = arith.subf %sub3A_1039, %add3A_702 : vector<16x128xf32>
    %slice3A_1041 = vector.extract_strided_slice %get3A_708 {offsets = [4, 0], sizes = [1, 128], strides = [1, 1]} : vector<12x128xf32> to vector<1x128xf32>
    %slice3A_1042 = vector.extract_strided_slice %get3A_708 {offsets = [2, 0], sizes = [1, 128], strides = [1, 1]} : vector<12x128xf32> to vector<1x128xf32>
    %sub3A_1043 = arith.subf %slice3A_1041, %slice3A_1042 : vector<1x128xf32>
    %div3A_1044 = vector.broadcast %sub3A_1043 : vector<1x128xf32> to vector<16x128xf32>
    %div3A_1045 = arith.divf %sub3A_1040, %div3A_1044 : vector<16x128xf32>
    %mul3A_1046 = arith.mulf %div3A_1037, %add3A_858 : vector<16x128xf32>
    %mul3A_1047 = arith.mulf %div3A_1045, %add3A_877 : vector<16x128xf32>
    %add3A_1048 = arith.addf %mul3A_1046, %mul3A_1047 : vector<16x128xf32>
    %slice3A_1049 = vector.extract_strided_slice %get3A_708 {offsets = [2, 0], sizes = [1, 128], strides = [1, 1]} : vector<12x128xf32> to vector<1x128xf32>
    %sub3A_1050 = vector.broadcast %slice3A_1049 : vector<1x128xf32> to vector<16x128xf32>
    %sub3A_1051 = arith.subf %add3A_702, %sub3A_1050 : vector<16x128xf32>
    %slice3A_1052 = vector.extract_strided_slice %get3A_708 {offsets = [4, 0], sizes = [1, 128], strides = [1, 1]} : vector<12x128xf32> to vector<1x128xf32>
    %slice3A_1053 = vector.extract_strided_slice %get3A_708 {offsets = [2, 0], sizes = [1, 128], strides = [1, 1]} : vector<12x128xf32> to vector<1x128xf32>
    %sub3A_1054 = arith.subf %slice3A_1052, %slice3A_1053 : vector<1x128xf32>
    %div3A_1055 = vector.broadcast %sub3A_1054 : vector<1x128xf32> to vector<16x128xf32>
    %div3A_1056 = arith.divf %sub3A_1051, %div3A_1055 : vector<16x128xf32>
    %slice3A_1057 = vector.extract_strided_slice %get3A_708 {offsets = [5, 0], sizes = [1, 128], strides = [1, 1]} : vector<12x128xf32> to vector<1x128xf32>
    %sub3A_1058 = vector.broadcast %slice3A_1057 : vector<1x128xf32> to vector<16x128xf32>
    %sub3A_1059 = arith.subf %sub3A_1058, %add3A_702 : vector<16x128xf32>
    %slice3A_1060 = vector.extract_strided_slice %get3A_708 {offsets = [5, 0], sizes = [1, 128], strides = [1, 1]} : vector<12x128xf32> to vector<1x128xf32>
    %slice3A_1061 = vector.extract_strided_slice %get3A_708 {offsets = [3, 0], sizes = [1, 128], strides = [1, 1]} : vector<12x128xf32> to vector<1x128xf32>
    %sub3A_1062 = arith.subf %slice3A_1060, %slice3A_1061 : vector<1x128xf32>
    %div3A_1063 = vector.broadcast %sub3A_1062 : vector<1x128xf32> to vector<16x128xf32>
    %div3A_1064 = arith.divf %sub3A_1059, %div3A_1063 : vector<16x128xf32>
    %mul3A_1065 = arith.mulf %div3A_1056, %add3A_877 : vector<16x128xf32>
    %mul3A_1066 = arith.mulf %div3A_1064, %add3A_896 : vector<16x128xf32>
    %add3A_1067 = arith.addf %mul3A_1065, %mul3A_1066 : vector<16x128xf32>
    %slice3A_1068 = vector.extract_strided_slice %get3A_708 {offsets = [3, 0], sizes = [1, 128], strides = [1, 1]} : vector<12x128xf32> to vector<1x128xf32>
    %sub3A_1069 = vector.broadcast %slice3A_1068 : vector<1x128xf32> to vector<16x128xf32>
    %sub3A_1070 = arith.subf %add3A_702, %sub3A_1069 : vector<16x128xf32>
    %slice3A_1071 = vector.extract_strided_slice %get3A_708 {offsets = [5, 0], sizes = [1, 128], strides = [1, 1]} : vector<12x128xf32> to vector<1x128xf32>
    %slice3A_1072 = vector.extract_strided_slice %get3A_708 {offsets = [3, 0], sizes = [1, 128], strides = [1, 1]} : vector<12x128xf32> to vector<1x128xf32>
    %sub3A_1073 = arith.subf %slice3A_1071, %slice3A_1072 : vector<1x128xf32>
    %div3A_1074 = vector.broadcast %sub3A_1073 : vector<1x128xf32> to vector<16x128xf32>
    %div3A_1075 = arith.divf %sub3A_1070, %div3A_1074 : vector<16x128xf32>
    %slice3A_1076 = vector.extract_strided_slice %get3A_708 {offsets = [6, 0], sizes = [1, 128], strides = [1, 1]} : vector<12x128xf32> to vector<1x128xf32>
    %sub3A_1077 = vector.broadcast %slice3A_1076 : vector<1x128xf32> to vector<16x128xf32>
    %sub3A_1078 = arith.subf %sub3A_1077, %add3A_702 : vector<16x128xf32>
    %slice3A_1079 = vector.extract_strided_slice %get3A_708 {offsets = [6, 0], sizes = [1, 128], strides = [1, 1]} : vector<12x128xf32> to vector<1x128xf32>
    %slice3A_1080 = vector.extract_strided_slice %get3A_708 {offsets = [4, 0], sizes = [1, 128], strides = [1, 1]} : vector<12x128xf32> to vector<1x128xf32>
    %sub3A_1081 = arith.subf %slice3A_1079, %slice3A_1080 : vector<1x128xf32>
    %div3A_1082 = vector.broadcast %sub3A_1081 : vector<1x128xf32> to vector<16x128xf32>
    %div3A_1083 = arith.divf %sub3A_1078, %div3A_1082 : vector<16x128xf32>
    %mul3A_1084 = arith.mulf %div3A_1075, %add3A_896 : vector<16x128xf32>
    %mul3A_1085 = arith.mulf %div3A_1083, %add3A_915 : vector<16x128xf32>
    %add3A_1086 = arith.addf %mul3A_1084, %mul3A_1085 : vector<16x128xf32>
    %slice3A_1087 = vector.extract_strided_slice %get3A_708 {offsets = [4, 0], sizes = [1, 128], strides = [1, 1]} : vector<12x128xf32> to vector<1x128xf32>
    %sub3A_1088 = vector.broadcast %slice3A_1087 : vector<1x128xf32> to vector<16x128xf32>
    %sub3A_1089 = arith.subf %add3A_702, %sub3A_1088 : vector<16x128xf32>
    %slice3A_1090 = vector.extract_strided_slice %get3A_708 {offsets = [6, 0], sizes = [1, 128], strides = [1, 1]} : vector<12x128xf32> to vector<1x128xf32>
    %slice3A_1091 = vector.extract_strided_slice %get3A_708 {offsets = [4, 0], sizes = [1, 128], strides = [1, 1]} : vector<12x128xf32> to vector<1x128xf32>
    %sub3A_1092 = arith.subf %slice3A_1090, %slice3A_1091 : vector<1x128xf32>
    %div3A_1093 = vector.broadcast %sub3A_1092 : vector<1x128xf32> to vector<16x128xf32>
    %div3A_1094 = arith.divf %sub3A_1089, %div3A_1093 : vector<16x128xf32>
    %slice3A_1095 = vector.extract_strided_slice %get3A_708 {offsets = [7, 0], sizes = [1, 128], strides = [1, 1]} : vector<12x128xf32> to vector<1x128xf32>
    %sub3A_1096 = vector.broadcast %slice3A_1095 : vector<1x128xf32> to vector<16x128xf32>
    %sub3A_1097 = arith.subf %sub3A_1096, %add3A_702 : vector<16x128xf32>
    %slice3A_1098 = vector.extract_strided_slice %get3A_708 {offsets = [7, 0], sizes = [1, 128], strides = [1, 1]} : vector<12x128xf32> to vector<1x128xf32>
    %slice3A_1099 = vector.extract_strided_slice %get3A_708 {offsets = [5, 0], sizes = [1, 128], strides = [1, 1]} : vector<12x128xf32> to vector<1x128xf32>
    %sub3A_1100 = arith.subf %slice3A_1098, %slice3A_1099 : vector<1x128xf32>
    %div3A_1101 = vector.broadcast %sub3A_1100 : vector<1x128xf32> to vector<16x128xf32>
    %div3A_1102 = arith.divf %sub3A_1097, %div3A_1101 : vector<16x128xf32>
    %mul3A_1103 = arith.mulf %div3A_1094, %add3A_915 : vector<16x128xf32>
    %mul3A_1104 = arith.mulf %div3A_1102, %add3A_934 : vector<16x128xf32>
    %add3A_1105 = arith.addf %mul3A_1103, %mul3A_1104 : vector<16x128xf32>
    %slice3A_1106 = vector.extract_strided_slice %get3A_708 {offsets = [5, 0], sizes = [1, 128], strides = [1, 1]} : vector<12x128xf32> to vector<1x128xf32>
    %sub3A_1107 = vector.broadcast %slice3A_1106 : vector<1x128xf32> to vector<16x128xf32>
    %sub3A_1108 = arith.subf %add3A_702, %sub3A_1107 : vector<16x128xf32>
    %slice3A_1109 = vector.extract_strided_slice %get3A_708 {offsets = [7, 0], sizes = [1, 128], strides = [1, 1]} : vector<12x128xf32> to vector<1x128xf32>
    %slice3A_1110 = vector.extract_strided_slice %get3A_708 {offsets = [5, 0], sizes = [1, 128], strides = [1, 1]} : vector<12x128xf32> to vector<1x128xf32>
    %sub3A_1111 = arith.subf %slice3A_1109, %slice3A_1110 : vector<1x128xf32>
    %div3A_1112 = vector.broadcast %sub3A_1111 : vector<1x128xf32> to vector<16x128xf32>
    %div3A_1113 = arith.divf %sub3A_1108, %div3A_1112 : vector<16x128xf32>
    %slice3A_1114 = vector.extract_strided_slice %get3A_708 {offsets = [8, 0], sizes = [1, 128], strides = [1, 1]} : vector<12x128xf32> to vector<1x128xf32>
    %sub3A_1115 = vector.broadcast %slice3A_1114 : vector<1x128xf32> to vector<16x128xf32>
    %sub3A_1116 = arith.subf %sub3A_1115, %add3A_702 : vector<16x128xf32>
    %slice3A_1117 = vector.extract_strided_slice %get3A_708 {offsets = [8, 0], sizes = [1, 128], strides = [1, 1]} : vector<12x128xf32> to vector<1x128xf32>
    %slice3A_1118 = vector.extract_strided_slice %get3A_708 {offsets = [6, 0], sizes = [1, 128], strides = [1, 1]} : vector<12x128xf32> to vector<1x128xf32>
    %sub3A_1119 = arith.subf %slice3A_1117, %slice3A_1118 : vector<1x128xf32>
    %div3A_1120 = vector.broadcast %sub3A_1119 : vector<1x128xf32> to vector<16x128xf32>
    %div3A_1121 = arith.divf %sub3A_1116, %div3A_1120 : vector<16x128xf32>
    %mul3A_1122 = arith.mulf %div3A_1113, %add3A_934 : vector<16x128xf32>
    %mul3A_1123 = arith.mulf %div3A_1121, %add3A_953 : vector<16x128xf32>
    %add3A_1124 = arith.addf %mul3A_1122, %mul3A_1123 : vector<16x128xf32>
    %slice3A_1125 = vector.extract_strided_slice %get3A_708 {offsets = [6, 0], sizes = [1, 128], strides = [1, 1]} : vector<12x128xf32> to vector<1x128xf32>
    %sub3A_1126 = vector.broadcast %slice3A_1125 : vector<1x128xf32> to vector<16x128xf32>
    %sub3A_1127 = arith.subf %add3A_702, %sub3A_1126 : vector<16x128xf32>
    %slice3A_1128 = vector.extract_strided_slice %get3A_708 {offsets = [8, 0], sizes = [1, 128], strides = [1, 1]} : vector<12x128xf32> to vector<1x128xf32>
    %slice3A_1129 = vector.extract_strided_slice %get3A_708 {offsets = [6, 0], sizes = [1, 128], strides = [1, 1]} : vector<12x128xf32> to vector<1x128xf32>
    %sub3A_1130 = arith.subf %slice3A_1128, %slice3A_1129 : vector<1x128xf32>
    %div3A_1131 = vector.broadcast %sub3A_1130 : vector<1x128xf32> to vector<16x128xf32>
    %div3A_1132 = arith.divf %sub3A_1127, %div3A_1131 : vector<16x128xf32>
    %slice3A_1133 = vector.extract_strided_slice %get3A_708 {offsets = [9, 0], sizes = [1, 128], strides = [1, 1]} : vector<12x128xf32> to vector<1x128xf32>
    %sub3A_1134 = vector.broadcast %slice3A_1133 : vector<1x128xf32> to vector<16x128xf32>
    %sub3A_1135 = arith.subf %sub3A_1134, %add3A_702 : vector<16x128xf32>
    %slice3A_1136 = vector.extract_strided_slice %get3A_708 {offsets = [9, 0], sizes = [1, 128], strides = [1, 1]} : vector<12x128xf32> to vector<1x128xf32>
    %slice3A_1137 = vector.extract_strided_slice %get3A_708 {offsets = [7, 0], sizes = [1, 128], strides = [1, 1]} : vector<12x128xf32> to vector<1x128xf32>
    %sub3A_1138 = arith.subf %slice3A_1136, %slice3A_1137 : vector<1x128xf32>
    %div3A_1139 = vector.broadcast %sub3A_1138 : vector<1x128xf32> to vector<16x128xf32>
    %div3A_1140 = arith.divf %sub3A_1135, %div3A_1139 : vector<16x128xf32>
    %mul3A_1141 = arith.mulf %div3A_1132, %add3A_953 : vector<16x128xf32>
    %mul3A_1142 = arith.mulf %div3A_1140, %add3A_972 : vector<16x128xf32>
    %add3A_1143 = arith.addf %mul3A_1141, %mul3A_1142 : vector<16x128xf32>
    %slice3A_1144 = vector.extract_strided_slice %get3A_708 {offsets = [7, 0], sizes = [1, 128], strides = [1, 1]} : vector<12x128xf32> to vector<1x128xf32>
    %sub3A_1145 = vector.broadcast %slice3A_1144 : vector<1x128xf32> to vector<16x128xf32>
    %sub3A_1146 = arith.subf %add3A_702, %sub3A_1145 : vector<16x128xf32>
    %slice3A_1147 = vector.extract_strided_slice %get3A_708 {offsets = [9, 0], sizes = [1, 128], strides = [1, 1]} : vector<12x128xf32> to vector<1x128xf32>
    %slice3A_1148 = vector.extract_strided_slice %get3A_708 {offsets = [7, 0], sizes = [1, 128], strides = [1, 1]} : vector<12x128xf32> to vector<1x128xf32>
    %sub3A_1149 = arith.subf %slice3A_1147, %slice3A_1148 : vector<1x128xf32>
    %div3A_1150 = vector.broadcast %sub3A_1149 : vector<1x128xf32> to vector<16x128xf32>
    %div3A_1151 = arith.divf %sub3A_1146, %div3A_1150 : vector<16x128xf32>
    %slice3A_1152 = vector.extract_strided_slice %get3A_708 {offsets = [10, 0], sizes = [1, 128], strides = [1, 1]} : vector<12x128xf32> to vector<1x128xf32>
    %sub3A_1153 = vector.broadcast %slice3A_1152 : vector<1x128xf32> to vector<16x128xf32>
    %sub3A_1154 = arith.subf %sub3A_1153, %add3A_702 : vector<16x128xf32>
    %slice3A_1155 = vector.extract_strided_slice %get3A_708 {offsets = [10, 0], sizes = [1, 128], strides = [1, 1]} : vector<12x128xf32> to vector<1x128xf32>
    %slice3A_1156 = vector.extract_strided_slice %get3A_708 {offsets = [8, 0], sizes = [1, 128], strides = [1, 1]} : vector<12x128xf32> to vector<1x128xf32>
    %sub3A_1157 = arith.subf %slice3A_1155, %slice3A_1156 : vector<1x128xf32>
    %div3A_1158 = vector.broadcast %sub3A_1157 : vector<1x128xf32> to vector<16x128xf32>
    %div3A_1159 = arith.divf %sub3A_1154, %div3A_1158 : vector<16x128xf32>
    %mul3A_1160 = arith.mulf %div3A_1151, %add3A_972 : vector<16x128xf32>
    %mul3A_1161 = arith.mulf %div3A_1159, %add3A_991 : vector<16x128xf32>
    %add3A_1162 = arith.addf %mul3A_1160, %mul3A_1161 : vector<16x128xf32>
    %slice3A_1163 = vector.extract_strided_slice %get3A_708 {offsets = [8, 0], sizes = [1, 128], strides = [1, 1]} : vector<12x128xf32> to vector<1x128xf32>
    %sub3A_1164 = vector.broadcast %slice3A_1163 : vector<1x128xf32> to vector<16x128xf32>
    %sub3A_1165 = arith.subf %add3A_702, %sub3A_1164 : vector<16x128xf32>
    %slice3A_1166 = vector.extract_strided_slice %get3A_708 {offsets = [10, 0], sizes = [1, 128], strides = [1, 1]} : vector<12x128xf32> to vector<1x128xf32>
    %slice3A_1167 = vector.extract_strided_slice %get3A_708 {offsets = [8, 0], sizes = [1, 128], strides = [1, 1]} : vector<12x128xf32> to vector<1x128xf32>
    %sub3A_1168 = arith.subf %slice3A_1166, %slice3A_1167 : vector<1x128xf32>
    %div3A_1169 = vector.broadcast %sub3A_1168 : vector<1x128xf32> to vector<16x128xf32>
    %div3A_1170 = arith.divf %sub3A_1165, %div3A_1169 : vector<16x128xf32>
    %slice3A_1171 = vector.extract_strided_slice %get3A_708 {offsets = [11, 0], sizes = [1, 128], strides = [1, 1]} : vector<12x128xf32> to vector<1x128xf32>
    %sub3A_1172 = vector.broadcast %slice3A_1171 : vector<1x128xf32> to vector<16x128xf32>
    %sub3A_1173 = arith.subf %sub3A_1172, %add3A_702 : vector<16x128xf32>
    %slice3A_1174 = vector.extract_strided_slice %get3A_708 {offsets = [11, 0], sizes = [1, 128], strides = [1, 1]} : vector<12x128xf32> to vector<1x128xf32>
    %slice3A_1175 = vector.extract_strided_slice %get3A_708 {offsets = [9, 0], sizes = [1, 128], strides = [1, 1]} : vector<12x128xf32> to vector<1x128xf32>
    %sub3A_1176 = arith.subf %slice3A_1174, %slice3A_1175 : vector<1x128xf32>
    %div3A_1177 = vector.broadcast %sub3A_1176 : vector<1x128xf32> to vector<16x128xf32>
    %div3A_1178 = arith.divf %sub3A_1173, %div3A_1177 : vector<16x128xf32>
    %mul3A_1179 = arith.mulf %div3A_1170, %add3A_991 : vector<16x128xf32>
    %mul3A_1180 = arith.mulf %div3A_1178, %add3A_1010 : vector<16x128xf32>
    %add3A_1181 = arith.addf %mul3A_1179, %mul3A_1180 : vector<16x128xf32>
    %slice3A_1182 = vector.extract_strided_slice %get3A_708 {offsets = [0, 0], sizes = [1, 128], strides = [1, 1]} : vector<12x128xf32> to vector<1x128xf32>
    %sub3A_1183 = vector.broadcast %slice3A_1182 : vector<1x128xf32> to vector<16x128xf32>
    %sub3A_1184 = arith.subf %add3A_702, %sub3A_1183 : vector<16x128xf32>
    %slice3A_1185 = vector.extract_strided_slice %get3A_708 {offsets = [3, 0], sizes = [1, 128], strides = [1, 1]} : vector<12x128xf32> to vector<1x128xf32>
    %slice3A_1186 = vector.extract_strided_slice %get3A_708 {offsets = [0, 0], sizes = [1, 128], strides = [1, 1]} : vector<12x128xf32> to vector<1x128xf32>
    %sub3A_1187 = arith.subf %slice3A_1185, %slice3A_1186 : vector<1x128xf32>
    %div3A_1188 = vector.broadcast %sub3A_1187 : vector<1x128xf32> to vector<16x128xf32>
    %div3A_1189 = arith.divf %sub3A_1184, %div3A_1188 : vector<16x128xf32>
    %slice3A_1190 = vector.extract_strided_slice %get3A_708 {offsets = [4, 0], sizes = [1, 128], strides = [1, 1]} : vector<12x128xf32> to vector<1x128xf32>
    %sub3A_1191 = vector.broadcast %slice3A_1190 : vector<1x128xf32> to vector<16x128xf32>
    %sub3A_1192 = arith.subf %sub3A_1191, %add3A_702 : vector<16x128xf32>
    %slice3A_1193 = vector.extract_strided_slice %get3A_708 {offsets = [4, 0], sizes = [1, 128], strides = [1, 1]} : vector<12x128xf32> to vector<1x128xf32>
    %slice3A_1194 = vector.extract_strided_slice %get3A_708 {offsets = [1, 0], sizes = [1, 128], strides = [1, 1]} : vector<12x128xf32> to vector<1x128xf32>
    %sub3A_1195 = arith.subf %slice3A_1193, %slice3A_1194 : vector<1x128xf32>
    %div3A_1196 = vector.broadcast %sub3A_1195 : vector<1x128xf32> to vector<16x128xf32>
    %div3A_1197 = arith.divf %sub3A_1192, %div3A_1196 : vector<16x128xf32>
    %mul3A_1198 = arith.mulf %div3A_1189, %add3A_1029 : vector<16x128xf32>
    %mul3A_1199 = arith.mulf %div3A_1197, %add3A_1048 : vector<16x128xf32>
    %add3A_1200 = arith.addf %mul3A_1198, %mul3A_1199 : vector<16x128xf32>
    %slice3A_1201 = vector.extract_strided_slice %get3A_708 {offsets = [1, 0], sizes = [1, 128], strides = [1, 1]} : vector<12x128xf32> to vector<1x128xf32>
    %sub3A_1202 = vector.broadcast %slice3A_1201 : vector<1x128xf32> to vector<16x128xf32>
    %sub3A_1203 = arith.subf %add3A_702, %sub3A_1202 : vector<16x128xf32>
    %slice3A_1204 = vector.extract_strided_slice %get3A_708 {offsets = [4, 0], sizes = [1, 128], strides = [1, 1]} : vector<12x128xf32> to vector<1x128xf32>
    %slice3A_1205 = vector.extract_strided_slice %get3A_708 {offsets = [1, 0], sizes = [1, 128], strides = [1, 1]} : vector<12x128xf32> to vector<1x128xf32>
    %sub3A_1206 = arith.subf %slice3A_1204, %slice3A_1205 : vector<1x128xf32>
    %div3A_1207 = vector.broadcast %sub3A_1206 : vector<1x128xf32> to vector<16x128xf32>
    %div3A_1208 = arith.divf %sub3A_1203, %div3A_1207 : vector<16x128xf32>
    %slice3A_1209 = vector.extract_strided_slice %get3A_708 {offsets = [5, 0], sizes = [1, 128], strides = [1, 1]} : vector<12x128xf32> to vector<1x128xf32>
    %sub3A_1210 = vector.broadcast %slice3A_1209 : vector<1x128xf32> to vector<16x128xf32>
    %sub3A_1211 = arith.subf %sub3A_1210, %add3A_702 : vector<16x128xf32>
    %slice3A_1212 = vector.extract_strided_slice %get3A_708 {offsets = [5, 0], sizes = [1, 128], strides = [1, 1]} : vector<12x128xf32> to vector<1x128xf32>
    %slice3A_1213 = vector.extract_strided_slice %get3A_708 {offsets = [2, 0], sizes = [1, 128], strides = [1, 1]} : vector<12x128xf32> to vector<1x128xf32>
    %sub3A_1214 = arith.subf %slice3A_1212, %slice3A_1213 : vector<1x128xf32>
    %div3A_1215 = vector.broadcast %sub3A_1214 : vector<1x128xf32> to vector<16x128xf32>
    %div3A_1216 = arith.divf %sub3A_1211, %div3A_1215 : vector<16x128xf32>
    %mul3A_1217 = arith.mulf %div3A_1208, %add3A_1048 : vector<16x128xf32>
    %mul3A_1218 = arith.mulf %div3A_1216, %add3A_1067 : vector<16x128xf32>
    %add3A_1219 = arith.addf %mul3A_1217, %mul3A_1218 : vector<16x128xf32>
    %slice3A_1220 = vector.extract_strided_slice %get3A_708 {offsets = [2, 0], sizes = [1, 128], strides = [1, 1]} : vector<12x128xf32> to vector<1x128xf32>
    %sub3A_1221 = vector.broadcast %slice3A_1220 : vector<1x128xf32> to vector<16x128xf32>
    %sub3A_1222 = arith.subf %add3A_702, %sub3A_1221 : vector<16x128xf32>
    %slice3A_1223 = vector.extract_strided_slice %get3A_708 {offsets = [5, 0], sizes = [1, 128], strides = [1, 1]} : vector<12x128xf32> to vector<1x128xf32>
    %slice3A_1224 = vector.extract_strided_slice %get3A_708 {offsets = [2, 0], sizes = [1, 128], strides = [1, 1]} : vector<12x128xf32> to vector<1x128xf32>
    %sub3A_1225 = arith.subf %slice3A_1223, %slice3A_1224 : vector<1x128xf32>
    %div3A_1226 = vector.broadcast %sub3A_1225 : vector<1x128xf32> to vector<16x128xf32>
    %div3A_1227 = arith.divf %sub3A_1222, %div3A_1226 : vector<16x128xf32>
    %slice3A_1228 = vector.extract_strided_slice %get3A_708 {offsets = [6, 0], sizes = [1, 128], strides = [1, 1]} : vector<12x128xf32> to vector<1x128xf32>
    %sub3A_1229 = vector.broadcast %slice3A_1228 : vector<1x128xf32> to vector<16x128xf32>
    %sub3A_1230 = arith.subf %sub3A_1229, %add3A_702 : vector<16x128xf32>
    %slice3A_1231 = vector.extract_strided_slice %get3A_708 {offsets = [6, 0], sizes = [1, 128], strides = [1, 1]} : vector<12x128xf32> to vector<1x128xf32>
    %slice3A_1232 = vector.extract_strided_slice %get3A_708 {offsets = [3, 0], sizes = [1, 128], strides = [1, 1]} : vector<12x128xf32> to vector<1x128xf32>
    %sub3A_1233 = arith.subf %slice3A_1231, %slice3A_1232 : vector<1x128xf32>
    %div3A_1234 = vector.broadcast %sub3A_1233 : vector<1x128xf32> to vector<16x128xf32>
    %div3A_1235 = arith.divf %sub3A_1230, %div3A_1234 : vector<16x128xf32>
    %mul3A_1236 = arith.mulf %div3A_1227, %add3A_1067 : vector<16x128xf32>
    %mul3A_1237 = arith.mulf %div3A_1235, %add3A_1086 : vector<16x128xf32>
    %add3A_1238 = arith.addf %mul3A_1236, %mul3A_1237 : vector<16x128xf32>
    %slice3A_1239 = vector.extract_strided_slice %get3A_708 {offsets = [3, 0], sizes = [1, 128], strides = [1, 1]} : vector<12x128xf32> to vector<1x128xf32>
    %sub3A_1240 = vector.broadcast %slice3A_1239 : vector<1x128xf32> to vector<16x128xf32>
    %sub3A_1241 = arith.subf %add3A_702, %sub3A_1240 : vector<16x128xf32>
    %slice3A_1242 = vector.extract_strided_slice %get3A_708 {offsets = [6, 0], sizes = [1, 128], strides = [1, 1]} : vector<12x128xf32> to vector<1x128xf32>
    %slice3A_1243 = vector.extract_strided_slice %get3A_708 {offsets = [3, 0], sizes = [1, 128], strides = [1, 1]} : vector<12x128xf32> to vector<1x128xf32>
    %sub3A_1244 = arith.subf %slice3A_1242, %slice3A_1243 : vector<1x128xf32>
    %div3A_1245 = vector.broadcast %sub3A_1244 : vector<1x128xf32> to vector<16x128xf32>
    %div3A_1246 = arith.divf %sub3A_1241, %div3A_1245 : vector<16x128xf32>
    %slice3A_1247 = vector.extract_strided_slice %get3A_708 {offsets = [7, 0], sizes = [1, 128], strides = [1, 1]} : vector<12x128xf32> to vector<1x128xf32>
    %sub3A_1248 = vector.broadcast %slice3A_1247 : vector<1x128xf32> to vector<16x128xf32>
    %sub3A_1249 = arith.subf %sub3A_1248, %add3A_702 : vector<16x128xf32>
    %slice3A_1250 = vector.extract_strided_slice %get3A_708 {offsets = [7, 0], sizes = [1, 128], strides = [1, 1]} : vector<12x128xf32> to vector<1x128xf32>
    %slice3A_1251 = vector.extract_strided_slice %get3A_708 {offsets = [4, 0], sizes = [1, 128], strides = [1, 1]} : vector<12x128xf32> to vector<1x128xf32>
    %sub3A_1252 = arith.subf %slice3A_1250, %slice3A_1251 : vector<1x128xf32>
    %div3A_1253 = vector.broadcast %sub3A_1252 : vector<1x128xf32> to vector<16x128xf32>
    %div3A_1254 = arith.divf %sub3A_1249, %div3A_1253 : vector<16x128xf32>
    %mul3A_1255 = arith.mulf %div3A_1246, %add3A_1086 : vector<16x128xf32>
    %mul3A_1256 = arith.mulf %div3A_1254, %add3A_1105 : vector<16x128xf32>
    %add3A_1257 = arith.addf %mul3A_1255, %mul3A_1256 : vector<16x128xf32>
    %slice3A_1258 = vector.extract_strided_slice %get3A_708 {offsets = [4, 0], sizes = [1, 128], strides = [1, 1]} : vector<12x128xf32> to vector<1x128xf32>
    %sub3A_1259 = vector.broadcast %slice3A_1258 : vector<1x128xf32> to vector<16x128xf32>
    %sub3A_1260 = arith.subf %add3A_702, %sub3A_1259 : vector<16x128xf32>
    %slice3A_1261 = vector.extract_strided_slice %get3A_708 {offsets = [7, 0], sizes = [1, 128], strides = [1, 1]} : vector<12x128xf32> to vector<1x128xf32>
    %slice3A_1262 = vector.extract_strided_slice %get3A_708 {offsets = [4, 0], sizes = [1, 128], strides = [1, 1]} : vector<12x128xf32> to vector<1x128xf32>
    %sub3A_1263 = arith.subf %slice3A_1261, %slice3A_1262 : vector<1x128xf32>
    %div3A_1264 = vector.broadcast %sub3A_1263 : vector<1x128xf32> to vector<16x128xf32>
    %div3A_1265 = arith.divf %sub3A_1260, %div3A_1264 : vector<16x128xf32>
    %slice3A_1266 = vector.extract_strided_slice %get3A_708 {offsets = [8, 0], sizes = [1, 128], strides = [1, 1]} : vector<12x128xf32> to vector<1x128xf32>
    %sub3A_1267 = vector.broadcast %slice3A_1266 : vector<1x128xf32> to vector<16x128xf32>
    %sub3A_1268 = arith.subf %sub3A_1267, %add3A_702 : vector<16x128xf32>
    %slice3A_1269 = vector.extract_strided_slice %get3A_708 {offsets = [8, 0], sizes = [1, 128], strides = [1, 1]} : vector<12x128xf32> to vector<1x128xf32>
    %slice3A_1270 = vector.extract_strided_slice %get3A_708 {offsets = [5, 0], sizes = [1, 128], strides = [1, 1]} : vector<12x128xf32> to vector<1x128xf32>
    %sub3A_1271 = arith.subf %slice3A_1269, %slice3A_1270 : vector<1x128xf32>
    %div3A_1272 = vector.broadcast %sub3A_1271 : vector<1x128xf32> to vector<16x128xf32>
    %div3A_1273 = arith.divf %sub3A_1268, %div3A_1272 : vector<16x128xf32>
    %mul3A_1274 = arith.mulf %div3A_1265, %add3A_1105 : vector<16x128xf32>
    %mul3A_1275 = arith.mulf %div3A_1273, %add3A_1124 : vector<16x128xf32>
    %add3A_1276 = arith.addf %mul3A_1274, %mul3A_1275 : vector<16x128xf32>
    %slice3A_1277 = vector.extract_strided_slice %get3A_708 {offsets = [5, 0], sizes = [1, 128], strides = [1, 1]} : vector<12x128xf32> to vector<1x128xf32>
    %sub3A_1278 = vector.broadcast %slice3A_1277 : vector<1x128xf32> to vector<16x128xf32>
    %sub3A_1279 = arith.subf %add3A_702, %sub3A_1278 : vector<16x128xf32>
    %slice3A_1280 = vector.extract_strided_slice %get3A_708 {offsets = [8, 0], sizes = [1, 128], strides = [1, 1]} : vector<12x128xf32> to vector<1x128xf32>
    %slice3A_1281 = vector.extract_strided_slice %get3A_708 {offsets = [5, 0], sizes = [1, 128], strides = [1, 1]} : vector<12x128xf32> to vector<1x128xf32>
    %sub3A_1282 = arith.subf %slice3A_1280, %slice3A_1281 : vector<1x128xf32>
    %div3A_1283 = vector.broadcast %sub3A_1282 : vector<1x128xf32> to vector<16x128xf32>
    %div3A_1284 = arith.divf %sub3A_1279, %div3A_1283 : vector<16x128xf32>
    %slice3A_1285 = vector.extract_strided_slice %get3A_708 {offsets = [9, 0], sizes = [1, 128], strides = [1, 1]} : vector<12x128xf32> to vector<1x128xf32>
    %sub3A_1286 = vector.broadcast %slice3A_1285 : vector<1x128xf32> to vector<16x128xf32>
    %sub3A_1287 = arith.subf %sub3A_1286, %add3A_702 : vector<16x128xf32>
    %slice3A_1288 = vector.extract_strided_slice %get3A_708 {offsets = [9, 0], sizes = [1, 128], strides = [1, 1]} : vector<12x128xf32> to vector<1x128xf32>
    %slice3A_1289 = vector.extract_strided_slice %get3A_708 {offsets = [6, 0], sizes = [1, 128], strides = [1, 1]} : vector<12x128xf32> to vector<1x128xf32>
    %sub3A_1290 = arith.subf %slice3A_1288, %slice3A_1289 : vector<1x128xf32>
    %div3A_1291 = vector.broadcast %sub3A_1290 : vector<1x128xf32> to vector<16x128xf32>
    %div3A_1292 = arith.divf %sub3A_1287, %div3A_1291 : vector<16x128xf32>
    %mul3A_1293 = arith.mulf %div3A_1284, %add3A_1124 : vector<16x128xf32>
    %mul3A_1294 = arith.mulf %div3A_1292, %add3A_1143 : vector<16x128xf32>
    %add3A_1295 = arith.addf %mul3A_1293, %mul3A_1294 : vector<16x128xf32>
    %slice3A_1296 = vector.extract_strided_slice %get3A_708 {offsets = [6, 0], sizes = [1, 128], strides = [1, 1]} : vector<12x128xf32> to vector<1x128xf32>
    %sub3A_1297 = vector.broadcast %slice3A_1296 : vector<1x128xf32> to vector<16x128xf32>
    %sub3A_1298 = arith.subf %add3A_702, %sub3A_1297 : vector<16x128xf32>
    %slice3A_1299 = vector.extract_strided_slice %get3A_708 {offsets = [9, 0], sizes = [1, 128], strides = [1, 1]} : vector<12x128xf32> to vector<1x128xf32>
    %slice3A_1300 = vector.extract_strided_slice %get3A_708 {offsets = [6, 0], sizes = [1, 128], strides = [1, 1]} : vector<12x128xf32> to vector<1x128xf32>
    %sub3A_1301 = arith.subf %slice3A_1299, %slice3A_1300 : vector<1x128xf32>
    %div3A_1302 = vector.broadcast %sub3A_1301 : vector<1x128xf32> to vector<16x128xf32>
    %div3A_1303 = arith.divf %sub3A_1298, %div3A_1302 : vector<16x128xf32>
    %slice3A_1304 = vector.extract_strided_slice %get3A_708 {offsets = [10, 0], sizes = [1, 128], strides = [1, 1]} : vector<12x128xf32> to vector<1x128xf32>
    %sub3A_1305 = vector.broadcast %slice3A_1304 : vector<1x128xf32> to vector<16x128xf32>
    %sub3A_1306 = arith.subf %sub3A_1305, %add3A_702 : vector<16x128xf32>
    %slice3A_1307 = vector.extract_strided_slice %get3A_708 {offsets = [10, 0], sizes = [1, 128], strides = [1, 1]} : vector<12x128xf32> to vector<1x128xf32>
    %slice3A_1308 = vector.extract_strided_slice %get3A_708 {offsets = [7, 0], sizes = [1, 128], strides = [1, 1]} : vector<12x128xf32> to vector<1x128xf32>
    %sub3A_1309 = arith.subf %slice3A_1307, %slice3A_1308 : vector<1x128xf32>
    %div3A_1310 = vector.broadcast %sub3A_1309 : vector<1x128xf32> to vector<16x128xf32>
    %div3A_1311 = arith.divf %sub3A_1306, %div3A_1310 : vector<16x128xf32>
    %mul3A_1312 = arith.mulf %div3A_1303, %add3A_1143 : vector<16x128xf32>
    %mul3A_1313 = arith.mulf %div3A_1311, %add3A_1162 : vector<16x128xf32>
    %add3A_1314 = arith.addf %mul3A_1312, %mul3A_1313 : vector<16x128xf32>
    %slice3A_1315 = vector.extract_strided_slice %get3A_708 {offsets = [7, 0], sizes = [1, 128], strides = [1, 1]} : vector<12x128xf32> to vector<1x128xf32>
    %sub3A_1316 = vector.broadcast %slice3A_1315 : vector<1x128xf32> to vector<16x128xf32>
    %sub3A_1317 = arith.subf %add3A_702, %sub3A_1316 : vector<16x128xf32>
    %slice3A_1318 = vector.extract_strided_slice %get3A_708 {offsets = [10, 0], sizes = [1, 128], strides = [1, 1]} : vector<12x128xf32> to vector<1x128xf32>
    %slice3A_1319 = vector.extract_strided_slice %get3A_708 {offsets = [7, 0], sizes = [1, 128], strides = [1, 1]} : vector<12x128xf32> to vector<1x128xf32>
    %sub3A_1320 = arith.subf %slice3A_1318, %slice3A_1319 : vector<1x128xf32>
    %div3A_1321 = vector.broadcast %sub3A_1320 : vector<1x128xf32> to vector<16x128xf32>
    %div3A_1322 = arith.divf %sub3A_1317, %div3A_1321 : vector<16x128xf32>
    %slice3A_1323 = vector.extract_strided_slice %get3A_708 {offsets = [11, 0], sizes = [1, 128], strides = [1, 1]} : vector<12x128xf32> to vector<1x128xf32>
    %sub3A_1324 = vector.broadcast %slice3A_1323 : vector<1x128xf32> to vector<16x128xf32>
    %sub3A_1325 = arith.subf %sub3A_1324, %add3A_702 : vector<16x128xf32>
    %slice3A_1326 = vector.extract_strided_slice %get3A_708 {offsets = [11, 0], sizes = [1, 128], strides = [1, 1]} : vector<12x128xf32> to vector<1x128xf32>
    %slice3A_1327 = vector.extract_strided_slice %get3A_708 {offsets = [8, 0], sizes = [1, 128], strides = [1, 1]} : vector<12x128xf32> to vector<1x128xf32>
    %sub3A_1328 = arith.subf %slice3A_1326, %slice3A_1327 : vector<1x128xf32>
    %div3A_1329 = vector.broadcast %sub3A_1328 : vector<1x128xf32> to vector<16x128xf32>
    %div3A_1330 = arith.divf %sub3A_1325, %div3A_1329 : vector<16x128xf32>
    %mul3A_1331 = arith.mulf %div3A_1322, %add3A_1162 : vector<16x128xf32>
    %mul3A_1332 = arith.mulf %div3A_1330, %add3A_1181 : vector<16x128xf32>
    %add3A_1333 = arith.addf %mul3A_1331, %mul3A_1332 : vector<16x128xf32>
    %slice3A_1334 = vector.extract_strided_slice %get3A_712 {offsets = [0, 0, 0], sizes = [1, 128, 10], strides = [1, 1, 1]} : vector<8x128x10xf32> to vector<1x128x10xf32>
    %squeeze3A_1335 = vector.shape_cast %slice3A_1334 : vector<1x128x10xf32> to vector<128x10xf32>
    %dot_general3A_1336 = arith.constant dense<0.000000e+00> : vector<16x10xf32>
    %dot_general3A_1337 = tpu.matmul %add3A_1200, %squeeze3A_1335, %dot_general3A_1336 {dimension_numbers = #tpu.dot_dimension_numbers<[1], [0], [0], [1], [0, 0, 1, 1], [], []>, transpose_lhs_hint = false} : vector<16x128xf32>, vector<128x10xf32>, vector<16x10xf32> -> vector<16x10xf32>
    %add3A_1338 = arith.addf %dot_general3A_721, %dot_general3A_1337 : vector<16x10xf32>
    %slice3A_1339 = vector.extract_strided_slice %get3A_712 {offsets = [1, 0, 0], sizes = [1, 128, 10], strides = [1, 1, 1]} : vector<8x128x10xf32> to vector<1x128x10xf32>
    %squeeze3A_1340 = vector.shape_cast %slice3A_1339 : vector<1x128x10xf32> to vector<128x10xf32>
    %dot_general3A_1341 = arith.constant dense<0.000000e+00> : vector<16x10xf32>
    %dot_general3A_1342 = tpu.matmul %add3A_1219, %squeeze3A_1340, %dot_general3A_1341 {dimension_numbers = #tpu.dot_dimension_numbers<[1], [0], [0], [1], [0, 0, 1, 1], [], []>, transpose_lhs_hint = false} : vector<16x128xf32>, vector<128x10xf32>, vector<16x10xf32> -> vector<16x10xf32>
    %add3A_1343 = arith.addf %add3A_1338, %dot_general3A_1342 : vector<16x10xf32>
    %slice3A_1344 = vector.extract_strided_slice %get3A_712 {offsets = [2, 0, 0], sizes = [1, 128, 10], strides = [1, 1, 1]} : vector<8x128x10xf32> to vector<1x128x10xf32>
    %squeeze3A_1345 = vector.shape_cast %slice3A_1344 : vector<1x128x10xf32> to vector<128x10xf32>
    %dot_general3A_1346 = arith.constant dense<0.000000e+00> : vector<16x10xf32>
    %dot_general3A_1347 = tpu.matmul %add3A_1238, %squeeze3A_1345, %dot_general3A_1346 {dimension_numbers = #tpu.dot_dimension_numbers<[1], [0], [0], [1], [0, 0, 1, 1], [], []>, transpose_lhs_hint = false} : vector<16x128xf32>, vector<128x10xf32>, vector<16x10xf32> -> vector<16x10xf32>
    %add3A_1348 = arith.addf %add3A_1343, %dot_general3A_1347 : vector<16x10xf32>
    %slice3A_1349 = vector.extract_strided_slice %get3A_712 {offsets = [3, 0, 0], sizes = [1, 128, 10], strides = [1, 1, 1]} : vector<8x128x10xf32> to vector<1x128x10xf32>
    %squeeze3A_1350 = vector.shape_cast %slice3A_1349 : vector<1x128x10xf32> to vector<128x10xf32>
    %dot_general3A_1351 = arith.constant dense<0.000000e+00> : vector<16x10xf32>
    %dot_general3A_1352 = tpu.matmul %add3A_1257, %squeeze3A_1350, %dot_general3A_1351 {dimension_numbers = #tpu.dot_dimension_numbers<[1], [0], [0], [1], [0, 0, 1, 1], [], []>, transpose_lhs_hint = false} : vector<16x128xf32>, vector<128x10xf32>, vector<16x10xf32> -> vector<16x10xf32>
    %add3A_1353 = arith.addf %add3A_1348, %dot_general3A_1352 : vector<16x10xf32>
    %slice3A_1354 = vector.extract_strided_slice %get3A_712 {offsets = [4, 0, 0], sizes = [1, 128, 10], strides = [1, 1, 1]} : vector<8x128x10xf32> to vector<1x128x10xf32>
    %squeeze3A_1355 = vector.shape_cast %slice3A_1354 : vector<1x128x10xf32> to vector<128x10xf32>
    %dot_general3A_1356 = arith.constant dense<0.000000e+00> : vector<16x10xf32>
    %dot_general3A_1357 = tpu.matmul %add3A_1276, %squeeze3A_1355, %dot_general3A_1356 {dimension_numbers = #tpu.dot_dimension_numbers<[1], [0], [0], [1], [0, 0, 1, 1], [], []>, transpose_lhs_hint = false} : vector<16x128xf32>, vector<128x10xf32>, vector<16x10xf32> -> vector<16x10xf32>
    %add3A_1358 = arith.addf %add3A_1353, %dot_general3A_1357 : vector<16x10xf32>
    %slice3A_1359 = vector.extract_strided_slice %get3A_712 {offsets = [5, 0, 0], sizes = [1, 128, 10], strides = [1, 1, 1]} : vector<8x128x10xf32> to vector<1x128x10xf32>
    %squeeze3A_1360 = vector.shape_cast %slice3A_1359 : vector<1x128x10xf32> to vector<128x10xf32>
    %dot_general3A_1361 = arith.constant dense<0.000000e+00> : vector<16x10xf32>
    %dot_general3A_1362 = tpu.matmul %add3A_1295, %squeeze3A_1360, %dot_general3A_1361 {dimension_numbers = #tpu.dot_dimension_numbers<[1], [0], [0], [1], [0, 0, 1, 1], [], []>, transpose_lhs_hint = false} : vector<16x128xf32>, vector<128x10xf32>, vector<16x10xf32> -> vector<16x10xf32>
    %add3A_1363 = arith.addf %add3A_1358, %dot_general3A_1362 : vector<16x10xf32>
    %slice3A_1364 = vector.extract_strided_slice %get3A_712 {offsets = [6, 0, 0], sizes = [1, 128, 10], strides = [1, 1, 1]} : vector<8x128x10xf32> to vector<1x128x10xf32>
    %squeeze3A_1365 = vector.shape_cast %slice3A_1364 : vector<1x128x10xf32> to vector<128x10xf32>
    %dot_general3A_1366 = arith.constant dense<0.000000e+00> : vector<16x10xf32>
    %dot_general3A_1367 = tpu.matmul %add3A_1314, %squeeze3A_1365, %dot_general3A_1366 {dimension_numbers = #tpu.dot_dimension_numbers<[1], [0], [0], [1], [0, 0, 1, 1], [], []>, transpose_lhs_hint = false} : vector<16x128xf32>, vector<128x10xf32>, vector<16x10xf32> -> vector<16x10xf32>
    %add3A_1368 = arith.addf %add3A_1363, %dot_general3A_1367 : vector<16x10xf32>
    %slice3A_1369 = vector.extract_strided_slice %get3A_712 {offsets = [7, 0, 0], sizes = [1, 128, 10], strides = [1, 1, 1]} : vector<8x128x10xf32> to vector<1x128x10xf32>
    %squeeze3A_1370 = vector.shape_cast %slice3A_1369 : vector<1x128x10xf32> to vector<128x10xf32>
    %dot_general3A_1371 = arith.constant dense<0.000000e+00> : vector<16x10xf32>
    %dot_general3A_1372 = tpu.matmul %add3A_1333, %squeeze3A_1370, %dot_general3A_1371 {dimension_numbers = #tpu.dot_dimension_numbers<[1], [0], [0], [1], [0, 0, 1, 1], [], []>, transpose_lhs_hint = false} : vector<16x128xf32>, vector<128x10xf32>, vector<16x10xf32> -> vector<16x10xf32>
    %add3A_1373 = arith.addf %add3A_1368, %dot_general3A_1372 : vector<16x10xf32>
    %swap3A = arith.constant 0 : index
    %swap3A_1374 = arith.constant 0 : index
    %swap3A_1375 = vector.load %arg11[%swap3A, %swap3A_1374] : memref<16x10xf32, #tpu.memory_space<vmem>>, vector<16x10xf32>
    tpu.vector_store %arg11[%swap3A, %swap3A_1374], %add3A_1373 {strides = array<i32>} : memref<16x10xf32, #tpu.memory_space<vmem>>, vector<16x10xf32>,
    return
  }
}

</mosaic_0001>

<sc_bundles>
// kernel: kernel.14.cloned.1.call-start
scs
__scs_entry_jumppad:
0x0: {  	(pc) =	sbr.rel $0x88, $3  }
0x1: {  	(tag) =	ssettag $0x0;
	lr =	simm.s32 $0x1  }
0x2: {  	[smem:$0x3F70] =	sst lr;
	_ =	strace $0xD0000000  }
0x3: {  	_ = 	snop  }
0x4: {  	_ = 	snop  }
0x5: {  	_ = 	snop  }
0x6: {  	_ = 	snop  }
0x7: {  	_ = 	snop  }
__scs_overlays_trampoline_lowered:
0x8: {  	[smem:$0x3F7F] =	sst s0  }
0x9: {  	[smem:$0x3F80] =	sst s1  }
0xa: {  	[smem:$0x3F81] =	sst s2  }
0xb: {  	[smem:$0x3F82] =	sst s3  }
0xc: {  	[smem:$0x3F83] =	sst s4  }
0xd: {  	[smem:$0x3F84] =	sst s5  }
0xe: {  	[smem:$0x3F85] =	sst s6  }
0xf: {  	[smem:$0x3F86] =	sst s7  }
0x10: {  	[smem:$0x3F87] =	sst s8  }
0x11: {  	[smem:$0x3F88] =	sst s9;
	s0 =	simm.s32 @!p0 $0x0  }
0x12: {  	s1 =	sld [smem:$0x3F6E];
	s0 =	simm.s32 @p0 $0x1  }
0x13: {  	[smem:$0x3F89] =	sst s0;
	s0 =	simm.s32 @!p1 $0x0  }
0x14: {  	s2 =	sld [smem:$0x3F6D];
	s0 =	simm.s32 @p1 $0x1  }
0x15: {  	[smem:$0x3F8A] =	sst s0;
	s0 =	simm.s32 @!p2 $0x0  }
0x16: {  	s3 =	sld [smem:$0x3FDB];
	s0 =	simm.s32 @p2 $0x1  }
0x17: {  	s4 =	simm.s32 $0x1BF5;
	[smem:$0x3F8C] =	sst s0  }
0x18: {  	s0 =	sld [smem:$0x3F6F];
	_ =	swait.ge [sflag:s4], $0x0  }
0x19: {  	s7 =	sld [smem:$0x3F70]  }
0x1a: {  	s8 =	sadd.s32 $0xFFFFE003, lr  }
0x1b: {  	s9 =	sadd.s32 $0xFFFFFEF7, lr;
	s5 =	simm.s32 $0xFFFFFFFF;
	p2 =	slt.u32 s8, $0xFFFFF086  }
0x1c: {  	p1 =	slt.u32 s9, $0xF7A;
	s5 =	simm.s32 @!p2 $0x0  }
0x1d: {  	s5 =	simm.s32 @p1 $0x1;
	p0 =	seq.s32 s7, s2  }
0x1e: {  	s7 =	smul.u32 @!p0 $0xF7A, s2;
	p2 =	seq.s32 @!p0 s5, $0x0  }
0x1f: {  	s9 =	smul.u32 $0xF7A, s1;
	s8 =	simm.s32 @!p0 $0x1BF5;
	p2 =	por !p2, p0  }
0x20: {  	[sflag:s8] =	ssyncset.s32 @!p0 $0xFFFFF086;
	s6 =	sadd.s32 @!p0 s3, s7;
	s7 =	simm.s32 @!p0 $0x108  }
0x21: {  	s3 =	sadd.s32 s3, s9;
	s6 =	sadd.s32 @!p0 $0x88, s6;
	s7 =	simm.s32 @p2 $0x1082  }
0x22: {  	[simem:s7], [sflag:s8] =	dma.local @!p0 [hbm:s6], $0xF7A  }
0x23: {  	s9 =	sor.u32 $0xD0000000, s2;
	s6 =	simm.s32 $0x108;
	_ =	swait.ge @!p0 [sflag:s8], $0x0  }
0x24: {  	s3 =	sadd.s32 $0x88, s3;
	s6 =	simm.s32 @!p1 $0x1082;
	[sflag:s4] =	ssyncset.s32 $0xFFFFF086  }
0x25: {  	[simem:s6], [sflag:s4] =	dma.local [hbm:s3], $0xF7A  }
0x26: {  	[smem:$0x3F70] =	sst s1;
	(tag) =	ssettag s2;
	_ =	strace s9  }
0x27: {  	s1 =	sld [smem:$0x3F80]  }
0x28: {  	s2 =	sld [smem:$0x3F81]  }
0x29: {  	s4 =	sld [smem:$0x3F83]  }
0x2a: {  	p0 =	seq.s32 s5, $0x0;
	s5 =	sld [smem:$0x3F84]  }
0x2b: {  	s6 =	sld [smem:$0x3F85]  }
0x2c: {  	s7 =	sld [smem:$0x3F86]  }
0x2d: {  	s3 =	simm.s32 $0x108;
	s8 =	sld [smem:$0x3F87]  }
0x2e: {  	s3 =	simm.s32 @!p0 $0x1082;
	s9 =	sld [smem:$0x3F88]  }
0x2f: {  	lr =	sadd.s32 s0, s3;
	s0 =	sld [smem:$0x3F7F]  }
0x30: {  	s3 =	sld [smem:$0x3F82]  }
0x31: {  	[smem:$0x3F8B] =	sst s10  }
0x32: {  	s10 =	sld [smem:$0x3F89];
	_ =	sdelay $0x3  }
0x33: {  	p0 =	seq.s32 s10, $0x1;
	s10 =	sld [smem:$0x3F8B];
	_ =	sdelay $0x3  }
0x34: {  	[smem:$0x3F8B] =	sst s10  }
0x35: {  	s10 =	sld [smem:$0x3F8A];
	_ =	sdelay $0x3  }
0x36: {  	p1 =	seq.s32 s10, $0x1;
	s10 =	sld [smem:$0x3F8B];
	_ =	sdelay $0x3  }
0x37: {  	[smem:$0x3F8B] =	sst s10  }
0x38: {  	s10 =	sld [smem:$0x3F8C]  }
0x39: {  	_ = 	snop;
	(pc) =	sbr.ind lr, $3  }
0x3a: {  	_ = 	snop  }
0x3b: {  	_ = 	snop  }
0x3c: {  	p2 =	seq.s32 s10, $0x1;
	s10 =	sld [smem:$0x3F8B]  }
0x3d: {  	_ =	shalt  }
0x3e: {  	_ =	shalt  }
0x3f: {  	_ =	shalt  }
0x40: {  	_ =	shalt  }
0x41: {  	_ =	shalt  }
0x42: {  	_ =	shalt  }
0x43: {  	_ =	shalt  }
0x44: {  	_ =	shalt  }
0x45: {  	_ =	shalt  }
0x46: {  	_ =	shalt  }
0x47: {  	_ =	shalt  }
0x48: {  	_ =	shalt  }
0x49: {  	_ =	shalt  }
0x4a: {  	_ =	shalt  }
0x4b: {  	_ =	shalt  }
0x4c: {  	_ =	shalt  }
0x4d: {  	_ =	shalt  }
0x4e: {  	_ =	shalt  }
0x4f: {  	_ =	shalt  }
0x50: {  	_ =	shalt  }
0x51: {  	_ =	shalt  }
0x52: {  	_ =	shalt  }
0x53: {  	_ =	shalt  }
0x54: {  	_ =	shalt  }
0x55: {  	_ =	shalt  }
0x56: {  	_ =	shalt  }
0x57: {  	_ =	shalt  }
0x58: {  	_ =	shalt  }
0x59: {  	_ =	shalt  }
0x5a: {  	_ =	shalt  }
0x5b: {  	_ =	shalt  }
0x5c: {  	_ =	shalt  }
0x5d: {  	_ =	shalt  }
0x5e: {  	_ =	shalt  }
0x5f: {  	_ =	shalt  }
0x60: {  	_ =	shalt  }
0x61: {  	_ =	shalt  }
0x62: {  	_ =	shalt  }
0x63: {  	_ =	shalt  }
0x64: {  	_ =	shalt  }
0x65: {  	_ =	shalt  }
0x66: {  	_ =	shalt  }
0x67: {  	_ =	shalt  }
0x68: {  	_ =	shalt  }
0x69: {  	_ =	shalt  }
0x6a: {  	_ =	shalt  }
0x6b: {  	_ =	shalt  }
0x6c: {  	_ =	shalt  }
0x6d: {  	_ =	shalt  }
0x6e: {  	_ =	shalt  }
0x6f: {  	_ =	shalt  }
0x70: {  	_ =	shalt  }
0x71: {  	_ =	shalt  }
0x72: {  	_ =	shalt  }
0x73: {  	_ =	shalt  }
0x74: {  	_ =	shalt  }
0x75: {  	_ =	shalt  }
0x76: {  	_ =	shalt  }
0x77: {  	_ =	shalt  }
0x78: {  	_ =	shalt  }
0x79: {  	_ =	shalt  }
0x7a: {  	_ =	shalt  }
0x7b: {  	_ =	shalt  }
0x7c: {  	_ =	shalt  }
0x7d: {  	_ =	shalt  }
0x7e: {  	_ =	shalt  }
0x7f: {  	_ =	shalt  }
0x80: {  	_ =	shalt  }
0x81: {  	_ =	shalt  }
0x82: {  	_ =	shalt  }
0x83: {  	_ =	shalt  }
0x84: {  	_ =	shalt  }
0x85: {  	_ =	shalt  }
0x86: {  	_ =	shalt  }
0x87: {  	_ =	shalt  }
.Lfunc_end0:
.L_simem_size_0:
called_computation_lowered:
.L_overlay_start_0:
0x88: {  	s2 =	sld [smem:$0x3FD9]  }
0x89: {  	s3 =	sld [smem:$0x3FFE];
	_ =	sdelay $0x1  }
0x8a: {  	s1 =	srdreg.scid  }
0x8b: {  	s0 =	sand.u32 $0x1, s1  }
0x8c: {  	s16 =	sshll.u32 s0, $0xA;
	s2 =	sadd.s32 s3, s2  }
0x8d: {  	s2 =	sadd.s32 s2, s16  }
0x8e: {  	[smem:$0x3F97] =	sst s2  }
0x8f: {  	_ = 	snop  }
0x90: {  	(tm) =	ssettm $0x1  }
0x91: {  	s17 =	sld [smem:$0x3FFB];
	_ =	sdelay $0x3  }
0x92: {  	_ =	strace s17  }
0x93: {  	s2 =	sld [smem:$0x3FFC];
	_ =	sdelay $0x3  }
0x94: {  	_ =	strace s2  }
0x95: {  	s2 =	sld [smem:$0x3FFD];
	_ =	sdelay $0x3  }
0x96: {  	_ =	strace s2  }
0x97: {  	_ =	strace $0x8FFFFFFF  }
0x98: {  	s18 =	sld [smem:$0x3FDB];
	_ =	sdelay $0x1  }
0x99: {  	s19 =	simm.s32 $_scs_section_size  }
0x9a: {  	s4 =	simm.s32 $_size__tile_overlayer_lowered;
	s5 =	simm.s32 $_tile_overlayer_lowered  }
0x9b: {  	s22 =	simm.s32 $0x1BFF;
	s21 =	sshll.u32 s5, $0x1;
	s2 =	sadd.s32 s19, s18  }
0x9c: {  	s6 =	simm.s32 $0x0;
	s20 =	sshll.u32 s4, $0x1;
	s4 =	sadd.s32 s21, s2  }
0x9d: {  	[timem:s6], [sflag:s22] =	dma.local [hbm:s4], s20  }
0x9e: {  	_ =	swait.ge [sflag:s22], s20  }
0x9f: {  	s3 =	ssub.s32 $0x0, s20;
	[sflag:s22] =	ssyncset.done $0x0  }
0xa0: {  	[sflag:s22] =	ssyncadd.s32 s3;
	_ =	sdelay $0x1  }
0xa1: {  	s23 =	simm.s32 $0x1B8B  }
0xa2: {  	_ =	swait.ge [sflag:s23], $0x1  }
0xa3: {  	[sflag:s23] =	ssyncset.done $0x0  }
0xa4: {  	s25 =	simm.s32 $0x1B8E;
	s24 =	sld [smem:$0x3FFE];
	[sflag:s23] =	ssyncadd.s32 $0xFFFFFFFF  }
0xa5: {  	s26 =	simm.s32 $execute0_lowered;
	[smem:$0x3FD2] =	sst s25  }
0xa6: {  	s4 =	sshll.u32 s26, $0x1;
	_ =	strace $0x80000046;
	[dreg:$0x1] =	wrdreg $0xFFFFFFFF  }
0xa7: {  	s28 =	simm.s32 $_size_execute0_lowered;
	s2 =	sadd.s32 s2, s4;
	[dreg:$0x0] =	wrdreg $0x0  }
0xa8: {  	s4 =	sshll.u32 s28, $0x1;
	[dreg:$0x2] =	wrdreg s2  }
0xa9: {  	[dreg:$0x3] =	wrdreg s4  }
0xaa: {  	[dreg:$0x4] =	wrdreg $0xC0  }
0xab: {  	_ =	task [dreg:s6], $0x5FFFF  }
0xac: {  	[dreg:$0x1] =	wrdreg $0xFFFFFFFF  }
0xad: {  	[dreg:$0x0] =	wrdreg $0x60  }
0xae: {  	[dreg:$0x2] =	wrdreg s24  }
0xaf: {  	[dreg:$0x3] =	wrdreg $0x9  }
0xb0: {  	_ =	task.clear_ibuf [dreg:s6], $0x4FFFF;
	_ =	strace $0x90000046  }
0xb1: {  	s29 =	simm.s32 $0x9;
	_ =	strace $0x80000048  }
0xb2: {  	_ =	swait.ge [sflag:s29], $0x1  }
0xb3: {  	[sflag:s29] =	ssyncadd.s32 $0xFFFFFFFF  }
0xb4: {  	_ =	strace $0x90000048  }
0xb5: {  	_ =	sfence  }
0xb6: {  	s30 =	sld [smem:$0x0];
	_ =	sdelay $0x2  }
0xb7: {  	s31 =	sshll.u32 s1, $0xD;
	s1 =	sshrl.u32 s1, $0x2  }
0xb8: {  	s3 =	sand.u32 $0x4000, s31;
	s1 =	sadd.s32 s1, s30  }
0xb9: {  	s0 =	sor.u32 s3, s0;
	s1 =	sshll.u32 s1, $0x11  }
0xba: {  	s0 =	sor.u32 s1, s0  }
0xbb: {  	s0 =	sadd.s32 $0x8F2B, s0  }
0xbc: {  	[sflag:s0] =	ssyncadd.remote.s32 $0x1  }
0xbd: {  	_ =	sfence.sel $0xFFFF  }
0xbe: {  	[dreg:$0x0] =	wrdreg $0xFFFFFFFF;
	(pc) =	sbr.abs _section_cstart, $3  }
0xbf: {  	[dreg:$0x1] =	wrdreg $0xFFFFFFFF  }
0xc0: {  	_ =	task.clear_ibuf [dreg:s6], $0x2FFFF;
	_ =	strace $0x9FFFFFFF  }
0xc1: {  	(tm) =	ssettm $0x7FFFFFFF  }
tec
execute0_lowered:
.L_overlay_start_1:
0x0: {  	(tag) =	ssettag $0x1  }
0x1: {  	s1 =	srdreg.scid;
	s0 =	stileid.u32  }
0x2: {  	s16 =	sand.u32 $0x1, s1;
	s26 =	sshll.u32 s0, $0x1  }
0x3: {  	s8 =	sor.u32 s16, s26  }
0x4: {  	s9 =	rddreg [dreg:$0x0];
	s17 =	smul.u32 $0x140, s8  }
0x5: {  	s2 =	simm.s32 $0x0;
	s1 =	rddreg [dreg:$0x1]  }
0x6: {  	[smem:$0x7FF] =	sst s2;
	s15 =	sadd.s32 $0x9C00, s9;
	s3 =	sshrl.u32 s17, $0x3  }
0x7: {  	_ =	strace $0x80000047;
	s4 =	sadd.s32 s15, s3;
	s3 =	simm.s32 $0x2  }
0x8: {  	[tilespmem:s2], [sflag:$0x2] =	stream.linear.gather [hbm4b:s4+s2], $0x40, $0x38;
	[tilespmem:$0x840] =	vst v63  }
0x9: {  	_ =	swait.ge [sflag:s3], $0x40  }
0xa: {  	s6 =	simm.s32 $0x40;
	[sflag:s3] =	ssyncset.done $0x0  }
0xb: {  	s7 =	simm.s32 $0x1;
	s5 =	sadd.s32 $0x8C00, s9;
	[sflag:s3] =	ssyncadd.s32 $0xFFFFFFC0  }
0xc: {  	[tilespmem:s6], [sflag:$0x1] =	stream.indirect.gather [hbm4b:s5+s6], $0x20, s2, s6, $0xb8;
	[tilespmem:$0x840] =	vst v63  }
0xd: {  	s8 =	smul.u32 $0x500, s8;
	_ =	swait.ge [sflag:s7], $0x800  }
0xe: {  	s18 =	sadd.s32 $0xA200, s9;
	[sflag:s7] =	ssyncset.done $0x0  }
0xf: {  	s8 =	sadd.s32 s18, s8;
	[sflag:s7] =	ssyncadd.s32 $0xFFFFF800  }
0x10: {  	[hbm4b:s8+s2] =	stream.linear.scatter [tilespmem:s6], [sflag:$0x2], $0x800, $0x38;
	[tilespmem:$0x840] =	vst v63  }
0x11: {  	s10 =	sadd.s32 $0x40, s17;
	_ =	swait.ge [sflag:s3], $0x800  }
0x12: {  	s28 =	sshrl.u32 s10, $0x3;
	[sflag:s3] =	ssyncset.done $0x0  }
0x13: {  	s9 =	sadd.s32 s15, s28;
	[sflag:s3] =	ssyncadd.s32 $0xFFFFF800  }
0x14: {  	[tilespmem:s2], [sflag:$0x2] =	stream.linear.gather [hbm4b:s9+s2], $0x40, $0x38;
	[tilespmem:$0x840] =	vst v63  }
0x15: {  	_ =	swait.ge [sflag:s3], $0x40  }
0x16: {  	[sflag:s3] =	ssyncset.done $0x0  }
0x17: {  	[sflag:s3] =	ssyncadd.s32 $0xFFFFFFC0  }
0x18: {  	[tilespmem:s6], [sflag:$0x1] =	stream.indirect.gather [hbm4b:s5+s6], $0x20, s2, s6, $0xb8;
	[tilespmem:$0x840] =	vst v63  }
0x19: {  	_ =	swait.ge [sflag:s7], $0x800  }
0x1a: {  	s10 =	sshll.u32 s10, $0x2;
	[sflag:s7] =	ssyncset.done $0x0  }
0x1b: {  	s10 =	sadd.s32 s18, s10;
	[sflag:s7] =	ssyncadd.s32 $0xFFFFF800  }
0x1c: {  	[hbm4b:s10+s2] =	stream.linear.scatter [tilespmem:s6], [sflag:$0x2], $0x800, $0x38;
	[tilespmem:$0x840] =	vst v63  }
0x1d: {  	s12 =	sadd.s32 $0x80, s17;
	_ =	swait.ge [sflag:s3], $0x800  }
0x1e: {  	s11 =	sshrl.u32 s12, $0x3;
	[sflag:s3] =	ssyncset.done $0x0  }
0x1f: {  	s11 =	sadd.s32 s15, s11;
	[sflag:s3] =	ssyncadd.s32 $0xFFFFF800  }
0x20: {  	[tilespmem:s2], [sflag:$0x2] =	stream.linear.gather [hbm4b:s11+s2], $0x40, $0x38;
	[tilespmem:$0x840] =	vst v63  }
0x21: {  	_ =	swait.ge [sflag:s3], $0x40  }
0x22: {  	[sflag:s3] =	ssyncset.done $0x0  }
0x23: {  	[sflag:s3] =	ssyncadd.s32 $0xFFFFFFC0  }
0x24: {  	[tilespmem:s6], [sflag:$0x1] =	stream.indirect.gather [hbm4b:s5+s6], $0x20, s2, s6, $0xb8;
	[tilespmem:$0x840] =	vst v63  }
0x25: {  	_ =	swait.ge [sflag:s7], $0x800  }
0x26: {  	s12 =	sshll.u32 s12, $0x2;
	[sflag:s7] =	ssyncset.done $0x0  }
0x27: {  	s12 =	sadd.s32 s18, s12;
	[sflag:s7] =	ssyncadd.s32 $0xFFFFF800  }
0x28: {  	[hbm4b:s12+s2] =	stream.linear.scatter [tilespmem:s6], [sflag:$0x2], $0x800, $0x38;
	[tilespmem:$0x840] =	vst v63  }
0x29: {  	s14 =	sadd.s32 $0xC0, s17;
	_ =	swait.ge [sflag:s3], $0x800  }
0x2a: {  	s13 =	sshrl.u32 s14, $0x3;
	[sflag:s3] =	ssyncset.done $0x0  }
0x2b: {  	s13 =	sadd.s32 s15, s13;
	[sflag:s3] =	ssyncadd.s32 $0xFFFFF800  }
0x2c: {  	[tilespmem:s2], [sflag:$0x2] =	stream.linear.gather [hbm4b:s13+s2], $0x40, $0x38;
	[tilespmem:$0x840] =	vst v63  }
0x2d: {  	_ =	swait.ge [sflag:s3], $0x40  }
0x2e: {  	[sflag:s3] =	ssyncset.done $0x0  }
0x2f: {  	[sflag:s3] =	ssyncadd.s32 $0xFFFFFFC0  }
0x30: {  	[tilespmem:s6], [sflag:$0x1] =	stream.indirect.gather [hbm4b:s5+s6], $0x20, s2, s6, $0xb8;
	[tilespmem:$0x840] =	vst v63  }
0x31: {  	_ =	swait.ge [sflag:s7], $0x800  }
0x32: {  	s14 =	sshll.u32 s14, $0x2;
	[sflag:s7] =	ssyncset.done $0x0  }
0x33: {  	s14 =	sadd.s32 s18, s14;
	[sflag:s7] =	ssyncadd.s32 $0xFFFFF800  }
0x34: {  	[hbm4b:s14+s2] =	stream.linear.scatter [tilespmem:s6], [sflag:$0x2], $0x800, $0x38;
	[tilespmem:$0x840] =	vst v63  }
0x35: {  	s17 =	sadd.s32 $0x100, s17;
	_ =	swait.ge [sflag:s3], $0x800  }
0x36: {  	s19 =	sshrl.u32 s17, $0x3;
	[sflag:s3] =	ssyncset.done $0x0  }
0x37: {  	s16 =	ssub.s32 $0x2, s16;
	s15 =	sadd.s32 s15, s19;
	[sflag:s3] =	ssyncadd.s32 $0xFFFFF800  }
0x38: {  	[tilespmem:s2], [sflag:$0x2] =	stream.linear.gather [hbm4b:s15+s2], $0x40, $0x38;
	[tilespmem:$0x840] =	vst v63  }
0x39: {  	s29 =	sshrl.u32 s16, $0x1;
	_ =	swait.ge [sflag:s3], $0x40  }
0x3a: {  	s19 =	ssub.s32 s16, s29;
	[sflag:s3] =	ssyncset.done $0x0  }
0x3b: {  	s31 =	smax.u32 s19, $0x1;
	[sflag:s3] =	ssyncadd.s32 $0xFFFFFFC0  }
0x3c: {  	[tilespmem:s6], [sflag:$0x1] =	stream.indirect.gather [hbm4b:s5+s6], $0x20, s2, s6, $0xb8;
	[tilespmem:$0x840] =	vst v63  }
0x3d: {  	p0 =	sne.s32 s31, $0x1;
	_ =	swait.ge [sflag:s7], $0x800  }
.Ltmp0:
0x3e: {  	s30 =	sshll.u32 s17, $0x2;
	[sflag:s7] =	ssyncset.done $0x0;
	(pc) =	sbr.rel @!p0 .LBB2_2-.Ltmp0, $4  }
0x3f: {  	s16 =	sadd.s32 s18, s30;
	[sflag:s7] =	ssyncadd.s32 $0xFFFFF800  }
0x40: {  	[hbm4b:s16+s2] =	stream.linear.scatter [tilespmem:s6], [sflag:$0x2], $0x800, $0x38;
	[tilespmem:$0x840] =	vst v63  }
0x41: {  	_ =	swait.ge [sflag:s3], $0x800  }
0x42: {  	s17 =	sadd.s32 $0xFFFFFFFF, s31;
	[sflag:s3] =	ssyncset.done $0x0  }
.LBB2_1:
0x43: {  	p0 =	sne.s32 s17, $0x1;
	s17 =	sadd.s32 $0xFFFFFFFF, s17;
	[sflag:s3] =	ssyncadd.s32 $0xFFFFF800  }
0x44: {  	[tilespmem:s2], [sflag:$0x2] =	stream.linear.gather [hbm4b:s4+s2], $0x40, $0x38;
	[tilespmem:$0x840] =	vst v63  }
0x45: {  	_ =	swait.ge [sflag:s3], $0x40  }
0x46: {  	[sflag:s3] =	ssyncset.done $0x0  }
0x47: {  	[sflag:s3] =	ssyncadd.s32 $0xFFFFFFC0  }
0x48: {  	[tilespmem:s6], [sflag:$0x1] =	stream.indirect.gather [hbm4b:s5+s6], $0x20, s2, s6, $0xb8;
	[tilespmem:$0x840] =	vst v63  }
0x49: {  	_ =	swait.ge [sflag:s7], $0x800  }
0x4a: {  	[sflag:s7] =	ssyncset.done $0x0  }
0x4b: {  	[sflag:s7] =	ssyncadd.s32 $0xFFFFF800  }
0x4c: {  	[hbm4b:s8+s2] =	stream.linear.scatter [tilespmem:s6], [sflag:$0x2], $0x800, $0x38;
	[tilespmem:$0x840] =	vst v63  }
0x4d: {  	_ =	swait.ge [sflag:s3], $0x800  }
0x4e: {  	[sflag:s3] =	ssyncset.done $0x0  }
0x4f: {  	[sflag:s3] =	ssyncadd.s32 $0xFFFFF800  }
0x50: {  	[tilespmem:s2], [sflag:$0x2] =	stream.linear.gather [hbm4b:s9+s2], $0x40, $0x38;
	[tilespmem:$0x840] =	vst v63  }
0x51: {  	_ =	swait.ge [sflag:s3], $0x40  }
0x52: {  	[sflag:s3] =	ssyncset.done $0x0  }
0x53: {  	[sflag:s3] =	ssyncadd.s32 $0xFFFFFFC0  }
0x54: {  	[tilespmem:s6], [sflag:$0x1] =	stream.indirect.gather [hbm4b:s5+s6], $0x20, s2, s6, $0xb8;
	[tilespmem:$0x840] =	vst v63  }
0x55: {  	_ =	swait.ge [sflag:s7], $0x800  }
0x56: {  	[sflag:s7] =	ssyncset.done $0x0  }
0x57: {  	[sflag:s7] =	ssyncadd.s32 $0xFFFFF800  }
0x58: {  	[hbm4b:s10+s2] =	stream.linear.scatter [tilespmem:s6], [sflag:$0x2], $0x800, $0x38;
	[tilespmem:$0x840] =	vst v63  }
0x59: {  	_ =	swait.ge [sflag:s3], $0x800  }
0x5a: {  	[sflag:s3] =	ssyncset.done $0x0  }
0x5b: {  	[sflag:s3] =	ssyncadd.s32 $0xFFFFF800  }
0x5c: {  	[tilespmem:s2], [sflag:$0x2] =	stream.linear.gather [hbm4b:s11+s2], $0x40, $0x38;
	[tilespmem:$0x840] =	vst v63  }
0x5d: {  	_ =	swait.ge [sflag:s3], $0x40  }
0x5e: {  	[sflag:s3] =	ssyncset.done $0x0  }
0x5f: {  	[sflag:s3] =	ssyncadd.s32 $0xFFFFFFC0  }
0x60: {  	[tilespmem:s6], [sflag:$0x1] =	stream.indirect.gather [hbm4b:s5+s6], $0x20, s2, s6, $0xb8;
	[tilespmem:$0x840] =	vst v63  }
0x61: {  	_ =	swait.ge [sflag:s7], $0x800  }
0x62: {  	[sflag:s7] =	ssyncset.done $0x0  }
0x63: {  	[sflag:s7] =	ssyncadd.s32 $0xFFFFF800  }
0x64: {  	[hbm4b:s12+s2] =	stream.linear.scatter [tilespmem:s6], [sflag:$0x2], $0x800, $0x38;
	[tilespmem:$0x840] =	vst v63  }
0x65: {  	_ =	swait.ge [sflag:s3], $0x800  }
0x66: {  	[sflag:s3] =	ssyncset.done $0x0  }
0x67: {  	[sflag:s3] =	ssyncadd.s32 $0xFFFFF800  }
0x68: {  	[tilespmem:s2], [sflag:$0x2] =	stream.linear.gather [hbm4b:s13+s2], $0x40, $0x38;
	[tilespmem:$0x840] =	vst v63  }
0x69: {  	_ =	swait.ge [sflag:s3], $0x40  }
0x6a: {  	[sflag:s3] =	ssyncset.done $0x0  }
0x6b: {  	[sflag:s3] =	ssyncadd.s32 $0xFFFFFFC0  }
0x6c: {  	[tilespmem:s6], [sflag:$0x1] =	stream.indirect.gather [hbm4b:s5+s6], $0x20, s2, s6, $0xb8;
	[tilespmem:$0x840] =	vst v63  }
0x6d: {  	_ =	swait.ge [sflag:s7], $0x800  }
0x6e: {  	[sflag:s7] =	ssyncset.done $0x0  }
0x6f: {  	[sflag:s7] =	ssyncadd.s32 $0xFFFFF800  }
0x70: {  	[hbm4b:s14+s2] =	stream.linear.scatter [tilespmem:s6], [sflag:$0x2], $0x800, $0x38;
	[tilespmem:$0x840] =	vst v63  }
0x71: {  	_ =	swait.ge [sflag:s3], $0x800  }
0x72: {  	[sflag:s3] =	ssyncset.done $0x0  }
0x73: {  	[sflag:s3] =	ssyncadd.s32 $0xFFFFF800  }
0x74: {  	[tilespmem:s2], [sflag:$0x2] =	stream.linear.gather [hbm4b:s15+s2], $0x40, $0x38;
	[tilespmem:$0x840] =	vst v63  }
0x75: {  	_ =	swait.ge [sflag:s3], $0x40  }
0x76: {  	[sflag:s3] =	ssyncset.done $0x0  }
0x77: {  	[sflag:s3] =	ssyncadd.s32 $0xFFFFFFC0  }
0x78: {  	[tilespmem:s6], [sflag:$0x1] =	stream.indirect.gather [hbm4b:s5+s6], $0x20, s2, s6, $0xb8;
	[tilespmem:$0x840] =	vst v63  }
0x79: {  	_ =	swait.ge [sflag:s7], $0x800  }
.Ltmp1:
0x7a: {  	[sflag:s7] =	ssyncset.done $0x0;
	(pc) =	sbr.rel @p0 .LBB2_1-.Ltmp1, $4  }
0x7b: {  	[sflag:s7] =	ssyncadd.s32 $0xFFFFF800  }
0x7c: {  	[hbm4b:s16+s2] =	stream.linear.scatter [tilespmem:s6], [sflag:$0x2], $0x800, $0x38;
	[tilespmem:$0x840] =	vst v63  }
0x7d: {  	_ =	swait.ge [sflag:s3], $0x800  }
0x7e: {  	[sflag:s3] =	ssyncset.done $0x0  }
.LBB2_2:
0x7f: {  	[sflag:s3] =	ssyncadd.s32 $0xFFFFF800  }
0x80: {  	_ =	sfence.sel $0x180000  }
0x81: {  	[bflag:$0x0] =	sbarrier.arrive $0xFFFF  }
0x82: {  	p0 =	sne.s32 s0, $0x0;
	_ =	strace $0x90000047  }
0x83: {  	s0 =	sadd.s32 @!p0 $0x100000, s1;
	[bflag:$0x2] =	sbarrier.arrive $0xFFFF  }
0x84: {  	[sflag:s0] =	ssyncadd.tile.s32 @!p0 $0x1;
	_ =	shalt  }
.Lfunc_end2:
_tile_overlayer_lowered:
.L_overlay_start_2:
0x85: {  	(tag) =	ssettag $0x2  }
0x86: {  	s0 =	rddreg [dreg:$0x0];
	s2 =	stileid.u32  }
0x87: {  	s1 =	rddreg [dreg:$0x1];
	p0 =	sne.s32 s2, $0x0  }
0x88: {  	s3 =	rddreg [dreg:$0x2];
	[bflag:$0x3] =	sbarrier.arrive $0xFFFF;
	s2 =	simm.s32 @!p0 $0x1C02  }
0x89: {  	[timem:s3], [sflag:s2] =	dma.local @!p0 [hbm:s0], s1  }
0x8a: {  	s0 =	simm.s32 @!p0 $0x2  }
0x8b: {  	_ =	swait.ge @!p0 [sflag:s0], s1  }
0x8c: {  	s1 =	ssub.s32 @!p0 $0x0, s1;
	[sflag:s0] =	ssyncset.done @!p0 $0x0  }
0x8d: {  	[sflag:s0] =	ssyncadd.s32 @!p0 s1  }
0x8e: {  	[bflag:$0x3] =	sbarrier.arrive $0xFFFF  }
0x8f: {  	_ =	shalt  }

// kernel: kernel.17.cloned.1.call-start
scs
__scs_entry_jumppad:
0x0: {  	(pc) =	sbr.rel $0x88, $3  }
0x1: {  	(tag) =	ssettag $0x0;
	lr =	simm.s32 $0x1  }
0x2: {  	[smem:$0x3F70] =	sst lr;
	_ =	strace $0xD0000000  }
0x3: {  	_ = 	snop  }
0x4: {  	_ = 	snop  }
0x5: {  	_ = 	snop  }
0x6: {  	_ = 	snop  }
0x7: {  	_ = 	snop  }
__scs_overlays_trampoline_lowered:
0x8: {  	[smem:$0x3F7F] =	sst s0  }
0x9: {  	[smem:$0x3F80] =	sst s1  }
0xa: {  	[smem:$0x3F81] =	sst s2  }
0xb: {  	[smem:$0x3F82] =	sst s3  }
0xc: {  	[smem:$0x3F83] =	sst s4  }
0xd: {  	[smem:$0x3F84] =	sst s5  }
0xe: {  	[smem:$0x3F85] =	sst s6  }
0xf: {  	[smem:$0x3F86] =	sst s7  }
0x10: {  	[smem:$0x3F87] =	sst s8  }
0x11: {  	[smem:$0x3F88] =	sst s9;
	s0 =	simm.s32 @!p0 $0x0  }
0x12: {  	s1 =	sld [smem:$0x3F6E];
	s0 =	simm.s32 @p0 $0x1  }
0x13: {  	[smem:$0x3F89] =	sst s0;
	s0 =	simm.s32 @!p1 $0x0  }
0x14: {  	s2 =	sld [smem:$0x3F6D];
	s0 =	simm.s32 @p1 $0x1  }
0x15: {  	[smem:$0x3F8A] =	sst s0;
	s0 =	simm.s32 @!p2 $0x0  }
0x16: {  	s3 =	sld [smem:$0x3FDB];
	s0 =	simm.s32 @p2 $0x1  }
0x17: {  	s4 =	simm.s32 $0x1BF5;
	[smem:$0x3F8C] =	sst s0  }
0x18: {  	s0 =	sld [smem:$0x3F6F];
	_ =	swait.ge [sflag:s4], $0x0  }
0x19: {  	s7 =	sld [smem:$0x3F70]  }
0x1a: {  	s8 =	sadd.s32 $0xFFFFE003, lr  }
0x1b: {  	s9 =	sadd.s32 $0xFFFFFEF7, lr;
	s5 =	simm.s32 $0xFFFFFFFF;
	p2 =	slt.u32 s8, $0xFFFFF086  }
0x1c: {  	p1 =	slt.u32 s9, $0xF7A;
	s5 =	simm.s32 @!p2 $0x0  }
0x1d: {  	s5 =	simm.s32 @p1 $0x1;
	p0 =	seq.s32 s7, s2  }
0x1e: {  	s7 =	smul.u32 @!p0 $0xF7A, s2;
	p2 =	seq.s32 @!p0 s5, $0x0  }
0x1f: {  	s9 =	smul.u32 $0xF7A, s1;
	s8 =	simm.s32 @!p0 $0x1BF5;
	p2 =	por !p2, p0  }
0x20: {  	[sflag:s8] =	ssyncset.s32 @!p0 $0xFFFFF086;
	s6 =	sadd.s32 @!p0 s3, s7;
	s7 =	simm.s32 @!p0 $0x108  }
0x21: {  	s3 =	sadd.s32 s3, s9;
	s6 =	sadd.s32 @!p0 $0x88, s6;
	s7 =	simm.s32 @p2 $0x1082  }
0x22: {  	[simem:s7], [sflag:s8] =	dma.local @!p0 [hbm:s6], $0xF7A  }
0x23: {  	s9 =	sor.u32 $0xD0000000, s2;
	s6 =	simm.s32 $0x108;
	_ =	swait.ge @!p0 [sflag:s8], $0x0  }
0x24: {  	s3 =	sadd.s32 $0x88, s3;
	s6 =	simm.s32 @!p1 $0x1082;
	[sflag:s4] =	ssyncset.s32 $0xFFFFF086  }
0x25: {  	[simem:s6], [sflag:s4] =	dma.local [hbm:s3], $0xF7A  }
0x26: {  	[smem:$0x3F70] =	sst s1;
	(tag) =	ssettag s2;
	_ =	strace s9  }
0x27: {  	s1 =	sld [smem:$0x3F80]  }
0x28: {  	s2 =	sld [smem:$0x3F81]  }
0x29: {  	s4 =	sld [smem:$0x3F83]  }
0x2a: {  	p0 =	seq.s32 s5, $0x0;
	s5 =	sld [smem:$0x3F84]  }
0x2b: {  	s6 =	sld [smem:$0x3F85]  }
0x2c: {  	s7 =	sld [smem:$0x3F86]  }
0x2d: {  	s3 =	simm.s32 $0x108;
	s8 =	sld [smem:$0x3F87]  }
0x2e: {  	s3 =	simm.s32 @!p0 $0x1082;
	s9 =	sld [smem:$0x3F88]  }
0x2f: {  	lr =	sadd.s32 s0, s3;
	s0 =	sld [smem:$0x3F7F]  }
0x30: {  	s3 =	sld [smem:$0x3F82]  }
0x31: {  	[smem:$0x3F8B] =	sst s10  }
0x32: {  	s10 =	sld [smem:$0x3F89];
	_ =	sdelay $0x3  }
0x33: {  	p0 =	seq.s32 s10, $0x1;
	s10 =	sld [smem:$0x3F8B];
	_ =	sdelay $0x3  }
0x34: {  	[smem:$0x3F8B] =	sst s10  }
0x35: {  	s10 =	sld [smem:$0x3F8A];
	_ =	sdelay $0x3  }
0x36: {  	p1 =	seq.s32 s10, $0x1;
	s10 =	sld [smem:$0x3F8B];
	_ =	sdelay $0x3  }
0x37: {  	[smem:$0x3F8B] =	sst s10  }
0x38: {  	s10 =	sld [smem:$0x3F8C]  }
0x39: {  	_ = 	snop;
	(pc) =	sbr.ind lr, $3  }
0x3a: {  	_ = 	snop  }
0x3b: {  	_ = 	snop  }
0x3c: {  	p2 =	seq.s32 s10, $0x1;
	s10 =	sld [smem:$0x3F8B]  }
0x3d: {  	_ =	shalt  }
0x3e: {  	_ =	shalt  }
0x3f: {  	_ =	shalt  }
0x40: {  	_ =	shalt  }
0x41: {  	_ =	shalt  }
0x42: {  	_ =	shalt  }
0x43: {  	_ =	shalt  }
0x44: {  	_ =	shalt  }
0x45: {  	_ =	shalt  }
0x46: {  	_ =	shalt  }
0x47: {  	_ =	shalt  }
0x48: {  	_ =	shalt  }
0x49: {  	_ =	shalt  }
0x4a: {  	_ =	shalt  }
0x4b: {  	_ =	shalt  }
0x4c: {  	_ =	shalt  }
0x4d: {  	_ =	shalt  }
0x4e: {  	_ =	shalt  }
0x4f: {  	_ =	shalt  }
0x50: {  	_ =	shalt  }
0x51: {  	_ =	shalt  }
0x52: {  	_ =	shalt  }
0x53: {  	_ =	shalt  }
0x54: {  	_ =	shalt  }
0x55: {  	_ =	shalt  }
0x56: {  	_ =	shalt  }
0x57: {  	_ =	shalt  }
0x58: {  	_ =	shalt  }
0x59: {  	_ =	shalt  }
0x5a: {  	_ =	shalt  }
0x5b: {  	_ =	shalt  }
0x5c: {  	_ =	shalt  }
0x5d: {  	_ =	shalt  }
0x5e: {  	_ =	shalt  }
0x5f: {  	_ =	shalt  }
0x60: {  	_ =	shalt  }
0x61: {  	_ =	shalt  }
0x62: {  	_ =	shalt  }
0x63: {  	_ =	shalt  }
0x64: {  	_ =	shalt  }
0x65: {  	_ =	shalt  }
0x66: {  	_ =	shalt  }
0x67: {  	_ =	shalt  }
0x68: {  	_ =	shalt  }
0x69: {  	_ =	shalt  }
0x6a: {  	_ =	shalt  }
0x6b: {  	_ =	shalt  }
0x6c: {  	_ =	shalt  }
0x6d: {  	_ =	shalt  }
0x6e: {  	_ =	shalt  }
0x6f: {  	_ =	shalt  }
0x70: {  	_ =	shalt  }
0x71: {  	_ =	shalt  }
0x72: {  	_ =	shalt  }
0x73: {  	_ =	shalt  }
0x74: {  	_ =	shalt  }
0x75: {  	_ =	shalt  }
0x76: {  	_ =	shalt  }
0x77: {  	_ =	shalt  }
0x78: {  	_ =	shalt  }
0x79: {  	_ =	shalt  }
0x7a: {  	_ =	shalt  }
0x7b: {  	_ =	shalt  }
0x7c: {  	_ =	shalt  }
0x7d: {  	_ =	shalt  }
0x7e: {  	_ =	shalt  }
0x7f: {  	_ =	shalt  }
0x80: {  	_ =	shalt  }
0x81: {  	_ =	shalt  }
0x82: {  	_ =	shalt  }
0x83: {  	_ =	shalt  }
0x84: {  	_ =	shalt  }
0x85: {  	_ =	shalt  }
0x86: {  	_ =	shalt  }
0x87: {  	_ =	shalt  }
.Lfunc_end0:
.L_simem_size_0:
called_computation.1_lowered:
.L_overlay_start_0:
0x88: {  	s2 =	sld [smem:$0x3FD9]  }
0x89: {  	s3 =	sld [smem:$0x3FFE];
	_ =	sdelay $0x1  }
0x8a: {  	s1 =	srdreg.scid  }
0x8b: {  	s0 =	sand.u32 $0x1, s1  }
0x8c: {  	s16 =	sshll.u32 s0, $0xA;
	s2 =	sadd.s32 s3, s2  }
0x8d: {  	s2 =	sadd.s32 s2, s16  }
0x8e: {  	[smem:$0x3F97] =	sst s2  }
0x8f: {  	_ = 	snop  }
0x90: {  	(tm) =	ssettm $0x1  }
0x91: {  	s17 =	sld [smem:$0x3FFB];
	_ =	sdelay $0x3  }
0x92: {  	_ =	strace s17  }
0x93: {  	s2 =	sld [smem:$0x3FFC];
	_ =	sdelay $0x3  }
0x94: {  	_ =	strace s2  }
0x95: {  	s2 =	sld [smem:$0x3FFD];
	_ =	sdelay $0x3  }
0x96: {  	_ =	strace s2  }
0x97: {  	_ =	strace $0x8FFFFFFF  }
0x98: {  	s18 =	sld [smem:$0x3FDB];
	_ =	sdelay $0x1  }
0x99: {  	s19 =	simm.s32 $_scs_section_size  }
0x9a: {  	s4 =	simm.s32 $_size__tile_overlayer_lowered;
	s5 =	simm.s32 $_tile_overlayer_lowered  }
0x9b: {  	s22 =	simm.s32 $0x1BFF;
	s21 =	sshll.u32 s5, $0x1;
	s2 =	sadd.s32 s19, s18  }
0x9c: {  	s6 =	simm.s32 $0x0;
	s20 =	sshll.u32 s4, $0x1;
	s4 =	sadd.s32 s21, s2  }
0x9d: {  	[timem:s6], [sflag:s22] =	dma.local [hbm:s4], s20  }
0x9e: {  	_ =	swait.ge [sflag:s22], s20  }
0x9f: {  	s3 =	ssub.s32 $0x0, s20;
	[sflag:s22] =	ssyncset.done $0x0  }
0xa0: {  	[sflag:s22] =	ssyncadd.s32 s3;
	_ =	sdelay $0x1  }
0xa1: {  	s23 =	simm.s32 $0x1B8B  }
0xa2: {  	_ =	swait.ge [sflag:s23], $0x1  }
0xa3: {  	[sflag:s23] =	ssyncset.done $0x0  }
0xa4: {  	s25 =	simm.s32 $0x1B8E;
	s24 =	sld [smem:$0x3FFE];
	[sflag:s23] =	ssyncadd.s32 $0xFFFFFFFF  }
0xa5: {  	s26 =	simm.s32 $execute0_lowered;
	[smem:$0x3FD2] =	sst s25  }
0xa6: {  	s4 =	sshll.u32 s26, $0x1;
	_ =	strace $0x80000049;
	[dreg:$0x1] =	wrdreg $0xFFFFFFFF  }
0xa7: {  	s28 =	simm.s32 $_size_execute0_lowered;
	s2 =	sadd.s32 s2, s4;
	[dreg:$0x0] =	wrdreg $0x0  }
0xa8: {  	s4 =	sshll.u32 s28, $0x1;
	[dreg:$0x2] =	wrdreg s2  }
0xa9: {  	[dreg:$0x3] =	wrdreg s4  }
0xaa: {  	[dreg:$0x4] =	wrdreg $0xC0  }
0xab: {  	_ =	task [dreg:s6], $0x5FFFF  }
0xac: {  	[dreg:$0x1] =	wrdreg $0xFFFFFFFF  }
0xad: {  	[dreg:$0x0] =	wrdreg $0x60  }
0xae: {  	[dreg:$0x2] =	wrdreg s24  }
0xaf: {  	[dreg:$0x3] =	wrdreg $0x9  }
0xb0: {  	_ =	task.clear_ibuf [dreg:s6], $0x4FFFF;
	_ =	strace $0x90000049  }
0xb1: {  	s29 =	simm.s32 $0x9;
	_ =	strace $0x8000004B  }
0xb2: {  	_ =	swait.ge [sflag:s29], $0x1  }
0xb3: {  	[sflag:s29] =	ssyncadd.s32 $0xFFFFFFFF  }
0xb4: {  	_ =	strace $0x9000004B  }
0xb5: {  	_ =	sfence  }
0xb6: {  	s30 =	sld [smem:$0x0];
	_ =	sdelay $0x2  }
0xb7: {  	s31 =	sshll.u32 s1, $0xD;
	s1 =	sshrl.u32 s1, $0x2  }
0xb8: {  	s3 =	sand.u32 $0x4000, s31;
	s1 =	sadd.s32 s1, s30  }
0xb9: {  	s0 =	sor.u32 s3, s0;
	s1 =	sshll.u32 s1, $0x11  }
0xba: {  	s0 =	sor.u32 s1, s0  }
0xbb: {  	s0 =	sadd.s32 $0x8F2B, s0  }
0xbc: {  	[sflag:s0] =	ssyncadd.remote.s32 $0x1  }
0xbd: {  	_ =	sfence.sel $0xFFFF  }
0xbe: {  	[dreg:$0x0] =	wrdreg $0xFFFFFFFF;
	(pc) =	sbr.abs _section_cstart, $3  }
0xbf: {  	[dreg:$0x1] =	wrdreg $0xFFFFFFFF  }
0xc0: {  	_ =	task.clear_ibuf [dreg:s6], $0x2FFFF;
	_ =	strace $0x9FFFFFFF  }
0xc1: {  	(tm) =	ssettm $0x7FFFFFFF  }
tec
execute0_lowered:
.L_overlay_start_1:
0x0: {  	(tag) =	ssettag $0x1  }
0x1: {  	s0 =	rddreg [dreg:$0x0];
	s2 =	simm.s32 $0x0  }
0x2: {  	s1 =	srdreg.scid;
	s11 =	stileid.u32;
	s28 =	simm.s32 $0x1  }
0x3: {  	s29 =	simm.s32 $0x3;
	s30 =	simm.s32 $0x2;
	s31 =	simm.s32 $0x4  }
0x4: {  	[smem:$0x7FF] =	sst s2;
	s1 =	sand.u32 $0x1, s1;
	s19 =	smul.u32 $0x2800, s11  }
0x5: {  	s3 =	sshll.u32 s11, $0x1;
	s5 =	sadd.s32 $0x182C00, s0;
	s23 =	smul.u32 $0x28000, s11  }
0x6: {  	s4 =	sadd.s32 $0x4A400, s0;
	s6 =	sadd.s32 $0x402C00, s0;
	s22 =	smul.u32 $0x1400, s1  }
0x7: {  	s7 =	sor.u32 s1, s3;
	s9 =	ssub.s32 $0x2, s1;
	s1 =	smul.u32 $0x14000, s1  }
0x8: {  	_ =	strace $0x8000004A;
	s8 =	smul.u32 $0x1400, s7;
	s10 =	sshrl.u32 s9, $0x1  }
0x9: {  	s3 =	sadd.s32 $0xE6800, s0;
	s7 =	smul.u32 $0x14000, s7;
	s18 =	ssub.s32 s9, s10  }
0xa: {  	s26 =	sadd.s32 s22, s19;
	s19 =	simm.s32 $0x1400;
	s22 =	simm.s32 $0x3C00  }
0xb: {  	s8 =	sshrl.u32 s8, $0x3;
	s24 =	sadd.s32 s5, s7;
	s25 =	sadd.s32 s6, s7  }
0xc: {  	s7 =	sor.u32 $0x800, s7;
	s0 =	sadd.s32 s8, s0;
	[dreg:$0x7] =	wrdreg s24  }
0xd: {  	s8 =	smax.u32 s18, $0x1;
	[dreg:$0x8] =	wrdreg s25;
	s14 =	sadd.s32 s5, s7  }
0xe: {  	s15 =	sadd.s32 s6, s7;
	s18 =	simm.s32 $0x9;
	s24 =	simm.s32 $0x7C00  }
0xf: {  	s25 =	simm.s32 $0x8;
	s20 =	sadd.s32 $0x19200, s0;
	[dreg:$0x6] =	wrdreg s8  }
0x10: {  	s7 =	simm.s32 $0x0;
	s21 =	sadd.s32 $0x14200, s0;
	[dreg:$0x2] =	wrdreg s20  }
0x11: {  	s12 =	sadd.s32 $0x1E200, s0;
	s0 =	sadd.s32 $0x8C00, s0;
	[dreg:$0x3] =	wrdreg s21  }
0x12: {  	s8 =	sshll.u32 s26, $0x4;
	s26 =	simm.s32 $0xFC00;
	[dreg:$0x4] =	wrdreg s12  }
0x13: {  	[dreg:$0x5] =	wrdreg s0;
	s0 =	sadd.s32 s1, s23;
	s16 =	sor.u32 $0x1800, s8  }
0x14: {  	s21 =	simm.s32 $0x80;
	s23 =	simm.s32 $0xBC00;
	s1 =	simm.s32 $0x7  }
0x15: {  	s20 =	simm.s32 $0x6;
	s17 =	sor.u32 $0x1000, s0;
	s0 =	simm.s32 $0x5  }
.LBB2_1:
0x16: {  	s8 =	rddreg [dreg:$0x2]  }
0x17: {  	[tilespmem:s2], [sflag:$0x9] =	stream.linear.gather [hbm4b:s8+s2], $0x1400, $0x38;
	[tilespmem:$0x13C00] =	vst v63  }
0x18: {  	_ =	swait.ge [sflag:s18], $0x1400  }
0x19: {  	[sflag:s18] =	ssyncset.done $0x0  }
0x1a: {  	s12 =	rddreg [dreg:$0x3];
	[sflag:s18] =	ssyncadd.s32 $0xFFFFEC00  }
0x1b: {  	[tilespmem:s19], [sflag:$0x9] =	stream.linear.gather [hbm4b:s12+s2], $0x1400, $0x38;
	[tilespmem:$0x13C00] =	vst v63  }
0x1c: {  	_ =	swait.ge [sflag:s18], $0x1400  }
0x1d: {  	[sflag:s18] =	ssyncset.done $0x0  }
0x1e: {  	s9 =	simm.s32 $0x2800;
	s13 =	rddreg [dreg:$0x4];
	[sflag:s18] =	ssyncadd.s32 $0xFFFFEC00  }
0x1f: {  	[tilespmem:s9], [sflag:$0x9] =	stream.linear.gather [hbm4b:s13+s2], $0x1400, $0x38;
	[tilespmem:$0x13C00] =	vst v63  }
0x20: {  	_ =	swait.ge [sflag:s18], $0x1400  }
0x21: {  	[sflag:s18] =	ssyncset.done $0x0  }
0x22: {  	s8 =	simm.s32 $0x0;
	[sflag:s18] =	ssyncadd.s32 $0xFFFFEC00  }
0x23: {  	v0 =	vld [tilespmem:s8+$0x2800];
	_ =	sdelay $0x1  }
0x24: {  	v3 =	vld [tilespmem:s8+$0x0]  }
0x25: {  	v1 =	vld [tilespmem:s8+$0x1400];
	_ =	sdelay $0x1  }
0x26: {  	v2 =	vmul.u32 $0x2710, v0  }
0x27: {  	s9 =	simm.s32 $0x10  }
0x28: {  	s10 =	simm.s32 $0x80;
	v0 =	vld [tilespmem:s9+$0x2800];
	v3 =	vadd.s32 v2, v3  }
.LBB2_2:
0x29: {  	p0 =	sne.s32 s10, $0x4FC0;
	[tilespmem:s8+$0x0] =	vst v3;
	v1 =	vadd.s32 v2, v1  }
0x2a: {  	v3 =	vld [tilespmem:s9+$0x0];
	[tilespmem:s8+$0x1400] =	vst v1;
	s8 =	smov.u32 s9  }
.Ltmp0:
0x2b: {  	v1 =	vld [tilespmem:s8+$0x1400];
	(pc) =	sbr.rel @p0 .LBB2_2-.Ltmp0, $4  }
0x2c: {  	_ = 	snop  }
0x2d: {  	v2 =	vmul.u32 $0x2710, v0  }
0x2e: {  	s9 =	sshra.s32 s10, $0x2  }
0x2f: {  	s10 =	sadd.s32 $0x40, s10;
	v0 =	vld [tilespmem:s9+$0x2800];
	v3 =	vadd.s32 v2, v3  }
0x30: {  	[tilespmem:s8+$0x0] =	vst v3;
	v1 =	vadd.s32 v2, v1  }
0x31: {  	v63 =	vld [tilespmem:s9+$0x0];
	[tilespmem:s8+$0x1400] =	vst v1  }
0x32: {  	v1 =	vld [tilespmem:s9+$0x1400];
	_ =	sdelay $0x1  }
0x33: {  	v0 =	vmul.u32 $0x2710, v0;
	_ =	sdelay $0x1  }
0x34: {  	v2 =	vadd.s32 v0, v63  }
0x35: {  	[tilespmem:s9+$0x0] =	vst v2;
	v0 =	vadd.s32 v0, v1  }
0x36: {  	s12 =	rddreg [dreg:$0x5];
	s8 =	simm.s32 $0x0;
	[tilespmem:s9+$0x1400] =	vst v0  }
0x37: {  	[hbm4b:s12+s8] =	stream.linear.scatter [tilespmem:s19], [sflag:$0x9], $0x1400, $0x38;
	[tilespmem:$0x13C00] =	vst v63  }
0x38: {  	_ =	swait.ge [sflag:s18], $0x1400  }
0x39: {  	[sflag:s18] =	ssyncset.done $0x0  }
0x3a: {  	[sflag:s18] =	ssyncadd.s32 $0xFFFFEC00  }
0x3b: {  	[tilespmem:s22], [sflag:$0x1] =	stream.indirect.gather [hbm4b:s3+s21], $0x80, s8, s21, $0xb8;
	[tilespmem:$0x13C00] =	vst v63  }
0x3c: {  	_ = 	snop  }
0x3d: {  	[tilespmem:s23], [sflag:$0x3] =	stream.indirect.gather [hbm4b:s4+s21], $0x80, s19, s21, $0xb8;
	[tilespmem:$0x13C00] =	vst v63  }
0x3e: {  	_ = 	snop  }
0x3f: {  	[tilespmem:s24], [sflag:$0x2] =	stream.indirect.gather [hbm4b:s3+s21], $0x80, s21, s21, $0xb8;
	[tilespmem:$0x13C00] =	vst v63  }
0x40: {  	s13 =	simm.s32 $0x1480  }
0x41: {  	[tilespmem:s26], [sflag:$0x4] =	stream.indirect.gather [hbm4b:s4+s21], $0x80, s13, s21, $0xb8;
	[tilespmem:$0x13C00] =	vst v63  }
0x42: {  	_ =	swait.ge [sflag:s28], $0x4000  }
0x43: {  	[sflag:s28] =	ssyncset.done $0x0  }
0x44: {  	s10 =	rddreg [dreg:$0x7];
	[sflag:s28] =	ssyncadd.s32 $0xFFFFC000  }
0x45: {  	[hbm4b:s10+s8] =	stream.linear.scatter [tilespmem:s22], [sflag:$0x5], $0x4000, $0x38;
	[tilespmem:$0x13C00] =	vst v63  }
0x46: {  	_ =	swait.ge [sflag:s29], $0x4000  }
0x47: {  	[sflag:s29] =	ssyncset.done $0x0  }
0x48: {  	s11 =	rddreg [dreg:$0x8];
	[sflag:s29] =	ssyncadd.s32 $0xFFFFC000  }
0x49: {  	[hbm4b:s11+s8] =	stream.linear.scatter [tilespmem:s23], [sflag:$0x7], $0x4000, $0x38;
	[tilespmem:$0x13C00] =	vst v63  }
0x4a: {  	_ =	swait.ge [sflag:s30], $0x4000  }
0x4b: {  	[sflag:s30] =	ssyncset.done $0x0  }
0x4c: {  	[sflag:s30] =	ssyncadd.s32 $0xFFFFC000  }
0x4d: {  	[hbm4b:s14+s8] =	stream.linear.scatter [tilespmem:s24], [sflag:$0x6], $0x4000, $0x38;
	[tilespmem:$0x13C00] =	vst v63  }
0x4e: {  	_ =	swait.ge [sflag:s31], $0x4000  }
0x4f: {  	[sflag:s31] =	ssyncset.done $0x0  }
0x50: {  	[sflag:s31] =	ssyncadd.s32 $0xFFFFC000  }
0x51: {  	[hbm4b:s15+s8] =	stream.linear.scatter [tilespmem:s26], [sflag:$0x8], $0x4000, $0x38;
	[tilespmem:$0x13C00] =	vst v63  }
0x52: {  	_ =	swait.ge [sflag:s0], $0x4000  }
0x53: {  	[sflag:s0] =	ssyncset.done $0x0  }
0x54: {  	[sflag:s0] =	ssyncadd.s32 $0xFFFFC000  }
0x55: {  	_ =	swait.ge [sflag:s1], $0x4000  }
0x56: {  	[sflag:s1] =	ssyncset.done $0x0  }
0x57: {  	s12 =	simm.s32 $0x100;
	[sflag:s1] =	ssyncadd.s32 $0xFFFFC000  }
0x58: {  	[tilespmem:s22], [sflag:$0x1] =	stream.indirect.gather [hbm4b:s3+s21], $0x80, s12, s21, $0xb8;
	[tilespmem:$0x13C00] =	vst v63  }
0x59: {  	s13 =	simm.s32 $0x1500  }
0x5a: {  	[tilespmem:s23], [sflag:$0x3] =	stream.indirect.gather [hbm4b:s4+s21], $0x80, s13, s21, $0xb8;
	[tilespmem:$0x13C00] =	vst v63  }
0x5b: {  	_ =	swait.ge [sflag:s20], $0x4000  }
0x5c: {  	[sflag:s20] =	ssyncset.done $0x0  }
0x5d: {  	[sflag:s20] =	ssyncadd.s32 $0xFFFFC000  }
0x5e: {  	_ =	swait.ge [sflag:s25], $0x4000  }
0x5f: {  	[sflag:s25] =	ssyncset.done $0x0  }
0x60: {  	s9 =	simm.s32 $0x180;
	[sflag:s25] =	ssyncadd.s32 $0xFFFFC000  }
0x61: {  	[tilespmem:s24], [sflag:$0x2] =	stream.indirect.gather [hbm4b:s3+s21], $0x80, s9, s21, $0xb8;
	[tilespmem:$0x13C00] =	vst v63  }
0x62: {  	s10 =	simm.s32 $0x1580  }
0x63: {  	[tilespmem:s26], [sflag:$0x4] =	stream.indirect.gather [hbm4b:s4+s21], $0x80, s10, s21, $0xb8;
	[tilespmem:$0x13C00] =	vst v63  }
0x64: {  	_ =	swait.ge [sflag:s28], $0x4000  }
0x65: {  	[sflag:s28] =	ssyncset.done $0x0  }
0x66: {  	s11 =	sadd.s32 s5, s17;
	[sflag:s28] =	ssyncadd.s32 $0xFFFFC000  }
0x67: {  	[hbm4b:s11+s2] =	stream.linear.scatter [tilespmem:s22], [sflag:$0x5], $0x4000, $0x38;
	[tilespmem:$0x13C00] =	vst v63  }
0x68: {  	_ =	swait.ge [sflag:s29], $0x4000  }
0x69: {  	[sflag:s29] =	ssyncset.done $0x0  }
0x6a: {  	s12 =	sadd.s32 s6, s17;
	[sflag:s29] =	ssyncadd.s32 $0xFFFFC000  }
0x6b: {  	[hbm4b:s12+s2] =	stream.linear.scatter [tilespmem:s23], [sflag:$0x7], $0x4000, $0x38;
	[tilespmem:$0x13C00] =	vst v63  }
0x6c: {  	_ =	swait.ge [sflag:s30], $0x4000  }
0x6d: {  	[sflag:s30] =	ssyncset.done $0x0  }
0x6e: {  	s13 =	sadd.s32 s5, s16;
	[sflag:s30] =	ssyncadd.s32 $0xFFFFC000  }
0x6f: {  	[hbm4b:s13+s2] =	stream.linear.scatter [tilespmem:s24], [sflag:$0x6], $0x4000, $0x38;
	[tilespmem:$0x13C00] =	vst v63  }
0x70: {  	_ =	swait.ge [sflag:s31], $0x4000  }
0x71: {  	s8 =	simm.s32 $0x400;
	s9 =	sadd.s32 $0x1000, s6;
	[sflag:s31] =	ssyncset.done $0x0  }
0x72: {  	s10 =	sadd.s32 $0x1000, s5;
	s11 =	sadd.s32 s6, s16;
	[sflag:s31] =	ssyncadd.s32 $0xFFFFC000  }
.LBB2_4:
0x73: {  	[hbm4b:s11+s2] =	stream.linear.scatter [tilespmem:s26], [sflag:$0x8], $0x4000, $0x38;
	[tilespmem:$0x13C00] =	vst v63  }
0x74: {  	s12 =	smov.u32 s8;
	s11 =	smov.u32 s9  }
0x75: {  	p0 =	sne.s32 s8, $0x4800;
	s8 =	sadd.s32 $0x400, s8;
	_ =	swait.ge [sflag:s0], $0x4000  }
0x76: {  	[sflag:s0] =	ssyncset.done $0x0  }
0x77: {  	[sflag:s0] =	ssyncadd.s32 $0xFFFFC000  }
0x78: {  	_ =	swait.ge [sflag:s1], $0x4000  }
0x79: {  	s12 =	sshra.s32 s12, $0x2;
	[sflag:s1] =	ssyncset.done $0x0  }
0x7a: {  	s13 =	sadd.s32 $0x100, s12;
	[sflag:s1] =	ssyncadd.s32 $0xFFFFC000  }
0x7b: {  	[tilespmem:s22], [sflag:$0x1] =	stream.indirect.gather [hbm4b:s3+s21], $0x80, s13, s21, $0xb8;
	[tilespmem:$0x13C00] =	vst v63  }
0x7c: {  	s13 =	sadd.s32 $0x1500, s12  }
0x7d: {  	[tilespmem:s23], [sflag:$0x3] =	stream.indirect.gather [hbm4b:s4+s21], $0x80, s13, s21, $0xb8;
	[tilespmem:$0x13C00] =	vst v63  }
0x7e: {  	_ =	swait.ge [sflag:s20], $0x4000  }
0x7f: {  	[sflag:s20] =	ssyncset.done $0x0  }
0x80: {  	[sflag:s20] =	ssyncadd.s32 $0xFFFFC000  }
0x81: {  	_ =	swait.ge [sflag:s25], $0x4000  }
0x82: {  	[sflag:s25] =	ssyncset.done $0x0  }
0x83: {  	s13 =	sadd.s32 $0x180, s12;
	[sflag:s25] =	ssyncadd.s32 $0xFFFFC000  }
0x84: {  	[tilespmem:s24], [sflag:$0x2] =	stream.indirect.gather [hbm4b:s3+s21], $0x80, s13, s21, $0xb8;
	[tilespmem:$0x13C00] =	vst v63  }
0x85: {  	s12 =	sadd.s32 $0x1580, s12  }
0x86: {  	[tilespmem:s26], [sflag:$0x4] =	stream.indirect.gather [hbm4b:s4+s21], $0x80, s12, s21, $0xb8;
	[tilespmem:$0x13C00] =	vst v63  }
0x87: {  	_ =	swait.ge [sflag:s28], $0x4000  }
0x88: {  	[sflag:s28] =	ssyncset.done $0x0  }
0x89: {  	s12 =	sadd.s32 s10, s17;
	[sflag:s28] =	ssyncadd.s32 $0xFFFFC000  }
0x8a: {  	[hbm4b:s12+s2] =	stream.linear.scatter [tilespmem:s22], [sflag:$0x5], $0x4000, $0x38;
	[tilespmem:$0x13C00] =	vst v63  }
0x8b: {  	_ =	swait.ge [sflag:s29], $0x4000  }
0x8c: {  	[sflag:s29] =	ssyncset.done $0x0  }
0x8d: {  	s12 =	sadd.s32 s9, s17;
	[sflag:s29] =	ssyncadd.s32 $0xFFFFC000  }
0x8e: {  	[hbm4b:s12+s2] =	stream.linear.scatter [tilespmem:s23], [sflag:$0x7], $0x4000, $0x38;
	[tilespmem:$0x13C00] =	vst v63  }
0x8f: {  	_ =	swait.ge [sflag:s30], $0x4000  }
0x90: {  	[sflag:s30] =	ssyncset.done $0x0  }
.Ltmp1:
0x91: {  	s12 =	sadd.s32 s10, s16;
	[sflag:s30] =	ssyncadd.s32 $0xFFFFC000;
	(pc) =	sbr.rel @p0 .LBB2_4-.Ltmp1, $4  }
0x92: {  	[hbm4b:s12+s2] =	stream.linear.scatter [tilespmem:s24], [sflag:$0x6], $0x4000, $0x38;
	[tilespmem:$0x13C00] =	vst v63  }
0x93: {  	_ =	swait.ge [sflag:s31], $0x4000  }
0x94: {  	s9 =	sadd.s32 $0x1000, s9;
	[sflag:s31] =	ssyncset.done $0x0  }
0x95: {  	s11 =	sadd.s32 s11, s16;
	s10 =	sadd.s32 $0x1000, s10;
	[sflag:s31] =	ssyncadd.s32 $0xFFFFC000  }
0x96: {  	[hbm4b:s11+s2] =	stream.linear.scatter [tilespmem:s26], [sflag:$0x8], $0x4000, $0x38;
	[tilespmem:$0x13C00] =	vst v63  }
0x97: {  	_ =	swait.ge [sflag:s0], $0x4000  }
0x98: {  	[sflag:s0] =	ssyncset.done $0x0  }
0x99: {  	[sflag:s0] =	ssyncadd.s32 $0xFFFFC000  }
0x9a: {  	_ =	swait.ge [sflag:s1], $0x4000  }
0x9b: {  	[sflag:s1] =	ssyncset.done $0x0  }
0x9c: {  	[sflag:s1] =	ssyncadd.s32 $0xFFFFC000  }
0x9d: {  	_ =	swait.ge [sflag:s20], $0x4000  }
0x9e: {  	[sflag:s20] =	ssyncset.done $0x0  }
0x9f: {  	[sflag:s20] =	ssyncadd.s32 $0xFFFFC000  }
0xa0: {  	_ =	swait.ge [sflag:s25], $0x4000  }
0xa1: {  	s7 =	sadd.s32 $0x1, s7;
	s8 =	rddreg [dreg:$0x6]  }
0xa2: {  	p0 =	sne.s32 s7, s8  }
.Ltmp2:
0xa3: {  	_ = 	snop;
	(pc) =	sbr.rel @p0 .LBB2_1-.Ltmp2, $3  }
0xa4: {  	_ =	sdelay $0x1  }
0xa5: {  	[sflag:s25] =	ssyncset.done $0x0  }
0xa6: {  	[sflag:s25] =	ssyncadd.s32 $0xFFFFC000  }
0xa7: {  	_ =	sfence.sel $0x180000  }
0xa8: {  	[bflag:$0x0] =	sbarrier.arrive $0xFFFF  }
0xa9: {  	_ =	strace $0x9000004A  }
0xaa: {  	s0 =	stileid.u32;
	[bflag:$0x2] =	sbarrier.arrive $0xFFFF  }
0xab: {  	p0 =	sne.s32 s0, $0x0;
	s0 =	rddreg [dreg:$0x1]  }
0xac: {  	s0 =	sadd.s32 @!p0 $0x100000, s0  }
0xad: {  	[sflag:s0] =	ssyncadd.tile.s32 @!p0 $0x1;
	_ =	shalt  }
.Lfunc_end2:
_tile_overlayer_lowered:
.L_overlay_start_2:
0xae: {  	(tag) =	ssettag $0x2  }
0xaf: {  	s0 =	rddreg [dreg:$0x0];
	s2 =	stileid.u32  }
0xb0: {  	s1 =	rddreg [dreg:$0x1];
	p0 =	sne.s32 s2, $0x0  }
0xb1: {  	s3 =	rddreg [dreg:$0x2];
	[bflag:$0x3] =	sbarrier.arrive $0xFFFF;
	s2 =	simm.s32 @!p0 $0x1C09  }
0xb2: {  	[timem:s3], [sflag:s2] =	dma.local @!p0 [hbm:s0], s1  }
0xb3: {  	s0 =	simm.s32 @!p0 $0x9  }
0xb4: {  	_ =	swait.ge @!p0 [sflag:s0], s1  }
0xb5: {  	s1 =	ssub.s32 @!p0 $0x0, s1;
	[sflag:s0] =	ssyncset.done @!p0 $0x0  }
0xb6: {  	[sflag:s0] =	ssyncadd.s32 @!p0 s1  }
0xb7: {  	[bflag:$0x3] =	sbarrier.arrive $0xFFFF  }
0xb8: {  	_ =	shalt  }

// kernel: kernel.20.cloned.1.call-start
scs
__scs_entry_jumppad:
0x0: {  	(pc) =	sbr.rel $0x88, $3  }
0x1: {  	(tag) =	ssettag $0x0;
	lr =	simm.s32 $0x1  }
0x2: {  	[smem:$0x3F70] =	sst lr;
	_ =	strace $0xD0000000  }
0x3: {  	_ = 	snop  }
0x4: {  	_ = 	snop  }
0x5: {  	_ = 	snop  }
0x6: {  	_ = 	snop  }
0x7: {  	_ = 	snop  }
__scs_overlays_trampoline_lowered:
0x8: {  	[smem:$0x3F7F] =	sst s0  }
0x9: {  	[smem:$0x3F80] =	sst s1  }
0xa: {  	[smem:$0x3F81] =	sst s2  }
0xb: {  	[smem:$0x3F82] =	sst s3  }
0xc: {  	[smem:$0x3F83] =	sst s4  }
0xd: {  	[smem:$0x3F84] =	sst s5  }
0xe: {  	[smem:$0x3F85] =	sst s6  }
0xf: {  	[smem:$0x3F86] =	sst s7  }
0x10: {  	[smem:$0x3F87] =	sst s8  }
0x11: {  	[smem:$0x3F88] =	sst s9;
	s0 =	simm.s32 @!p0 $0x0  }
0x12: {  	s1 =	sld [smem:$0x3F6E];
	s0 =	simm.s32 @p0 $0x1  }
0x13: {  	[smem:$0x3F89] =	sst s0;
	s0 =	simm.s32 @!p1 $0x0  }
0x14: {  	s2 =	sld [smem:$0x3F6D];
	s0 =	simm.s32 @p1 $0x1  }
0x15: {  	[smem:$0x3F8A] =	sst s0;
	s0 =	simm.s32 @!p2 $0x0  }
0x16: {  	s3 =	sld [smem:$0x3FDB];
	s0 =	simm.s32 @p2 $0x1  }
0x17: {  	s4 =	simm.s32 $0x1BF5;
	[smem:$0x3F8C] =	sst s0  }
0x18: {  	s0 =	sld [smem:$0x3F6F];
	_ =	swait.ge [sflag:s4], $0x0  }
0x19: {  	s7 =	sld [smem:$0x3F70]  }
0x1a: {  	s8 =	sadd.s32 $0xFFFFE003, lr  }
0x1b: {  	s9 =	sadd.s32 $0xFFFFFEF7, lr;
	s5 =	simm.s32 $0xFFFFFFFF;
	p2 =	slt.u32 s8, $0xFFFFF086  }
0x1c: {  	p1 =	slt.u32 s9, $0xF7A;
	s5 =	simm.s32 @!p2 $0x0  }
0x1d: {  	s5 =	simm.s32 @p1 $0x1;
	p0 =	seq.s32 s7, s2  }
0x1e: {  	s7 =	smul.u32 @!p0 $0xF7A, s2;
	p2 =	seq.s32 @!p0 s5, $0x0  }
0x1f: {  	s9 =	smul.u32 $0xF7A, s1;
	s8 =	simm.s32 @!p0 $0x1BF5;
	p2 =	por !p2, p0  }
0x20: {  	[sflag:s8] =	ssyncset.s32 @!p0 $0xFFFFF086;
	s6 =	sadd.s32 @!p0 s3, s7;
	s7 =	simm.s32 @!p0 $0x108  }
0x21: {  	s3 =	sadd.s32 s3, s9;
	s6 =	sadd.s32 @!p0 $0x88, s6;
	s7 =	simm.s32 @p2 $0x1082  }
0x22: {  	[simem:s7], [sflag:s8] =	dma.local @!p0 [hbm:s6], $0xF7A  }
0x23: {  	s9 =	sor.u32 $0xD0000000, s2;
	s6 =	simm.s32 $0x108;
	_ =	swait.ge @!p0 [sflag:s8], $0x0  }
0x24: {  	s3 =	sadd.s32 $0x88, s3;
	s6 =	simm.s32 @!p1 $0x1082;
	[sflag:s4] =	ssyncset.s32 $0xFFFFF086  }
0x25: {  	[simem:s6], [sflag:s4] =	dma.local [hbm:s3], $0xF7A  }
0x26: {  	[smem:$0x3F70] =	sst s1;
	(tag) =	ssettag s2;
	_ =	strace s9  }
0x27: {  	s1 =	sld [smem:$0x3F80]  }
0x28: {  	s2 =	sld [smem:$0x3F81]  }
0x29: {  	s4 =	sld [smem:$0x3F83]  }
0x2a: {  	p0 =	seq.s32 s5, $0x0;
	s5 =	sld [smem:$0x3F84]  }
0x2b: {  	s6 =	sld [smem:$0x3F85]  }
0x2c: {  	s7 =	sld [smem:$0x3F86]  }
0x2d: {  	s3 =	simm.s32 $0x108;
	s8 =	sld [smem:$0x3F87]  }
0x2e: {  	s3 =	simm.s32 @!p0 $0x1082;
	s9 =	sld [smem:$0x3F88]  }
0x2f: {  	lr =	sadd.s32 s0, s3;
	s0 =	sld [smem:$0x3F7F]  }
0x30: {  	s3 =	sld [smem:$0x3F82]  }
0x31: {  	[smem:$0x3F8B] =	sst s10  }
0x32: {  	s10 =	sld [smem:$0x3F89];
	_ =	sdelay $0x3  }
0x33: {  	p0 =	seq.s32 s10, $0x1;
	s10 =	sld [smem:$0x3F8B];
	_ =	sdelay $0x3  }
0x34: {  	[smem:$0x3F8B] =	sst s10  }
0x35: {  	s10 =	sld [smem:$0x3F8A];
	_ =	sdelay $0x3  }
0x36: {  	p1 =	seq.s32 s10, $0x1;
	s10 =	sld [smem:$0x3F8B];
	_ =	sdelay $0x3  }
0x37: {  	[smem:$0x3F8B] =	sst s10  }
0x38: {  	s10 =	sld [smem:$0x3F8C]  }
0x39: {  	_ = 	snop;
	(pc) =	sbr.ind lr, $3  }
0x3a: {  	_ = 	snop  }
0x3b: {  	_ = 	snop  }
0x3c: {  	p2 =	seq.s32 s10, $0x1;
	s10 =	sld [smem:$0x3F8B]  }
0x3d: {  	_ =	shalt  }
0x3e: {  	_ =	shalt  }
0x3f: {  	_ =	shalt  }
0x40: {  	_ =	shalt  }
0x41: {  	_ =	shalt  }
0x42: {  	_ =	shalt  }
0x43: {  	_ =	shalt  }
0x44: {  	_ =	shalt  }
0x45: {  	_ =	shalt  }
0x46: {  	_ =	shalt  }
0x47: {  	_ =	shalt  }
0x48: {  	_ =	shalt  }
0x49: {  	_ =	shalt  }
0x4a: {  	_ =	shalt  }
0x4b: {  	_ =	shalt  }
0x4c: {  	_ =	shalt  }
0x4d: {  	_ =	shalt  }
0x4e: {  	_ =	shalt  }
0x4f: {  	_ =	shalt  }
0x50: {  	_ =	shalt  }
0x51: {  	_ =	shalt  }
0x52: {  	_ =	shalt  }
0x53: {  	_ =	shalt  }
0x54: {  	_ =	shalt  }
0x55: {  	_ =	shalt  }
0x56: {  	_ =	shalt  }
0x57: {  	_ =	shalt  }
0x58: {  	_ =	shalt  }
0x59: {  	_ =	shalt  }
0x5a: {  	_ =	shalt  }
0x5b: {  	_ =	shalt  }
0x5c: {  	_ =	shalt  }
0x5d: {  	_ =	shalt  }
0x5e: {  	_ =	shalt  }
0x5f: {  	_ =	shalt  }
0x60: {  	_ =	shalt  }
0x61: {  	_ =	shalt  }
0x62: {  	_ =	shalt  }
0x63: {  	_ =	shalt  }
0x64: {  	_ =	shalt  }
0x65: {  	_ =	shalt  }
0x66: {  	_ =	shalt  }
0x67: {  	_ =	shalt  }
0x68: {  	_ =	shalt  }
0x69: {  	_ =	shalt  }
0x6a: {  	_ =	shalt  }
0x6b: {  	_ =	shalt  }
0x6c: {  	_ =	shalt  }
0x6d: {  	_ =	shalt  }
0x6e: {  	_ =	shalt  }
0x6f: {  	_ =	shalt  }
0x70: {  	_ =	shalt  }
0x71: {  	_ =	shalt  }
0x72: {  	_ =	shalt  }
0x73: {  	_ =	shalt  }
0x74: {  	_ =	shalt  }
0x75: {  	_ =	shalt  }
0x76: {  	_ =	shalt  }
0x77: {  	_ =	shalt  }
0x78: {  	_ =	shalt  }
0x79: {  	_ =	shalt  }
0x7a: {  	_ =	shalt  }
0x7b: {  	_ =	shalt  }
0x7c: {  	_ =	shalt  }
0x7d: {  	_ =	shalt  }
0x7e: {  	_ =	shalt  }
0x7f: {  	_ =	shalt  }
0x80: {  	_ =	shalt  }
0x81: {  	_ =	shalt  }
0x82: {  	_ =	shalt  }
0x83: {  	_ =	shalt  }
0x84: {  	_ =	shalt  }
0x85: {  	_ =	shalt  }
0x86: {  	_ =	shalt  }
0x87: {  	_ =	shalt  }
.Lfunc_end0:
.L_simem_size_0:
called_computation.2_lowered:
.L_overlay_start_0:
0x88: {  	s2 =	sld [smem:$0x3FD9]  }
0x89: {  	s3 =	sld [smem:$0x3FFE];
	_ =	sdelay $0x1  }
0x8a: {  	s1 =	srdreg.scid  }
0x8b: {  	s0 =	sand.u32 $0x1, s1  }
0x8c: {  	s16 =	sshll.u32 s0, $0xA;
	s2 =	sadd.s32 s3, s2  }
0x8d: {  	s2 =	sadd.s32 s2, s16  }
0x8e: {  	[smem:$0x3F97] =	sst s2  }
0x8f: {  	_ = 	snop  }
0x90: {  	(tm) =	ssettm $0x1  }
0x91: {  	s17 =	sld [smem:$0x3FFB];
	_ =	sdelay $0x3  }
0x92: {  	_ =	strace s17  }
0x93: {  	s2 =	sld [smem:$0x3FFC];
	_ =	sdelay $0x3  }
0x94: {  	_ =	strace s2  }
0x95: {  	s2 =	sld [smem:$0x3FFD];
	_ =	sdelay $0x3  }
0x96: {  	_ =	strace s2  }
0x97: {  	_ =	strace $0x8FFFFFFF  }
0x98: {  	s18 =	sld [smem:$0x3FDB];
	_ =	sdelay $0x1  }
0x99: {  	s19 =	simm.s32 $_scs_section_size  }
0x9a: {  	s4 =	simm.s32 $_size__tile_overlayer_lowered;
	s5 =	simm.s32 $_tile_overlayer_lowered  }
0x9b: {  	s22 =	simm.s32 $0x1BFF;
	s21 =	sshll.u32 s5, $0x1;
	s2 =	sadd.s32 s19, s18  }
0x9c: {  	s6 =	simm.s32 $0x0;
	s20 =	sshll.u32 s4, $0x1;
	s4 =	sadd.s32 s21, s2  }
0x9d: {  	[timem:s6], [sflag:s22] =	dma.local [hbm:s4], s20  }
0x9e: {  	_ =	swait.ge [sflag:s22], s20  }
0x9f: {  	s3 =	ssub.s32 $0x0, s20;
	[sflag:s22] =	ssyncset.done $0x0  }
0xa0: {  	[sflag:s22] =	ssyncadd.s32 s3;
	_ =	sdelay $0x1  }
0xa1: {  	s23 =	simm.s32 $0x1B8B  }
0xa2: {  	_ =	swait.ge [sflag:s23], $0x1  }
0xa3: {  	[sflag:s23] =	ssyncset.done $0x0  }
0xa4: {  	s25 =	simm.s32 $0x1B8E;
	s24 =	sld [smem:$0x3FFE];
	[sflag:s23] =	ssyncadd.s32 $0xFFFFFFFF  }
0xa5: {  	s26 =	simm.s32 $execute0_lowered;
	[smem:$0x3FD2] =	sst s25  }
0xa6: {  	s4 =	sshll.u32 s26, $0x1;
	_ =	strace $0x8000004C;
	[dreg:$0x1] =	wrdreg $0xFFFFFFFF  }
0xa7: {  	s28 =	simm.s32 $_size_execute0_lowered;
	s2 =	sadd.s32 s2, s4;
	[dreg:$0x0] =	wrdreg $0x0  }
0xa8: {  	s4 =	sshll.u32 s28, $0x1;
	[dreg:$0x2] =	wrdreg s2  }
0xa9: {  	[dreg:$0x3] =	wrdreg s4  }
0xaa: {  	[dreg:$0x4] =	wrdreg $0xC0  }
0xab: {  	_ =	task [dreg:s6], $0x5FFFF  }
0xac: {  	[dreg:$0x1] =	wrdreg $0xFFFFFFFF  }
0xad: {  	[dreg:$0x0] =	wrdreg $0x60  }
0xae: {  	[dreg:$0x2] =	wrdreg s24  }
0xaf: {  	[dreg:$0x3] =	wrdreg $0x8800  }
0xb0: {  	[dreg:$0x4] =	wrdreg $0x9  }
0xb1: {  	_ =	task.clear_ibuf [dreg:s6], $0x5FFFF;
	_ =	strace $0x9000004C  }
0xb2: {  	s29 =	simm.s32 $0x9;
	_ =	strace $0x8000004E  }
0xb3: {  	_ =	swait.ge [sflag:s29], $0x1  }
0xb4: {  	[sflag:s29] =	ssyncadd.s32 $0xFFFFFFFF  }
0xb5: {  	_ =	strace $0x9000004E  }
0xb6: {  	_ =	sfence  }
0xb7: {  	s30 =	sld [smem:$0x0];
	_ =	sdelay $0x2  }
0xb8: {  	s31 =	sshll.u32 s1, $0xD;
	s1 =	sshrl.u32 s1, $0x2  }
0xb9: {  	s3 =	sand.u32 $0x4000, s31;
	s1 =	sadd.s32 s1, s30  }
0xba: {  	s0 =	sor.u32 s3, s0;
	s1 =	sshll.u32 s1, $0x11  }
0xbb: {  	s0 =	sor.u32 s1, s0  }
0xbc: {  	s0 =	sadd.s32 $0x8F2B, s0  }
0xbd: {  	[sflag:s0] =	ssyncadd.remote.s32 $0x1  }
0xbe: {  	_ =	sfence.sel $0xFFFF  }
0xbf: {  	[dreg:$0x0] =	wrdreg $0xFFFFFFFF;
	(pc) =	sbr.abs _section_cstart, $3  }
0xc0: {  	[dreg:$0x1] =	wrdreg $0xFFFFFFFF  }
0xc1: {  	_ =	task.clear_ibuf [dreg:s6], $0x2FFFF;
	_ =	strace $0x9FFFFFFF  }
0xc2: {  	(tm) =	ssettm $0x7FFFFFFF  }
0xc3: {  	_ =	shalt  }
tec
execute0_lowered:
.L_overlay_start_1:
0x0: {  	(tag) =	ssettag $0x1  }
0x1: {  	s0 =	stileid.u32  }
0x2: {  	s1 =	srdreg.scid;
	s4 =	smul.u32 $0x5000, s0  }
0x3: {  	s5 =	rddreg [dreg:$0x0];
	s7 =	smul.u32 $0x2800, s0  }
0x4: {  	s2 =	rddreg [dreg:$0x1];
	s6 =	sand.u32 $0x1, s1;
	s9 =	smul.u32 $0x9C40, s0  }
0x5: {  	s3 =	simm.s32 $0x0;
	s1 =	rddreg [dreg:$0x2];
	s8 =	smul.u32 $0x1400, s6  }
0x6: {  	[smem:$0x7FF] =	sst s3;
	s29 =	sshll.u32 s0, $0x6;
	s23 =	smul.u32 $0x9C400, s6  }
0x7: {  	_ =	strace $0x8000004D;
	s26 =	ssub.s32 $0x2, s6;
	s30 =	smul.u32 $0x2800, s6  }
0x8: {  	s10 =	sadd.s32 s4, s5;
	s28 =	sshrl.u32 s9, $0x3;
	s12 =	sshrl.u32 s26, $0x1  }
0x9: {  	s14 =	sadd.s32 s9, s2;
	s7 =	sadd.s32 s8, s7;
	s25 =	sadd.s32 s9, s23  }
0xa: {  	s8 =	sadd.s32 s28, s5;
	s31 =	sadd.s32 s30, s10;
	s10 =	sshrl.u32 s14, $0x3  }
0xb: {  	s14 =	simm.s32 $0x0;
	s24 =	sshrl.u32 s7, $0x3;
	s4 =	sshrl.u32 s25, $0x3  }
0xc: {  	s7 =	ssub.s32 s26, s12;
	s9 =	sadd.s32 $0x902C00, s31;
	s12 =	simm.s32 $0x800  }
0xd: {  	s11 =	sadd.s32 s24, s5;
	s13 =	sadd.s32 s4, s5;
	s4 =	sadd.s32 $0x952C00, s8  }
0xe: {  	s5 =	sor.u32 $0x1C01, s29;
	s7 =	smax.u32 s7, $0x1;
	s6 =	sadd.s32 $0x966600, s13  }
0xf: {  	s8 =	sadd.s32 $0x8C00, s11;
	s11 =	simm.s32 $0x1;
	s13 =	simm.s32 $0x80  }
.LBB2_1:
0x10: {  	[spmem:s10], [sflag:s5] =	dma.local [hbm:s4], $0x1388  }
0x11: {  	_ =	swait.ge [sflag:s11], $0x1388  }
0x12: {  	[sflag:s11] =	ssyncset.done $0x0  }
0x13: {  	[sflag:s11] =	ssyncadd.s32 $0xFFFFEC78  }
0x14: {  	[bflag:$0x0] =	sbarrier.arrive $0xFFFF  }
0x15: {  	[tilespmem:s3], [sflag:$0x1] =	stream.linear.gather [hbm4b:s9+s3], $0x800, $0x38;
	[tilespmem:$0xA4C0] =	vst v63  }
0x16: {  	_ =	swait.ge [sflag:s11], $0x800  }
0x17: {  	[sflag:s11] =	ssyncset.done $0x0  }
0x18: {  	s15 =	sadd.s32 $0x0, s8;
	[sflag:s11] =	ssyncadd.s32 $0xFFFFF800  }
0x19: {  	[tilespmem:s12], [sflag:$0x1] =	stream.linear.gather [hbm4b:s15+s3], $0x80, $0x38;
	[tilespmem:$0xA4C0] =	vst v63  }
0x1a: {  	_ =	swait.ge [sflag:s11], $0x80  }
0x1b: {  	[sflag:s11] =	ssyncset.done $0x0  }
0x1c: {  	[sflag:s11] =	ssyncadd.s32 $0xFFFFFF80  }
0x1d: {  	[spmem:s2] =	stream.indirect.scatter.add.f32 [tilespmem:s3], [sflag:$0x1], $0x10, s12, s13, $0xb8;
	[tilespmem:$0xA4C0] =	vst v63  }
0x1e: {  	_ =	swait.ge [sflag:s11], $0x800  }
0x1f: {  	s16 =	smov.u32 s9;
	s15 =	simm.s32 $0x10;
	[sflag:s11] =	ssyncset.done $0x0  }
.LBB2_2:
0x20: {  	p0 =	sne.s32 s15, $0x270;
	[sflag:s11] =	ssyncadd.s32 $0xFFFFF800;
	s16 =	sadd.s32 $0x100, s16  }
0x21: {  	[tilespmem:s3], [sflag:$0x1] =	stream.linear.gather [hbm4b:s16+s3], $0x800, $0x38;
	[tilespmem:$0xA4C0] =	vst v63  }
0x22: {  	s17 =	smov.u32 s15;
	s15 =	sadd.s32 $0x10, s15;
	_ =	swait.ge [sflag:s11], $0x800  }
0x23: {  	[sflag:s11] =	ssyncset.done $0x0  }
0x24: {  	s17 =	sadd.s32 s17, s8;
	[sflag:s11] =	ssyncadd.s32 $0xFFFFF800  }
0x25: {  	[tilespmem:s12], [sflag:$0x1] =	stream.linear.gather [hbm4b:s17+s3], $0x80, $0x38;
	[tilespmem:$0xA4C0] =	vst v63  }
0x26: {  	_ =	swait.ge [sflag:s11], $0x80  }
.Ltmp0:
0x27: {  	[sflag:s11] =	ssyncset.done $0x0;
	(pc) =	sbr.rel @p0 .LBB2_2-.Ltmp0, $4  }
0x28: {  	[sflag:s11] =	ssyncadd.s32 $0xFFFFFF80  }
0x29: {  	[spmem:s2] =	stream.indirect.scatter.add.f32 [tilespmem:s3], [sflag:$0x1], $0x10, s12, s13, $0xb8;
	[tilespmem:$0xA4C0] =	vst v63  }
0x2a: {  	_ =	swait.ge [sflag:s11], $0x800  }
0x2b: {  	[sflag:s11] =	ssyncset.done $0x0  }
0x2c: {  	s14 =	sadd.s32 $0x1, s14  }
0x2d: {  	[sflag:s11] =	ssyncadd.s32 $0xFFFFF800;
	p0 =	sne.s32 s14, s7  }
.Ltmp1:
0x2e: {  	[bflag:$0x0] =	sbarrier.arrive $0xFFFF;
	(pc) =	sbr.rel @p0 .LBB2_1-.Ltmp1, $4  }
0x2f: {  	[hbm:s6], [sflag:s5] =	dma.local [spmem:s10], $0x1388  }
0x30: {  	_ =	swait.ge [sflag:s11], $0x1388  }
0x31: {  	[sflag:s11] =	ssyncset.done $0x0  }
0x32: {  	[sflag:s11] =	ssyncadd.s32 $0xFFFFEC78  }
0x33: {  	_ =	sfence.sel $0x180000  }
0x34: {  	[bflag:$0x0] =	sbarrier.arrive $0xFFFF  }
0x35: {  	p0 =	sne.s32 s0, $0x0;
	_ =	strace $0x9000004D  }
0x36: {  	s0 =	sadd.s32 @!p0 $0x100000, s1;
	[bflag:$0x2] =	sbarrier.arrive $0xFFFF  }
0x37: {  	[sflag:s0] =	ssyncadd.tile.s32 @!p0 $0x1;
	_ =	shalt  }
.Lfunc_end2:
_tile_overlayer_lowered:
.L_overlay_start_2:
0x38: {  	(tag) =	ssettag $0x2  }
0x39: {  	s0 =	rddreg [dreg:$0x0];
	s2 =	stileid.u32  }
0x3a: {  	s1 =	rddreg [dreg:$0x1];
	p0 =	sne.s32 s2, $0x0  }
0x3b: {  	s3 =	rddreg [dreg:$0x2];
	[bflag:$0x3] =	sbarrier.arrive $0xFFFF;
	s2 =	simm.s32 @!p0 $0x1C01  }
0x3c: {  	[timem:s3], [sflag:s2] =	dma.local @!p0 [hbm:s0], s1  }
0x3d: {  	s0 =	simm.s32 @!p0 $0x1  }
0x3e: {  	_ =	swait.ge @!p0 [sflag:s0], s1  }
0x3f: {  	s1 =	ssub.s32 @!p0 $0x0, s1;
	[sflag:s0] =	ssyncset.done @!p0 $0x0  }
0x40: {  	[sflag:s0] =	ssyncadd.s32 @!p0 s1  }
0x41: {  	[bflag:$0x3] =	sbarrier.arrive $0xFFFF  }
0x42: {  	_ =	shalt  }

// kernel: kernel.23.cloned.1.call-start
scs
__scs_entry_jumppad:
0x0: {  	(pc) =	sbr.rel $0x88, $3  }
0x1: {  	(tag) =	ssettag $0x0;
	lr =	simm.s32 $0x1  }
0x2: {  	[smem:$0x3F70] =	sst lr;
	_ =	strace $0xD0000000  }
0x3: {  	_ = 	snop  }
0x4: {  	_ = 	snop  }
0x5: {  	_ = 	snop  }
0x6: {  	_ = 	snop  }
0x7: {  	_ = 	snop  }
__scs_overlays_trampoline_lowered:
0x8: {  	[smem:$0x3F7F] =	sst s0  }
0x9: {  	[smem:$0x3F80] =	sst s1  }
0xa: {  	[smem:$0x3F81] =	sst s2  }
0xb: {  	[smem:$0x3F82] =	sst s3  }
0xc: {  	[smem:$0x3F83] =	sst s4  }
0xd: {  	[smem:$0x3F84] =	sst s5  }
0xe: {  	[smem:$0x3F85] =	sst s6  }
0xf: {  	[smem:$0x3F86] =	sst s7  }
0x10: {  	[smem:$0x3F87] =	sst s8  }
0x11: {  	[smem:$0x3F88] =	sst s9;
	s0 =	simm.s32 @!p0 $0x0  }
0x12: {  	s1 =	sld [smem:$0x3F6E];
	s0 =	simm.s32 @p0 $0x1  }
0x13: {  	[smem:$0x3F89] =	sst s0;
	s0 =	simm.s32 @!p1 $0x0  }
0x14: {  	s2 =	sld [smem:$0x3F6D];
	s0 =	simm.s32 @p1 $0x1  }
0x15: {  	[smem:$0x3F8A] =	sst s0;
	s0 =	simm.s32 @!p2 $0x0  }
0x16: {  	s3 =	sld [smem:$0x3FDB];
	s0 =	simm.s32 @p2 $0x1  }
0x17: {  	s4 =	simm.s32 $0x1BF5;
	[smem:$0x3F8C] =	sst s0  }
0x18: {  	s0 =	sld [smem:$0x3F6F];
	_ =	swait.ge [sflag:s4], $0x0  }
0x19: {  	s7 =	sld [smem:$0x3F70]  }
0x1a: {  	s8 =	sadd.s32 $0xFFFFE003, lr  }
0x1b: {  	s9 =	sadd.s32 $0xFFFFFEF7, lr;
	s5 =	simm.s32 $0xFFFFFFFF;
	p2 =	slt.u32 s8, $0xFFFFF086  }
0x1c: {  	p1 =	slt.u32 s9, $0xF7A;
	s5 =	simm.s32 @!p2 $0x0  }
0x1d: {  	s5 =	simm.s32 @p1 $0x1;
	p0 =	seq.s32 s7, s2  }
0x1e: {  	s7 =	smul.u32 @!p0 $0xF7A, s2;
	p2 =	seq.s32 @!p0 s5, $0x0  }
0x1f: {  	s9 =	smul.u32 $0xF7A, s1;
	s8 =	simm.s32 @!p0 $0x1BF5;
	p2 =	por !p2, p0  }
0x20: {  	[sflag:s8] =	ssyncset.s32 @!p0 $0xFFFFF086;
	s6 =	sadd.s32 @!p0 s3, s7;
	s7 =	simm.s32 @!p0 $0x108  }
0x21: {  	s3 =	sadd.s32 s3, s9;
	s6 =	sadd.s32 @!p0 $0x88, s6;
	s7 =	simm.s32 @p2 $0x1082  }
0x22: {  	[simem:s7], [sflag:s8] =	dma.local @!p0 [hbm:s6], $0xF7A  }
0x23: {  	s9 =	sor.u32 $0xD0000000, s2;
	s6 =	simm.s32 $0x108;
	_ =	swait.ge @!p0 [sflag:s8], $0x0  }
0x24: {  	s3 =	sadd.s32 $0x88, s3;
	s6 =	simm.s32 @!p1 $0x1082;
	[sflag:s4] =	ssyncset.s32 $0xFFFFF086  }
0x25: {  	[simem:s6], [sflag:s4] =	dma.local [hbm:s3], $0xF7A  }
0x26: {  	[smem:$0x3F70] =	sst s1;
	(tag) =	ssettag s2;
	_ =	strace s9  }
0x27: {  	s1 =	sld [smem:$0x3F80]  }
0x28: {  	s2 =	sld [smem:$0x3F81]  }
0x29: {  	s4 =	sld [smem:$0x3F83]  }
0x2a: {  	p0 =	seq.s32 s5, $0x0;
	s5 =	sld [smem:$0x3F84]  }
0x2b: {  	s6 =	sld [smem:$0x3F85]  }
0x2c: {  	s7 =	sld [smem:$0x3F86]  }
0x2d: {  	s3 =	simm.s32 $0x108;
	s8 =	sld [smem:$0x3F87]  }
0x2e: {  	s3 =	simm.s32 @!p0 $0x1082;
	s9 =	sld [smem:$0x3F88]  }
0x2f: {  	lr =	sadd.s32 s0, s3;
	s0 =	sld [smem:$0x3F7F]  }
0x30: {  	s3 =	sld [smem:$0x3F82]  }
0x31: {  	[smem:$0x3F8B] =	sst s10  }
0x32: {  	s10 =	sld [smem:$0x3F89];
	_ =	sdelay $0x3  }
0x33: {  	p0 =	seq.s32 s10, $0x1;
	s10 =	sld [smem:$0x3F8B];
	_ =	sdelay $0x3  }
0x34: {  	[smem:$0x3F8B] =	sst s10  }
0x35: {  	s10 =	sld [smem:$0x3F8A];
	_ =	sdelay $0x3  }
0x36: {  	p1 =	seq.s32 s10, $0x1;
	s10 =	sld [smem:$0x3F8B];
	_ =	sdelay $0x3  }
0x37: {  	[smem:$0x3F8B] =	sst s10  }
0x38: {  	s10 =	sld [smem:$0x3F8C]  }
0x39: {  	_ = 	snop;
	(pc) =	sbr.ind lr, $3  }
0x3a: {  	_ = 	snop  }
0x3b: {  	_ = 	snop  }
0x3c: {  	p2 =	seq.s32 s10, $0x1;
	s10 =	sld [smem:$0x3F8B]  }
0x3d: {  	_ =	shalt  }
0x3e: {  	_ =	shalt  }
0x3f: {  	_ =	shalt  }
0x40: {  	_ =	shalt  }
0x41: {  	_ =	shalt  }
0x42: {  	_ =	shalt  }
0x43: {  	_ =	shalt  }
0x44: {  	_ =	shalt  }
0x45: {  	_ =	shalt  }
0x46: {  	_ =	shalt  }
0x47: {  	_ =	shalt  }
0x48: {  	_ =	shalt  }
0x49: {  	_ =	shalt  }
0x4a: {  	_ =	shalt  }
0x4b: {  	_ =	shalt  }
0x4c: {  	_ =	shalt  }
0x4d: {  	_ =	shalt  }
0x4e: {  	_ =	shalt  }
0x4f: {  	_ =	shalt  }
0x50: {  	_ =	shalt  }
0x51: {  	_ =	shalt  }
0x52: {  	_ =	shalt  }
0x53: {  	_ =	shalt  }
0x54: {  	_ =	shalt  }
0x55: {  	_ =	shalt  }
0x56: {  	_ =	shalt  }
0x57: {  	_ =	shalt  }
0x58: {  	_ =	shalt  }
0x59: {  	_ =	shalt  }
0x5a: {  	_ =	shalt  }
0x5b: {  	_ =	shalt  }
0x5c: {  	_ =	shalt  }
0x5d: {  	_ =	shalt  }
0x5e: {  	_ =	shalt  }
0x5f: {  	_ =	shalt  }
0x60: {  	_ =	shalt  }
0x61: {  	_ =	shalt  }
0x62: {  	_ =	shalt  }
0x63: {  	_ =	shalt  }
0x64: {  	_ =	shalt  }
0x65: {  	_ =	shalt  }
0x66: {  	_ =	shalt  }
0x67: {  	_ =	shalt  }
0x68: {  	_ =	shalt  }
0x69: {  	_ =	shalt  }
0x6a: {  	_ =	shalt  }
0x6b: {  	_ =	shalt  }
0x6c: {  	_ =	shalt  }
0x6d: {  	_ =	shalt  }
0x6e: {  	_ =	shalt  }
0x6f: {  	_ =	shalt  }
0x70: {  	_ =	shalt  }
0x71: {  	_ =	shalt  }
0x72: {  	_ =	shalt  }
0x73: {  	_ =	shalt  }
0x74: {  	_ =	shalt  }
0x75: {  	_ =	shalt  }
0x76: {  	_ =	shalt  }
0x77: {  	_ =	shalt  }
0x78: {  	_ =	shalt  }
0x79: {  	_ =	shalt  }
0x7a: {  	_ =	shalt  }
0x7b: {  	_ =	shalt  }
0x7c: {  	_ =	shalt  }
0x7d: {  	_ =	shalt  }
0x7e: {  	_ =	shalt  }
0x7f: {  	_ =	shalt  }
0x80: {  	_ =	shalt  }
0x81: {  	_ =	shalt  }
0x82: {  	_ =	shalt  }
0x83: {  	_ =	shalt  }
0x84: {  	_ =	shalt  }
0x85: {  	_ =	shalt  }
0x86: {  	_ =	shalt  }
0x87: {  	_ =	shalt  }
.Lfunc_end0:
.L_simem_size_0:
called_computation.3_lowered:
.L_overlay_start_0:
0x88: {  	s2 =	sld [smem:$0x3FD9]  }
0x89: {  	s3 =	sld [smem:$0x3FFE];
	_ =	sdelay $0x1  }
0x8a: {  	s1 =	srdreg.scid  }
0x8b: {  	s0 =	sand.u32 $0x1, s1  }
0x8c: {  	s16 =	sshll.u32 s0, $0xA;
	s2 =	sadd.s32 s3, s2  }
0x8d: {  	s2 =	sadd.s32 s2, s16  }
0x8e: {  	[smem:$0x3F97] =	sst s2  }
0x8f: {  	_ = 	snop  }
0x90: {  	(tm) =	ssettm $0x1  }
0x91: {  	s17 =	sld [smem:$0x3FFB];
	_ =	sdelay $0x3  }
0x92: {  	_ =	strace s17  }
0x93: {  	s2 =	sld [smem:$0x3FFC];
	_ =	sdelay $0x3  }
0x94: {  	_ =	strace s2  }
0x95: {  	s2 =	sld [smem:$0x3FFD];
	_ =	sdelay $0x3  }
0x96: {  	_ =	strace s2  }
0x97: {  	_ =	strace $0x8FFFFFFF  }
0x98: {  	s18 =	sld [smem:$0x3FDB];
	_ =	sdelay $0x1  }
0x99: {  	s19 =	simm.s32 $_scs_section_size  }
0x9a: {  	s4 =	simm.s32 $_size__tile_overlayer_lowered;
	s5 =	simm.s32 $_tile_overlayer_lowered  }
0x9b: {  	s22 =	simm.s32 $0x1BFF;
	s21 =	sshll.u32 s5, $0x1;
	s2 =	sadd.s32 s19, s18  }
0x9c: {  	s6 =	simm.s32 $0x0;
	s20 =	sshll.u32 s4, $0x1;
	s4 =	sadd.s32 s21, s2  }
0x9d: {  	[timem:s6], [sflag:s22] =	dma.local [hbm:s4], s20  }
0x9e: {  	_ =	swait.ge [sflag:s22], s20  }
0x9f: {  	s3 =	ssub.s32 $0x0, s20;
	[sflag:s22] =	ssyncset.done $0x0  }
0xa0: {  	[sflag:s22] =	ssyncadd.s32 s3;
	_ =	sdelay $0x1  }
0xa1: {  	s23 =	simm.s32 $0x1B8B  }
0xa2: {  	_ =	swait.ge [sflag:s23], $0x1  }
0xa3: {  	[sflag:s23] =	ssyncset.done $0x0  }
0xa4: {  	s25 =	simm.s32 $0x1B8E;
	s24 =	sld [smem:$0x3FFE];
	[sflag:s23] =	ssyncadd.s32 $0xFFFFFFFF  }
0xa5: {  	s26 =	simm.s32 $execute0_lowered;
	[smem:$0x3FD2] =	sst s25  }
0xa6: {  	s4 =	sshll.u32 s26, $0x1;
	_ =	strace $0x8000004F;
	[dreg:$0x1] =	wrdreg $0xFFFFFFFF  }
0xa7: {  	s28 =	simm.s32 $_size_execute0_lowered;
	s2 =	sadd.s32 s2, s4;
	[dreg:$0x0] =	wrdreg $0x0  }
0xa8: {  	s4 =	sshll.u32 s28, $0x1;
	[dreg:$0x2] =	wrdreg s2  }
0xa9: {  	[dreg:$0x3] =	wrdreg s4  }
0xaa: {  	[dreg:$0x4] =	wrdreg $0xC0  }
0xab: {  	_ =	task [dreg:s6], $0x5FFFF  }
0xac: {  	[dreg:$0x1] =	wrdreg $0xFFFFFFFF  }
0xad: {  	[dreg:$0x0] =	wrdreg $0x60  }
0xae: {  	[dreg:$0x2] =	wrdreg s24  }
0xaf: {  	[dreg:$0x3] =	wrdreg $0x9  }
0xb0: {  	_ =	task.clear_ibuf [dreg:s6], $0x4FFFF;
	_ =	strace $0x9000004F  }
0xb1: {  	s29 =	simm.s32 $0x9;
	_ =	strace $0x80000051  }
0xb2: {  	_ =	swait.ge [sflag:s29], $0x1  }
0xb3: {  	[sflag:s29] =	ssyncadd.s32 $0xFFFFFFFF  }
0xb4: {  	_ =	strace $0x90000051  }
0xb5: {  	_ =	sfence  }
0xb6: {  	s30 =	sld [smem:$0x0];
	_ =	sdelay $0x2  }
0xb7: {  	s31 =	sshll.u32 s1, $0xD;
	s1 =	sshrl.u32 s1, $0x2  }
0xb8: {  	s3 =	sand.u32 $0x4000, s31;
	s1 =	sadd.s32 s1, s30  }
0xb9: {  	s0 =	sor.u32 s3, s0;
	s1 =	sshll.u32 s1, $0x11  }
0xba: {  	s0 =	sor.u32 s1, s0  }
0xbb: {  	s0 =	sadd.s32 $0x8F2B, s0  }
0xbc: {  	[sflag:s0] =	ssyncadd.remote.s32 $0x1  }
0xbd: {  	_ =	sfence.sel $0xFFFF  }
0xbe: {  	[dreg:$0x0] =	wrdreg $0xFFFFFFFF;
	(pc) =	sbr.abs _section_cstart, $3  }
0xbf: {  	[dreg:$0x1] =	wrdreg $0xFFFFFFFF  }
0xc0: {  	_ =	task.clear_ibuf [dreg:s6], $0x2FFFF;
	_ =	strace $0x9FFFFFFF  }
0xc1: {  	(tm) =	ssettm $0x7FFFFFFF  }
tec
execute0_lowered:
.L_overlay_start_1:
0x0: {  	(tag) =	ssettag $0x1  }
0x1: {  	s5 =	rddreg [dreg:$0x0]  }
0x2: {  	s0 =	rddreg [dreg:$0x1]  }
0x3: {  	s2 =	simm.s32 $0x0;
	s3 =	srdreg.scid;
	s1 =	stileid.u32  }
0x4: {  	s11 =	simm.s32 $0x880;
	s12 =	simm.s32 $0x1;
	s13 =	simm.s32 $0x2  }
0x5: {  	s6 =	sand.u32 $0x1, s3;
	s7 =	smul.u32 $0x2800, s1;
	s3 =	sadd.s32 $0x902C00, s5  }
0x6: {  	[smem:$0x7FF] =	sst s2;
	s9 =	smul.u32 $0x5000, s1;
	s4 =	sadd.s32 $0xB62400, s5  }
0x7: {  	s14 =	simm.s32 $0x0;
	_ =	strace $0x80000050;
	s8 =	smul.u32 $0x1400, s6  }
0x8: {  	s10 =	smul.u32 $0x2800, s6;
	s6 =	ssub.s32 $0x2, s6;
	s29 =	sadd.s32 s9, s5  }
0x9: {  	s30 =	sshrl.u32 s6, $0x1;
	s9 =	simm.s32 $0x3;
	s7 =	sadd.s32 s8, s7  }
0xa: {  	s8 =	sadd.s32 s10, s29;
	s6 =	ssub.s32 s6, s30;
	s7 =	sshrl.u32 s7, $0x3  }
0xb: {  	s10 =	simm.s32 $0x80;
	s31 =	sadd.s32 s7, s5;
	s5 =	sadd.s32 $0x966600, s8  }
0xc: {  	s6 =	smax.u32 s6, $0x1;
	s7 =	sadd.s32 $0x9B6600, s8;
	s8 =	sadd.s32 $0x8C00, s31  }
.LBB2_1:
0xd: {  	[tilespmem:s2], [sflag:$0x3] =	stream.linear.gather [hbm4b:s8+s2], $0x80, $0x38;
	[tilespmem:$0x1080] =	vst v63  }
0xe: {  	_ =	swait.ge [sflag:s9], $0x80  }
0xf: {  	[sflag:s9] =	ssyncset.done $0x0  }
0x10: {  	[sflag:s9] =	ssyncadd.s32 $0xFFFFFF80  }
0x11: {  	[tilespmem:s10], [sflag:$0x1] =	stream.indirect.gather [hbm4b:s3+s10], $0x10, s2, s10, $0xb8;
	[tilespmem:$0x1080] =	vst v63  }
0x12: {  	_ = 	snop  }
0x13: {  	[tilespmem:s11], [sflag:$0x2] =	stream.indirect.gather [hbm4b:s4+s10], $0x10, s2, s10, $0xb8;
	[tilespmem:$0x1080] =	vst v63  }
0x14: {  	_ =	swait.ge [sflag:s12], $0x800  }
0x15: {  	[sflag:s12] =	ssyncset.done $0x0  }
0x16: {  	s15 =	sadd.s32 $0x0, s7;
	[sflag:s12] =	ssyncadd.s32 $0xFFFFF800  }
0x17: {  	[hbm4b:s15+s2] =	stream.linear.scatter [tilespmem:s10], [sflag:$0x3], $0x800, $0x38;
	[tilespmem:$0x1080] =	vst v63  }
0x18: {  	_ =	swait.ge [sflag:s9], $0x800  }
0x19: {  	[sflag:s9] =	ssyncset.done $0x0  }
0x1a: {  	[sflag:s9] =	ssyncadd.s32 $0xFFFFF800  }
0x1b: {  	_ =	swait.ge [sflag:s13], $0x800  }
0x1c: {  	[sflag:s13] =	ssyncset.done $0x0  }
0x1d: {  	s31 =	sadd.s32 $0x0, s5;
	[sflag:s13] =	ssyncadd.s32 $0xFFFFF800  }
0x1e: {  	[hbm4b:s31+s2] =	stream.linear.scatter [tilespmem:s11], [sflag:$0x3], $0x800, $0x38;
	[tilespmem:$0x1080] =	vst v63  }
0x1f: {  	_ =	swait.ge [sflag:s9], $0x800  }
0x20: {  	s16 =	smov.u32 s8;
	s15 =	simm.s32 $0x100;
	[sflag:s9] =	ssyncset.done $0x0  }
.LBB2_2:
0x21: {  	p0 =	sne.s32 s15, $0x2700;
	[sflag:s9] =	ssyncadd.s32 $0xFFFFF800;
	s16 =	sadd.s32 $0x10, s16  }
0x22: {  	[tilespmem:s2], [sflag:$0x3] =	stream.linear.gather [hbm4b:s16+s2], $0x80, $0x38;
	[tilespmem:$0x1080] =	vst v63  }
0x23: {  	s17 =	smov.u32 s15;
	s15 =	sadd.s32 $0x100, s15;
	_ =	swait.ge [sflag:s9], $0x80  }
0x24: {  	[sflag:s9] =	ssyncset.done $0x0  }
0x25: {  	[sflag:s9] =	ssyncadd.s32 $0xFFFFFF80  }
0x26: {  	[tilespmem:s10], [sflag:$0x1] =	stream.indirect.gather [hbm4b:s3+s10], $0x10, s2, s10, $0xb8;
	[tilespmem:$0x1080] =	vst v63  }
0x27: {  	_ = 	snop  }
0x28: {  	[tilespmem:s11], [sflag:$0x2] =	stream.indirect.gather [hbm4b:s4+s10], $0x10, s2, s10, $0xb8;
	[tilespmem:$0x1080] =	vst v63  }
0x29: {  	_ =	swait.ge [sflag:s12], $0x800  }
0x2a: {  	[sflag:s12] =	ssyncset.done $0x0  }
0x2b: {  	s18 =	sadd.s32 s17, s7;
	[sflag:s12] =	ssyncadd.s32 $0xFFFFF800  }
0x2c: {  	[hbm4b:s18+s2] =	stream.linear.scatter [tilespmem:s10], [sflag:$0x3], $0x800, $0x38;
	[tilespmem:$0x1080] =	vst v63  }
0x2d: {  	_ =	swait.ge [sflag:s9], $0x800  }
0x2e: {  	[sflag:s9] =	ssyncset.done $0x0  }
0x2f: {  	[sflag:s9] =	ssyncadd.s32 $0xFFFFF800  }
0x30: {  	_ =	swait.ge [sflag:s13], $0x800  }
.Ltmp0:
0x31: {  	[sflag:s13] =	ssyncset.done $0x0;
	(pc) =	sbr.rel @p0 .LBB2_2-.Ltmp0, $4  }
0x32: {  	s17 =	sadd.s32 s17, s5;
	[sflag:s13] =	ssyncadd.s32 $0xFFFFF800  }
0x33: {  	[hbm4b:s17+s2] =	stream.linear.scatter [tilespmem:s11], [sflag:$0x3], $0x800, $0x38;
	[tilespmem:$0x1080] =	vst v63  }
0x34: {  	_ =	swait.ge [sflag:s9], $0x800  }
0x35: {  	[sflag:s9] =	ssyncset.done $0x0  }
0x36: {  	s14 =	sadd.s32 $0x1, s14  }
0x37: {  	p0 =	sne.s32 s14, s6  }
.Ltmp1:
0x38: {  	_ = 	snop;
	(pc) =	sbr.rel @p0 .LBB2_1-.Ltmp1, $2  }
0x39: {  	_ =	sdelay $0x2  }
0x3a: {  	[sflag:s9] =	ssyncadd.s32 $0xFFFFF800  }
0x3b: {  	_ =	sfence.sel $0x180000  }
0x3c: {  	[bflag:$0x0] =	sbarrier.arrive $0xFFFF  }
0x3d: {  	p0 =	sne.s32 s1, $0x0;
	_ =	strace $0x90000050  }
0x3e: {  	s0 =	sadd.s32 @!p0 $0x100000, s0;
	[bflag:$0x2] =	sbarrier.arrive $0xFFFF  }
0x3f: {  	[sflag:s0] =	ssyncadd.tile.s32 @!p0 $0x1;
	_ =	shalt  }
.Lfunc_end2:
_tile_overlayer_lowered:
.L_overlay_start_2:
0x40: {  	(tag) =	ssettag $0x2  }
0x41: {  	s0 =	rddreg [dreg:$0x0];
	s2 =	stileid.u32  }
0x42: {  	s1 =	rddreg [dreg:$0x1];
	p0 =	sne.s32 s2, $0x0  }
0x43: {  	s3 =	rddreg [dreg:$0x2];
	[bflag:$0x3] =	sbarrier.arrive $0xFFFF;
	s2 =	simm.s32 @!p0 $0x1C03  }
0x44: {  	[timem:s3], [sflag:s2] =	dma.local @!p0 [hbm:s0], s1  }
0x45: {  	s0 =	simm.s32 @!p0 $0x3  }
0x46: {  	_ =	swait.ge @!p0 [sflag:s0], s1  }
0x47: {  	s1 =	ssub.s32 @!p0 $0x0, s1;
	[sflag:s0] =	ssyncset.done @!p0 $0x0  }
0x48: {  	[sflag:s0] =	ssyncadd.s32 @!p0 s1  }
0x49: {  	[bflag:$0x3] =	sbarrier.arrive $0xFFFF  }
0x4a: {  	_ =	shalt  }

// kernel: kernel.26.cloned.1.call-start
scs
__scs_entry_jumppad:
0x0: {  	(pc) =	sbr.rel $0x88, $3  }
0x1: {  	(tag) =	ssettag $0x0;
	lr =	simm.s32 $0x1  }
0x2: {  	[smem:$0x3F70] =	sst lr;
	_ =	strace $0xD0000000  }
0x3: {  	_ = 	snop  }
0x4: {  	_ = 	snop  }
0x5: {  	_ = 	snop  }
0x6: {  	_ = 	snop  }
0x7: {  	_ = 	snop  }
__scs_overlays_trampoline_lowered:
0x8: {  	[smem:$0x3F7F] =	sst s0  }
0x9: {  	[smem:$0x3F80] =	sst s1  }
0xa: {  	[smem:$0x3F81] =	sst s2  }
0xb: {  	[smem:$0x3F82] =	sst s3  }
0xc: {  	[smem:$0x3F83] =	sst s4  }
0xd: {  	[smem:$0x3F84] =	sst s5  }
0xe: {  	[smem:$0x3F85] =	sst s6  }
0xf: {  	[smem:$0x3F86] =	sst s7  }
0x10: {  	[smem:$0x3F87] =	sst s8  }
0x11: {  	[smem:$0x3F88] =	sst s9;
	s0 =	simm.s32 @!p0 $0x0  }
0x12: {  	s1 =	sld [smem:$0x3F6E];
	s0 =	simm.s32 @p0 $0x1  }
0x13: {  	[smem:$0x3F89] =	sst s0;
	s0 =	simm.s32 @!p1 $0x0  }
0x14: {  	s2 =	sld [smem:$0x3F6D];
	s0 =	simm.s32 @p1 $0x1  }
0x15: {  	[smem:$0x3F8A] =	sst s0;
	s0 =	simm.s32 @!p2 $0x0  }
0x16: {  	s3 =	sld [smem:$0x3FDB];
	s0 =	simm.s32 @p2 $0x1  }
0x17: {  	s4 =	simm.s32 $0x1BF5;
	[smem:$0x3F8C] =	sst s0  }
0x18: {  	s0 =	sld [smem:$0x3F6F];
	_ =	swait.ge [sflag:s4], $0x0  }
0x19: {  	s7 =	sld [smem:$0x3F70]  }
0x1a: {  	s8 =	sadd.s32 $0xFFFFE003, lr  }
0x1b: {  	s9 =	sadd.s32 $0xFFFFFEF7, lr;
	s5 =	simm.s32 $0xFFFFFFFF;
	p2 =	slt.u32 s8, $0xFFFFF086  }
0x1c: {  	p1 =	slt.u32 s9, $0xF7A;
	s5 =	simm.s32 @!p2 $0x0  }
0x1d: {  	s5 =	simm.s32 @p1 $0x1;
	p0 =	seq.s32 s7, s2  }
0x1e: {  	s7 =	smul.u32 @!p0 $0xF7A, s2;
	p2 =	seq.s32 @!p0 s5, $0x0  }
0x1f: {  	s9 =	smul.u32 $0xF7A, s1;
	s8 =	simm.s32 @!p0 $0x1BF5;
	p2 =	por !p2, p0  }
0x20: {  	[sflag:s8] =	ssyncset.s32 @!p0 $0xFFFFF086;
	s6 =	sadd.s32 @!p0 s3, s7;
	s7 =	simm.s32 @!p0 $0x108  }
0x21: {  	s3 =	sadd.s32 s3, s9;
	s6 =	sadd.s32 @!p0 $0x88, s6;
	s7 =	simm.s32 @p2 $0x1082  }
0x22: {  	[simem:s7], [sflag:s8] =	dma.local @!p0 [hbm:s6], $0xF7A  }
0x23: {  	s9 =	sor.u32 $0xD0000000, s2;
	s6 =	simm.s32 $0x108;
	_ =	swait.ge @!p0 [sflag:s8], $0x0  }
0x24: {  	s3 =	sadd.s32 $0x88, s3;
	s6 =	simm.s32 @!p1 $0x1082;
	[sflag:s4] =	ssyncset.s32 $0xFFFFF086  }
0x25: {  	[simem:s6], [sflag:s4] =	dma.local [hbm:s3], $0xF7A  }
0x26: {  	[smem:$0x3F70] =	sst s1;
	(tag) =	ssettag s2;
	_ =	strace s9  }
0x27: {  	s1 =	sld [smem:$0x3F80]  }
0x28: {  	s2 =	sld [smem:$0x3F81]  }
0x29: {  	s4 =	sld [smem:$0x3F83]  }
0x2a: {  	p0 =	seq.s32 s5, $0x0;
	s5 =	sld [smem:$0x3F84]  }
0x2b: {  	s6 =	sld [smem:$0x3F85]  }
0x2c: {  	s7 =	sld [smem:$0x3F86]  }
0x2d: {  	s3 =	simm.s32 $0x108;
	s8 =	sld [smem:$0x3F87]  }
0x2e: {  	s3 =	simm.s32 @!p0 $0x1082;
	s9 =	sld [smem:$0x3F88]  }
0x2f: {  	lr =	sadd.s32 s0, s3;
	s0 =	sld [smem:$0x3F7F]  }
0x30: {  	s3 =	sld [smem:$0x3F82]  }
0x31: {  	[smem:$0x3F8B] =	sst s10  }
0x32: {  	s10 =	sld [smem:$0x3F89];
	_ =	sdelay $0x3  }
0x33: {  	p0 =	seq.s32 s10, $0x1;
	s10 =	sld [smem:$0x3F8B];
	_ =	sdelay $0x3  }
0x34: {  	[smem:$0x3F8B] =	sst s10  }
0x35: {  	s10 =	sld [smem:$0x3F8A];
	_ =	sdelay $0x3  }
0x36: {  	p1 =	seq.s32 s10, $0x1;
	s10 =	sld [smem:$0x3F8B];
	_ =	sdelay $0x3  }
0x37: {  	[smem:$0x3F8B] =	sst s10  }
0x38: {  	s10 =	sld [smem:$0x3F8C]  }
0x39: {  	_ = 	snop;
	(pc) =	sbr.ind lr, $3  }
0x3a: {  	_ = 	snop  }
0x3b: {  	_ = 	snop  }
0x3c: {  	p2 =	seq.s32 s10, $0x1;
	s10 =	sld [smem:$0x3F8B]  }
0x3d: {  	_ =	shalt  }
0x3e: {  	_ =	shalt  }
0x3f: {  	_ =	shalt  }
0x40: {  	_ =	shalt  }
0x41: {  	_ =	shalt  }
0x42: {  	_ =	shalt  }
0x43: {  	_ =	shalt  }
0x44: {  	_ =	shalt  }
0x45: {  	_ =	shalt  }
0x46: {  	_ =	shalt  }
0x47: {  	_ =	shalt  }
0x48: {  	_ =	shalt  }
0x49: {  	_ =	shalt  }
0x4a: {  	_ =	shalt  }
0x4b: {  	_ =	shalt  }
0x4c: {  	_ =	shalt  }
0x4d: {  	_ =	shalt  }
0x4e: {  	_ =	shalt  }
0x4f: {  	_ =	shalt  }
0x50: {  	_ =	shalt  }
0x51: {  	_ =	shalt  }
0x52: {  	_ =	shalt  }
0x53: {  	_ =	shalt  }
0x54: {  	_ =	shalt  }
0x55: {  	_ =	shalt  }
0x56: {  	_ =	shalt  }
0x57: {  	_ =	shalt  }
0x58: {  	_ =	shalt  }
0x59: {  	_ =	shalt  }
0x5a: {  	_ =	shalt  }
0x5b: {  	_ =	shalt  }
0x5c: {  	_ =	shalt  }
0x5d: {  	_ =	shalt  }
0x5e: {  	_ =	shalt  }
0x5f: {  	_ =	shalt  }
0x60: {  	_ =	shalt  }
0x61: {  	_ =	shalt  }
0x62: {  	_ =	shalt  }
0x63: {  	_ =	shalt  }
0x64: {  	_ =	shalt  }
0x65: {  	_ =	shalt  }
0x66: {  	_ =	shalt  }
0x67: {  	_ =	shalt  }
0x68: {  	_ =	shalt  }
0x69: {  	_ =	shalt  }
0x6a: {  	_ =	shalt  }
0x6b: {  	_ =	shalt  }
0x6c: {  	_ =	shalt  }
0x6d: {  	_ =	shalt  }
0x6e: {  	_ =	shalt  }
0x6f: {  	_ =	shalt  }
0x70: {  	_ =	shalt  }
0x71: {  	_ =	shalt  }
0x72: {  	_ =	shalt  }
0x73: {  	_ =	shalt  }
0x74: {  	_ =	shalt  }
0x75: {  	_ =	shalt  }
0x76: {  	_ =	shalt  }
0x77: {  	_ =	shalt  }
0x78: {  	_ =	shalt  }
0x79: {  	_ =	shalt  }
0x7a: {  	_ =	shalt  }
0x7b: {  	_ =	shalt  }
0x7c: {  	_ =	shalt  }
0x7d: {  	_ =	shalt  }
0x7e: {  	_ =	shalt  }
0x7f: {  	_ =	shalt  }
0x80: {  	_ =	shalt  }
0x81: {  	_ =	shalt  }
0x82: {  	_ =	shalt  }
0x83: {  	_ =	shalt  }
0x84: {  	_ =	shalt  }
0x85: {  	_ =	shalt  }
0x86: {  	_ =	shalt  }
0x87: {  	_ =	shalt  }
.Lfunc_end0:
.L_simem_size_0:
called_computation.4_lowered:
.L_overlay_start_0:
0x88: {  	s2 =	sld [smem:$0x3FD9]  }
0x89: {  	s3 =	sld [smem:$0x3FFE];
	_ =	sdelay $0x1  }
0x8a: {  	s1 =	srdreg.scid  }
0x8b: {  	s0 =	sand.u32 $0x1, s1  }
0x8c: {  	s16 =	sshll.u32 s0, $0xA;
	s2 =	sadd.s32 s3, s2  }
0x8d: {  	s2 =	sadd.s32 s2, s16  }
0x8e: {  	[smem:$0x3F97] =	sst s2  }
0x8f: {  	_ = 	snop  }
0x90: {  	(tm) =	ssettm $0x1  }
0x91: {  	s17 =	sld [smem:$0x3FFB];
	_ =	sdelay $0x3  }
0x92: {  	_ =	strace s17  }
0x93: {  	s2 =	sld [smem:$0x3FFC];
	_ =	sdelay $0x3  }
0x94: {  	_ =	strace s2  }
0x95: {  	s2 =	sld [smem:$0x3FFD];
	_ =	sdelay $0x3  }
0x96: {  	_ =	strace s2  }
0x97: {  	_ =	strace $0x8FFFFFFF  }
0x98: {  	s18 =	sld [smem:$0x3FDB];
	_ =	sdelay $0x1  }
0x99: {  	s19 =	simm.s32 $_scs_section_size  }
0x9a: {  	s4 =	simm.s32 $_size__tile_overlayer_lowered;
	s5 =	simm.s32 $_tile_overlayer_lowered  }
0x9b: {  	s22 =	simm.s32 $0x1BFF;
	s21 =	sshll.u32 s5, $0x1;
	s2 =	sadd.s32 s19, s18  }
0x9c: {  	s6 =	simm.s32 $0x0;
	s20 =	sshll.u32 s4, $0x1;
	s4 =	sadd.s32 s21, s2  }
0x9d: {  	[timem:s6], [sflag:s22] =	dma.local [hbm:s4], s20  }
0x9e: {  	_ =	swait.ge [sflag:s22], s20  }
0x9f: {  	s3 =	ssub.s32 $0x0, s20;
	[sflag:s22] =	ssyncset.done $0x0  }
0xa0: {  	[sflag:s22] =	ssyncadd.s32 s3;
	_ =	sdelay $0x1  }
0xa1: {  	s23 =	simm.s32 $0x1B8B  }
0xa2: {  	_ =	swait.ge [sflag:s23], $0x1  }
0xa3: {  	[sflag:s23] =	ssyncset.done $0x0  }
0xa4: {  	s25 =	simm.s32 $0x1B8E;
	s24 =	sld [smem:$0x3FFE];
	[sflag:s23] =	ssyncadd.s32 $0xFFFFFFFF  }
0xa5: {  	s26 =	simm.s32 $execute0_lowered;
	[smem:$0x3FD2] =	sst s25  }
0xa6: {  	s4 =	sshll.u32 s26, $0x1;
	_ =	strace $0x80000052;
	[dreg:$0x1] =	wrdreg $0xFFFFFFFF  }
0xa7: {  	s28 =	simm.s32 $_size_execute0_lowered;
	s2 =	sadd.s32 s2, s4;
	[dreg:$0x0] =	wrdreg $0x0  }
0xa8: {  	s4 =	sshll.u32 s28, $0x1;
	[dreg:$0x2] =	wrdreg s2  }
0xa9: {  	[dreg:$0x3] =	wrdreg s4  }
0xaa: {  	[dreg:$0x4] =	wrdreg $0xC0  }
0xab: {  	_ =	task [dreg:s6], $0x5FFFF  }
0xac: {  	[dreg:$0x1] =	wrdreg $0xFFFFFFFF  }
0xad: {  	[dreg:$0x0] =	wrdreg $0x60  }
0xae: {  	[dreg:$0x2] =	wrdreg s24  }
0xaf: {  	[dreg:$0x3] =	wrdreg $0x20800  }
0xb0: {  	[dreg:$0x4] =	wrdreg $0x9  }
0xb1: {  	_ =	task.clear_ibuf [dreg:s6], $0x5FFFF;
	_ =	strace $0x90000052  }
0xb2: {  	s29 =	simm.s32 $0x9;
	_ =	strace $0x80000054  }
0xb3: {  	_ =	swait.ge [sflag:s29], $0x1  }
0xb4: {  	[sflag:s29] =	ssyncadd.s32 $0xFFFFFFFF  }
0xb5: {  	_ =	strace $0x90000054  }
0xb6: {  	_ =	sfence  }
0xb7: {  	s30 =	sld [smem:$0x0];
	_ =	sdelay $0x2  }
0xb8: {  	s31 =	sshll.u32 s1, $0xD;
	s1 =	sshrl.u32 s1, $0x2  }
0xb9: {  	s3 =	sand.u32 $0x4000, s31;
	s1 =	sadd.s32 s1, s30  }
0xba: {  	s0 =	sor.u32 s3, s0;
	s1 =	sshll.u32 s1, $0x11  }
0xbb: {  	s0 =	sor.u32 s1, s0  }
0xbc: {  	s0 =	sadd.s32 $0x8F2B, s0  }
0xbd: {  	[sflag:s0] =	ssyncadd.remote.s32 $0x1  }
0xbe: {  	_ =	sfence.sel $0xFFFF  }
0xbf: {  	[dreg:$0x0] =	wrdreg $0xFFFFFFFF;
	(pc) =	sbr.abs _section_cstart, $3  }
0xc0: {  	[dreg:$0x1] =	wrdreg $0xFFFFFFFF  }
0xc1: {  	_ =	task.clear_ibuf [dreg:s6], $0x2FFFF;
	_ =	strace $0x9FFFFFFF  }
0xc2: {  	(tm) =	ssettm $0x7FFFFFFF  }
0xc3: {  	_ =	shalt  }
tec
execute0_lowered:
.L_overlay_start_1:
0x0: {  	(tag) =	ssettag $0x1  }
0x1: {  	s0 =	stileid.u32  }
0x2: {  	s1 =	srdreg.scid;
	s5 =	rddreg [dreg:$0x0]  }
0x3: {  	s2 =	rddreg [dreg:$0x1];
	s4 =	smul.u32 $0x14000, s0  }
0x4: {  	s3 =	simm.s32 $0x0;
	s14 =	simm.s32 $0x0;
	s7 =	smul.u32 $0x2800, s0  }
0x5: {  	s6 =	sand.u32 $0x1, s1;
	s1 =	rddreg [dreg:$0x2];
	s9 =	smul.u32 $0x9C40, s0  }
0x6: {  	[smem:$0x7FF] =	sst s3;
	s30 =	sshll.u32 s0, $0x6;
	s8 =	smul.u32 $0x1400, s6  }
0x7: {  	s23 =	smul.u32 $0x9C400, s6;
	_ =	strace $0x80000053;
	s26 =	ssub.s32 $0x2, s6  }
0x8: {  	s31 =	smul.u32 $0xA000, s6;
	s10 =	sadd.s32 s4, s5;
	s28 =	sshrl.u32 s9, $0x3  }
0x9: {  	s12 =	sshrl.u32 s26, $0x1;
	s29 =	sadd.s32 s9, s2;
	s7 =	sadd.s32 s8, s7  }
0xa: {  	s25 =	sadd.s32 s9, s23;
	s8 =	sadd.s32 s28, s5;
	s9 =	sadd.s32 s31, s10  }
0xb: {  	s10 =	sshrl.u32 s29, $0x3;
	s24 =	sshrl.u32 s7, $0x3;
	s4 =	sshrl.u32 s25, $0x3  }
0xc: {  	s7 =	ssub.s32 s26, s12;
	s9 =	sadd.s32 $0x966600, s9;
	s12 =	simm.s32 $0x2000  }
0xd: {  	s11 =	sadd.s32 s24, s5;
	s13 =	sadd.s32 s4, s5;
	s4 =	sadd.s32 $0x952C00, s8  }
0xe: {  	s5 =	sor.u32 $0x1C01, s30;
	s7 =	smax.u32 s7, $0x1;
	s6 =	sadd.s32 $0x4A400, s13  }
0xf: {  	s8 =	sadd.s32 $0x14200, s11;
	s11 =	simm.s32 $0x1;
	s13 =	simm.s32 $0x80  }
.LBB2_1:
0x10: {  	[spmem:s10], [sflag:s5] =	dma.local [hbm:s4], $0x1388  }
0x11: {  	_ =	swait.ge [sflag:s11], $0x1388  }
0x12: {  	[sflag:s11] =	ssyncset.done $0x0  }
0x13: {  	[sflag:s11] =	ssyncadd.s32 $0xFFFFEC78  }
0x14: {  	[bflag:$0x0] =	sbarrier.arrive $0xFFFF  }
0x15: {  	[tilespmem:s3], [sflag:$0x1] =	stream.linear.gather [hbm4b:s9+s3], $0x2000, $0x38;
	[tilespmem:$0xBCC0] =	vst v63  }
0x16: {  	_ =	swait.ge [sflag:s11], $0x2000  }
0x17: {  	[sflag:s11] =	ssyncset.done $0x0  }
0x18: {  	s15 =	sadd.s32 $0x0, s8;
	[sflag:s11] =	ssyncadd.s32 $0xFFFFE000  }
0x19: {  	[tilespmem:s12], [sflag:$0x1] =	stream.linear.gather [hbm4b:s15+s3], $0x80, $0x38;
	[tilespmem:$0xBCC0] =	vst v63  }
0x1a: {  	_ =	swait.ge [sflag:s11], $0x80  }
0x1b: {  	[sflag:s11] =	ssyncset.done $0x0  }
0x1c: {  	[sflag:s11] =	ssyncadd.s32 $0xFFFFFF80  }
0x1d: {  	[spmem:s2] =	stream.indirect.scatter.add.f32 [tilespmem:s3], [sflag:$0x1], $0x40, s12, s13, $0xb8;
	[tilespmem:$0xBCC0] =	vst v63  }
0x1e: {  	_ =	swait.ge [sflag:s11], $0x2000  }
0x1f: {  	s16 =	smov.u32 s9;
	s15 =	simm.s32 $0x10;
	[sflag:s11] =	ssyncset.done $0x0  }
.LBB2_2:
0x20: {  	p0 =	sne.s32 s15, $0x270;
	[sflag:s11] =	ssyncadd.s32 $0xFFFFE000;
	s16 =	sadd.s32 $0x400, s16  }
0x21: {  	[tilespmem:s3], [sflag:$0x1] =	stream.linear.gather [hbm4b:s16+s3], $0x2000, $0x38;
	[tilespmem:$0xBCC0] =	vst v63  }
0x22: {  	s17 =	smov.u32 s15;
	s15 =	sadd.s32 $0x10, s15;
	_ =	swait.ge [sflag:s11], $0x2000  }
0x23: {  	[sflag:s11] =	ssyncset.done $0x0  }
0x24: {  	s17 =	sadd.s32 s17, s8;
	[sflag:s11] =	ssyncadd.s32 $0xFFFFE000  }
0x25: {  	[tilespmem:s12], [sflag:$0x1] =	stream.linear.gather [hbm4b:s17+s3], $0x80, $0x38;
	[tilespmem:$0xBCC0] =	vst v63  }
0x26: {  	_ =	swait.ge [sflag:s11], $0x80  }
.Ltmp0:
0x27: {  	[sflag:s11] =	ssyncset.done $0x0;
	(pc) =	sbr.rel @p0 .LBB2_2-.Ltmp0, $4  }
0x28: {  	[sflag:s11] =	ssyncadd.s32 $0xFFFFFF80  }
0x29: {  	[spmem:s2] =	stream.indirect.scatter.add.f32 [tilespmem:s3], [sflag:$0x1], $0x40, s12, s13, $0xb8;
	[tilespmem:$0xBCC0] =	vst v63  }
0x2a: {  	_ =	swait.ge [sflag:s11], $0x2000  }
0x2b: {  	[sflag:s11] =	ssyncset.done $0x0  }
0x2c: {  	s14 =	sadd.s32 $0x1, s14  }
0x2d: {  	[sflag:s11] =	ssyncadd.s32 $0xFFFFE000;
	p0 =	sne.s32 s14, s7  }
.Ltmp1:
0x2e: {  	[bflag:$0x0] =	sbarrier.arrive $0xFFFF;
	(pc) =	sbr.rel @p0 .LBB2_1-.Ltmp1, $4  }
0x2f: {  	[hbm:s6], [sflag:s5] =	dma.local [spmem:s10], $0x1388  }
0x30: {  	_ =	swait.ge [sflag:s11], $0x1388  }
0x31: {  	[sflag:s11] =	ssyncset.done $0x0  }
0x32: {  	[sflag:s11] =	ssyncadd.s32 $0xFFFFEC78  }
0x33: {  	_ =	sfence.sel $0x180000  }
0x34: {  	[bflag:$0x0] =	sbarrier.arrive $0xFFFF  }
0x35: {  	p0 =	sne.s32 s0, $0x0;
	_ =	strace $0x90000053  }
0x36: {  	s0 =	sadd.s32 @!p0 $0x100000, s1;
	[bflag:$0x2] =	sbarrier.arrive $0xFFFF  }
0x37: {  	[sflag:s0] =	ssyncadd.tile.s32 @!p0 $0x1;
	_ =	shalt  }
.Lfunc_end2:
_tile_overlayer_lowered:
.L_overlay_start_2:
0x38: {  	(tag) =	ssettag $0x2  }
0x39: {  	s0 =	rddreg [dreg:$0x0];
	s2 =	stileid.u32  }
0x3a: {  	s1 =	rddreg [dreg:$0x1];
	p0 =	sne.s32 s2, $0x0  }
0x3b: {  	s3 =	rddreg [dreg:$0x2];
	[bflag:$0x3] =	sbarrier.arrive $0xFFFF;
	s2 =	simm.s32 @!p0 $0x1C01  }
0x3c: {  	[timem:s3], [sflag:s2] =	dma.local @!p0 [hbm:s0], s1  }
0x3d: {  	s0 =	simm.s32 @!p0 $0x1  }
0x3e: {  	_ =	swait.ge @!p0 [sflag:s0], s1  }
0x3f: {  	s1 =	ssub.s32 @!p0 $0x0, s1;
	[sflag:s0] =	ssyncset.done @!p0 $0x0  }
0x40: {  	[sflag:s0] =	ssyncadd.s32 @!p0 s1  }
0x41: {  	[bflag:$0x3] =	sbarrier.arrive $0xFFFF  }
0x42: {  	_ =	shalt  }

</sc_bundles>
